<compile_context>
chip_gen: v7x
topology: tpu7x:2x2x1
jax: 0.10.2.dev20260603
libtpu: 0.0.44.dev20260713+nightly
codegen_flags: <defaults>
</compile_context>

<pallas_src>
import functools

import jax
import jax.numpy as jnp
from jax import lax
from jax.experimental import pallas as pl
from jax.experimental.pallas import tpu as pltpu
from jax.experimental.pallas import tpu_sc as plsc

_B = 16384
_D = 64
_H = 64
_N_CLASS = 128
_E_FACTOR = 1.0

_NC = 2
_NS = 16
_NW = _NC * _NS
_L = 16
_BPW = _B // _NW
_CH = 128
_NCH = _BPW // _CH


def _gather_sum_body(a_hbm, b_hbm, table_hbm, out_hbm,
                     idx_va, idx_vb, rows_a, rows_b, sem):
    wid = lax.axis_index("s") * _NC + lax.axis_index("c")
    for j in range(_NCH):
        pltpu.sync_copy(a_hbm.at[wid, j], idx_va)
        pltpu.sync_copy(b_hbm.at[wid, j], idx_vb)

        def fire(g, carry):
            va = idx_va[pl.ds(g * _L, _L)]
            vb = idx_vb[pl.ds(g * _L, _L)]
            for k in range(_L):
                ia = va[k]
                ib = vb[k]
                r = g * _L + k
                pltpu.async_copy(table_hbm.at[pl.ds(ia, 1)], rows_a.at[pl.ds(r, 1)], sem)
                pltpu.async_copy(table_hbm.at[pl.ds(ib, 1)], rows_b.at[pl.ds(r, 1)], sem)
            return carry

        lax.fori_loop(0, _CH // _L, fire, 0)
        pltpu.make_async_copy(table_hbm.at[pl.ds(0, _CH)], rows_a, sem).wait()
        pltpu.make_async_copy(table_hbm.at[pl.ds(0, _CH)], rows_b, sem).wait()

        def add(r, carry):
            for c in range(_D // _L):
                sl = pl.ds(c * _L, _L)
                rows_a[r, sl] = rows_a[r, sl] + rows_b[r, sl]
            return carry

        lax.fori_loop(0, _CH, add, 0)
        base = (wid * _NCH + j) * _CH
        pltpu.sync_copy(rows_a, out_hbm.at[pl.ds(base, _CH)])


@jax.jit
def _sc_gather_sum(a_idx, b_idx, table):
    mesh = plsc.VectorSubcoreMesh(core_axis_name="c", subcore_axis_name="s")
    kern = functools.partial(
        pl.kernel,
        mesh=mesh,
        out_type=jax.ShapeDtypeStruct((_B, _D), jnp.float32),
        scratch_types=[
            pltpu.VMEM((_CH,), jnp.int32),
            pltpu.VMEM((_CH,), jnp.int32),
            pltpu.VMEM((_CH, _D), jnp.float32),
            pltpu.VMEM((_CH, _D), jnp.float32),
            pltpu.SemaphoreType.DMA,
        ],
    )(_gather_sum_body)
    return kern(a_idx, b_idx, table)


def _mlp_body(e_ref, w1_ref, b1_ref, w2_ref, b2_ref, o_ref):
    e = e_ref[...] * (1.0 / _E_FACTOR)
    h = jnp.dot(e, w1_ref[...], preferred_element_type=jnp.float32) + b1_ref[...]
    h = jnp.where(h >= 0.0, h, 0.01 * h)
    o_ref[...] = jnp.dot(h, w2_ref[...], preferred_element_type=jnp.float32) + b2_ref[...]


def _tc_mlp(e, W1, b1, W2, b2):
    blk = 2048
    return pl.pallas_call(
        _mlp_body,
        grid=(_B // blk,),
        in_specs=[
            pl.BlockSpec((blk, _D), lambda i: (i, 0)),
            pl.BlockSpec((_D, _H), lambda i: (0, 0)),
            pl.BlockSpec((1, _H), lambda i: (0, 0)),
            pl.BlockSpec((_H, _N_CLASS), lambda i: (0, 0)),
            pl.BlockSpec((1, _N_CLASS), lambda i: (0, 0)),
        ],
        out_specs=pl.BlockSpec((blk, _N_CLASS), lambda i: (i, 0)),
        out_shape=jax.ShapeDtypeStruct((_B, _N_CLASS), jnp.float32),
    )(e, W1, b1.reshape(1, _H), W2, b2.reshape(1, _N_CLASS))


def kernel(x, table, W1, b1, W2, b2):
    xi = x.astype(jnp.int32)
    a_idx = xi[:, 0].reshape(_NW, _NCH, _CH)
    b_idx = xi[:, 1].reshape(_NW, _NCH, _CH)
    e = _sc_gather_sum(a_idx, b_idx, table)
    return _tc_mlp(e, W1, b1, W2, b2)

# --- scband reference (transcript-rebuilt; emitter-appended) ---
"""Pipeline reference for scband-text-model-66460323938351 (READ-ONLY COPY).

The authoritative reference and input builder live on the scoring server;
editing this copy changes nothing except your own understanding.
"""

import jax, jax.numpy as jnp
import numpy as np

P = 1000000
D = 64
H = 64
N_CLASS = 128
B = 16384
E_FACTOR = 1.0

def setup_inputs(seed: int = 0) -> dict:
    key = jax.random.key(seed)
    k_x, k_tab, k_w1, k_b1, k_w2, k_b2 = jax.random.split(key, 6)
    x = jax.random.randint(k_x, (B, 2), 0, P, dtype=jnp.int64)
    # Embedding init: normal with std = embedding_dim ** -0.5
    table = jax.random.normal(k_tab, (P, D), dtype=jnp.float32) * (D ** -0.5)
    # MLP: Linear(64,64) -> LeakyReLU -> Linear(64,128)
    lim1 = 1.0 / np.sqrt(D)
    W1 = jax.random.uniform(k_w1, (D, H), dtype=jnp.float32, minval=-lim1, maxval=lim1)
    b1 = jax.random.uniform(k_b1, (H,), dtype=jnp.float32, minval=-lim1, maxval=lim1)
    lim2 = 1.0 / np.sqrt(H)
    W2 = jax.random.uniform(k_w2, (H, N_CLASS), dtype=jnp.float32, minval=-lim2, maxval=lim2)
    b2 = jax.random.uniform(k_b2, (N_CLASS,), dtype=jnp.float32, minval=-lim2, maxval=lim2)
    return {"x": x, "table": table, "W1": W1, "b1": b1, "W2": W2, "b2": b2}

def reference(x, table, W1, b1, W2, b2):
    a = x[..., 0]
    b_idx = x[..., 1]
    E_a = jnp.take(table, a, axis=0)
    E_b = jnp.take(table, b_idx, axis=0)
    E = (E_a + E_b) / E_FACTOR
    h = jax.nn.leaky_relu(E @ W1 + b1, negative_slope=0.01)
    out = h @ W2 + b2
    return jnp.squeeze(out)

if __name__ == "__main__":
    import jax
    _d = setup_inputs()
    print(jax.jit(kernel)(*tuple(_d.values())))

</pallas_src>

<mosaic_0001>
#map = affine_map<(d0, d1) -> (0, 0, 0)>
#map1 = affine_map<(d0, d1) -> (0, 0)>
module attributes {stable_mosaic.version = 14 : i64} {
  func.func @_gather_sum_body(%arg0: i32, %arg1: i32, %arg2: memref<32x4x128xi32, #tpu.memory_space<hbm>>, %arg3: memref<32x4x128xi32, #tpu.memory_space<hbm>>, %arg4: memref<1000000x64xf32, #tpu.memory_space<hbm>>, %arg5: memref<16384x64xf32, #tpu.memory_space<hbm>>, %arg6: memref<128xi32, #tpu.memory_space<vmem>>, %arg7: memref<128xi32, #tpu.memory_space<vmem>>, %arg8: memref<128x64xf32, #tpu.memory_space<vmem>>, %arg9: memref<128x64xf32, #tpu.memory_space<vmem>>, %arg10: memref<!tpu.dma_semaphore, #tpu.memory_space<semaphore_mem>>) attributes {dimension_semantics = [#tpu.dimension_semantics<core_parallel>, #tpu.dimension_semantics<subcore_parallel>], iteration_bounds = array<i64: 2, 16>, scalar_prefetch = 0 : i64, scratch_operands = 5 : i64, tpu.core_type = #tpu.core_type<sc_vector_subcore>, window_params = [{transform_indices = #map}, {transform_indices = #map}, {transform_indices = #map1}, {transform_indices = #map1}]} {
    %mul3A = arith.constant 2 : i32
    %mul3A_0 = arith.muli %arg1, %mul3A : i32
    %add3A = arith.addi %mul3A_0, %arg0 : i32
    %run_scoped3A = arith.constant 0 : i32
    "tpu.region"() ({
      %run_scoped3A_126 = tpu.sem_alloc : memref<!tpu.dma_semaphore, #tpu.memory_space<semaphore_mem>>
      %dma_start3A = arith.constant 0 : i32
      %dma_start3A_127 = tpu.memref_slice %arg2[%add3A, %run_scoped3A, %dma_start3A] : memref<32x4x128xi32, #tpu.memory_space<hbm>> -> memref<1x1x128xi32, #tpu.memory_space<hbm>>
      %dma_start3A_128 = tpu.memref_squeeze %dma_start3A_127 : memref<1x1x128xi32, #tpu.memory_space<hbm>> -> memref<128xi32, #tpu.memory_space<hbm>>
      %dma_start3A_129 = arith.constant 0 : i32
      %dma_start3A_130 = tpu.memref_slice %arg2[%add3A, %run_scoped3A, %dma_start3A_129] : memref<32x4x128xi32, #tpu.memory_space<hbm>> -> memref<1x1x128xi32, #tpu.memory_space<hbm>>
      %dma_start3A_131 = tpu.memref_squeeze %dma_start3A_130 : memref<1x1x128xi32, #tpu.memory_space<hbm>> -> memref<128xi32, #tpu.memory_space<hbm>>
      tpu.enqueue_dma source(%dma_start3A_131 : memref<128xi32, #tpu.memory_space<hbm>>) target(%arg6 : memref<128xi32, #tpu.memory_space<vmem>>) target_semaphore(%run_scoped3A_126 : memref<!tpu.dma_semaphore, #tpu.memory_space<semaphore_mem>>)
      %dma_wait3A_132 = arith.constant 0 : i32
      %dma_wait3A_133 = tpu.memref_slice %arg2[%add3A, %run_scoped3A, %dma_wait3A_132] : memref<32x4x128xi32, #tpu.memory_space<hbm>> -> memref<1x1x128xi32, #tpu.memory_space<hbm>>
      %dma_wait3A_134 = tpu.memref_squeeze %dma_wait3A_133 : memref<1x1x128xi32, #tpu.memory_space<hbm>> -> memref<128xi32, #tpu.memory_space<hbm>>
      %dma_wait3A_135 = arith.constant 0 : i32
      %dma_wait3A_136 = tpu.memref_slice %arg2[%add3A, %run_scoped3A, %dma_wait3A_135] : memref<32x4x128xi32, #tpu.memory_space<hbm>> -> memref<1x1x128xi32, #tpu.memory_space<hbm>>
      %dma_wait3A_137 = tpu.memref_squeeze %dma_wait3A_136 : memref<1x1x128xi32, #tpu.memory_space<hbm>> -> memref<128xi32, #tpu.memory_space<hbm>>
      tpu.wait_dma2 semaphore(%run_scoped3A_126 : memref<!tpu.dma_semaphore, #tpu.memory_space<semaphore_mem>>) src(%dma_wait3A_137 : memref<128xi32, #tpu.memory_space<hbm>>) dst(%arg6 : memref<128xi32, #tpu.memory_space<vmem>>)
      tpu.yield
    }) : () -> ()
    %run_scoped3A_1 = arith.constant 0 : i32
    "tpu.region"() ({
      %run_scoped3A_126 = tpu.sem_alloc : memref<!tpu.dma_semaphore, #tpu.memory_space<semaphore_mem>>
      %dma_start3A = arith.constant 0 : i32
      %dma_start3A_127 = tpu.memref_slice %arg3[%add3A, %run_scoped3A_1, %dma_start3A] : memref<32x4x128xi32, #tpu.memory_space<hbm>> -> memref<1x1x128xi32, #tpu.memory_space<hbm>>
      %dma_start3A_128 = tpu.memref_squeeze %dma_start3A_127 : memref<1x1x128xi32, #tpu.memory_space<hbm>> -> memref<128xi32, #tpu.memory_space<hbm>>
      %dma_start3A_129 = arith.constant 0 : i32
      %dma_start3A_130 = tpu.memref_slice %arg3[%add3A, %run_scoped3A_1, %dma_start3A_129] : memref<32x4x128xi32, #tpu.memory_space<hbm>> -> memref<1x1x128xi32, #tpu.memory_space<hbm>>
      %dma_start3A_131 = tpu.memref_squeeze %dma_start3A_130 : memref<1x1x128xi32, #tpu.memory_space<hbm>> -> memref<128xi32, #tpu.memory_space<hbm>>
      tpu.enqueue_dma source(%dma_start3A_131 : memref<128xi32, #tpu.memory_space<hbm>>) target(%arg7 : memref<128xi32, #tpu.memory_space<vmem>>) target_semaphore(%run_scoped3A_126 : memref<!tpu.dma_semaphore, #tpu.memory_space<semaphore_mem>>)
      %dma_wait3A_132 = arith.constant 0 : i32
      %dma_wait3A_133 = tpu.memref_slice %arg3[%add3A, %run_scoped3A_1, %dma_wait3A_132] : memref<32x4x128xi32, #tpu.memory_space<hbm>> -> memref<1x1x128xi32, #tpu.memory_space<hbm>>
      %dma_wait3A_134 = tpu.memref_squeeze %dma_wait3A_133 : memref<1x1x128xi32, #tpu.memory_space<hbm>> -> memref<128xi32, #tpu.memory_space<hbm>>
      %dma_wait3A_135 = arith.constant 0 : i32
      %dma_wait3A_136 = tpu.memref_slice %arg3[%add3A, %run_scoped3A_1, %dma_wait3A_135] : memref<32x4x128xi32, #tpu.memory_space<hbm>> -> memref<1x1x128xi32, #tpu.memory_space<hbm>>
      %dma_wait3A_137 = tpu.memref_squeeze %dma_wait3A_136 : memref<1x1x128xi32, #tpu.memory_space<hbm>> -> memref<128xi32, #tpu.memory_space<hbm>>
      tpu.wait_dma2 semaphore(%run_scoped3A_126 : memref<!tpu.dma_semaphore, #tpu.memory_space<semaphore_mem>>) src(%dma_wait3A_137 : memref<128xi32, #tpu.memory_space<hbm>>) dst(%arg7 : memref<128xi32, #tpu.memory_space<vmem>>)
      tpu.yield
    }) : () -> ()
    %scan3A = arith.constant 0 : i32
    %scan3A_2 = arith.constant 0 : i32
    %scan3A_3 = arith.constant 8 : i32
    %scan3A_4 = arith.addi %scan3A_2, %scan3A_3 : i32
    %scan3A_5 = arith.constant 1 : i32
    scf.for %scan3A_126 = %scan3A_2 to %scan3A_4 step %scan3A_5  : i32 {
      %mul3A_127 = arith.constant 16 : i32
      %mul3A_128 = arith.muli %scan3A_126, %mul3A_127 : i32
      %get3A = arith.index_cast %mul3A_128 : i32 to index
      %get3A_129 = tpu.vector_load %arg6[%get3A] {strides = array<i32>} : memref<128xi32, #tpu.memory_space<vmem>>, vector<16xi32>,
      %get3A_130 = vector.shape_cast %get3A_129 : vector<16xi32> to vector<16xi32>
      %mul3A_131 = arith.constant 16 : i32
      %mul3A_132 = arith.muli %scan3A_126, %mul3A_131 : i32
      %get3A_133 = arith.index_cast %mul3A_132 : i32 to index
      %get3A_134 = tpu.vector_load %arg7[%get3A_133] {strides = array<i32>} : memref<128xi32, #tpu.memory_space<vmem>>, vector<16xi32>,
      %get3A_135 = vector.shape_cast %get3A_134 : vector<16xi32> to vector<16xi32>
      %slice3A = vector.extract_strided_slice %get3A_130 {offsets = [0], sizes = [1], strides = [1]} : vector<16xi32> to vector<1xi32>
      %squeeze3A = vector.extract %slice3A[0] : i32 from vector<1xi32>
      %slice3A_136 = vector.extract_strided_slice %get3A_135 {offsets = [0], sizes = [1], strides = [1]} : vector<16xi32> to vector<1xi32>
      %squeeze3A_137 = vector.extract %slice3A_136[0] : i32 from vector<1xi32>
      %mul3A_138 = arith.constant 16 : i32
      %mul3A_139 = arith.muli %scan3A_126, %mul3A_138 : i32
      %add3A_140 = arith.constant 0 : i32
      %add3A_141 = arith.addi %mul3A_139, %add3A_140 : i32
      %dma_start3A = arith.constant 0 : i32
      %dma_start3A_142 = tpu.memref_slice %arg8[%add3A_141, %dma_start3A] : memref<128x64xf32, #tpu.memory_space<vmem>> -> memref<1x64xf32, #tpu.memory_space<vmem>>
      %dma_start3A_143 = arith.constant 0 : i32
      %dma_start3A_144 = tpu.memref_slice %arg4[%squeeze3A, %dma_start3A_143] : memref<1000000x64xf32, #tpu.memory_space<hbm>> -> memref<1x64xf32, #tpu.memory_space<hbm>>
      %dma_start3A_145 = arith.constant 0 : i32
      %dma_start3A_146 = tpu.memref_slice %arg8[%add3A_141, %dma_start3A_145] : memref<128x64xf32, #tpu.memory_space<vmem>> -> memref<1x64xf32, #tpu.memory_space<vmem>>
      %dma_start3A_147 = arith.constant 0 : i32
      %dma_start3A_148 = tpu.memref_slice %arg4[%squeeze3A, %dma_start3A_147] : memref<1000000x64xf32, #tpu.memory_space<hbm>> -> memref<1x64xf32, #tpu.memory_space<hbm>>
      tpu.enqueue_dma source(%dma_start3A_148 : memref<1x64xf32, #tpu.memory_space<hbm>>) target(%dma_start3A_146 : memref<1x64xf32, #tpu.memory_space<vmem>>) target_semaphore(%arg10 : memref<!tpu.dma_semaphore, #tpu.memory_space<semaphore_mem>>)
      %dma_start3A_149 = arith.constant 0 : i32
      %dma_start3A_150 = tpu.memref_slice %arg9[%add3A_141, %dma_start3A_149] : memref<128x64xf32, #tpu.memory_space<vmem>> -> memref<1x64xf32, #tpu.memory_space<vmem>>
      %dma_start3A_151 = arith.constant 0 : i32
      %dma_start3A_152 = tpu.memref_slice %arg4[%squeeze3A_137, %dma_start3A_151] : memref<1000000x64xf32, #tpu.memory_space<hbm>> -> memref<1x64xf32, #tpu.memory_space<hbm>>
      %dma_start3A_153 = arith.constant 0 : i32
      %dma_start3A_154 = tpu.memref_slice %arg9[%add3A_141, %dma_start3A_153] : memref<128x64xf32, #tpu.memory_space<vmem>> -> memref<1x64xf32, #tpu.memory_space<vmem>>
      %dma_start3A_155 = arith.constant 0 : i32
      %dma_start3A_156 = tpu.memref_slice %arg4[%squeeze3A_137, %dma_start3A_155] : memref<1000000x64xf32, #tpu.memory_space<hbm>> -> memref<1x64xf32, #tpu.memory_space<hbm>>
      tpu.enqueue_dma source(%dma_start3A_156 : memref<1x64xf32, #tpu.memory_space<hbm>>) target(%dma_start3A_154 : memref<1x64xf32, #tpu.memory_space<vmem>>) target_semaphore(%arg10 : memref<!tpu.dma_semaphore, #tpu.memory_space<semaphore_mem>>)
      %slice3A_157 = vector.extract_strided_slice %get3A_130 {offsets = [1], sizes = [1], strides = [1]} : vector<16xi32> to vector<1xi32>
      %squeeze3A_158 = vector.extract %slice3A_157[0] : i32 from vector<1xi32>
      %slice3A_159 = vector.extract_strided_slice %get3A_135 {offsets = [1], sizes = [1], strides = [1]} : vector<16xi32> to vector<1xi32>
      %squeeze3A_160 = vector.extract %slice3A_159[0] : i32 from vector<1xi32>
      %mul3A_161 = arith.constant 16 : i32
      %mul3A_162 = arith.muli %scan3A_126, %mul3A_161 : i32
      %add3A_163 = arith.constant 1 : i32
      %add3A_164 = arith.addi %mul3A_162, %add3A_163 : i32
      %dma_start3A_165 = arith.constant 0 : i32
      %dma_start3A_166 = tpu.memref_slice %arg8[%add3A_164, %dma_start3A_165] : memref<128x64xf32, #tpu.memory_space<vmem>> -> memref<1x64xf32, #tpu.memory_space<vmem>>
      %dma_start3A_167 = arith.constant 0 : i32
      %dma_start3A_168 = tpu.memref_slice %arg4[%squeeze3A_158, %dma_start3A_167] : memref<1000000x64xf32, #tpu.memory_space<hbm>> -> memref<1x64xf32, #tpu.memory_space<hbm>>
      %dma_start3A_169 = arith.constant 0 : i32
      %dma_start3A_170 = tpu.memref_slice %arg8[%add3A_164, %dma_start3A_169] : memref<128x64xf32, #tpu.memory_space<vmem>> -> memref<1x64xf32, #tpu.memory_space<vmem>>
      %dma_start3A_171 = arith.constant 0 : i32
      %dma_start3A_172 = tpu.memref_slice %arg4[%squeeze3A_158, %dma_start3A_171] : memref<1000000x64xf32, #tpu.memory_space<hbm>> -> memref<1x64xf32, #tpu.memory_space<hbm>>
      tpu.enqueue_dma source(%dma_start3A_172 : memref<1x64xf32, #tpu.memory_space<hbm>>) target(%dma_start3A_170 : memref<1x64xf32, #tpu.memory_space<vmem>>) target_semaphore(%arg10 : memref<!tpu.dma_semaphore, #tpu.memory_space<semaphore_mem>>)
      %dma_start3A_173 = arith.constant 0 : i32
      %dma_start3A_174 = tpu.memref_slice %arg9[%add3A_164, %dma_start3A_173] : memref<128x64xf32, #tpu.memory_space<vmem>> -> memref<1x64xf32, #tpu.memory_space<vmem>>
      %dma_start3A_175 = arith.constant 0 : i32
      %dma_start3A_176 = tpu.memref_slice %arg4[%squeeze3A_160, %dma_start3A_175] : memref<1000000x64xf32, #tpu.memory_space<hbm>> -> memref<1x64xf32, #tpu.memory_space<hbm>>
      %dma_start3A_177 = arith.constant 0 : i32
      %dma_start3A_178 = tpu.memref_slice %arg9[%add3A_164, %dma_start3A_177] : memref<128x64xf32, #tpu.memory_space<vmem>> -> memref<1x64xf32, #tpu.memory_space<vmem>>
      %dma_start3A_179 = arith.constant 0 : i32
      %dma_start3A_180 = tpu.memref_slice %arg4[%squeeze3A_160, %dma_start3A_179] : memref<1000000x64xf32, #tpu.memory_space<hbm>> -> memref<1x64xf32, #tpu.memory_space<hbm>>
      tpu.enqueue_dma source(%dma_start3A_180 : memref<1x64xf32, #tpu.memory_space<hbm>>) target(%dma_start3A_178 : memref<1x64xf32, #tpu.memory_space<vmem>>) target_semaphore(%arg10 : memref<!tpu.dma_semaphore, #tpu.memory_space<semaphore_mem>>)
      %slice3A_181 = vector.extract_strided_slice %get3A_130 {offsets = [2], sizes = [1], strides = [1]} : vector<16xi32> to vector<1xi32>
      %squeeze3A_182 = vector.extract %slice3A_181[0] : i32 from vector<1xi32>
      %slice3A_183 = vector.extract_strided_slice %get3A_135 {offsets = [2], sizes = [1], strides = [1]} : vector<16xi32> to vector<1xi32>
      %squeeze3A_184 = vector.extract %slice3A_183[0] : i32 from vector<1xi32>
      %mul3A_185 = arith.constant 16 : i32
      %mul3A_186 = arith.muli %scan3A_126, %mul3A_185 : i32
      %add3A_187 = arith.constant 2 : i32
      %add3A_188 = arith.addi %mul3A_186, %add3A_187 : i32
      %dma_start3A_189 = arith.constant 0 : i32
      %dma_start3A_190 = tpu.memref_slice %arg8[%add3A_188, %dma_start3A_189] : memref<128x64xf32, #tpu.memory_space<vmem>> -> memref<1x64xf32, #tpu.memory_space<vmem>>
      %dma_start3A_191 = arith.constant 0 : i32
      %dma_start3A_192 = tpu.memref_slice %arg4[%squeeze3A_182, %dma_start3A_191] : memref<1000000x64xf32, #tpu.memory_space<hbm>> -> memref<1x64xf32, #tpu.memory_space<hbm>>
      %dma_start3A_193 = arith.constant 0 : i32
      %dma_start3A_194 = tpu.memref_slice %arg8[%add3A_188, %dma_start3A_193] : memref<128x64xf32, #tpu.memory_space<vmem>> -> memref<1x64xf32, #tpu.memory_space<vmem>>
      %dma_start3A_195 = arith.constant 0 : i32
      %dma_start3A_196 = tpu.memref_slice %arg4[%squeeze3A_182, %dma_start3A_195] : memref<1000000x64xf32, #tpu.memory_space<hbm>> -> memref<1x64xf32, #tpu.memory_space<hbm>>
      tpu.enqueue_dma source(%dma_start3A_196 : memref<1x64xf32, #tpu.memory_space<hbm>>) target(%dma_start3A_194 : memref<1x64xf32, #tpu.memory_space<vmem>>) target_semaphore(%arg10 : memref<!tpu.dma_semaphore, #tpu.memory_space<semaphore_mem>>)
      %dma_start3A_197 = arith.constant 0 : i32
      %dma_start3A_198 = tpu.memref_slice %arg9[%add3A_188, %dma_start3A_197] : memref<128x64xf32, #tpu.memory_space<vmem>> -> memref<1x64xf32, #tpu.memory_space<vmem>>
      %dma_start3A_199 = arith.constant 0 : i32
      %dma_start3A_200 = tpu.memref_slice %arg4[%squeeze3A_184, %dma_start3A_199] : memref<1000000x64xf32, #tpu.memory_space<hbm>> -> memref<1x64xf32, #tpu.memory_space<hbm>>
      %dma_start3A_201 = arith.constant 0 : i32
      %dma_start3A_202 = tpu.memref_slice %arg9[%add3A_188, %dma_start3A_201] : memref<128x64xf32, #tpu.memory_space<vmem>> -> memref<1x64xf32, #tpu.memory_space<vmem>>
      %dma_start3A_203 = arith.constant 0 : i32
      %dma_start3A_204 = tpu.memref_slice %arg4[%squeeze3A_184, %dma_start3A_203] : memref<1000000x64xf32, #tpu.memory_space<hbm>> -> memref<1x64xf32, #tpu.memory_space<hbm>>
      tpu.enqueue_dma source(%dma_start3A_204 : memref<1x64xf32, #tpu.memory_space<hbm>>) target(%dma_start3A_202 : memref<1x64xf32, #tpu.memory_space<vmem>>) target_semaphore(%arg10 : memref<!tpu.dma_semaphore, #tpu.memory_space<semaphore_mem>>)
      %slice3A_205 = vector.extract_strided_slice %get3A_130 {offsets = [3], sizes = [1], strides = [1]} : vector<16xi32> to vector<1xi32>
      %squeeze3A_206 = vector.extract %slice3A_205[0] : i32 from vector<1xi32>
      %slice3A_207 = vector.extract_strided_slice %get3A_135 {offsets = [3], sizes = [1], strides = [1]} : vector<16xi32> to vector<1xi32>
      %squeeze3A_208 = vector.extract %slice3A_207[0] : i32 from vector<1xi32>
      %mul3A_209 = arith.constant 16 : i32
      %mul3A_210 = arith.muli %scan3A_126, %mul3A_209 : i32
      %add3A_211 = arith.constant 3 : i32
      %add3A_212 = arith.addi %mul3A_210, %add3A_211 : i32
      %dma_start3A_213 = arith.constant 0 : i32
      %dma_start3A_214 = tpu.memref_slice %arg8[%add3A_212, %dma_start3A_213] : memref<128x64xf32, #tpu.memory_space<vmem>> -> memref<1x64xf32, #tpu.memory_space<vmem>>
      %dma_start3A_215 = arith.constant 0 : i32
      %dma_start3A_216 = tpu.memref_slice %arg4[%squeeze3A_206, %dma_start3A_215] : memref<1000000x64xf32, #tpu.memory_space<hbm>> -> memref<1x64xf32, #tpu.memory_space<hbm>>
      %dma_start3A_217 = arith.constant 0 : i32
      %dma_start3A_218 = tpu.memref_slice %arg8[%add3A_212, %dma_start3A_217] : memref<128x64xf32, #tpu.memory_space<vmem>> -> memref<1x64xf32, #tpu.memory_space<vmem>>
      %dma_start3A_219 = arith.constant 0 : i32
      %dma_start3A_220 = tpu.memref_slice %arg4[%squeeze3A_206, %dma_start3A_219] : memref<1000000x64xf32, #tpu.memory_space<hbm>> -> memref<1x64xf32, #tpu.memory_space<hbm>>
      tpu.enqueue_dma source(%dma_start3A_220 : memref<1x64xf32, #tpu.memory_space<hbm>>) target(%dma_start3A_218 : memref<1x64xf32, #tpu.memory_space<vmem>>) target_semaphore(%arg10 : memref<!tpu.dma_semaphore, #tpu.memory_space<semaphore_mem>>)
      %dma_start3A_221 = arith.constant 0 : i32
      %dma_start3A_222 = tpu.memref_slice %arg9[%add3A_212, %dma_start3A_221] : memref<128x64xf32, #tpu.memory_space<vmem>> -> memref<1x64xf32, #tpu.memory_space<vmem>>
      %dma_start3A_223 = arith.constant 0 : i32
      %dma_start3A_224 = tpu.memref_slice %arg4[%squeeze3A_208, %dma_start3A_223] : memref<1000000x64xf32, #tpu.memory_space<hbm>> -> memref<1x64xf32, #tpu.memory_space<hbm>>
      %dma_start3A_225 = arith.constant 0 : i32
      %dma_start3A_226 = tpu.memref_slice %arg9[%add3A_212, %dma_start3A_225] : memref<128x64xf32, #tpu.memory_space<vmem>> -> memref<1x64xf32, #tpu.memory_space<vmem>>
      %dma_start3A_227 = arith.constant 0 : i32
      %dma_start3A_228 = tpu.memref_slice %arg4[%squeeze3A_208, %dma_start3A_227] : memref<1000000x64xf32, #tpu.memory_space<hbm>> -> memref<1x64xf32, #tpu.memory_space<hbm>>
      tpu.enqueue_dma source(%dma_start3A_228 : memref<1x64xf32, #tpu.memory_space<hbm>>) target(%dma_start3A_226 : memref<1x64xf32, #tpu.memory_space<vmem>>) target_semaphore(%arg10 : memref<!tpu.dma_semaphore, #tpu.memory_space<semaphore_mem>>)
      %slice3A_229 = vector.extract_strided_slice %get3A_130 {offsets = [4], sizes = [1], strides = [1]} : vector<16xi32> to vector<1xi32>
      %squeeze3A_230 = vector.extract %slice3A_229[0] : i32 from vector<1xi32>
      %slice3A_231 = vector.extract_strided_slice %get3A_135 {offsets = [4], sizes = [1], strides = [1]} : vector<16xi32> to vector<1xi32>
      %squeeze3A_232 = vector.extract %slice3A_231[0] : i32 from vector<1xi32>
      %mul3A_233 = arith.constant 16 : i32
      %mul3A_234 = arith.muli %scan3A_126, %mul3A_233 : i32
      %add3A_235 = arith.constant 4 : i32
      %add3A_236 = arith.addi %mul3A_234, %add3A_235 : i32
      %dma_start3A_237 = arith.constant 0 : i32
      %dma_start3A_238 = tpu.memref_slice %arg8[%add3A_236, %dma_start3A_237] : memref<128x64xf32, #tpu.memory_space<vmem>> -> memref<1x64xf32, #tpu.memory_space<vmem>>
      %dma_start3A_239 = arith.constant 0 : i32
      %dma_start3A_240 = tpu.memref_slice %arg4[%squeeze3A_230, %dma_start3A_239] : memref<1000000x64xf32, #tpu.memory_space<hbm>> -> memref<1x64xf32, #tpu.memory_space<hbm>>
      %dma_start3A_241 = arith.constant 0 : i32
      %dma_start3A_242 = tpu.memref_slice %arg8[%add3A_236, %dma_start3A_241] : memref<128x64xf32, #tpu.memory_space<vmem>> -> memref<1x64xf32, #tpu.memory_space<vmem>>
      %dma_start3A_243 = arith.constant 0 : i32
      %dma_start3A_244 = tpu.memref_slice %arg4[%squeeze3A_230, %dma_start3A_243] : memref<1000000x64xf32, #tpu.memory_space<hbm>> -> memref<1x64xf32, #tpu.memory_space<hbm>>
      tpu.enqueue_dma source(%dma_start3A_244 : memref<1x64xf32, #tpu.memory_space<hbm>>) target(%dma_start3A_242 : memref<1x64xf32, #tpu.memory_space<vmem>>) target_semaphore(%arg10 : memref<!tpu.dma_semaphore, #tpu.memory_space<semaphore_mem>>)
      %dma_start3A_245 = arith.constant 0 : i32
      %dma_start3A_246 = tpu.memref_slice %arg9[%add3A_236, %dma_start3A_245] : memref<128x64xf32, #tpu.memory_space<vmem>> -> memref<1x64xf32, #tpu.memory_space<vmem>>
      %dma_start3A_247 = arith.constant 0 : i32
      %dma_start3A_248 = tpu.memref_slice %arg4[%squeeze3A_232, %dma_start3A_247] : memref<1000000x64xf32, #tpu.memory_space<hbm>> -> memref<1x64xf32, #tpu.memory_space<hbm>>
      %dma_start3A_249 = arith.constant 0 : i32
      %dma_start3A_250 = tpu.memref_slice %arg9[%add3A_236, %dma_start3A_249] : memref<128x64xf32, #tpu.memory_space<vmem>> -> memref<1x64xf32, #tpu.memory_space<vmem>>
      %dma_start3A_251 = arith.constant 0 : i32
      %dma_start3A_252 = tpu.memref_slice %arg4[%squeeze3A_232, %dma_start3A_251] : memref<1000000x64xf32, #tpu.memory_space<hbm>> -> memref<1x64xf32, #tpu.memory_space<hbm>>
      tpu.enqueue_dma source(%dma_start3A_252 : memref<1x64xf32, #tpu.memory_space<hbm>>) target(%dma_start3A_250 : memref<1x64xf32, #tpu.memory_space<vmem>>) target_semaphore(%arg10 : memref<!tpu.dma_semaphore, #tpu.memory_space<semaphore_mem>>)
      %slice3A_253 = vector.extract_strided_slice %get3A_130 {offsets = [5], sizes = [1], strides = [1]} : vector<16xi32> to vector<1xi32>
      %squeeze3A_254 = vector.extract %slice3A_253[0] : i32 from vector<1xi32>
      %slice3A_255 = vector.extract_strided_slice %get3A_135 {offsets = [5], sizes = [1], strides = [1]} : vector<16xi32> to vector<1xi32>
      %squeeze3A_256 = vector.extract %slice3A_255[0] : i32 from vector<1xi32>
      %mul3A_257 = arith.constant 16 : i32
      %mul3A_258 = arith.muli %scan3A_126, %mul3A_257 : i32
      %add3A_259 = arith.constant 5 : i32
      %add3A_260 = arith.addi %mul3A_258, %add3A_259 : i32
      %dma_start3A_261 = arith.constant 0 : i32
      %dma_start3A_262 = tpu.memref_slice %arg8[%add3A_260, %dma_start3A_261] : memref<128x64xf32, #tpu.memory_space<vmem>> -> memref<1x64xf32, #tpu.memory_space<vmem>>
      %dma_start3A_263 = arith.constant 0 : i32
      %dma_start3A_264 = tpu.memref_slice %arg4[%squeeze3A_254, %dma_start3A_263] : memref<1000000x64xf32, #tpu.memory_space<hbm>> -> memref<1x64xf32, #tpu.memory_space<hbm>>
      %dma_start3A_265 = arith.constant 0 : i32
      %dma_start3A_266 = tpu.memref_slice %arg8[%add3A_260, %dma_start3A_265] : memref<128x64xf32, #tpu.memory_space<vmem>> -> memref<1x64xf32, #tpu.memory_space<vmem>>
      %dma_start3A_267 = arith.constant 0 : i32
      %dma_start3A_268 = tpu.memref_slice %arg4[%squeeze3A_254, %dma_start3A_267] : memref<1000000x64xf32, #tpu.memory_space<hbm>> -> memref<1x64xf32, #tpu.memory_space<hbm>>
      tpu.enqueue_dma source(%dma_start3A_268 : memref<1x64xf32, #tpu.memory_space<hbm>>) target(%dma_start3A_266 : memref<1x64xf32, #tpu.memory_space<vmem>>) target_semaphore(%arg10 : memref<!tpu.dma_semaphore, #tpu.memory_space<semaphore_mem>>)
      %dma_start3A_269 = arith.constant 0 : i32
      %dma_start3A_270 = tpu.memref_slice %arg9[%add3A_260, %dma_start3A_269] : memref<128x64xf32, #tpu.memory_space<vmem>> -> memref<1x64xf32, #tpu.memory_space<vmem>>
      %dma_start3A_271 = arith.constant 0 : i32
      %dma_start3A_272 = tpu.memref_slice %arg4[%squeeze3A_256, %dma_start3A_271] : memref<1000000x64xf32, #tpu.memory_space<hbm>> -> memref<1x64xf32, #tpu.memory_space<hbm>>
      %dma_start3A_273 = arith.constant 0 : i32
      %dma_start3A_274 = tpu.memref_slice %arg9[%add3A_260, %dma_start3A_273] : memref<128x64xf32, #tpu.memory_space<vmem>> -> memref<1x64xf32, #tpu.memory_space<vmem>>
      %dma_start3A_275 = arith.constant 0 : i32
      %dma_start3A_276 = tpu.memref_slice %arg4[%squeeze3A_256, %dma_start3A_275] : memref<1000000x64xf32, #tpu.memory_space<hbm>> -> memref<1x64xf32, #tpu.memory_space<hbm>>
      tpu.enqueue_dma source(%dma_start3A_276 : memref<1x64xf32, #tpu.memory_space<hbm>>) target(%dma_start3A_274 : memref<1x64xf32, #tpu.memory_space<vmem>>) target_semaphore(%arg10 : memref<!tpu.dma_semaphore, #tpu.memory_space<semaphore_mem>>)
      %slice3A_277 = vector.extract_strided_slice %get3A_130 {offsets = [6], sizes = [1], strides = [1]} : vector<16xi32> to vector<1xi32>
      %squeeze3A_278 = vector.extract %slice3A_277[0] : i32 from vector<1xi32>
      %slice3A_279 = vector.extract_strided_slice %get3A_135 {offsets = [6], sizes = [1], strides = [1]} : vector<16xi32> to vector<1xi32>
      %squeeze3A_280 = vector.extract %slice3A_279[0] : i32 from vector<1xi32>
      %mul3A_281 = arith.constant 16 : i32
      %mul3A_282 = arith.muli %scan3A_126, %mul3A_281 : i32
      %add3A_283 = arith.constant 6 : i32
      %add3A_284 = arith.addi %mul3A_282, %add3A_283 : i32
      %dma_start3A_285 = arith.constant 0 : i32
      %dma_start3A_286 = tpu.memref_slice %arg8[%add3A_284, %dma_start3A_285] : memref<128x64xf32, #tpu.memory_space<vmem>> -> memref<1x64xf32, #tpu.memory_space<vmem>>
      %dma_start3A_287 = arith.constant 0 : i32
      %dma_start3A_288 = tpu.memref_slice %arg4[%squeeze3A_278, %dma_start3A_287] : memref<1000000x64xf32, #tpu.memory_space<hbm>> -> memref<1x64xf32, #tpu.memory_space<hbm>>
      %dma_start3A_289 = arith.constant 0 : i32
      %dma_start3A_290 = tpu.memref_slice %arg8[%add3A_284, %dma_start3A_289] : memref<128x64xf32, #tpu.memory_space<vmem>> -> memref<1x64xf32, #tpu.memory_space<vmem>>
      %dma_start3A_291 = arith.constant 0 : i32
      %dma_start3A_292 = tpu.memref_slice %arg4[%squeeze3A_278, %dma_start3A_291] : memref<1000000x64xf32, #tpu.memory_space<hbm>> -> memref<1x64xf32, #tpu.memory_space<hbm>>
      tpu.enqueue_dma source(%dma_start3A_292 : memref<1x64xf32, #tpu.memory_space<hbm>>) target(%dma_start3A_290 : memref<1x64xf32, #tpu.memory_space<vmem>>) target_semaphore(%arg10 : memref<!tpu.dma_semaphore, #tpu.memory_space<semaphore_mem>>)
      %dma_start3A_293 = arith.constant 0 : i32
      %dma_start3A_294 = tpu.memref_slice %arg9[%add3A_284, %dma_start3A_293] : memref<128x64xf32, #tpu.memory_space<vmem>> -> memref<1x64xf32, #tpu.memory_space<vmem>>
      %dma_start3A_295 = arith.constant 0 : i32
      %dma_start3A_296 = tpu.memref_slice %arg4[%squeeze3A_280, %dma_start3A_295] : memref<1000000x64xf32, #tpu.memory_space<hbm>> -> memref<1x64xf32, #tpu.memory_space<hbm>>
      %dma_start3A_297 = arith.constant 0 : i32
      %dma_start3A_298 = tpu.memref_slice %arg9[%add3A_284, %dma_start3A_297] : memref<128x64xf32, #tpu.memory_space<vmem>> -> memref<1x64xf32, #tpu.memory_space<vmem>>
      %dma_start3A_299 = arith.constant 0 : i32
      %dma_start3A_300 = tpu.memref_slice %arg4[%squeeze3A_280, %dma_start3A_299] : memref<1000000x64xf32, #tpu.memory_space<hbm>> -> memref<1x64xf32, #tpu.memory_space<hbm>>
      tpu.enqueue_dma source(%dma_start3A_300 : memref<1x64xf32, #tpu.memory_space<hbm>>) target(%dma_start3A_298 : memref<1x64xf32, #tpu.memory_space<vmem>>) target_semaphore(%arg10 : memref<!tpu.dma_semaphore, #tpu.memory_space<semaphore_mem>>)
      %slice3A_301 = vector.extract_strided_slice %get3A_130 {offsets = [7], sizes = [1], strides = [1]} : vector<16xi32> to vector<1xi32>
      %squeeze3A_302 = vector.extract %slice3A_301[0] : i32 from vector<1xi32>
      %slice3A_303 = vector.extract_strided_slice %get3A_135 {offsets = [7], sizes = [1], strides = [1]} : vector<16xi32> to vector<1xi32>
      %squeeze3A_304 = vector.extract %slice3A_303[0] : i32 from vector<1xi32>
      %mul3A_305 = arith.constant 16 : i32
      %mul3A_306 = arith.muli %scan3A_126, %mul3A_305 : i32
      %add3A_307 = arith.constant 7 : i32
      %add3A_308 = arith.addi %mul3A_306, %add3A_307 : i32
      %dma_start3A_309 = arith.constant 0 : i32
      %dma_start3A_310 = tpu.memref_slice %arg8[%add3A_308, %dma_start3A_309] : memref<128x64xf32, #tpu.memory_space<vmem>> -> memref<1x64xf32, #tpu.memory_space<vmem>>
      %dma_start3A_311 = arith.constant 0 : i32
      %dma_start3A_312 = tpu.memref_slice %arg4[%squeeze3A_302, %dma_start3A_311] : memref<1000000x64xf32, #tpu.memory_space<hbm>> -> memref<1x64xf32, #tpu.memory_space<hbm>>
      %dma_start3A_313 = arith.constant 0 : i32
      %dma_start3A_314 = tpu.memref_slice %arg8[%add3A_308, %dma_start3A_313] : memref<128x64xf32, #tpu.memory_space<vmem>> -> memref<1x64xf32, #tpu.memory_space<vmem>>
      %dma_start3A_315 = arith.constant 0 : i32
      %dma_start3A_316 = tpu.memref_slice %arg4[%squeeze3A_302, %dma_start3A_315] : memref<1000000x64xf32, #tpu.memory_space<hbm>> -> memref<1x64xf32, #tpu.memory_space<hbm>>
      tpu.enqueue_dma source(%dma_start3A_316 : memref<1x64xf32, #tpu.memory_space<hbm>>) target(%dma_start3A_314 : memref<1x64xf32, #tpu.memory_space<vmem>>) target_semaphore(%arg10 : memref<!tpu.dma_semaphore, #tpu.memory_space<semaphore_mem>>)
      %dma_start3A_317 = arith.constant 0 : i32
      %dma_start3A_318 = tpu.memref_slice %arg9[%add3A_308, %dma_start3A_317] : memref<128x64xf32, #tpu.memory_space<vmem>> -> memref<1x64xf32, #tpu.memory_space<vmem>>
      %dma_start3A_319 = arith.constant 0 : i32
      %dma_start3A_320 = tpu.memref_slice %arg4[%squeeze3A_304, %dma_start3A_319] : memref<1000000x64xf32, #tpu.memory_space<hbm>> -> memref<1x64xf32, #tpu.memory_space<hbm>>
      %dma_start3A_321 = arith.constant 0 : i32
      %dma_start3A_322 = tpu.memref_slice %arg9[%add3A_308, %dma_start3A_321] : memref<128x64xf32, #tpu.memory_space<vmem>> -> memref<1x64xf32, #tpu.memory_space<vmem>>
      %dma_start3A_323 = arith.constant 0 : i32
      %dma_start3A_324 = tpu.memref_slice %arg4[%squeeze3A_304, %dma_start3A_323] : memref<1000000x64xf32, #tpu.memory_space<hbm>> -> memref<1x64xf32, #tpu.memory_space<hbm>>
      tpu.enqueue_dma source(%dma_start3A_324 : memref<1x64xf32, #tpu.memory_space<hbm>>) target(%dma_start3A_322 : memref<1x64xf32, #tpu.memory_space<vmem>>) target_semaphore(%arg10 : memref<!tpu.dma_semaphore, #tpu.memory_space<semaphore_mem>>)
      %slice3A_325 = vector.extract_strided_slice %get3A_130 {offsets = [8], sizes = [1], strides = [1]} : vector<16xi32> to vector<1xi32>
      %squeeze3A_326 = vector.extract %slice3A_325[0] : i32 from vector<1xi32>
      %slice3A_327 = vector.extract_strided_slice %get3A_135 {offsets = [8], sizes = [1], strides = [1]} : vector<16xi32> to vector<1xi32>
      %squeeze3A_328 = vector.extract %slice3A_327[0] : i32 from vector<1xi32>
      %mul3A_329 = arith.constant 16 : i32
      %mul3A_330 = arith.muli %scan3A_126, %mul3A_329 : i32
      %add3A_331 = arith.constant 8 : i32
      %add3A_332 = arith.addi %mul3A_330, %add3A_331 : i32
      %dma_start3A_333 = arith.constant 0 : i32
      %dma_start3A_334 = tpu.memref_slice %arg8[%add3A_332, %dma_start3A_333] : memref<128x64xf32, #tpu.memory_space<vmem>> -> memref<1x64xf32, #tpu.memory_space<vmem>>
      %dma_start3A_335 = arith.constant 0 : i32
      %dma_start3A_336 = tpu.memref_slice %arg4[%squeeze3A_326, %dma_start3A_335] : memref<1000000x64xf32, #tpu.memory_space<hbm>> -> memref<1x64xf32, #tpu.memory_space<hbm>>
      %dma_start3A_337 = arith.constant 0 : i32
      %dma_start3A_338 = tpu.memref_slice %arg8[%add3A_332, %dma_start3A_337] : memref<128x64xf32, #tpu.memory_space<vmem>> -> memref<1x64xf32, #tpu.memory_space<vmem>>
      %dma_start3A_339 = arith.constant 0 : i32
      %dma_start3A_340 = tpu.memref_slice %arg4[%squeeze3A_326, %dma_start3A_339] : memref<1000000x64xf32, #tpu.memory_space<hbm>> -> memref<1x64xf32, #tpu.memory_space<hbm>>
      tpu.enqueue_dma source(%dma_start3A_340 : memref<1x64xf32, #tpu.memory_space<hbm>>) target(%dma_start3A_338 : memref<1x64xf32, #tpu.memory_space<vmem>>) target_semaphore(%arg10 : memref<!tpu.dma_semaphore, #tpu.memory_space<semaphore_mem>>)
      %dma_start3A_341 = arith.constant 0 : i32
      %dma_start3A_342 = tpu.memref_slice %arg9[%add3A_332, %dma_start3A_341] : memref<128x64xf32, #tpu.memory_space<vmem>> -> memref<1x64xf32, #tpu.memory_space<vmem>>
      %dma_start3A_343 = arith.constant 0 : i32
      %dma_start3A_344 = tpu.memref_slice %arg4[%squeeze3A_328, %dma_start3A_343] : memref<1000000x64xf32, #tpu.memory_space<hbm>> -> memref<1x64xf32, #tpu.memory_space<hbm>>
      %dma_start3A_345 = arith.constant 0 : i32
      %dma_start3A_346 = tpu.memref_slice %arg9[%add3A_332, %dma_start3A_345] : memref<128x64xf32, #tpu.memory_space<vmem>> -> memref<1x64xf32, #tpu.memory_space<vmem>>
      %dma_start3A_347 = arith.constant 0 : i32
      %dma_start3A_348 = tpu.memref_slice %arg4[%squeeze3A_328, %dma_start3A_347] : memref<1000000x64xf32, #tpu.memory_space<hbm>> -> memref<1x64xf32, #tpu.memory_space<hbm>>
      tpu.enqueue_dma source(%dma_start3A_348 : memref<1x64xf32, #tpu.memory_space<hbm>>) target(%dma_start3A_346 : memref<1x64xf32, #tpu.memory_space<vmem>>) target_semaphore(%arg10 : memref<!tpu.dma_semaphore, #tpu.memory_space<semaphore_mem>>)
      %slice3A_349 = vector.extract_strided_slice %get3A_130 {offsets = [9], sizes = [1], strides = [1]} : vector<16xi32> to vector<1xi32>
      %squeeze3A_350 = vector.extract %slice3A_349[0] : i32 from vector<1xi32>
      %slice3A_351 = vector.extract_strided_slice %get3A_135 {offsets = [9], sizes = [1], strides = [1]} : vector<16xi32> to vector<1xi32>
      %squeeze3A_352 = vector.extract %slice3A_351[0] : i32 from vector<1xi32>
      %mul3A_353 = arith.constant 16 : i32
      %mul3A_354 = arith.muli %scan3A_126, %mul3A_353 : i32
      %add3A_355 = arith.constant 9 : i32
      %add3A_356 = arith.addi %mul3A_354, %add3A_355 : i32
      %dma_start3A_357 = arith.constant 0 : i32
      %dma_start3A_358 = tpu.memref_slice %arg8[%add3A_356, %dma_start3A_357] : memref<128x64xf32, #tpu.memory_space<vmem>> -> memref<1x64xf32, #tpu.memory_space<vmem>>
      %dma_start3A_359 = arith.constant 0 : i32
      %dma_start3A_360 = tpu.memref_slice %arg4[%squeeze3A_350, %dma_start3A_359] : memref<1000000x64xf32, #tpu.memory_space<hbm>> -> memref<1x64xf32, #tpu.memory_space<hbm>>
      %dma_start3A_361 = arith.constant 0 : i32
      %dma_start3A_362 = tpu.memref_slice %arg8[%add3A_356, %dma_start3A_361] : memref<128x64xf32, #tpu.memory_space<vmem>> -> memref<1x64xf32, #tpu.memory_space<vmem>>
      %dma_start3A_363 = arith.constant 0 : i32
      %dma_start3A_364 = tpu.memref_slice %arg4[%squeeze3A_350, %dma_start3A_363] : memref<1000000x64xf32, #tpu.memory_space<hbm>> -> memref<1x64xf32, #tpu.memory_space<hbm>>
      tpu.enqueue_dma source(%dma_start3A_364 : memref<1x64xf32, #tpu.memory_space<hbm>>) target(%dma_start3A_362 : memref<1x64xf32, #tpu.memory_space<vmem>>) target_semaphore(%arg10 : memref<!tpu.dma_semaphore, #tpu.memory_space<semaphore_mem>>)
      %dma_start3A_365 = arith.constant 0 : i32
      %dma_start3A_366 = tpu.memref_slice %arg9[%add3A_356, %dma_start3A_365] : memref<128x64xf32, #tpu.memory_space<vmem>> -> memref<1x64xf32, #tpu.memory_space<vmem>>
      %dma_start3A_367 = arith.constant 0 : i32
      %dma_start3A_368 = tpu.memref_slice %arg4[%squeeze3A_352, %dma_start3A_367] : memref<1000000x64xf32, #tpu.memory_space<hbm>> -> memref<1x64xf32, #tpu.memory_space<hbm>>
      %dma_start3A_369 = arith.constant 0 : i32
      %dma_start3A_370 = tpu.memref_slice %arg9[%add3A_356, %dma_start3A_369] : memref<128x64xf32, #tpu.memory_space<vmem>> -> memref<1x64xf32, #tpu.memory_space<vmem>>
      %dma_start3A_371 = arith.constant 0 : i32
      %dma_start3A_372 = tpu.memref_slice %arg4[%squeeze3A_352, %dma_start3A_371] : memref<1000000x64xf32, #tpu.memory_space<hbm>> -> memref<1x64xf32, #tpu.memory_space<hbm>>
      tpu.enqueue_dma source(%dma_start3A_372 : memref<1x64xf32, #tpu.memory_space<hbm>>) target(%dma_start3A_370 : memref<1x64xf32, #tpu.memory_space<vmem>>) target_semaphore(%arg10 : memref<!tpu.dma_semaphore, #tpu.memory_space<semaphore_mem>>)
      %slice3A_373 = vector.extract_strided_slice %get3A_130 {offsets = [10], sizes = [1], strides = [1]} : vector<16xi32> to vector<1xi32>
      %squeeze3A_374 = vector.extract %slice3A_373[0] : i32 from vector<1xi32>
      %slice3A_375 = vector.extract_strided_slice %get3A_135 {offsets = [10], sizes = [1], strides = [1]} : vector<16xi32> to vector<1xi32>
      %squeeze3A_376 = vector.extract %slice3A_375[0] : i32 from vector<1xi32>
      %mul3A_377 = arith.constant 16 : i32
      %mul3A_378 = arith.muli %scan3A_126, %mul3A_377 : i32
      %add3A_379 = arith.constant 10 : i32
      %add3A_380 = arith.addi %mul3A_378, %add3A_379 : i32
      %dma_start3A_381 = arith.constant 0 : i32
      %dma_start3A_382 = tpu.memref_slice %arg8[%add3A_380, %dma_start3A_381] : memref<128x64xf32, #tpu.memory_space<vmem>> -> memref<1x64xf32, #tpu.memory_space<vmem>>
      %dma_start3A_383 = arith.constant 0 : i32
      %dma_start3A_384 = tpu.memref_slice %arg4[%squeeze3A_374, %dma_start3A_383] : memref<1000000x64xf32, #tpu.memory_space<hbm>> -> memref<1x64xf32, #tpu.memory_space<hbm>>
      %dma_start3A_385 = arith.constant 0 : i32
      %dma_start3A_386 = tpu.memref_slice %arg8[%add3A_380, %dma_start3A_385] : memref<128x64xf32, #tpu.memory_space<vmem>> -> memref<1x64xf32, #tpu.memory_space<vmem>>
      %dma_start3A_387 = arith.constant 0 : i32
      %dma_start3A_388 = tpu.memref_slice %arg4[%squeeze3A_374, %dma_start3A_387] : memref<1000000x64xf32, #tpu.memory_space<hbm>> -> memref<1x64xf32, #tpu.memory_space<hbm>>
      tpu.enqueue_dma source(%dma_start3A_388 : memref<1x64xf32, #tpu.memory_space<hbm>>) target(%dma_start3A_386 : memref<1x64xf32, #tpu.memory_space<vmem>>) target_semaphore(%arg10 : memref<!tpu.dma_semaphore, #tpu.memory_space<semaphore_mem>>)
      %dma_start3A_389 = arith.constant 0 : i32
      %dma_start3A_390 = tpu.memref_slice %arg9[%add3A_380, %dma_start3A_389] : memref<128x64xf32, #tpu.memory_space<vmem>> -> memref<1x64xf32, #tpu.memory_space<vmem>>
      %dma_start3A_391 = arith.constant 0 : i32
      %dma_start3A_392 = tpu.memref_slice %arg4[%squeeze3A_376, %dma_start3A_391] : memref<1000000x64xf32, #tpu.memory_space<hbm>> -> memref<1x64xf32, #tpu.memory_space<hbm>>
      %dma_start3A_393 = arith.constant 0 : i32
      %dma_start3A_394 = tpu.memref_slice %arg9[%add3A_380, %dma_start3A_393] : memref<128x64xf32, #tpu.memory_space<vmem>> -> memref<1x64xf32, #tpu.memory_space<vmem>>
      %dma_start3A_395 = arith.constant 0 : i32
      %dma_start3A_396 = tpu.memref_slice %arg4[%squeeze3A_376, %dma_start3A_395] : memref<1000000x64xf32, #tpu.memory_space<hbm>> -> memref<1x64xf32, #tpu.memory_space<hbm>>
      tpu.enqueue_dma source(%dma_start3A_396 : memref<1x64xf32, #tpu.memory_space<hbm>>) target(%dma_start3A_394 : memref<1x64xf32, #tpu.memory_space<vmem>>) target_semaphore(%arg10 : memref<!tpu.dma_semaphore, #tpu.memory_space<semaphore_mem>>)
      %slice3A_397 = vector.extract_strided_slice %get3A_130 {offsets = [11], sizes = [1], strides = [1]} : vector<16xi32> to vector<1xi32>
      %squeeze3A_398 = vector.extract %slice3A_397[0] : i32 from vector<1xi32>
      %slice3A_399 = vector.extract_strided_slice %get3A_135 {offsets = [11], sizes = [1], strides = [1]} : vector<16xi32> to vector<1xi32>
      %squeeze3A_400 = vector.extract %slice3A_399[0] : i32 from vector<1xi32>
      %mul3A_401 = arith.constant 16 : i32
      %mul3A_402 = arith.muli %scan3A_126, %mul3A_401 : i32
      %add3A_403 = arith.constant 11 : i32
      %add3A_404 = arith.addi %mul3A_402, %add3A_403 : i32
      %dma_start3A_405 = arith.constant 0 : i32
      %dma_start3A_406 = tpu.memref_slice %arg8[%add3A_404, %dma_start3A_405] : memref<128x64xf32, #tpu.memory_space<vmem>> -> memref<1x64xf32, #tpu.memory_space<vmem>>
      %dma_start3A_407 = arith.constant 0 : i32
      %dma_start3A_408 = tpu.memref_slice %arg4[%squeeze3A_398, %dma_start3A_407] : memref<1000000x64xf32, #tpu.memory_space<hbm>> -> memref<1x64xf32, #tpu.memory_space<hbm>>
      %dma_start3A_409 = arith.constant 0 : i32
      %dma_start3A_410 = tpu.memref_slice %arg8[%add3A_404, %dma_start3A_409] : memref<128x64xf32, #tpu.memory_space<vmem>> -> memref<1x64xf32, #tpu.memory_space<vmem>>
      %dma_start3A_411 = arith.constant 0 : i32
      %dma_start3A_412 = tpu.memref_slice %arg4[%squeeze3A_398, %dma_start3A_411] : memref<1000000x64xf32, #tpu.memory_space<hbm>> -> memref<1x64xf32, #tpu.memory_space<hbm>>
      tpu.enqueue_dma source(%dma_start3A_412 : memref<1x64xf32, #tpu.memory_space<hbm>>) target(%dma_start3A_410 : memref<1x64xf32, #tpu.memory_space<vmem>>) target_semaphore(%arg10 : memref<!tpu.dma_semaphore, #tpu.memory_space<semaphore_mem>>)
      %dma_start3A_413 = arith.constant 0 : i32
      %dma_start3A_414 = tpu.memref_slice %arg9[%add3A_404, %dma_start3A_413] : memref<128x64xf32, #tpu.memory_space<vmem>> -> memref<1x64xf32, #tpu.memory_space<vmem>>
      %dma_start3A_415 = arith.constant 0 : i32
      %dma_start3A_416 = tpu.memref_slice %arg4[%squeeze3A_400, %dma_start3A_415] : memref<1000000x64xf32, #tpu.memory_space<hbm>> -> memref<1x64xf32, #tpu.memory_space<hbm>>
      %dma_start3A_417 = arith.constant 0 : i32
      %dma_start3A_418 = tpu.memref_slice %arg9[%add3A_404, %dma_start3A_417] : memref<128x64xf32, #tpu.memory_space<vmem>> -> memref<1x64xf32, #tpu.memory_space<vmem>>
      %dma_start3A_419 = arith.constant 0 : i32
      %dma_start3A_420 = tpu.memref_slice %arg4[%squeeze3A_400, %dma_start3A_419] : memref<1000000x64xf32, #tpu.memory_space<hbm>> -> memref<1x64xf32, #tpu.memory_space<hbm>>
      tpu.enqueue_dma source(%dma_start3A_420 : memref<1x64xf32, #tpu.memory_space<hbm>>) target(%dma_start3A_418 : memref<1x64xf32, #tpu.memory_space<vmem>>) target_semaphore(%arg10 : memref<!tpu.dma_semaphore, #tpu.memory_space<semaphore_mem>>)
      %slice3A_421 = vector.extract_strided_slice %get3A_130 {offsets = [12], sizes = [1], strides = [1]} : vector<16xi32> to vector<1xi32>
      %squeeze3A_422 = vector.extract %slice3A_421[0] : i32 from vector<1xi32>
      %slice3A_423 = vector.extract_strided_slice %get3A_135 {offsets = [12], sizes = [1], strides = [1]} : vector<16xi32> to vector<1xi32>
      %squeeze3A_424 = vector.extract %slice3A_423[0] : i32 from vector<1xi32>
      %mul3A_425 = arith.constant 16 : i32
      %mul3A_426 = arith.muli %scan3A_126, %mul3A_425 : i32
      %add3A_427 = arith.constant 12 : i32
      %add3A_428 = arith.addi %mul3A_426, %add3A_427 : i32
      %dma_start3A_429 = arith.constant 0 : i32
      %dma_start3A_430 = tpu.memref_slice %arg8[%add3A_428, %dma_start3A_429] : memref<128x64xf32, #tpu.memory_space<vmem>> -> memref<1x64xf32, #tpu.memory_space<vmem>>
      %dma_start3A_431 = arith.constant 0 : i32
      %dma_start3A_432 = tpu.memref_slice %arg4[%squeeze3A_422, %dma_start3A_431] : memref<1000000x64xf32, #tpu.memory_space<hbm>> -> memref<1x64xf32, #tpu.memory_space<hbm>>
      %dma_start3A_433 = arith.constant 0 : i32
      %dma_start3A_434 = tpu.memref_slice %arg8[%add3A_428, %dma_start3A_433] : memref<128x64xf32, #tpu.memory_space<vmem>> -> memref<1x64xf32, #tpu.memory_space<vmem>>
      %dma_start3A_435 = arith.constant 0 : i32
      %dma_start3A_436 = tpu.memref_slice %arg4[%squeeze3A_422, %dma_start3A_435] : memref<1000000x64xf32, #tpu.memory_space<hbm>> -> memref<1x64xf32, #tpu.memory_space<hbm>>
      tpu.enqueue_dma source(%dma_start3A_436 : memref<1x64xf32, #tpu.memory_space<hbm>>) target(%dma_start3A_434 : memref<1x64xf32, #tpu.memory_space<vmem>>) target_semaphore(%arg10 : memref<!tpu.dma_semaphore, #tpu.memory_space<semaphore_mem>>)
      %dma_start3A_437 = arith.constant 0 : i32
      %dma_start3A_438 = tpu.memref_slice %arg9[%add3A_428, %dma_start3A_437] : memref<128x64xf32, #tpu.memory_space<vmem>> -> memref<1x64xf32, #tpu.memory_space<vmem>>
      %dma_start3A_439 = arith.constant 0 : i32
      %dma_start3A_440 = tpu.memref_slice %arg4[%squeeze3A_424, %dma_start3A_439] : memref<1000000x64xf32, #tpu.memory_space<hbm>> -> memref<1x64xf32, #tpu.memory_space<hbm>>
      %dma_start3A_441 = arith.constant 0 : i32
      %dma_start3A_442 = tpu.memref_slice %arg9[%add3A_428, %dma_start3A_441] : memref<128x64xf32, #tpu.memory_space<vmem>> -> memref<1x64xf32, #tpu.memory_space<vmem>>
      %dma_start3A_443 = arith.constant 0 : i32
      %dma_start3A_444 = tpu.memref_slice %arg4[%squeeze3A_424, %dma_start3A_443] : memref<1000000x64xf32, #tpu.memory_space<hbm>> -> memref<1x64xf32, #tpu.memory_space<hbm>>
      tpu.enqueue_dma source(%dma_start3A_444 : memref<1x64xf32, #tpu.memory_space<hbm>>) target(%dma_start3A_442 : memref<1x64xf32, #tpu.memory_space<vmem>>) target_semaphore(%arg10 : memref<!tpu.dma_semaphore, #tpu.memory_space<semaphore_mem>>)
      %slice3A_445 = vector.extract_strided_slice %get3A_130 {offsets = [13], sizes = [1], strides = [1]} : vector<16xi32> to vector<1xi32>
      %squeeze3A_446 = vector.extract %slice3A_445[0] : i32 from vector<1xi32>
      %slice3A_447 = vector.extract_strided_slice %get3A_135 {offsets = [13], sizes = [1], strides = [1]} : vector<16xi32> to vector<1xi32>
      %squeeze3A_448 = vector.extract %slice3A_447[0] : i32 from vector<1xi32>
      %mul3A_449 = arith.constant 16 : i32
      %mul3A_450 = arith.muli %scan3A_126, %mul3A_449 : i32
      %add3A_451 = arith.constant 13 : i32
      %add3A_452 = arith.addi %mul3A_450, %add3A_451 : i32
      %dma_start3A_453 = arith.constant 0 : i32
      %dma_start3A_454 = tpu.memref_slice %arg8[%add3A_452, %dma_start3A_453] : memref<128x64xf32, #tpu.memory_space<vmem>> -> memref<1x64xf32, #tpu.memory_space<vmem>>
      %dma_start3A_455 = arith.constant 0 : i32
      %dma_start3A_456 = tpu.memref_slice %arg4[%squeeze3A_446, %dma_start3A_455] : memref<1000000x64xf32, #tpu.memory_space<hbm>> -> memref<1x64xf32, #tpu.memory_space<hbm>>
      %dma_start3A_457 = arith.constant 0 : i32
      %dma_start3A_458 = tpu.memref_slice %arg8[%add3A_452, %dma_start3A_457] : memref<128x64xf32, #tpu.memory_space<vmem>> -> memref<1x64xf32, #tpu.memory_space<vmem>>
      %dma_start3A_459 = arith.constant 0 : i32
      %dma_start3A_460 = tpu.memref_slice %arg4[%squeeze3A_446, %dma_start3A_459] : memref<1000000x64xf32, #tpu.memory_space<hbm>> -> memref<1x64xf32, #tpu.memory_space<hbm>>
      tpu.enqueue_dma source(%dma_start3A_460 : memref<1x64xf32, #tpu.memory_space<hbm>>) target(%dma_start3A_458 : memref<1x64xf32, #tpu.memory_space<vmem>>) target_semaphore(%arg10 : memref<!tpu.dma_semaphore, #tpu.memory_space<semaphore_mem>>)
      %dma_start3A_461 = arith.constant 0 : i32
      %dma_start3A_462 = tpu.memref_slice %arg9[%add3A_452, %dma_start3A_461] : memref<128x64xf32, #tpu.memory_space<vmem>> -> memref<1x64xf32, #tpu.memory_space<vmem>>
      %dma_start3A_463 = arith.constant 0 : i32
      %dma_start3A_464 = tpu.memref_slice %arg4[%squeeze3A_448, %dma_start3A_463] : memref<1000000x64xf32, #tpu.memory_space<hbm>> -> memref<1x64xf32, #tpu.memory_space<hbm>>
      %dma_start3A_465 = arith.constant 0 : i32
      %dma_start3A_466 = tpu.memref_slice %arg9[%add3A_452, %dma_start3A_465] : memref<128x64xf32, #tpu.memory_space<vmem>> -> memref<1x64xf32, #tpu.memory_space<vmem>>
      %dma_start3A_467 = arith.constant 0 : i32
      %dma_start3A_468 = tpu.memref_slice %arg4[%squeeze3A_448, %dma_start3A_467] : memref<1000000x64xf32, #tpu.memory_space<hbm>> -> memref<1x64xf32, #tpu.memory_space<hbm>>
      tpu.enqueue_dma source(%dma_start3A_468 : memref<1x64xf32, #tpu.memory_space<hbm>>) target(%dma_start3A_466 : memref<1x64xf32, #tpu.memory_space<vmem>>) target_semaphore(%arg10 : memref<!tpu.dma_semaphore, #tpu.memory_space<semaphore_mem>>)
      %slice3A_469 = vector.extract_strided_slice %get3A_130 {offsets = [14], sizes = [1], strides = [1]} : vector<16xi32> to vector<1xi32>
      %squeeze3A_470 = vector.extract %slice3A_469[0] : i32 from vector<1xi32>
      %slice3A_471 = vector.extract_strided_slice %get3A_135 {offsets = [14], sizes = [1], strides = [1]} : vector<16xi32> to vector<1xi32>
      %squeeze3A_472 = vector.extract %slice3A_471[0] : i32 from vector<1xi32>
      %mul3A_473 = arith.constant 16 : i32
      %mul3A_474 = arith.muli %scan3A_126, %mul3A_473 : i32
      %add3A_475 = arith.constant 14 : i32
      %add3A_476 = arith.addi %mul3A_474, %add3A_475 : i32
      %dma_start3A_477 = arith.constant 0 : i32
      %dma_start3A_478 = tpu.memref_slice %arg8[%add3A_476, %dma_start3A_477] : memref<128x64xf32, #tpu.memory_space<vmem>> -> memref<1x64xf32, #tpu.memory_space<vmem>>
      %dma_start3A_479 = arith.constant 0 : i32
      %dma_start3A_480 = tpu.memref_slice %arg4[%squeeze3A_470, %dma_start3A_479] : memref<1000000x64xf32, #tpu.memory_space<hbm>> -> memref<1x64xf32, #tpu.memory_space<hbm>>
      %dma_start3A_481 = arith.constant 0 : i32
      %dma_start3A_482 = tpu.memref_slice %arg8[%add3A_476, %dma_start3A_481] : memref<128x64xf32, #tpu.memory_space<vmem>> -> memref<1x64xf32, #tpu.memory_space<vmem>>
      %dma_start3A_483 = arith.constant 0 : i32
      %dma_start3A_484 = tpu.memref_slice %arg4[%squeeze3A_470, %dma_start3A_483] : memref<1000000x64xf32, #tpu.memory_space<hbm>> -> memref<1x64xf32, #tpu.memory_space<hbm>>
      tpu.enqueue_dma source(%dma_start3A_484 : memref<1x64xf32, #tpu.memory_space<hbm>>) target(%dma_start3A_482 : memref<1x64xf32, #tpu.memory_space<vmem>>) target_semaphore(%arg10 : memref<!tpu.dma_semaphore, #tpu.memory_space<semaphore_mem>>)
      %dma_start3A_485 = arith.constant 0 : i32
      %dma_start3A_486 = tpu.memref_slice %arg9[%add3A_476, %dma_start3A_485] : memref<128x64xf32, #tpu.memory_space<vmem>> -> memref<1x64xf32, #tpu.memory_space<vmem>>
      %dma_start3A_487 = arith.constant 0 : i32
      %dma_start3A_488 = tpu.memref_slice %arg4[%squeeze3A_472, %dma_start3A_487] : memref<1000000x64xf32, #tpu.memory_space<hbm>> -> memref<1x64xf32, #tpu.memory_space<hbm>>
      %dma_start3A_489 = arith.constant 0 : i32
      %dma_start3A_490 = tpu.memref_slice %arg9[%add3A_476, %dma_start3A_489] : memref<128x64xf32, #tpu.memory_space<vmem>> -> memref<1x64xf32, #tpu.memory_space<vmem>>
      %dma_start3A_491 = arith.constant 0 : i32
      %dma_start3A_492 = tpu.memref_slice %arg4[%squeeze3A_472, %dma_start3A_491] : memref<1000000x64xf32, #tpu.memory_space<hbm>> -> memref<1x64xf32, #tpu.memory_space<hbm>>
      tpu.enqueue_dma source(%dma_start3A_492 : memref<1x64xf32, #tpu.memory_space<hbm>>) target(%dma_start3A_490 : memref<1x64xf32, #tpu.memory_space<vmem>>) target_semaphore(%arg10 : memref<!tpu.dma_semaphore, #tpu.memory_space<semaphore_mem>>)
      %slice3A_493 = vector.extract_strided_slice %get3A_130 {offsets = [15], sizes = [1], strides = [1]} : vector<16xi32> to vector<1xi32>
      %squeeze3A_494 = vector.extract %slice3A_493[0] : i32 from vector<1xi32>
      %slice3A_495 = vector.extract_strided_slice %get3A_135 {offsets = [15], sizes = [1], strides = [1]} : vector<16xi32> to vector<1xi32>
      %squeeze3A_496 = vector.extract %slice3A_495[0] : i32 from vector<1xi32>
      %mul3A_497 = arith.constant 16 : i32
      %mul3A_498 = arith.muli %scan3A_126, %mul3A_497 : i32
      %add3A_499 = arith.constant 15 : i32
      %add3A_500 = arith.addi %mul3A_498, %add3A_499 : i32
      %dma_start3A_501 = arith.constant 0 : i32
      %dma_start3A_502 = tpu.memref_slice %arg8[%add3A_500, %dma_start3A_501] : memref<128x64xf32, #tpu.memory_space<vmem>> -> memref<1x64xf32, #tpu.memory_space<vmem>>
      %dma_start3A_503 = arith.constant 0 : i32
      %dma_start3A_504 = tpu.memref_slice %arg4[%squeeze3A_494, %dma_start3A_503] : memref<1000000x64xf32, #tpu.memory_space<hbm>> -> memref<1x64xf32, #tpu.memory_space<hbm>>
      %dma_start3A_505 = arith.constant 0 : i32
      %dma_start3A_506 = tpu.memref_slice %arg8[%add3A_500, %dma_start3A_505] : memref<128x64xf32, #tpu.memory_space<vmem>> -> memref<1x64xf32, #tpu.memory_space<vmem>>
      %dma_start3A_507 = arith.constant 0 : i32
      %dma_start3A_508 = tpu.memref_slice %arg4[%squeeze3A_494, %dma_start3A_507] : memref<1000000x64xf32, #tpu.memory_space<hbm>> -> memref<1x64xf32, #tpu.memory_space<hbm>>
      tpu.enqueue_dma source(%dma_start3A_508 : memref<1x64xf32, #tpu.memory_space<hbm>>) target(%dma_start3A_506 : memref<1x64xf32, #tpu.memory_space<vmem>>) target_semaphore(%arg10 : memref<!tpu.dma_semaphore, #tpu.memory_space<semaphore_mem>>)
      %dma_start3A_509 = arith.constant 0 : i32
      %dma_start3A_510 = tpu.memref_slice %arg9[%add3A_500, %dma_start3A_509] : memref<128x64xf32, #tpu.memory_space<vmem>> -> memref<1x64xf32, #tpu.memory_space<vmem>>
      %dma_start3A_511 = arith.constant 0 : i32
      %dma_start3A_512 = tpu.memref_slice %arg4[%squeeze3A_496, %dma_start3A_511] : memref<1000000x64xf32, #tpu.memory_space<hbm>> -> memref<1x64xf32, #tpu.memory_space<hbm>>
      %dma_start3A_513 = arith.constant 0 : i32
      %dma_start3A_514 = tpu.memref_slice %arg9[%add3A_500, %dma_start3A_513] : memref<128x64xf32, #tpu.memory_space<vmem>> -> memref<1x64xf32, #tpu.memory_space<vmem>>
      %dma_start3A_515 = arith.constant 0 : i32
      %dma_start3A_516 = tpu.memref_slice %arg4[%squeeze3A_496, %dma_start3A_515] : memref<1000000x64xf32, #tpu.memory_space<hbm>> -> memref<1x64xf32, #tpu.memory_space<hbm>>
      tpu.enqueue_dma source(%dma_start3A_516 : memref<1x64xf32, #tpu.memory_space<hbm>>) target(%dma_start3A_514 : memref<1x64xf32, #tpu.memory_space<vmem>>) target_semaphore(%arg10 : memref<!tpu.dma_semaphore, #tpu.memory_space<semaphore_mem>>)
    }
    %scan3A_6 = arith.constant 8 : i32
    %dma_wait3A = arith.constant 0 : i32
    %dma_wait3A_7 = arith.constant 0 : i32
    %dma_wait3A_8 = tpu.memref_slice %arg4[%dma_wait3A, %dma_wait3A_7] : memref<1000000x64xf32, #tpu.memory_space<hbm>> -> memref<128x64xf32, #tpu.memory_space<hbm>>
    %dma_wait3A_9 = arith.constant 0 : i32
    %dma_wait3A_10 = arith.constant 0 : i32
    %dma_wait3A_11 = tpu.memref_slice %arg4[%dma_wait3A_9, %dma_wait3A_10] : memref<1000000x64xf32, #tpu.memory_space<hbm>> -> memref<128x64xf32, #tpu.memory_space<hbm>>
    tpu.wait_dma2 semaphore(%arg10 : memref<!tpu.dma_semaphore, #tpu.memory_space<semaphore_mem>>) src(%dma_wait3A_11 : memref<128x64xf32, #tpu.memory_space<hbm>>) dst(%arg8 : memref<128x64xf32, #tpu.memory_space<vmem>>)
    %dma_wait3A_12 = arith.constant 0 : i32
    %dma_wait3A_13 = arith.constant 0 : i32
    %dma_wait3A_14 = tpu.memref_slice %arg4[%dma_wait3A_12, %dma_wait3A_13] : memref<1000000x64xf32, #tpu.memory_space<hbm>> -> memref<128x64xf32, #tpu.memory_space<hbm>>
    %dma_wait3A_15 = arith.constant 0 : i32
    %dma_wait3A_16 = arith.constant 0 : i32
    %dma_wait3A_17 = tpu.memref_slice %arg4[%dma_wait3A_15, %dma_wait3A_16] : memref<1000000x64xf32, #tpu.memory_space<hbm>> -> memref<128x64xf32, #tpu.memory_space<hbm>>
    tpu.wait_dma2 semaphore(%arg10 : memref<!tpu.dma_semaphore, #tpu.memory_space<semaphore_mem>>) src(%dma_wait3A_17 : memref<128x64xf32, #tpu.memory_space<hbm>>) dst(%arg9 : memref<128x64xf32, #tpu.memory_space<vmem>>)
    %scan3A_18 = arith.constant 0 : i32
    %scan3A_19 = arith.constant 0 : i32
    %scan3A_20 = arith.constant 128 : i32
    %scan3A_21 = arith.addi %scan3A_19, %scan3A_20 : i32
    %scan3A_22 = arith.constant 1 : i32
    scf.for %scan3A_126 = %scan3A_19 to %scan3A_21 step %scan3A_22  : i32 {
      %get3A = arith.index_cast %scan3A_126 : i32 to index
      %get3A_127 = arith.constant 0 : index
      %get3A_128 = tpu.vector_load %arg8[%get3A, %get3A_127] {strides = array<i32>} : memref<128x64xf32, #tpu.memory_space<vmem>>, vector<1x16xf32>,
      %get3A_129 = vector.shape_cast %get3A_128 : vector<1x16xf32> to vector<16xf32>
      %get3A_130 = arith.index_cast %scan3A_126 : i32 to index
      %get3A_131 = arith.constant 0 : index
      %get3A_132 = tpu.vector_load %arg9[%get3A_130, %get3A_131] {strides = array<i32>} : memref<128x64xf32, #tpu.memory_space<vmem>>, vector<1x16xf32>,
      %get3A_133 = vector.shape_cast %get3A_132 : vector<1x16xf32> to vector<16xf32>
      %add3A_134 = arith.addf %get3A_129, %get3A_133 : vector<16xf32>
      %swap3A = arith.index_cast %scan3A_126 : i32 to index
      %swap3A_135 = arith.constant 0 : index
      %swap3A_136 = tpu.vector_load %arg8[%swap3A, %swap3A_135] {strides = array<i32>} : memref<128x64xf32, #tpu.memory_space<vmem>>, vector<1x16xf32>,
      %swap3A_137 = vector.shape_cast %swap3A_136 : vector<1x16xf32> to vector<16xf32>
      %swap3A_138 = vector.shape_cast %add3A_134 : vector<16xf32> to vector<1x16xf32>
      tpu.vector_store %arg8[%swap3A, %swap3A_135], %swap3A_138 {strides = array<i32>} : memref<128x64xf32, #tpu.memory_space<vmem>>, vector<1x16xf32>,
      %get3A_139 = arith.index_cast %scan3A_126 : i32 to index
      %get3A_140 = arith.constant 16 : index
      %get3A_141 = tpu.vector_load %arg8[%get3A_139, %get3A_140] {strides = array<i32>} : memref<128x64xf32, #tpu.memory_space<vmem>>, vector<1x16xf32>,
      %get3A_142 = vector.shape_cast %get3A_141 : vector<1x16xf32> to vector<16xf32>
      %get3A_143 = arith.index_cast %scan3A_126 : i32 to index
      %get3A_144 = arith.constant 16 : index
      %get3A_145 = tpu.vector_load %arg9[%get3A_143, %get3A_144] {strides = array<i32>} : memref<128x64xf32, #tpu.memory_space<vmem>>, vector<1x16xf32>,
      %get3A_146 = vector.shape_cast %get3A_145 : vector<1x16xf32> to vector<16xf32>
      %add3A_147 = arith.addf %get3A_142, %get3A_146 : vector<16xf32>
      %swap3A_148 = arith.index_cast %scan3A_126 : i32 to index
      %swap3A_149 = arith.constant 16 : index
      %swap3A_150 = tpu.vector_load %arg8[%swap3A_148, %swap3A_149] {strides = array<i32>} : memref<128x64xf32, #tpu.memory_space<vmem>>, vector<1x16xf32>,
      %swap3A_151 = vector.shape_cast %swap3A_150 : vector<1x16xf32> to vector<16xf32>
      %swap3A_152 = vector.shape_cast %add3A_147 : vector<16xf32> to vector<1x16xf32>
      tpu.vector_store %arg8[%swap3A_148, %swap3A_149], %swap3A_152 {strides = array<i32>} : memref<128x64xf32, #tpu.memory_space<vmem>>, vector<1x16xf32>,
      %get3A_153 = arith.index_cast %scan3A_126 : i32 to index
      %get3A_154 = arith.constant 32 : index
      %get3A_155 = tpu.vector_load %arg8[%get3A_153, %get3A_154] {strides = array<i32>} : memref<128x64xf32, #tpu.memory_space<vmem>>, vector<1x16xf32>,
      %get3A_156 = vector.shape_cast %get3A_155 : vector<1x16xf32> to vector<16xf32>
      %get3A_157 = arith.index_cast %scan3A_126 : i32 to index
      %get3A_158 = arith.constant 32 : index
      %get3A_159 = tpu.vector_load %arg9[%get3A_157, %get3A_158] {strides = array<i32>} : memref<128x64xf32, #tpu.memory_space<vmem>>, vector<1x16xf32>,
      %get3A_160 = vector.shape_cast %get3A_159 : vector<1x16xf32> to vector<16xf32>
      %add3A_161 = arith.addf %get3A_156, %get3A_160 : vector<16xf32>
      %swap3A_162 = arith.index_cast %scan3A_126 : i32 to index
      %swap3A_163 = arith.constant 32 : index
      %swap3A_164 = tpu.vector_load %arg8[%swap3A_162, %swap3A_163] {strides = array<i32>} : memref<128x64xf32, #tpu.memory_space<vmem>>, vector<1x16xf32>,
      %swap3A_165 = vector.shape_cast %swap3A_164 : vector<1x16xf32> to vector<16xf32>
      %swap3A_166 = vector.shape_cast %add3A_161 : vector<16xf32> to vector<1x16xf32>
      tpu.vector_store %arg8[%swap3A_162, %swap3A_163], %swap3A_166 {strides = array<i32>} : memref<128x64xf32, #tpu.memory_space<vmem>>, vector<1x16xf32>,
      %get3A_167 = arith.index_cast %scan3A_126 : i32 to index
      %get3A_168 = arith.constant 48 : index
      %get3A_169 = tpu.vector_load %arg8[%get3A_167, %get3A_168] {strides = array<i32>} : memref<128x64xf32, #tpu.memory_space<vmem>>, vector<1x16xf32>,
      %get3A_170 = vector.shape_cast %get3A_169 : vector<1x16xf32> to vector<16xf32>
      %get3A_171 = arith.index_cast %scan3A_126 : i32 to index
      %get3A_172 = arith.constant 48 : index
      %get3A_173 = tpu.vector_load %arg9[%get3A_171, %get3A_172] {strides = array<i32>} : memref<128x64xf32, #tpu.memory_space<vmem>>, vector<1x16xf32>,
      %get3A_174 = vector.shape_cast %get3A_173 : vector<1x16xf32> to vector<16xf32>
      %add3A_175 = arith.addf %get3A_170, %get3A_174 : vector<16xf32>
      %swap3A_176 = arith.index_cast %scan3A_126 : i32 to index
      %swap3A_177 = arith.constant 48 : index
      %swap3A_178 = tpu.vector_load %arg8[%swap3A_176, %swap3A_177] {strides = array<i32>} : memref<128x64xf32, #tpu.memory_space<vmem>>, vector<1x16xf32>,
      %swap3A_179 = vector.shape_cast %swap3A_178 : vector<1x16xf32> to vector<16xf32>
      %swap3A_180 = vector.shape_cast %add3A_175 : vector<16xf32> to vector<1x16xf32>
      tpu.vector_store %arg8[%swap3A_176, %swap3A_177], %swap3A_180 {strides = array<i32>} : memref<128x64xf32, #tpu.memory_space<vmem>>, vector<1x16xf32>,
    }
    %scan3A_23 = arith.constant 128 : i32
    %mul3A_24 = arith.constant 4 : i32
    %mul3A_25 = arith.muli %add3A, %mul3A_24 : i32
    %add3A_26 = arith.constant 0 : i32
    %add3A_27 = arith.addi %mul3A_25, %add3A_26 : i32
    %mul3A_28 = arith.constant 128 : i32
    %mul3A_29 = arith.muli %add3A_27, %mul3A_28 : i32
    "tpu.region"() ({
      %run_scoped3A_126 = tpu.sem_alloc : memref<!tpu.dma_semaphore, #tpu.memory_space<semaphore_mem>>
      %dma_start3A = arith.constant 0 : i32
      %dma_start3A_127 = tpu.memref_slice %arg5[%mul3A_29, %dma_start3A] : memref<16384x64xf32, #tpu.memory_space<hbm>> -> memref<128x64xf32, #tpu.memory_space<hbm>>
      %dma_start3A_128 = arith.constant 0 : i32
      %dma_start3A_129 = tpu.memref_slice %arg5[%mul3A_29, %dma_start3A_128] : memref<16384x64xf32, #tpu.memory_space<hbm>> -> memref<128x64xf32, #tpu.memory_space<hbm>>
      tpu.enqueue_dma source(%arg8 : memref<128x64xf32, #tpu.memory_space<vmem>>) target(%dma_start3A_129 : memref<128x64xf32, #tpu.memory_space<hbm>>) target_semaphore(%run_scoped3A_126 : memref<!tpu.dma_semaphore, #tpu.memory_space<semaphore_mem>>)
      %dma_wait3A_130 = arith.constant 0 : i32
      %dma_wait3A_131 = tpu.memref_slice %arg5[%mul3A_29, %dma_wait3A_130] : memref<16384x64xf32, #tpu.memory_space<hbm>> -> memref<128x64xf32, #tpu.memory_space<hbm>>
      %dma_wait3A_132 = arith.constant 0 : i32
      %dma_wait3A_133 = tpu.memref_slice %arg5[%mul3A_29, %dma_wait3A_132] : memref<16384x64xf32, #tpu.memory_space<hbm>> -> memref<128x64xf32, #tpu.memory_space<hbm>>
      tpu.wait_dma2 semaphore(%run_scoped3A_126 : memref<!tpu.dma_semaphore, #tpu.memory_space<semaphore_mem>>) src(%arg8 : memref<128x64xf32, #tpu.memory_space<vmem>>) dst(%dma_wait3A_133 : memref<128x64xf32, #tpu.memory_space<hbm>>)
      tpu.yield
    }) : () -> ()
    %run_scoped3A_30 = arith.constant 1 : i32
    "tpu.region"() ({
      %run_scoped3A_126 = tpu.sem_alloc : memref<!tpu.dma_semaphore, #tpu.memory_space<semaphore_mem>>
      %dma_start3A = arith.constant 0 : i32
      %dma_start3A_127 = tpu.memref_slice %arg2[%add3A, %run_scoped3A_30, %dma_start3A] : memref<32x4x128xi32, #tpu.memory_space<hbm>> -> memref<1x1x128xi32, #tpu.memory_space<hbm>>
      %dma_start3A_128 = tpu.memref_squeeze %dma_start3A_127 : memref<1x1x128xi32, #tpu.memory_space<hbm>> -> memref<128xi32, #tpu.memory_space<hbm>>
      %dma_start3A_129 = arith.constant 0 : i32
      %dma_start3A_130 = tpu.memref_slice %arg2[%add3A, %run_scoped3A_30, %dma_start3A_129] : memref<32x4x128xi32, #tpu.memory_space<hbm>> -> memref<1x1x128xi32, #tpu.memory_space<hbm>>
      %dma_start3A_131 = tpu.memref_squeeze %dma_start3A_130 : memref<1x1x128xi32, #tpu.memory_space<hbm>> -> memref<128xi32, #tpu.memory_space<hbm>>
      tpu.enqueue_dma source(%dma_start3A_131 : memref<128xi32, #tpu.memory_space<hbm>>) target(%arg6 : memref<128xi32, #tpu.memory_space<vmem>>) target_semaphore(%run_scoped3A_126 : memref<!tpu.dma_semaphore, #tpu.memory_space<semaphore_mem>>)
      %dma_wait3A_132 = arith.constant 0 : i32
      %dma_wait3A_133 = tpu.memref_slice %arg2[%add3A, %run_scoped3A_30, %dma_wait3A_132] : memref<32x4x128xi32, #tpu.memory_space<hbm>> -> memref<1x1x128xi32, #tpu.memory_space<hbm>>
      %dma_wait3A_134 = tpu.memref_squeeze %dma_wait3A_133 : memref<1x1x128xi32, #tpu.memory_space<hbm>> -> memref<128xi32, #tpu.memory_space<hbm>>
      %dma_wait3A_135 = arith.constant 0 : i32
      %dma_wait3A_136 = tpu.memref_slice %arg2[%add3A, %run_scoped3A_30, %dma_wait3A_135] : memref<32x4x128xi32, #tpu.memory_space<hbm>> -> memref<1x1x128xi32, #tpu.memory_space<hbm>>
      %dma_wait3A_137 = tpu.memref_squeeze %dma_wait3A_136 : memref<1x1x128xi32, #tpu.memory_space<hbm>> -> memref<128xi32, #tpu.memory_space<hbm>>
      tpu.wait_dma2 semaphore(%run_scoped3A_126 : memref<!tpu.dma_semaphore, #tpu.memory_space<semaphore_mem>>) src(%dma_wait3A_137 : memref<128xi32, #tpu.memory_space<hbm>>) dst(%arg6 : memref<128xi32, #tpu.memory_space<vmem>>)
      tpu.yield
    }) : () -> ()
    %run_scoped3A_31 = arith.constant 1 : i32
    "tpu.region"() ({
      %run_scoped3A_126 = tpu.sem_alloc : memref<!tpu.dma_semaphore, #tpu.memory_space<semaphore_mem>>
      %dma_start3A = arith.constant 0 : i32
      %dma_start3A_127 = tpu.memref_slice %arg3[%add3A, %run_scoped3A_31, %dma_start3A] : memref<32x4x128xi32, #tpu.memory_space<hbm>> -> memref<1x1x128xi32, #tpu.memory_space<hbm>>
      %dma_start3A_128 = tpu.memref_squeeze %dma_start3A_127 : memref<1x1x128xi32, #tpu.memory_space<hbm>> -> memref<128xi32, #tpu.memory_space<hbm>>
      %dma_start3A_129 = arith.constant 0 : i32
      %dma_start3A_130 = tpu.memref_slice %arg3[%add3A, %run_scoped3A_31, %dma_start3A_129] : memref<32x4x128xi32, #tpu.memory_space<hbm>> -> memref<1x1x128xi32, #tpu.memory_space<hbm>>
      %dma_start3A_131 = tpu.memref_squeeze %dma_start3A_130 : memref<1x1x128xi32, #tpu.memory_space<hbm>> -> memref<128xi32, #tpu.memory_space<hbm>>
      tpu.enqueue_dma source(%dma_start3A_131 : memref<128xi32, #tpu.memory_space<hbm>>) target(%arg7 : memref<128xi32, #tpu.memory_space<vmem>>) target_semaphore(%run_scoped3A_126 : memref<!tpu.dma_semaphore, #tpu.memory_space<semaphore_mem>>)
      %dma_wait3A_132 = arith.constant 0 : i32
      %dma_wait3A_133 = tpu.memref_slice %arg3[%add3A, %run_scoped3A_31, %dma_wait3A_132] : memref<32x4x128xi32, #tpu.memory_space<hbm>> -> memref<1x1x128xi32, #tpu.memory_space<hbm>>
      %dma_wait3A_134 = tpu.memref_squeeze %dma_wait3A_133 : memref<1x1x128xi32, #tpu.memory_space<hbm>> -> memref<128xi32, #tpu.memory_space<hbm>>
      %dma_wait3A_135 = arith.constant 0 : i32
      %dma_wait3A_136 = tpu.memref_slice %arg3[%add3A, %run_scoped3A_31, %dma_wait3A_135] : memref<32x4x128xi32, #tpu.memory_space<hbm>> -> memref<1x1x128xi32, #tpu.memory_space<hbm>>
      %dma_wait3A_137 = tpu.memref_squeeze %dma_wait3A_136 : memref<1x1x128xi32, #tpu.memory_space<hbm>> -> memref<128xi32, #tpu.memory_space<hbm>>
      tpu.wait_dma2 semaphore(%run_scoped3A_126 : memref<!tpu.dma_semaphore, #tpu.memory_space<semaphore_mem>>) src(%dma_wait3A_137 : memref<128xi32, #tpu.memory_space<hbm>>) dst(%arg7 : memref<128xi32, #tpu.memory_space<vmem>>)
      tpu.yield
    }) : () -> ()
    %scan3A_32 = arith.constant 0 : i32
    %scan3A_33 = arith.constant 0 : i32
    %scan3A_34 = arith.constant 8 : i32
    %scan3A_35 = arith.addi %scan3A_33, %scan3A_34 : i32
    %scan3A_36 = arith.constant 1 : i32
    scf.for %scan3A_126 = %scan3A_33 to %scan3A_35 step %scan3A_36  : i32 {
      %mul3A_127 = arith.constant 16 : i32
      %mul3A_128 = arith.muli %scan3A_126, %mul3A_127 : i32
      %get3A = arith.index_cast %mul3A_128 : i32 to index
      %get3A_129 = tpu.vector_load %arg6[%get3A] {strides = array<i32>} : memref<128xi32, #tpu.memory_space<vmem>>, vector<16xi32>,
      %get3A_130 = vector.shape_cast %get3A_129 : vector<16xi32> to vector<16xi32>
      %mul3A_131 = arith.constant 16 : i32
      %mul3A_132 = arith.muli %scan3A_126, %mul3A_131 : i32
      %get3A_133 = arith.index_cast %mul3A_132 : i32 to index
      %get3A_134 = tpu.vector_load %arg7[%get3A_133] {strides = array<i32>} : memref<128xi32, #tpu.memory_space<vmem>>, vector<16xi32>,
      %get3A_135 = vector.shape_cast %get3A_134 : vector<16xi32> to vector<16xi32>
      %slice3A = vector.extract_strided_slice %get3A_130 {offsets = [0], sizes = [1], strides = [1]} : vector<16xi32> to vector<1xi32>
      %squeeze3A = vector.extract %slice3A[0] : i32 from vector<1xi32>
      %slice3A_136 = vector.extract_strided_slice %get3A_135 {offsets = [0], sizes = [1], strides = [1]} : vector<16xi32> to vector<1xi32>
      %squeeze3A_137 = vector.extract %slice3A_136[0] : i32 from vector<1xi32>
      %mul3A_138 = arith.constant 16 : i32
      %mul3A_139 = arith.muli %scan3A_126, %mul3A_138 : i32
      %add3A_140 = arith.constant 0 : i32
      %add3A_141 = arith.addi %mul3A_139, %add3A_140 : i32
      %dma_start3A = arith.constant 0 : i32
      %dma_start3A_142 = tpu.memref_slice %arg8[%add3A_141, %dma_start3A] : memref<128x64xf32, #tpu.memory_space<vmem>> -> memref<1x64xf32, #tpu.memory_space<vmem>>
      %dma_start3A_143 = arith.constant 0 : i32
      %dma_start3A_144 = tpu.memref_slice %arg4[%squeeze3A, %dma_start3A_143] : memref<1000000x64xf32, #tpu.memory_space<hbm>> -> memref<1x64xf32, #tpu.memory_space<hbm>>
      %dma_start3A_145 = arith.constant 0 : i32
      %dma_start3A_146 = tpu.memref_slice %arg8[%add3A_141, %dma_start3A_145] : memref<128x64xf32, #tpu.memory_space<vmem>> -> memref<1x64xf32, #tpu.memory_space<vmem>>
      %dma_start3A_147 = arith.constant 0 : i32
      %dma_start3A_148 = tpu.memref_slice %arg4[%squeeze3A, %dma_start3A_147] : memref<1000000x64xf32, #tpu.memory_space<hbm>> -> memref<1x64xf32, #tpu.memory_space<hbm>>
      tpu.enqueue_dma source(%dma_start3A_148 : memref<1x64xf32, #tpu.memory_space<hbm>>) target(%dma_start3A_146 : memref<1x64xf32, #tpu.memory_space<vmem>>) target_semaphore(%arg10 : memref<!tpu.dma_semaphore, #tpu.memory_space<semaphore_mem>>)
      %dma_start3A_149 = arith.constant 0 : i32
      %dma_start3A_150 = tpu.memref_slice %arg9[%add3A_141, %dma_start3A_149] : memref<128x64xf32, #tpu.memory_space<vmem>> -> memref<1x64xf32, #tpu.memory_space<vmem>>
      %dma_start3A_151 = arith.constant 0 : i32
      %dma_start3A_152 = tpu.memref_slice %arg4[%squeeze3A_137, %dma_start3A_151] : memref<1000000x64xf32, #tpu.memory_space<hbm>> -> memref<1x64xf32, #tpu.memory_space<hbm>>
      %dma_start3A_153 = arith.constant 0 : i32
      %dma_start3A_154 = tpu.memref_slice %arg9[%add3A_141, %dma_start3A_153] : memref<128x64xf32, #tpu.memory_space<vmem>> -> memref<1x64xf32, #tpu.memory_space<vmem>>
      %dma_start3A_155 = arith.constant 0 : i32
      %dma_start3A_156 = tpu.memref_slice %arg4[%squeeze3A_137, %dma_start3A_155] : memref<1000000x64xf32, #tpu.memory_space<hbm>> -> memref<1x64xf32, #tpu.memory_space<hbm>>
      tpu.enqueue_dma source(%dma_start3A_156 : memref<1x64xf32, #tpu.memory_space<hbm>>) target(%dma_start3A_154 : memref<1x64xf32, #tpu.memory_space<vmem>>) target_semaphore(%arg10 : memref<!tpu.dma_semaphore, #tpu.memory_space<semaphore_mem>>)
      %slice3A_157 = vector.extract_strided_slice %get3A_130 {offsets = [1], sizes = [1], strides = [1]} : vector<16xi32> to vector<1xi32>
      %squeeze3A_158 = vector.extract %slice3A_157[0] : i32 from vector<1xi32>
      %slice3A_159 = vector.extract_strided_slice %get3A_135 {offsets = [1], sizes = [1], strides = [1]} : vector<16xi32> to vector<1xi32>
      %squeeze3A_160 = vector.extract %slice3A_159[0] : i32 from vector<1xi32>
      %mul3A_161 = arith.constant 16 : i32
      %mul3A_162 = arith.muli %scan3A_126, %mul3A_161 : i32
      %add3A_163 = arith.constant 1 : i32
      %add3A_164 = arith.addi %mul3A_162, %add3A_163 : i32
      %dma_start3A_165 = arith.constant 0 : i32
      %dma_start3A_166 = tpu.memref_slice %arg8[%add3A_164, %dma_start3A_165] : memref<128x64xf32, #tpu.memory_space<vmem>> -> memref<1x64xf32, #tpu.memory_space<vmem>>
      %dma_start3A_167 = arith.constant 0 : i32
      %dma_start3A_168 = tpu.memref_slice %arg4[%squeeze3A_158, %dma_start3A_167] : memref<1000000x64xf32, #tpu.memory_space<hbm>> -> memref<1x64xf32, #tpu.memory_space<hbm>>
      %dma_start3A_169 = arith.constant 0 : i32
      %dma_start3A_170 = tpu.memref_slice %arg8[%add3A_164, %dma_start3A_169] : memref<128x64xf32, #tpu.memory_space<vmem>> -> memref<1x64xf32, #tpu.memory_space<vmem>>
      %dma_start3A_171 = arith.constant 0 : i32
      %dma_start3A_172 = tpu.memref_slice %arg4[%squeeze3A_158, %dma_start3A_171] : memref<1000000x64xf32, #tpu.memory_space<hbm>> -> memref<1x64xf32, #tpu.memory_space<hbm>>
      tpu.enqueue_dma source(%dma_start3A_172 : memref<1x64xf32, #tpu.memory_space<hbm>>) target(%dma_start3A_170 : memref<1x64xf32, #tpu.memory_space<vmem>>) target_semaphore(%arg10 : memref<!tpu.dma_semaphore, #tpu.memory_space<semaphore_mem>>)
      %dma_start3A_173 = arith.constant 0 : i32
      %dma_start3A_174 = tpu.memref_slice %arg9[%add3A_164, %dma_start3A_173] : memref<128x64xf32, #tpu.memory_space<vmem>> -> memref<1x64xf32, #tpu.memory_space<vmem>>
      %dma_start3A_175 = arith.constant 0 : i32
      %dma_start3A_176 = tpu.memref_slice %arg4[%squeeze3A_160, %dma_start3A_175] : memref<1000000x64xf32, #tpu.memory_space<hbm>> -> memref<1x64xf32, #tpu.memory_space<hbm>>
      %dma_start3A_177 = arith.constant 0 : i32
      %dma_start3A_178 = tpu.memref_slice %arg9[%add3A_164, %dma_start3A_177] : memref<128x64xf32, #tpu.memory_space<vmem>> -> memref<1x64xf32, #tpu.memory_space<vmem>>
      %dma_start3A_179 = arith.constant 0 : i32
      %dma_start3A_180 = tpu.memref_slice %arg4[%squeeze3A_160, %dma_start3A_179] : memref<1000000x64xf32, #tpu.memory_space<hbm>> -> memref<1x64xf32, #tpu.memory_space<hbm>>
      tpu.enqueue_dma source(%dma_start3A_180 : memref<1x64xf32, #tpu.memory_space<hbm>>) target(%dma_start3A_178 : memref<1x64xf32, #tpu.memory_space<vmem>>) target_semaphore(%arg10 : memref<!tpu.dma_semaphore, #tpu.memory_space<semaphore_mem>>)
      %slice3A_181 = vector.extract_strided_slice %get3A_130 {offsets = [2], sizes = [1], strides = [1]} : vector<16xi32> to vector<1xi32>
      %squeeze3A_182 = vector.extract %slice3A_181[0] : i32 from vector<1xi32>
      %slice3A_183 = vector.extract_strided_slice %get3A_135 {offsets = [2], sizes = [1], strides = [1]} : vector<16xi32> to vector<1xi32>
      %squeeze3A_184 = vector.extract %slice3A_183[0] : i32 from vector<1xi32>
      %mul3A_185 = arith.constant 16 : i32
      %mul3A_186 = arith.muli %scan3A_126, %mul3A_185 : i32
      %add3A_187 = arith.constant 2 : i32
      %add3A_188 = arith.addi %mul3A_186, %add3A_187 : i32
      %dma_start3A_189 = arith.constant 0 : i32
      %dma_start3A_190 = tpu.memref_slice %arg8[%add3A_188, %dma_start3A_189] : memref<128x64xf32, #tpu.memory_space<vmem>> -> memref<1x64xf32, #tpu.memory_space<vmem>>
      %dma_start3A_191 = arith.constant 0 : i32
      %dma_start3A_192 = tpu.memref_slice %arg4[%squeeze3A_182, %dma_start3A_191] : memref<1000000x64xf32, #tpu.memory_space<hbm>> -> memref<1x64xf32, #tpu.memory_space<hbm>>
      %dma_start3A_193 = arith.constant 0 : i32
      %dma_start3A_194 = tpu.memref_slice %arg8[%add3A_188, %dma_start3A_193] : memref<128x64xf32, #tpu.memory_space<vmem>> -> memref<1x64xf32, #tpu.memory_space<vmem>>
      %dma_start3A_195 = arith.constant 0 : i32
      %dma_start3A_196 = tpu.memref_slice %arg4[%squeeze3A_182, %dma_start3A_195] : memref<1000000x64xf32, #tpu.memory_space<hbm>> -> memref<1x64xf32, #tpu.memory_space<hbm>>
      tpu.enqueue_dma source(%dma_start3A_196 : memref<1x64xf32, #tpu.memory_space<hbm>>) target(%dma_start3A_194 : memref<1x64xf32, #tpu.memory_space<vmem>>) target_semaphore(%arg10 : memref<!tpu.dma_semaphore, #tpu.memory_space<semaphore_mem>>)
      %dma_start3A_197 = arith.constant 0 : i32
      %dma_start3A_198 = tpu.memref_slice %arg9[%add3A_188, %dma_start3A_197] : memref<128x64xf32, #tpu.memory_space<vmem>> -> memref<1x64xf32, #tpu.memory_space<vmem>>
      %dma_start3A_199 = arith.constant 0 : i32
      %dma_start3A_200 = tpu.memref_slice %arg4[%squeeze3A_184, %dma_start3A_199] : memref<1000000x64xf32, #tpu.memory_space<hbm>> -> memref<1x64xf32, #tpu.memory_space<hbm>>
      %dma_start3A_201 = arith.constant 0 : i32
      %dma_start3A_202 = tpu.memref_slice %arg9[%add3A_188, %dma_start3A_201] : memref<128x64xf32, #tpu.memory_space<vmem>> -> memref<1x64xf32, #tpu.memory_space<vmem>>
      %dma_start3A_203 = arith.constant 0 : i32
      %dma_start3A_204 = tpu.memref_slice %arg4[%squeeze3A_184, %dma_start3A_203] : memref<1000000x64xf32, #tpu.memory_space<hbm>> -> memref<1x64xf32, #tpu.memory_space<hbm>>
      tpu.enqueue_dma source(%dma_start3A_204 : memref<1x64xf32, #tpu.memory_space<hbm>>) target(%dma_start3A_202 : memref<1x64xf32, #tpu.memory_space<vmem>>) target_semaphore(%arg10 : memref<!tpu.dma_semaphore, #tpu.memory_space<semaphore_mem>>)
      %slice3A_205 = vector.extract_strided_slice %get3A_130 {offsets = [3], sizes = [1], strides = [1]} : vector<16xi32> to vector<1xi32>
      %squeeze3A_206 = vector.extract %slice3A_205[0] : i32 from vector<1xi32>
      %slice3A_207 = vector.extract_strided_slice %get3A_135 {offsets = [3], sizes = [1], strides = [1]} : vector<16xi32> to vector<1xi32>
      %squeeze3A_208 = vector.extract %slice3A_207[0] : i32 from vector<1xi32>
      %mul3A_209 = arith.constant 16 : i32
      %mul3A_210 = arith.muli %scan3A_126, %mul3A_209 : i32
      %add3A_211 = arith.constant 3 : i32
      %add3A_212 = arith.addi %mul3A_210, %add3A_211 : i32
      %dma_start3A_213 = arith.constant 0 : i32
      %dma_start3A_214 = tpu.memref_slice %arg8[%add3A_212, %dma_start3A_213] : memref<128x64xf32, #tpu.memory_space<vmem>> -> memref<1x64xf32, #tpu.memory_space<vmem>>
      %dma_start3A_215 = arith.constant 0 : i32
      %dma_start3A_216 = tpu.memref_slice %arg4[%squeeze3A_206, %dma_start3A_215] : memref<1000000x64xf32, #tpu.memory_space<hbm>> -> memref<1x64xf32, #tpu.memory_space<hbm>>
      %dma_start3A_217 = arith.constant 0 : i32
      %dma_start3A_218 = tpu.memref_slice %arg8[%add3A_212, %dma_start3A_217] : memref<128x64xf32, #tpu.memory_space<vmem>> -> memref<1x64xf32, #tpu.memory_space<vmem>>
      %dma_start3A_219 = arith.constant 0 : i32
      %dma_start3A_220 = tpu.memref_slice %arg4[%squeeze3A_206, %dma_start3A_219] : memref<1000000x64xf32, #tpu.memory_space<hbm>> -> memref<1x64xf32, #tpu.memory_space<hbm>>
      tpu.enqueue_dma source(%dma_start3A_220 : memref<1x64xf32, #tpu.memory_space<hbm>>) target(%dma_start3A_218 : memref<1x64xf32, #tpu.memory_space<vmem>>) target_semaphore(%arg10 : memref<!tpu.dma_semaphore, #tpu.memory_space<semaphore_mem>>)
      %dma_start3A_221 = arith.constant 0 : i32
      %dma_start3A_222 = tpu.memref_slice %arg9[%add3A_212, %dma_start3A_221] : memref<128x64xf32, #tpu.memory_space<vmem>> -> memref<1x64xf32, #tpu.memory_space<vmem>>
      %dma_start3A_223 = arith.constant 0 : i32
      %dma_start3A_224 = tpu.memref_slice %arg4[%squeeze3A_208, %dma_start3A_223] : memref<1000000x64xf32, #tpu.memory_space<hbm>> -> memref<1x64xf32, #tpu.memory_space<hbm>>
      %dma_start3A_225 = arith.constant 0 : i32
      %dma_start3A_226 = tpu.memref_slice %arg9[%add3A_212, %dma_start3A_225] : memref<128x64xf32, #tpu.memory_space<vmem>> -> memref<1x64xf32, #tpu.memory_space<vmem>>
      %dma_start3A_227 = arith.constant 0 : i32
      %dma_start3A_228 = tpu.memref_slice %arg4[%squeeze3A_208, %dma_start3A_227] : memref<1000000x64xf32, #tpu.memory_space<hbm>> -> memref<1x64xf32, #tpu.memory_space<hbm>>
      tpu.enqueue_dma source(%dma_start3A_228 : memref<1x64xf32, #tpu.memory_space<hbm>>) target(%dma_start3A_226 : memref<1x64xf32, #tpu.memory_space<vmem>>) target_semaphore(%arg10 : memref<!tpu.dma_semaphore, #tpu.memory_space<semaphore_mem>>)
      %slice3A_229 = vector.extract_strided_slice %get3A_130 {offsets = [4], sizes = [1], strides = [1]} : vector<16xi32> to vector<1xi32>
      %squeeze3A_230 = vector.extract %slice3A_229[0] : i32 from vector<1xi32>
      %slice3A_231 = vector.extract_strided_slice %get3A_135 {offsets = [4], sizes = [1], strides = [1]} : vector<16xi32> to vector<1xi32>
      %squeeze3A_232 = vector.extract %slice3A_231[0] : i32 from vector<1xi32>
      %mul3A_233 = arith.constant 16 : i32
      %mul3A_234 = arith.muli %scan3A_126, %mul3A_233 : i32
      %add3A_235 = arith.constant 4 : i32
      %add3A_236 = arith.addi %mul3A_234, %add3A_235 : i32
      %dma_start3A_237 = arith.constant 0 : i32
      %dma_start3A_238 = tpu.memref_slice %arg8[%add3A_236, %dma_start3A_237] : memref<128x64xf32, #tpu.memory_space<vmem>> -> memref<1x64xf32, #tpu.memory_space<vmem>>
      %dma_start3A_239 = arith.constant 0 : i32
      %dma_start3A_240 = tpu.memref_slice %arg4[%squeeze3A_230, %dma_start3A_239] : memref<1000000x64xf32, #tpu.memory_space<hbm>> -> memref<1x64xf32, #tpu.memory_space<hbm>>
      %dma_start3A_241 = arith.constant 0 : i32
      %dma_start3A_242 = tpu.memref_slice %arg8[%add3A_236, %dma_start3A_241] : memref<128x64xf32, #tpu.memory_space<vmem>> -> memref<1x64xf32, #tpu.memory_space<vmem>>
      %dma_start3A_243 = arith.constant 0 : i32
      %dma_start3A_244 = tpu.memref_slice %arg4[%squeeze3A_230, %dma_start3A_243] : memref<1000000x64xf32, #tpu.memory_space<hbm>> -> memref<1x64xf32, #tpu.memory_space<hbm>>
      tpu.enqueue_dma source(%dma_start3A_244 : memref<1x64xf32, #tpu.memory_space<hbm>>) target(%dma_start3A_242 : memref<1x64xf32, #tpu.memory_space<vmem>>) target_semaphore(%arg10 : memref<!tpu.dma_semaphore, #tpu.memory_space<semaphore_mem>>)
      %dma_start3A_245 = arith.constant 0 : i32
      %dma_start3A_246 = tpu.memref_slice %arg9[%add3A_236, %dma_start3A_245] : memref<128x64xf32, #tpu.memory_space<vmem>> -> memref<1x64xf32, #tpu.memory_space<vmem>>
      %dma_start3A_247 = arith.constant 0 : i32
      %dma_start3A_248 = tpu.memref_slice %arg4[%squeeze3A_232, %dma_start3A_247] : memref<1000000x64xf32, #tpu.memory_space<hbm>> -> memref<1x64xf32, #tpu.memory_space<hbm>>
      %dma_start3A_249 = arith.constant 0 : i32
      %dma_start3A_250 = tpu.memref_slice %arg9[%add3A_236, %dma_start3A_249] : memref<128x64xf32, #tpu.memory_space<vmem>> -> memref<1x64xf32, #tpu.memory_space<vmem>>
      %dma_start3A_251 = arith.constant 0 : i32
      %dma_start3A_252 = tpu.memref_slice %arg4[%squeeze3A_232, %dma_start3A_251] : memref<1000000x64xf32, #tpu.memory_space<hbm>> -> memref<1x64xf32, #tpu.memory_space<hbm>>
      tpu.enqueue_dma source(%dma_start3A_252 : memref<1x64xf32, #tpu.memory_space<hbm>>) target(%dma_start3A_250 : memref<1x64xf32, #tpu.memory_space<vmem>>) target_semaphore(%arg10 : memref<!tpu.dma_semaphore, #tpu.memory_space<semaphore_mem>>)
      %slice3A_253 = vector.extract_strided_slice %get3A_130 {offsets = [5], sizes = [1], strides = [1]} : vector<16xi32> to vector<1xi32>
      %squeeze3A_254 = vector.extract %slice3A_253[0] : i32 from vector<1xi32>
      %slice3A_255 = vector.extract_strided_slice %get3A_135 {offsets = [5], sizes = [1], strides = [1]} : vector<16xi32> to vector<1xi32>
      %squeeze3A_256 = vector.extract %slice3A_255[0] : i32 from vector<1xi32>
      %mul3A_257 = arith.constant 16 : i32
      %mul3A_258 = arith.muli %scan3A_126, %mul3A_257 : i32
      %add3A_259 = arith.constant 5 : i32
      %add3A_260 = arith.addi %mul3A_258, %add3A_259 : i32
      %dma_start3A_261 = arith.constant 0 : i32
      %dma_start3A_262 = tpu.memref_slice %arg8[%add3A_260, %dma_start3A_261] : memref<128x64xf32, #tpu.memory_space<vmem>> -> memref<1x64xf32, #tpu.memory_space<vmem>>
      %dma_start3A_263 = arith.constant 0 : i32
      %dma_start3A_264 = tpu.memref_slice %arg4[%squeeze3A_254, %dma_start3A_263] : memref<1000000x64xf32, #tpu.memory_space<hbm>> -> memref<1x64xf32, #tpu.memory_space<hbm>>
      %dma_start3A_265 = arith.constant 0 : i32
      %dma_start3A_266 = tpu.memref_slice %arg8[%add3A_260, %dma_start3A_265] : memref<128x64xf32, #tpu.memory_space<vmem>> -> memref<1x64xf32, #tpu.memory_space<vmem>>
      %dma_start3A_267 = arith.constant 0 : i32
      %dma_start3A_268 = tpu.memref_slice %arg4[%squeeze3A_254, %dma_start3A_267] : memref<1000000x64xf32, #tpu.memory_space<hbm>> -> memref<1x64xf32, #tpu.memory_space<hbm>>
      tpu.enqueue_dma source(%dma_start3A_268 : memref<1x64xf32, #tpu.memory_space<hbm>>) target(%dma_start3A_266 : memref<1x64xf32, #tpu.memory_space<vmem>>) target_semaphore(%arg10 : memref<!tpu.dma_semaphore, #tpu.memory_space<semaphore_mem>>)
      %dma_start3A_269 = arith.constant 0 : i32
      %dma_start3A_270 = tpu.memref_slice %arg9[%add3A_260, %dma_start3A_269] : memref<128x64xf32, #tpu.memory_space<vmem>> -> memref<1x64xf32, #tpu.memory_space<vmem>>
      %dma_start3A_271 = arith.constant 0 : i32
      %dma_start3A_272 = tpu.memref_slice %arg4[%squeeze3A_256, %dma_start3A_271] : memref<1000000x64xf32, #tpu.memory_space<hbm>> -> memref<1x64xf32, #tpu.memory_space<hbm>>
      %dma_start3A_273 = arith.constant 0 : i32
      %dma_start3A_274 = tpu.memref_slice %arg9[%add3A_260, %dma_start3A_273] : memref<128x64xf32, #tpu.memory_space<vmem>> -> memref<1x64xf32, #tpu.memory_space<vmem>>
      %dma_start3A_275 = arith.constant 0 : i32
      %dma_start3A_276 = tpu.memref_slice %arg4[%squeeze3A_256, %dma_start3A_275] : memref<1000000x64xf32, #tpu.memory_space<hbm>> -> memref<1x64xf32, #tpu.memory_space<hbm>>
      tpu.enqueue_dma source(%dma_start3A_276 : memref<1x64xf32, #tpu.memory_space<hbm>>) target(%dma_start3A_274 : memref<1x64xf32, #tpu.memory_space<vmem>>) target_semaphore(%arg10 : memref<!tpu.dma_semaphore, #tpu.memory_space<semaphore_mem>>)
      %slice3A_277 = vector.extract_strided_slice %get3A_130 {offsets = [6], sizes = [1], strides = [1]} : vector<16xi32> to vector<1xi32>
      %squeeze3A_278 = vector.extract %slice3A_277[0] : i32 from vector<1xi32>
      %slice3A_279 = vector.extract_strided_slice %get3A_135 {offsets = [6], sizes = [1], strides = [1]} : vector<16xi32> to vector<1xi32>
      %squeeze3A_280 = vector.extract %slice3A_279[0] : i32 from vector<1xi32>
      %mul3A_281 = arith.constant 16 : i32
      %mul3A_282 = arith.muli %scan3A_126, %mul3A_281 : i32
      %add3A_283 = arith.constant 6 : i32
      %add3A_284 = arith.addi %mul3A_282, %add3A_283 : i32
      %dma_start3A_285 = arith.constant 0 : i32
      %dma_start3A_286 = tpu.memref_slice %arg8[%add3A_284, %dma_start3A_285] : memref<128x64xf32, #tpu.memory_space<vmem>> -> memref<1x64xf32, #tpu.memory_space<vmem>>
      %dma_start3A_287 = arith.constant 0 : i32
      %dma_start3A_288 = tpu.memref_slice %arg4[%squeeze3A_278, %dma_start3A_287] : memref<1000000x64xf32, #tpu.memory_space<hbm>> -> memref<1x64xf32, #tpu.memory_space<hbm>>
      %dma_start3A_289 = arith.constant 0 : i32
      %dma_start3A_290 = tpu.memref_slice %arg8[%add3A_284, %dma_start3A_289] : memref<128x64xf32, #tpu.memory_space<vmem>> -> memref<1x64xf32, #tpu.memory_space<vmem>>
      %dma_start3A_291 = arith.constant 0 : i32
      %dma_start3A_292 = tpu.memref_slice %arg4[%squeeze3A_278, %dma_start3A_291] : memref<1000000x64xf32, #tpu.memory_space<hbm>> -> memref<1x64xf32, #tpu.memory_space<hbm>>
      tpu.enqueue_dma source(%dma_start3A_292 : memref<1x64xf32, #tpu.memory_space<hbm>>) target(%dma_start3A_290 : memref<1x64xf32, #tpu.memory_space<vmem>>) target_semaphore(%arg10 : memref<!tpu.dma_semaphore, #tpu.memory_space<semaphore_mem>>)
      %dma_start3A_293 = arith.constant 0 : i32
      %dma_start3A_294 = tpu.memref_slice %arg9[%add3A_284, %dma_start3A_293] : memref<128x64xf32, #tpu.memory_space<vmem>> -> memref<1x64xf32, #tpu.memory_space<vmem>>
      %dma_start3A_295 = arith.constant 0 : i32
      %dma_start3A_296 = tpu.memref_slice %arg4[%squeeze3A_280, %dma_start3A_295] : memref<1000000x64xf32, #tpu.memory_space<hbm>> -> memref<1x64xf32, #tpu.memory_space<hbm>>
      %dma_start3A_297 = arith.constant 0 : i32
      %dma_start3A_298 = tpu.memref_slice %arg9[%add3A_284, %dma_start3A_297] : memref<128x64xf32, #tpu.memory_space<vmem>> -> memref<1x64xf32, #tpu.memory_space<vmem>>
      %dma_start3A_299 = arith.constant 0 : i32
      %dma_start3A_300 = tpu.memref_slice %arg4[%squeeze3A_280, %dma_start3A_299] : memref<1000000x64xf32, #tpu.memory_space<hbm>> -> memref<1x64xf32, #tpu.memory_space<hbm>>
      tpu.enqueue_dma source(%dma_start3A_300 : memref<1x64xf32, #tpu.memory_space<hbm>>) target(%dma_start3A_298 : memref<1x64xf32, #tpu.memory_space<vmem>>) target_semaphore(%arg10 : memref<!tpu.dma_semaphore, #tpu.memory_space<semaphore_mem>>)
      %slice3A_301 = vector.extract_strided_slice %get3A_130 {offsets = [7], sizes = [1], strides = [1]} : vector<16xi32> to vector<1xi32>
      %squeeze3A_302 = vector.extract %slice3A_301[0] : i32 from vector<1xi32>
      %slice3A_303 = vector.extract_strided_slice %get3A_135 {offsets = [7], sizes = [1], strides = [1]} : vector<16xi32> to vector<1xi32>
      %squeeze3A_304 = vector.extract %slice3A_303[0] : i32 from vector<1xi32>
      %mul3A_305 = arith.constant 16 : i32
      %mul3A_306 = arith.muli %scan3A_126, %mul3A_305 : i32
      %add3A_307 = arith.constant 7 : i32
      %add3A_308 = arith.addi %mul3A_306, %add3A_307 : i32
      %dma_start3A_309 = arith.constant 0 : i32
      %dma_start3A_310 = tpu.memref_slice %arg8[%add3A_308, %dma_start3A_309] : memref<128x64xf32, #tpu.memory_space<vmem>> -> memref<1x64xf32, #tpu.memory_space<vmem>>
      %dma_start3A_311 = arith.constant 0 : i32
      %dma_start3A_312 = tpu.memref_slice %arg4[%squeeze3A_302, %dma_start3A_311] : memref<1000000x64xf32, #tpu.memory_space<hbm>> -> memref<1x64xf32, #tpu.memory_space<hbm>>
      %dma_start3A_313 = arith.constant 0 : i32
      %dma_start3A_314 = tpu.memref_slice %arg8[%add3A_308, %dma_start3A_313] : memref<128x64xf32, #tpu.memory_space<vmem>> -> memref<1x64xf32, #tpu.memory_space<vmem>>
      %dma_start3A_315 = arith.constant 0 : i32
      %dma_start3A_316 = tpu.memref_slice %arg4[%squeeze3A_302, %dma_start3A_315] : memref<1000000x64xf32, #tpu.memory_space<hbm>> -> memref<1x64xf32, #tpu.memory_space<hbm>>
      tpu.enqueue_dma source(%dma_start3A_316 : memref<1x64xf32, #tpu.memory_space<hbm>>) target(%dma_start3A_314 : memref<1x64xf32, #tpu.memory_space<vmem>>) target_semaphore(%arg10 : memref<!tpu.dma_semaphore, #tpu.memory_space<semaphore_mem>>)
      %dma_start3A_317 = arith.constant 0 : i32
      %dma_start3A_318 = tpu.memref_slice %arg9[%add3A_308, %dma_start3A_317] : memref<128x64xf32, #tpu.memory_space<vmem>> -> memref<1x64xf32, #tpu.memory_space<vmem>>
      %dma_start3A_319 = arith.constant 0 : i32
      %dma_start3A_320 = tpu.memref_slice %arg4[%squeeze3A_304, %dma_start3A_319] : memref<1000000x64xf32, #tpu.memory_space<hbm>> -> memref<1x64xf32, #tpu.memory_space<hbm>>
      %dma_start3A_321 = arith.constant 0 : i32
      %dma_start3A_322 = tpu.memref_slice %arg9[%add3A_308, %dma_start3A_321] : memref<128x64xf32, #tpu.memory_space<vmem>> -> memref<1x64xf32, #tpu.memory_space<vmem>>
      %dma_start3A_323 = arith.constant 0 : i32
      %dma_start3A_324 = tpu.memref_slice %arg4[%squeeze3A_304, %dma_start3A_323] : memref<1000000x64xf32, #tpu.memory_space<hbm>> -> memref<1x64xf32, #tpu.memory_space<hbm>>
      tpu.enqueue_dma source(%dma_start3A_324 : memref<1x64xf32, #tpu.memory_space<hbm>>) target(%dma_start3A_322 : memref<1x64xf32, #tpu.memory_space<vmem>>) target_semaphore(%arg10 : memref<!tpu.dma_semaphore, #tpu.memory_space<semaphore_mem>>)
      %slice3A_325 = vector.extract_strided_slice %get3A_130 {offsets = [8], sizes = [1], strides = [1]} : vector<16xi32> to vector<1xi32>
      %squeeze3A_326 = vector.extract %slice3A_325[0] : i32 from vector<1xi32>
      %slice3A_327 = vector.extract_strided_slice %get3A_135 {offsets = [8], sizes = [1], strides = [1]} : vector<16xi32> to vector<1xi32>
      %squeeze3A_328 = vector.extract %slice3A_327[0] : i32 from vector<1xi32>
      %mul3A_329 = arith.constant 16 : i32
      %mul3A_330 = arith.muli %scan3A_126, %mul3A_329 : i32
      %add3A_331 = arith.constant 8 : i32
      %add3A_332 = arith.addi %mul3A_330, %add3A_331 : i32
      %dma_start3A_333 = arith.constant 0 : i32
      %dma_start3A_334 = tpu.memref_slice %arg8[%add3A_332, %dma_start3A_333] : memref<128x64xf32, #tpu.memory_space<vmem>> -> memref<1x64xf32, #tpu.memory_space<vmem>>
      %dma_start3A_335 = arith.constant 0 : i32
      %dma_start3A_336 = tpu.memref_slice %arg4[%squeeze3A_326, %dma_start3A_335] : memref<1000000x64xf32, #tpu.memory_space<hbm>> -> memref<1x64xf32, #tpu.memory_space<hbm>>
      %dma_start3A_337 = arith.constant 0 : i32
      %dma_start3A_338 = tpu.memref_slice %arg8[%add3A_332, %dma_start3A_337] : memref<128x64xf32, #tpu.memory_space<vmem>> -> memref<1x64xf32, #tpu.memory_space<vmem>>
      %dma_start3A_339 = arith.constant 0 : i32
      %dma_start3A_340 = tpu.memref_slice %arg4[%squeeze3A_326, %dma_start3A_339] : memref<1000000x64xf32, #tpu.memory_space<hbm>> -> memref<1x64xf32, #tpu.memory_space<hbm>>
      tpu.enqueue_dma source(%dma_start3A_340 : memref<1x64xf32, #tpu.memory_space<hbm>>) target(%dma_start3A_338 : memref<1x64xf32, #tpu.memory_space<vmem>>) target_semaphore(%arg10 : memref<!tpu.dma_semaphore, #tpu.memory_space<semaphore_mem>>)
      %dma_start3A_341 = arith.constant 0 : i32
      %dma_start3A_342 = tpu.memref_slice %arg9[%add3A_332, %dma_start3A_341] : memref<128x64xf32, #tpu.memory_space<vmem>> -> memref<1x64xf32, #tpu.memory_space<vmem>>
      %dma_start3A_343 = arith.constant 0 : i32
      %dma_start3A_344 = tpu.memref_slice %arg4[%squeeze3A_328, %dma_start3A_343] : memref<1000000x64xf32, #tpu.memory_space<hbm>> -> memref<1x64xf32, #tpu.memory_space<hbm>>
      %dma_start3A_345 = arith.constant 0 : i32
      %dma_start3A_346 = tpu.memref_slice %arg9[%add3A_332, %dma_start3A_345] : memref<128x64xf32, #tpu.memory_space<vmem>> -> memref<1x64xf32, #tpu.memory_space<vmem>>
      %dma_start3A_347 = arith.constant 0 : i32
      %dma_start3A_348 = tpu.memref_slice %arg4[%squeeze3A_328, %dma_start3A_347] : memref<1000000x64xf32, #tpu.memory_space<hbm>> -> memref<1x64xf32, #tpu.memory_space<hbm>>
      tpu.enqueue_dma source(%dma_start3A_348 : memref<1x64xf32, #tpu.memory_space<hbm>>) target(%dma_start3A_346 : memref<1x64xf32, #tpu.memory_space<vmem>>) target_semaphore(%arg10 : memref<!tpu.dma_semaphore, #tpu.memory_space<semaphore_mem>>)
      %slice3A_349 = vector.extract_strided_slice %get3A_130 {offsets = [9], sizes = [1], strides = [1]} : vector<16xi32> to vector<1xi32>
      %squeeze3A_350 = vector.extract %slice3A_349[0] : i32 from vector<1xi32>
      %slice3A_351 = vector.extract_strided_slice %get3A_135 {offsets = [9], sizes = [1], strides = [1]} : vector<16xi32> to vector<1xi32>
      %squeeze3A_352 = vector.extract %slice3A_351[0] : i32 from vector<1xi32>
      %mul3A_353 = arith.constant 16 : i32
      %mul3A_354 = arith.muli %scan3A_126, %mul3A_353 : i32
      %add3A_355 = arith.constant 9 : i32
      %add3A_356 = arith.addi %mul3A_354, %add3A_355 : i32
      %dma_start3A_357 = arith.constant 0 : i32
      %dma_start3A_358 = tpu.memref_slice %arg8[%add3A_356, %dma_start3A_357] : memref<128x64xf32, #tpu.memory_space<vmem>> -> memref<1x64xf32, #tpu.memory_space<vmem>>
      %dma_start3A_359 = arith.constant 0 : i32
      %dma_start3A_360 = tpu.memref_slice %arg4[%squeeze3A_350, %dma_start3A_359] : memref<1000000x64xf32, #tpu.memory_space<hbm>> -> memref<1x64xf32, #tpu.memory_space<hbm>>
      %dma_start3A_361 = arith.constant 0 : i32
      %dma_start3A_362 = tpu.memref_slice %arg8[%add3A_356, %dma_start3A_361] : memref<128x64xf32, #tpu.memory_space<vmem>> -> memref<1x64xf32, #tpu.memory_space<vmem>>
      %dma_start3A_363 = arith.constant 0 : i32
      %dma_start3A_364 = tpu.memref_slice %arg4[%squeeze3A_350, %dma_start3A_363] : memref<1000000x64xf32, #tpu.memory_space<hbm>> -> memref<1x64xf32, #tpu.memory_space<hbm>>
      tpu.enqueue_dma source(%dma_start3A_364 : memref<1x64xf32, #tpu.memory_space<hbm>>) target(%dma_start3A_362 : memref<1x64xf32, #tpu.memory_space<vmem>>) target_semaphore(%arg10 : memref<!tpu.dma_semaphore, #tpu.memory_space<semaphore_mem>>)
      %dma_start3A_365 = arith.constant 0 : i32
      %dma_start3A_366 = tpu.memref_slice %arg9[%add3A_356, %dma_start3A_365] : memref<128x64xf32, #tpu.memory_space<vmem>> -> memref<1x64xf32, #tpu.memory_space<vmem>>
      %dma_start3A_367 = arith.constant 0 : i32
      %dma_start3A_368 = tpu.memref_slice %arg4[%squeeze3A_352, %dma_start3A_367] : memref<1000000x64xf32, #tpu.memory_space<hbm>> -> memref<1x64xf32, #tpu.memory_space<hbm>>
      %dma_start3A_369 = arith.constant 0 : i32
      %dma_start3A_370 = tpu.memref_slice %arg9[%add3A_356, %dma_start3A_369] : memref<128x64xf32, #tpu.memory_space<vmem>> -> memref<1x64xf32, #tpu.memory_space<vmem>>
      %dma_start3A_371 = arith.constant 0 : i32
      %dma_start3A_372 = tpu.memref_slice %arg4[%squeeze3A_352, %dma_start3A_371] : memref<1000000x64xf32, #tpu.memory_space<hbm>> -> memref<1x64xf32, #tpu.memory_space<hbm>>
      tpu.enqueue_dma source(%dma_start3A_372 : memref<1x64xf32, #tpu.memory_space<hbm>>) target(%dma_start3A_370 : memref<1x64xf32, #tpu.memory_space<vmem>>) target_semaphore(%arg10 : memref<!tpu.dma_semaphore, #tpu.memory_space<semaphore_mem>>)
      %slice3A_373 = vector.extract_strided_slice %get3A_130 {offsets = [10], sizes = [1], strides = [1]} : vector<16xi32> to vector<1xi32>
      %squeeze3A_374 = vector.extract %slice3A_373[0] : i32 from vector<1xi32>
      %slice3A_375 = vector.extract_strided_slice %get3A_135 {offsets = [10], sizes = [1], strides = [1]} : vector<16xi32> to vector<1xi32>
      %squeeze3A_376 = vector.extract %slice3A_375[0] : i32 from vector<1xi32>
      %mul3A_377 = arith.constant 16 : i32
      %mul3A_378 = arith.muli %scan3A_126, %mul3A_377 : i32
      %add3A_379 = arith.constant 10 : i32
      %add3A_380 = arith.addi %mul3A_378, %add3A_379 : i32
      %dma_start3A_381 = arith.constant 0 : i32
      %dma_start3A_382 = tpu.memref_slice %arg8[%add3A_380, %dma_start3A_381] : memref<128x64xf32, #tpu.memory_space<vmem>> -> memref<1x64xf32, #tpu.memory_space<vmem>>
      %dma_start3A_383 = arith.constant 0 : i32
      %dma_start3A_384 = tpu.memref_slice %arg4[%squeeze3A_374, %dma_start3A_383] : memref<1000000x64xf32, #tpu.memory_space<hbm>> -> memref<1x64xf32, #tpu.memory_space<hbm>>
      %dma_start3A_385 = arith.constant 0 : i32
      %dma_start3A_386 = tpu.memref_slice %arg8[%add3A_380, %dma_start3A_385] : memref<128x64xf32, #tpu.memory_space<vmem>> -> memref<1x64xf32, #tpu.memory_space<vmem>>
      %dma_start3A_387 = arith.constant 0 : i32
      %dma_start3A_388 = tpu.memref_slice %arg4[%squeeze3A_374, %dma_start3A_387] : memref<1000000x64xf32, #tpu.memory_space<hbm>> -> memref<1x64xf32, #tpu.memory_space<hbm>>
      tpu.enqueue_dma source(%dma_start3A_388 : memref<1x64xf32, #tpu.memory_space<hbm>>) target(%dma_start3A_386 : memref<1x64xf32, #tpu.memory_space<vmem>>) target_semaphore(%arg10 : memref<!tpu.dma_semaphore, #tpu.memory_space<semaphore_mem>>)
      %dma_start3A_389 = arith.constant 0 : i32
      %dma_start3A_390 = tpu.memref_slice %arg9[%add3A_380, %dma_start3A_389] : memref<128x64xf32, #tpu.memory_space<vmem>> -> memref<1x64xf32, #tpu.memory_space<vmem>>
      %dma_start3A_391 = arith.constant 0 : i32
      %dma_start3A_392 = tpu.memref_slice %arg4[%squeeze3A_376, %dma_start3A_391] : memref<1000000x64xf32, #tpu.memory_space<hbm>> -> memref<1x64xf32, #tpu.memory_space<hbm>>
      %dma_start3A_393 = arith.constant 0 : i32
      %dma_start3A_394 = tpu.memref_slice %arg9[%add3A_380, %dma_start3A_393] : memref<128x64xf32, #tpu.memory_space<vmem>> -> memref<1x64xf32, #tpu.memory_space<vmem>>
      %dma_start3A_395 = arith.constant 0 : i32
      %dma_start3A_396 = tpu.memref_slice %arg4[%squeeze3A_376, %dma_start3A_395] : memref<1000000x64xf32, #tpu.memory_space<hbm>> -> memref<1x64xf32, #tpu.memory_space<hbm>>
      tpu.enqueue_dma source(%dma_start3A_396 : memref<1x64xf32, #tpu.memory_space<hbm>>) target(%dma_start3A_394 : memref<1x64xf32, #tpu.memory_space<vmem>>) target_semaphore(%arg10 : memref<!tpu.dma_semaphore, #tpu.memory_space<semaphore_mem>>)
      %slice3A_397 = vector.extract_strided_slice %get3A_130 {offsets = [11], sizes = [1], strides = [1]} : vector<16xi32> to vector<1xi32>
      %squeeze3A_398 = vector.extract %slice3A_397[0] : i32 from vector<1xi32>
      %slice3A_399 = vector.extract_strided_slice %get3A_135 {offsets = [11], sizes = [1], strides = [1]} : vector<16xi32> to vector<1xi32>
      %squeeze3A_400 = vector.extract %slice3A_399[0] : i32 from vector<1xi32>
      %mul3A_401 = arith.constant 16 : i32
      %mul3A_402 = arith.muli %scan3A_126, %mul3A_401 : i32
      %add3A_403 = arith.constant 11 : i32
      %add3A_404 = arith.addi %mul3A_402, %add3A_403 : i32
      %dma_start3A_405 = arith.constant 0 : i32
      %dma_start3A_406 = tpu.memref_slice %arg8[%add3A_404, %dma_start3A_405] : memref<128x64xf32, #tpu.memory_space<vmem>> -> memref<1x64xf32, #tpu.memory_space<vmem>>
      %dma_start3A_407 = arith.constant 0 : i32
      %dma_start3A_408 = tpu.memref_slice %arg4[%squeeze3A_398, %dma_start3A_407] : memref<1000000x64xf32, #tpu.memory_space<hbm>> -> memref<1x64xf32, #tpu.memory_space<hbm>>
      %dma_start3A_409 = arith.constant 0 : i32
      %dma_start3A_410 = tpu.memref_slice %arg8[%add3A_404, %dma_start3A_409] : memref<128x64xf32, #tpu.memory_space<vmem>> -> memref<1x64xf32, #tpu.memory_space<vmem>>
      %dma_start3A_411 = arith.constant 0 : i32
      %dma_start3A_412 = tpu.memref_slice %arg4[%squeeze3A_398, %dma_start3A_411] : memref<1000000x64xf32, #tpu.memory_space<hbm>> -> memref<1x64xf32, #tpu.memory_space<hbm>>
      tpu.enqueue_dma source(%dma_start3A_412 : memref<1x64xf32, #tpu.memory_space<hbm>>) target(%dma_start3A_410 : memref<1x64xf32, #tpu.memory_space<vmem>>) target_semaphore(%arg10 : memref<!tpu.dma_semaphore, #tpu.memory_space<semaphore_mem>>)
      %dma_start3A_413 = arith.constant 0 : i32
      %dma_start3A_414 = tpu.memref_slice %arg9[%add3A_404, %dma_start3A_413] : memref<128x64xf32, #tpu.memory_space<vmem>> -> memref<1x64xf32, #tpu.memory_space<vmem>>
      %dma_start3A_415 = arith.constant 0 : i32
      %dma_start3A_416 = tpu.memref_slice %arg4[%squeeze3A_400, %dma_start3A_415] : memref<1000000x64xf32, #tpu.memory_space<hbm>> -> memref<1x64xf32, #tpu.memory_space<hbm>>
      %dma_start3A_417 = arith.constant 0 : i32
      %dma_start3A_418 = tpu.memref_slice %arg9[%add3A_404, %dma_start3A_417] : memref<128x64xf32, #tpu.memory_space<vmem>> -> memref<1x64xf32, #tpu.memory_space<vmem>>
      %dma_start3A_419 = arith.constant 0 : i32
      %dma_start3A_420 = tpu.memref_slice %arg4[%squeeze3A_400, %dma_start3A_419] : memref<1000000x64xf32, #tpu.memory_space<hbm>> -> memref<1x64xf32, #tpu.memory_space<hbm>>
      tpu.enqueue_dma source(%dma_start3A_420 : memref<1x64xf32, #tpu.memory_space<hbm>>) target(%dma_start3A_418 : memref<1x64xf32, #tpu.memory_space<vmem>>) target_semaphore(%arg10 : memref<!tpu.dma_semaphore, #tpu.memory_space<semaphore_mem>>)
      %slice3A_421 = vector.extract_strided_slice %get3A_130 {offsets = [12], sizes = [1], strides = [1]} : vector<16xi32> to vector<1xi32>
      %squeeze3A_422 = vector.extract %slice3A_421[0] : i32 from vector<1xi32>
      %slice3A_423 = vector.extract_strided_slice %get3A_135 {offsets = [12], sizes = [1], strides = [1]} : vector<16xi32> to vector<1xi32>
      %squeeze3A_424 = vector.extract %slice3A_423[0] : i32 from vector<1xi32>
      %mul3A_425 = arith.constant 16 : i32
      %mul3A_426 = arith.muli %scan3A_126, %mul3A_425 : i32
      %add3A_427 = arith.constant 12 : i32
      %add3A_428 = arith.addi %mul3A_426, %add3A_427 : i32
      %dma_start3A_429 = arith.constant 0 : i32
      %dma_start3A_430 = tpu.memref_slice %arg8[%add3A_428, %dma_start3A_429] : memref<128x64xf32, #tpu.memory_space<vmem>> -> memref<1x64xf32, #tpu.memory_space<vmem>>
      %dma_start3A_431 = arith.constant 0 : i32
      %dma_start3A_432 = tpu.memref_slice %arg4[%squeeze3A_422, %dma_start3A_431] : memref<1000000x64xf32, #tpu.memory_space<hbm>> -> memref<1x64xf32, #tpu.memory_space<hbm>>
      %dma_start3A_433 = arith.constant 0 : i32
      %dma_start3A_434 = tpu.memref_slice %arg8[%add3A_428, %dma_start3A_433] : memref<128x64xf32, #tpu.memory_space<vmem>> -> memref<1x64xf32, #tpu.memory_space<vmem>>
      %dma_start3A_435 = arith.constant 0 : i32
      %dma_start3A_436 = tpu.memref_slice %arg4[%squeeze3A_422, %dma_start3A_435] : memref<1000000x64xf32, #tpu.memory_space<hbm>> -> memref<1x64xf32, #tpu.memory_space<hbm>>
      tpu.enqueue_dma source(%dma_start3A_436 : memref<1x64xf32, #tpu.memory_space<hbm>>) target(%dma_start3A_434 : memref<1x64xf32, #tpu.memory_space<vmem>>) target_semaphore(%arg10 : memref<!tpu.dma_semaphore, #tpu.memory_space<semaphore_mem>>)
      %dma_start3A_437 = arith.constant 0 : i32
      %dma_start3A_438 = tpu.memref_slice %arg9[%add3A_428, %dma_start3A_437] : memref<128x64xf32, #tpu.memory_space<vmem>> -> memref<1x64xf32, #tpu.memory_space<vmem>>
      %dma_start3A_439 = arith.constant 0 : i32
      %dma_start3A_440 = tpu.memref_slice %arg4[%squeeze3A_424, %dma_start3A_439] : memref<1000000x64xf32, #tpu.memory_space<hbm>> -> memref<1x64xf32, #tpu.memory_space<hbm>>
      %dma_start3A_441 = arith.constant 0 : i32
      %dma_start3A_442 = tpu.memref_slice %arg9[%add3A_428, %dma_start3A_441] : memref<128x64xf32, #tpu.memory_space<vmem>> -> memref<1x64xf32, #tpu.memory_space<vmem>>
      %dma_start3A_443 = arith.constant 0 : i32
      %dma_start3A_444 = tpu.memref_slice %arg4[%squeeze3A_424, %dma_start3A_443] : memref<1000000x64xf32, #tpu.memory_space<hbm>> -> memref<1x64xf32, #tpu.memory_space<hbm>>
      tpu.enqueue_dma source(%dma_start3A_444 : memref<1x64xf32, #tpu.memory_space<hbm>>) target(%dma_start3A_442 : memref<1x64xf32, #tpu.memory_space<vmem>>) target_semaphore(%arg10 : memref<!tpu.dma_semaphore, #tpu.memory_space<semaphore_mem>>)
      %slice3A_445 = vector.extract_strided_slice %get3A_130 {offsets = [13], sizes = [1], strides = [1]} : vector<16xi32> to vector<1xi32>
      %squeeze3A_446 = vector.extract %slice3A_445[0] : i32 from vector<1xi32>
      %slice3A_447 = vector.extract_strided_slice %get3A_135 {offsets = [13], sizes = [1], strides = [1]} : vector<16xi32> to vector<1xi32>
      %squeeze3A_448 = vector.extract %slice3A_447[0] : i32 from vector<1xi32>
      %mul3A_449 = arith.constant 16 : i32
      %mul3A_450 = arith.muli %scan3A_126, %mul3A_449 : i32
      %add3A_451 = arith.constant 13 : i32
      %add3A_452 = arith.addi %mul3A_450, %add3A_451 : i32
      %dma_start3A_453 = arith.constant 0 : i32
      %dma_start3A_454 = tpu.memref_slice %arg8[%add3A_452, %dma_start3A_453] : memref<128x64xf32, #tpu.memory_space<vmem>> -> memref<1x64xf32, #tpu.memory_space<vmem>>
      %dma_start3A_455 = arith.constant 0 : i32
      %dma_start3A_456 = tpu.memref_slice %arg4[%squeeze3A_446, %dma_start3A_455] : memref<1000000x64xf32, #tpu.memory_space<hbm>> -> memref<1x64xf32, #tpu.memory_space<hbm>>
      %dma_start3A_457 = arith.constant 0 : i32
      %dma_start3A_458 = tpu.memref_slice %arg8[%add3A_452, %dma_start3A_457] : memref<128x64xf32, #tpu.memory_space<vmem>> -> memref<1x64xf32, #tpu.memory_space<vmem>>
      %dma_start3A_459 = arith.constant 0 : i32
      %dma_start3A_460 = tpu.memref_slice %arg4[%squeeze3A_446, %dma_start3A_459] : memref<1000000x64xf32, #tpu.memory_space<hbm>> -> memref<1x64xf32, #tpu.memory_space<hbm>>
      tpu.enqueue_dma source(%dma_start3A_460 : memref<1x64xf32, #tpu.memory_space<hbm>>) target(%dma_start3A_458 : memref<1x64xf32, #tpu.memory_space<vmem>>) target_semaphore(%arg10 : memref<!tpu.dma_semaphore, #tpu.memory_space<semaphore_mem>>)
      %dma_start3A_461 = arith.constant 0 : i32
      %dma_start3A_462 = tpu.memref_slice %arg9[%add3A_452, %dma_start3A_461] : memref<128x64xf32, #tpu.memory_space<vmem>> -> memref<1x64xf32, #tpu.memory_space<vmem>>
      %dma_start3A_463 = arith.constant 0 : i32
      %dma_start3A_464 = tpu.memref_slice %arg4[%squeeze3A_448, %dma_start3A_463] : memref<1000000x64xf32, #tpu.memory_space<hbm>> -> memref<1x64xf32, #tpu.memory_space<hbm>>
      %dma_start3A_465 = arith.constant 0 : i32
      %dma_start3A_466 = tpu.memref_slice %arg9[%add3A_452, %dma_start3A_465] : memref<128x64xf32, #tpu.memory_space<vmem>> -> memref<1x64xf32, #tpu.memory_space<vmem>>
      %dma_start3A_467 = arith.constant 0 : i32
      %dma_start3A_468 = tpu.memref_slice %arg4[%squeeze3A_448, %dma_start3A_467] : memref<1000000x64xf32, #tpu.memory_space<hbm>> -> memref<1x64xf32, #tpu.memory_space<hbm>>
      tpu.enqueue_dma source(%dma_start3A_468 : memref<1x64xf32, #tpu.memory_space<hbm>>) target(%dma_start3A_466 : memref<1x64xf32, #tpu.memory_space<vmem>>) target_semaphore(%arg10 : memref<!tpu.dma_semaphore, #tpu.memory_space<semaphore_mem>>)
      %slice3A_469 = vector.extract_strided_slice %get3A_130 {offsets = [14], sizes = [1], strides = [1]} : vector<16xi32> to vector<1xi32>
      %squeeze3A_470 = vector.extract %slice3A_469[0] : i32 from vector<1xi32>
      %slice3A_471 = vector.extract_strided_slice %get3A_135 {offsets = [14], sizes = [1], strides = [1]} : vector<16xi32> to vector<1xi32>
      %squeeze3A_472 = vector.extract %slice3A_471[0] : i32 from vector<1xi32>
      %mul3A_473 = arith.constant 16 : i32
      %mul3A_474 = arith.muli %scan3A_126, %mul3A_473 : i32
      %add3A_475 = arith.constant 14 : i32
      %add3A_476 = arith.addi %mul3A_474, %add3A_475 : i32
      %dma_start3A_477 = arith.constant 0 : i32
      %dma_start3A_478 = tpu.memref_slice %arg8[%add3A_476, %dma_start3A_477] : memref<128x64xf32, #tpu.memory_space<vmem>> -> memref<1x64xf32, #tpu.memory_space<vmem>>
      %dma_start3A_479 = arith.constant 0 : i32
      %dma_start3A_480 = tpu.memref_slice %arg4[%squeeze3A_470, %dma_start3A_479] : memref<1000000x64xf32, #tpu.memory_space<hbm>> -> memref<1x64xf32, #tpu.memory_space<hbm>>
      %dma_start3A_481 = arith.constant 0 : i32
      %dma_start3A_482 = tpu.memref_slice %arg8[%add3A_476, %dma_start3A_481] : memref<128x64xf32, #tpu.memory_space<vmem>> -> memref<1x64xf32, #tpu.memory_space<vmem>>
      %dma_start3A_483 = arith.constant 0 : i32
      %dma_start3A_484 = tpu.memref_slice %arg4[%squeeze3A_470, %dma_start3A_483] : memref<1000000x64xf32, #tpu.memory_space<hbm>> -> memref<1x64xf32, #tpu.memory_space<hbm>>
      tpu.enqueue_dma source(%dma_start3A_484 : memref<1x64xf32, #tpu.memory_space<hbm>>) target(%dma_start3A_482 : memref<1x64xf32, #tpu.memory_space<vmem>>) target_semaphore(%arg10 : memref<!tpu.dma_semaphore, #tpu.memory_space<semaphore_mem>>)
      %dma_start3A_485 = arith.constant 0 : i32
      %dma_start3A_486 = tpu.memref_slice %arg9[%add3A_476, %dma_start3A_485] : memref<128x64xf32, #tpu.memory_space<vmem>> -> memref<1x64xf32, #tpu.memory_space<vmem>>
      %dma_start3A_487 = arith.constant 0 : i32
      %dma_start3A_488 = tpu.memref_slice %arg4[%squeeze3A_472, %dma_start3A_487] : memref<1000000x64xf32, #tpu.memory_space<hbm>> -> memref<1x64xf32, #tpu.memory_space<hbm>>
      %dma_start3A_489 = arith.constant 0 : i32
      %dma_start3A_490 = tpu.memref_slice %arg9[%add3A_476, %dma_start3A_489] : memref<128x64xf32, #tpu.memory_space<vmem>> -> memref<1x64xf32, #tpu.memory_space<vmem>>
      %dma_start3A_491 = arith.constant 0 : i32
      %dma_start3A_492 = tpu.memref_slice %arg4[%squeeze3A_472, %dma_start3A_491] : memref<1000000x64xf32, #tpu.memory_space<hbm>> -> memref<1x64xf32, #tpu.memory_space<hbm>>
      tpu.enqueue_dma source(%dma_start3A_492 : memref<1x64xf32, #tpu.memory_space<hbm>>) target(%dma_start3A_490 : memref<1x64xf32, #tpu.memory_space<vmem>>) target_semaphore(%arg10 : memref<!tpu.dma_semaphore, #tpu.memory_space<semaphore_mem>>)
      %slice3A_493 = vector.extract_strided_slice %get3A_130 {offsets = [15], sizes = [1], strides = [1]} : vector<16xi32> to vector<1xi32>
      %squeeze3A_494 = vector.extract %slice3A_493[0] : i32 from vector<1xi32>
      %slice3A_495 = vector.extract_strided_slice %get3A_135 {offsets = [15], sizes = [1], strides = [1]} : vector<16xi32> to vector<1xi32>
      %squeeze3A_496 = vector.extract %slice3A_495[0] : i32 from vector<1xi32>
      %mul3A_497 = arith.constant 16 : i32
      %mul3A_498 = arith.muli %scan3A_126, %mul3A_497 : i32
      %add3A_499 = arith.constant 15 : i32
      %add3A_500 = arith.addi %mul3A_498, %add3A_499 : i32
      %dma_start3A_501 = arith.constant 0 : i32
      %dma_start3A_502 = tpu.memref_slice %arg8[%add3A_500, %dma_start3A_501] : memref<128x64xf32, #tpu.memory_space<vmem>> -> memref<1x64xf32, #tpu.memory_space<vmem>>
      %dma_start3A_503 = arith.constant 0 : i32
      %dma_start3A_504 = tpu.memref_slice %arg4[%squeeze3A_494, %dma_start3A_503] : memref<1000000x64xf32, #tpu.memory_space<hbm>> -> memref<1x64xf32, #tpu.memory_space<hbm>>
      %dma_start3A_505 = arith.constant 0 : i32
      %dma_start3A_506 = tpu.memref_slice %arg8[%add3A_500, %dma_start3A_505] : memref<128x64xf32, #tpu.memory_space<vmem>> -> memref<1x64xf32, #tpu.memory_space<vmem>>
      %dma_start3A_507 = arith.constant 0 : i32
      %dma_start3A_508 = tpu.memref_slice %arg4[%squeeze3A_494, %dma_start3A_507] : memref<1000000x64xf32, #tpu.memory_space<hbm>> -> memref<1x64xf32, #tpu.memory_space<hbm>>
      tpu.enqueue_dma source(%dma_start3A_508 : memref<1x64xf32, #tpu.memory_space<hbm>>) target(%dma_start3A_506 : memref<1x64xf32, #tpu.memory_space<vmem>>) target_semaphore(%arg10 : memref<!tpu.dma_semaphore, #tpu.memory_space<semaphore_mem>>)
      %dma_start3A_509 = arith.constant 0 : i32
      %dma_start3A_510 = tpu.memref_slice %arg9[%add3A_500, %dma_start3A_509] : memref<128x64xf32, #tpu.memory_space<vmem>> -> memref<1x64xf32, #tpu.memory_space<vmem>>
      %dma_start3A_511 = arith.constant 0 : i32
      %dma_start3A_512 = tpu.memref_slice %arg4[%squeeze3A_496, %dma_start3A_511] : memref<1000000x64xf32, #tpu.memory_space<hbm>> -> memref<1x64xf32, #tpu.memory_space<hbm>>
      %dma_start3A_513 = arith.constant 0 : i32
      %dma_start3A_514 = tpu.memref_slice %arg9[%add3A_500, %dma_start3A_513] : memref<128x64xf32, #tpu.memory_space<vmem>> -> memref<1x64xf32, #tpu.memory_space<vmem>>
      %dma_start3A_515 = arith.constant 0 : i32
      %dma_start3A_516 = tpu.memref_slice %arg4[%squeeze3A_496, %dma_start3A_515] : memref<1000000x64xf32, #tpu.memory_space<hbm>> -> memref<1x64xf32, #tpu.memory_space<hbm>>
      tpu.enqueue_dma source(%dma_start3A_516 : memref<1x64xf32, #tpu.memory_space<hbm>>) target(%dma_start3A_514 : memref<1x64xf32, #tpu.memory_space<vmem>>) target_semaphore(%arg10 : memref<!tpu.dma_semaphore, #tpu.memory_space<semaphore_mem>>)
    }
    %scan3A_37 = arith.constant 8 : i32
    %dma_wait3A_38 = arith.constant 0 : i32
    %dma_wait3A_39 = arith.constant 0 : i32
    %dma_wait3A_40 = tpu.memref_slice %arg4[%dma_wait3A_38, %dma_wait3A_39] : memref<1000000x64xf32, #tpu.memory_space<hbm>> -> memref<128x64xf32, #tpu.memory_space<hbm>>
    %dma_wait3A_41 = arith.constant 0 : i32
    %dma_wait3A_42 = arith.constant 0 : i32
    %dma_wait3A_43 = tpu.memref_slice %arg4[%dma_wait3A_41, %dma_wait3A_42] : memref<1000000x64xf32, #tpu.memory_space<hbm>> -> memref<128x64xf32, #tpu.memory_space<hbm>>
    tpu.wait_dma2 semaphore(%arg10 : memref<!tpu.dma_semaphore, #tpu.memory_space<semaphore_mem>>) src(%dma_wait3A_43 : memref<128x64xf32, #tpu.memory_space<hbm>>) dst(%arg8 : memref<128x64xf32, #tpu.memory_space<vmem>>)
    %dma_wait3A_44 = arith.constant 0 : i32
    %dma_wait3A_45 = arith.constant 0 : i32
    %dma_wait3A_46 = tpu.memref_slice %arg4[%dma_wait3A_44, %dma_wait3A_45] : memref<1000000x64xf32, #tpu.memory_space<hbm>> -> memref<128x64xf32, #tpu.memory_space<hbm>>
    %dma_wait3A_47 = arith.constant 0 : i32
    %dma_wait3A_48 = arith.constant 0 : i32
    %dma_wait3A_49 = tpu.memref_slice %arg4[%dma_wait3A_47, %dma_wait3A_48] : memref<1000000x64xf32, #tpu.memory_space<hbm>> -> memref<128x64xf32, #tpu.memory_space<hbm>>
    tpu.wait_dma2 semaphore(%arg10 : memref<!tpu.dma_semaphore, #tpu.memory_space<semaphore_mem>>) src(%dma_wait3A_49 : memref<128x64xf32, #tpu.memory_space<hbm>>) dst(%arg9 : memref<128x64xf32, #tpu.memory_space<vmem>>)
    %scan3A_50 = arith.constant 0 : i32
    %scan3A_51 = arith.constant 0 : i32
    %scan3A_52 = arith.constant 128 : i32
    %scan3A_53 = arith.addi %scan3A_51, %scan3A_52 : i32
    %scan3A_54 = arith.constant 1 : i32
    scf.for %scan3A_126 = %scan3A_51 to %scan3A_53 step %scan3A_54  : i32 {
      %get3A = arith.index_cast %scan3A_126 : i32 to index
      %get3A_127 = arith.constant 0 : index
      %get3A_128 = tpu.vector_load %arg8[%get3A, %get3A_127] {strides = array<i32>} : memref<128x64xf32, #tpu.memory_space<vmem>>, vector<1x16xf32>,
      %get3A_129 = vector.shape_cast %get3A_128 : vector<1x16xf32> to vector<16xf32>
      %get3A_130 = arith.index_cast %scan3A_126 : i32 to index
      %get3A_131 = arith.constant 0 : index
      %get3A_132 = tpu.vector_load %arg9[%get3A_130, %get3A_131] {strides = array<i32>} : memref<128x64xf32, #tpu.memory_space<vmem>>, vector<1x16xf32>,
      %get3A_133 = vector.shape_cast %get3A_132 : vector<1x16xf32> to vector<16xf32>
      %add3A_134 = arith.addf %get3A_129, %get3A_133 : vector<16xf32>
      %swap3A = arith.index_cast %scan3A_126 : i32 to index
      %swap3A_135 = arith.constant 0 : index
      %swap3A_136 = tpu.vector_load %arg8[%swap3A, %swap3A_135] {strides = array<i32>} : memref<128x64xf32, #tpu.memory_space<vmem>>, vector<1x16xf32>,
      %swap3A_137 = vector.shape_cast %swap3A_136 : vector<1x16xf32> to vector<16xf32>
      %swap3A_138 = vector.shape_cast %add3A_134 : vector<16xf32> to vector<1x16xf32>
      tpu.vector_store %arg8[%swap3A, %swap3A_135], %swap3A_138 {strides = array<i32>} : memref<128x64xf32, #tpu.memory_space<vmem>>, vector<1x16xf32>,
      %get3A_139 = arith.index_cast %scan3A_126 : i32 to index
      %get3A_140 = arith.constant 16 : index
      %get3A_141 = tpu.vector_load %arg8[%get3A_139, %get3A_140] {strides = array<i32>} : memref<128x64xf32, #tpu.memory_space<vmem>>, vector<1x16xf32>,
      %get3A_142 = vector.shape_cast %get3A_141 : vector<1x16xf32> to vector<16xf32>
      %get3A_143 = arith.index_cast %scan3A_126 : i32 to index
      %get3A_144 = arith.constant 16 : index
      %get3A_145 = tpu.vector_load %arg9[%get3A_143, %get3A_144] {strides = array<i32>} : memref<128x64xf32, #tpu.memory_space<vmem>>, vector<1x16xf32>,
      %get3A_146 = vector.shape_cast %get3A_145 : vector<1x16xf32> to vector<16xf32>
      %add3A_147 = arith.addf %get3A_142, %get3A_146 : vector<16xf32>
      %swap3A_148 = arith.index_cast %scan3A_126 : i32 to index
      %swap3A_149 = arith.constant 16 : index
      %swap3A_150 = tpu.vector_load %arg8[%swap3A_148, %swap3A_149] {strides = array<i32>} : memref<128x64xf32, #tpu.memory_space<vmem>>, vector<1x16xf32>,
      %swap3A_151 = vector.shape_cast %swap3A_150 : vector<1x16xf32> to vector<16xf32>
      %swap3A_152 = vector.shape_cast %add3A_147 : vector<16xf32> to vector<1x16xf32>
      tpu.vector_store %arg8[%swap3A_148, %swap3A_149], %swap3A_152 {strides = array<i32>} : memref<128x64xf32, #tpu.memory_space<vmem>>, vector<1x16xf32>,
      %get3A_153 = arith.index_cast %scan3A_126 : i32 to index
      %get3A_154 = arith.constant 32 : index
      %get3A_155 = tpu.vector_load %arg8[%get3A_153, %get3A_154] {strides = array<i32>} : memref<128x64xf32, #tpu.memory_space<vmem>>, vector<1x16xf32>,
      %get3A_156 = vector.shape_cast %get3A_155 : vector<1x16xf32> to vector<16xf32>
      %get3A_157 = arith.index_cast %scan3A_126 : i32 to index
      %get3A_158 = arith.constant 32 : index
      %get3A_159 = tpu.vector_load %arg9[%get3A_157, %get3A_158] {strides = array<i32>} : memref<128x64xf32, #tpu.memory_space<vmem>>, vector<1x16xf32>,
      %get3A_160 = vector.shape_cast %get3A_159 : vector<1x16xf32> to vector<16xf32>
      %add3A_161 = arith.addf %get3A_156, %get3A_160 : vector<16xf32>
      %swap3A_162 = arith.index_cast %scan3A_126 : i32 to index
      %swap3A_163 = arith.constant 32 : index
      %swap3A_164 = tpu.vector_load %arg8[%swap3A_162, %swap3A_163] {strides = array<i32>} : memref<128x64xf32, #tpu.memory_space<vmem>>, vector<1x16xf32>,
      %swap3A_165 = vector.shape_cast %swap3A_164 : vector<1x16xf32> to vector<16xf32>
      %swap3A_166 = vector.shape_cast %add3A_161 : vector<16xf32> to vector<1x16xf32>
      tpu.vector_store %arg8[%swap3A_162, %swap3A_163], %swap3A_166 {strides = array<i32>} : memref<128x64xf32, #tpu.memory_space<vmem>>, vector<1x16xf32>,
      %get3A_167 = arith.index_cast %scan3A_126 : i32 to index
      %get3A_168 = arith.constant 48 : index
      %get3A_169 = tpu.vector_load %arg8[%get3A_167, %get3A_168] {strides = array<i32>} : memref<128x64xf32, #tpu.memory_space<vmem>>, vector<1x16xf32>,
      %get3A_170 = vector.shape_cast %get3A_169 : vector<1x16xf32> to vector<16xf32>
      %get3A_171 = arith.index_cast %scan3A_126 : i32 to index
      %get3A_172 = arith.constant 48 : index
      %get3A_173 = tpu.vector_load %arg9[%get3A_171, %get3A_172] {strides = array<i32>} : memref<128x64xf32, #tpu.memory_space<vmem>>, vector<1x16xf32>,
      %get3A_174 = vector.shape_cast %get3A_173 : vector<1x16xf32> to vector<16xf32>
      %add3A_175 = arith.addf %get3A_170, %get3A_174 : vector<16xf32>
      %swap3A_176 = arith.index_cast %scan3A_126 : i32 to index
      %swap3A_177 = arith.constant 48 : index
      %swap3A_178 = tpu.vector_load %arg8[%swap3A_176, %swap3A_177] {strides = array<i32>} : memref<128x64xf32, #tpu.memory_space<vmem>>, vector<1x16xf32>,
      %swap3A_179 = vector.shape_cast %swap3A_178 : vector<1x16xf32> to vector<16xf32>
      %swap3A_180 = vector.shape_cast %add3A_175 : vector<16xf32> to vector<1x16xf32>
      tpu.vector_store %arg8[%swap3A_176, %swap3A_177], %swap3A_180 {strides = array<i32>} : memref<128x64xf32, #tpu.memory_space<vmem>>, vector<1x16xf32>,
    }
    %scan3A_55 = arith.constant 128 : i32
    %mul3A_56 = arith.constant 4 : i32
    %mul3A_57 = arith.muli %add3A, %mul3A_56 : i32
    %add3A_58 = arith.constant 1 : i32
    %add3A_59 = arith.addi %mul3A_57, %add3A_58 : i32
    %mul3A_60 = arith.constant 128 : i32
    %mul3A_61 = arith.muli %add3A_59, %mul3A_60 : i32
    "tpu.region"() ({
      %run_scoped3A_126 = tpu.sem_alloc : memref<!tpu.dma_semaphore, #tpu.memory_space<semaphore_mem>>
      %dma_start3A = arith.constant 0 : i32
      %dma_start3A_127 = tpu.memref_slice %arg5[%mul3A_61, %dma_start3A] : memref<16384x64xf32, #tpu.memory_space<hbm>> -> memref<128x64xf32, #tpu.memory_space<hbm>>
      %dma_start3A_128 = arith.constant 0 : i32
      %dma_start3A_129 = tpu.memref_slice %arg5[%mul3A_61, %dma_start3A_128] : memref<16384x64xf32, #tpu.memory_space<hbm>> -> memref<128x64xf32, #tpu.memory_space<hbm>>
      tpu.enqueue_dma source(%arg8 : memref<128x64xf32, #tpu.memory_space<vmem>>) target(%dma_start3A_129 : memref<128x64xf32, #tpu.memory_space<hbm>>) target_semaphore(%run_scoped3A_126 : memref<!tpu.dma_semaphore, #tpu.memory_space<semaphore_mem>>)
      %dma_wait3A_130 = arith.constant 0 : i32
      %dma_wait3A_131 = tpu.memref_slice %arg5[%mul3A_61, %dma_wait3A_130] : memref<16384x64xf32, #tpu.memory_space<hbm>> -> memref<128x64xf32, #tpu.memory_space<hbm>>
      %dma_wait3A_132 = arith.constant 0 : i32
      %dma_wait3A_133 = tpu.memref_slice %arg5[%mul3A_61, %dma_wait3A_132] : memref<16384x64xf32, #tpu.memory_space<hbm>> -> memref<128x64xf32, #tpu.memory_space<hbm>>
      tpu.wait_dma2 semaphore(%run_scoped3A_126 : memref<!tpu.dma_semaphore, #tpu.memory_space<semaphore_mem>>) src(%arg8 : memref<128x64xf32, #tpu.memory_space<vmem>>) dst(%dma_wait3A_133 : memref<128x64xf32, #tpu.memory_space<hbm>>)
      tpu.yield
    }) : () -> ()
    %run_scoped3A_62 = arith.constant 2 : i32
    "tpu.region"() ({
      %run_scoped3A_126 = tpu.sem_alloc : memref<!tpu.dma_semaphore, #tpu.memory_space<semaphore_mem>>
      %dma_start3A = arith.constant 0 : i32
      %dma_start3A_127 = tpu.memref_slice %arg2[%add3A, %run_scoped3A_62, %dma_start3A] : memref<32x4x128xi32, #tpu.memory_space<hbm>> -> memref<1x1x128xi32, #tpu.memory_space<hbm>>
      %dma_start3A_128 = tpu.memref_squeeze %dma_start3A_127 : memref<1x1x128xi32, #tpu.memory_space<hbm>> -> memref<128xi32, #tpu.memory_space<hbm>>
      %dma_start3A_129 = arith.constant 0 : i32
      %dma_start3A_130 = tpu.memref_slice %arg2[%add3A, %run_scoped3A_62, %dma_start3A_129] : memref<32x4x128xi32, #tpu.memory_space<hbm>> -> memref<1x1x128xi32, #tpu.memory_space<hbm>>
      %dma_start3A_131 = tpu.memref_squeeze %dma_start3A_130 : memref<1x1x128xi32, #tpu.memory_space<hbm>> -> memref<128xi32, #tpu.memory_space<hbm>>
      tpu.enqueue_dma source(%dma_start3A_131 : memref<128xi32, #tpu.memory_space<hbm>>) target(%arg6 : memref<128xi32, #tpu.memory_space<vmem>>) target_semaphore(%run_scoped3A_126 : memref<!tpu.dma_semaphore, #tpu.memory_space<semaphore_mem>>)
      %dma_wait3A_132 = arith.constant 0 : i32
      %dma_wait3A_133 = tpu.memref_slice %arg2[%add3A, %run_scoped3A_62, %dma_wait3A_132] : memref<32x4x128xi32, #tpu.memory_space<hbm>> -> memref<1x1x128xi32, #tpu.memory_space<hbm>>
      %dma_wait3A_134 = tpu.memref_squeeze %dma_wait3A_133 : memref<1x1x128xi32, #tpu.memory_space<hbm>> -> memref<128xi32, #tpu.memory_space<hbm>>
      %dma_wait3A_135 = arith.constant 0 : i32
      %dma_wait3A_136 = tpu.memref_slice %arg2[%add3A, %run_scoped3A_62, %dma_wait3A_135] : memref<32x4x128xi32, #tpu.memory_space<hbm>> -> memref<1x1x128xi32, #tpu.memory_space<hbm>>
      %dma_wait3A_137 = tpu.memref_squeeze %dma_wait3A_136 : memref<1x1x128xi32, #tpu.memory_space<hbm>> -> memref<128xi32, #tpu.memory_space<hbm>>
      tpu.wait_dma2 semaphore(%run_scoped3A_126 : memref<!tpu.dma_semaphore, #tpu.memory_space<semaphore_mem>>) src(%dma_wait3A_137 : memref<128xi32, #tpu.memory_space<hbm>>) dst(%arg6 : memref<128xi32, #tpu.memory_space<vmem>>)
      tpu.yield
    }) : () -> ()
    %run_scoped3A_63 = arith.constant 2 : i32
    "tpu.region"() ({
      %run_scoped3A_126 = tpu.sem_alloc : memref<!tpu.dma_semaphore, #tpu.memory_space<semaphore_mem>>
      %dma_start3A = arith.constant 0 : i32
      %dma_start3A_127 = tpu.memref_slice %arg3[%add3A, %run_scoped3A_63, %dma_start3A] : memref<32x4x128xi32, #tpu.memory_space<hbm>> -> memref<1x1x128xi32, #tpu.memory_space<hbm>>
      %dma_start3A_128 = tpu.memref_squeeze %dma_start3A_127 : memref<1x1x128xi32, #tpu.memory_space<hbm>> -> memref<128xi32, #tpu.memory_space<hbm>>
      %dma_start3A_129 = arith.constant 0 : i32
      %dma_start3A_130 = tpu.memref_slice %arg3[%add3A, %run_scoped3A_63, %dma_start3A_129] : memref<32x4x128xi32, #tpu.memory_space<hbm>> -> memref<1x1x128xi32, #tpu.memory_space<hbm>>
      %dma_start3A_131 = tpu.memref_squeeze %dma_start3A_130 : memref<1x1x128xi32, #tpu.memory_space<hbm>> -> memref<128xi32, #tpu.memory_space<hbm>>
      tpu.enqueue_dma source(%dma_start3A_131 : memref<128xi32, #tpu.memory_space<hbm>>) target(%arg7 : memref<128xi32, #tpu.memory_space<vmem>>) target_semaphore(%run_scoped3A_126 : memref<!tpu.dma_semaphore, #tpu.memory_space<semaphore_mem>>)
      %dma_wait3A_132 = arith.constant 0 : i32
      %dma_wait3A_133 = tpu.memref_slice %arg3[%add3A, %run_scoped3A_63, %dma_wait3A_132] : memref<32x4x128xi32, #tpu.memory_space<hbm>> -> memref<1x1x128xi32, #tpu.memory_space<hbm>>
      %dma_wait3A_134 = tpu.memref_squeeze %dma_wait3A_133 : memref<1x1x128xi32, #tpu.memory_space<hbm>> -> memref<128xi32, #tpu.memory_space<hbm>>
      %dma_wait3A_135 = arith.constant 0 : i32
      %dma_wait3A_136 = tpu.memref_slice %arg3[%add3A, %run_scoped3A_63, %dma_wait3A_135] : memref<32x4x128xi32, #tpu.memory_space<hbm>> -> memref<1x1x128xi32, #tpu.memory_space<hbm>>
      %dma_wait3A_137 = tpu.memref_squeeze %dma_wait3A_136 : memref<1x1x128xi32, #tpu.memory_space<hbm>> -> memref<128xi32, #tpu.memory_space<hbm>>
      tpu.wait_dma2 semaphore(%run_scoped3A_126 : memref<!tpu.dma_semaphore, #tpu.memory_space<semaphore_mem>>) src(%dma_wait3A_137 : memref<128xi32, #tpu.memory_space<hbm>>) dst(%arg7 : memref<128xi32, #tpu.memory_space<vmem>>)
      tpu.yield
    }) : () -> ()
    %scan3A_64 = arith.constant 0 : i32
    %scan3A_65 = arith.constant 0 : i32
    %scan3A_66 = arith.constant 8 : i32
    %scan3A_67 = arith.addi %scan3A_65, %scan3A_66 : i32
    %scan3A_68 = arith.constant 1 : i32
    scf.for %scan3A_126 = %scan3A_65 to %scan3A_67 step %scan3A_68  : i32 {
      %mul3A_127 = arith.constant 16 : i32
      %mul3A_128 = arith.muli %scan3A_126, %mul3A_127 : i32
      %get3A = arith.index_cast %mul3A_128 : i32 to index
      %get3A_129 = tpu.vector_load %arg6[%get3A] {strides = array<i32>} : memref<128xi32, #tpu.memory_space<vmem>>, vector<16xi32>,
      %get3A_130 = vector.shape_cast %get3A_129 : vector<16xi32> to vector<16xi32>
      %mul3A_131 = arith.constant 16 : i32
      %mul3A_132 = arith.muli %scan3A_126, %mul3A_131 : i32
      %get3A_133 = arith.index_cast %mul3A_132 : i32 to index
      %get3A_134 = tpu.vector_load %arg7[%get3A_133] {strides = array<i32>} : memref<128xi32, #tpu.memory_space<vmem>>, vector<16xi32>,
      %get3A_135 = vector.shape_cast %get3A_134 : vector<16xi32> to vector<16xi32>
      %slice3A = vector.extract_strided_slice %get3A_130 {offsets = [0], sizes = [1], strides = [1]} : vector<16xi32> to vector<1xi32>
      %squeeze3A = vector.extract %slice3A[0] : i32 from vector<1xi32>
      %slice3A_136 = vector.extract_strided_slice %get3A_135 {offsets = [0], sizes = [1], strides = [1]} : vector<16xi32> to vector<1xi32>
      %squeeze3A_137 = vector.extract %slice3A_136[0] : i32 from vector<1xi32>
      %mul3A_138 = arith.constant 16 : i32
      %mul3A_139 = arith.muli %scan3A_126, %mul3A_138 : i32
      %add3A_140 = arith.constant 0 : i32
      %add3A_141 = arith.addi %mul3A_139, %add3A_140 : i32
      %dma_start3A = arith.constant 0 : i32
      %dma_start3A_142 = tpu.memref_slice %arg8[%add3A_141, %dma_start3A] : memref<128x64xf32, #tpu.memory_space<vmem>> -> memref<1x64xf32, #tpu.memory_space<vmem>>
      %dma_start3A_143 = arith.constant 0 : i32
      %dma_start3A_144 = tpu.memref_slice %arg4[%squeeze3A, %dma_start3A_143] : memref<1000000x64xf32, #tpu.memory_space<hbm>> -> memref<1x64xf32, #tpu.memory_space<hbm>>
      %dma_start3A_145 = arith.constant 0 : i32
      %dma_start3A_146 = tpu.memref_slice %arg8[%add3A_141, %dma_start3A_145] : memref<128x64xf32, #tpu.memory_space<vmem>> -> memref<1x64xf32, #tpu.memory_space<vmem>>
      %dma_start3A_147 = arith.constant 0 : i32
      %dma_start3A_148 = tpu.memref_slice %arg4[%squeeze3A, %dma_start3A_147] : memref<1000000x64xf32, #tpu.memory_space<hbm>> -> memref<1x64xf32, #tpu.memory_space<hbm>>
      tpu.enqueue_dma source(%dma_start3A_148 : memref<1x64xf32, #tpu.memory_space<hbm>>) target(%dma_start3A_146 : memref<1x64xf32, #tpu.memory_space<vmem>>) target_semaphore(%arg10 : memref<!tpu.dma_semaphore, #tpu.memory_space<semaphore_mem>>)
      %dma_start3A_149 = arith.constant 0 : i32
      %dma_start3A_150 = tpu.memref_slice %arg9[%add3A_141, %dma_start3A_149] : memref<128x64xf32, #tpu.memory_space<vmem>> -> memref<1x64xf32, #tpu.memory_space<vmem>>
      %dma_start3A_151 = arith.constant 0 : i32
      %dma_start3A_152 = tpu.memref_slice %arg4[%squeeze3A_137, %dma_start3A_151] : memref<1000000x64xf32, #tpu.memory_space<hbm>> -> memref<1x64xf32, #tpu.memory_space<hbm>>
      %dma_start3A_153 = arith.constant 0 : i32
      %dma_start3A_154 = tpu.memref_slice %arg9[%add3A_141, %dma_start3A_153] : memref<128x64xf32, #tpu.memory_space<vmem>> -> memref<1x64xf32, #tpu.memory_space<vmem>>
      %dma_start3A_155 = arith.constant 0 : i32
      %dma_start3A_156 = tpu.memref_slice %arg4[%squeeze3A_137, %dma_start3A_155] : memref<1000000x64xf32, #tpu.memory_space<hbm>> -> memref<1x64xf32, #tpu.memory_space<hbm>>
      tpu.enqueue_dma source(%dma_start3A_156 : memref<1x64xf32, #tpu.memory_space<hbm>>) target(%dma_start3A_154 : memref<1x64xf32, #tpu.memory_space<vmem>>) target_semaphore(%arg10 : memref<!tpu.dma_semaphore, #tpu.memory_space<semaphore_mem>>)
      %slice3A_157 = vector.extract_strided_slice %get3A_130 {offsets = [1], sizes = [1], strides = [1]} : vector<16xi32> to vector<1xi32>
      %squeeze3A_158 = vector.extract %slice3A_157[0] : i32 from vector<1xi32>
      %slice3A_159 = vector.extract_strided_slice %get3A_135 {offsets = [1], sizes = [1], strides = [1]} : vector<16xi32> to vector<1xi32>
      %squeeze3A_160 = vector.extract %slice3A_159[0] : i32 from vector<1xi32>
      %mul3A_161 = arith.constant 16 : i32
      %mul3A_162 = arith.muli %scan3A_126, %mul3A_161 : i32
      %add3A_163 = arith.constant 1 : i32
      %add3A_164 = arith.addi %mul3A_162, %add3A_163 : i32
      %dma_start3A_165 = arith.constant 0 : i32
      %dma_start3A_166 = tpu.memref_slice %arg8[%add3A_164, %dma_start3A_165] : memref<128x64xf32, #tpu.memory_space<vmem>> -> memref<1x64xf32, #tpu.memory_space<vmem>>
      %dma_start3A_167 = arith.constant 0 : i32
      %dma_start3A_168 = tpu.memref_slice %arg4[%squeeze3A_158, %dma_start3A_167] : memref<1000000x64xf32, #tpu.memory_space<hbm>> -> memref<1x64xf32, #tpu.memory_space<hbm>>
      %dma_start3A_169 = arith.constant 0 : i32
      %dma_start3A_170 = tpu.memref_slice %arg8[%add3A_164, %dma_start3A_169] : memref<128x64xf32, #tpu.memory_space<vmem>> -> memref<1x64xf32, #tpu.memory_space<vmem>>
      %dma_start3A_171 = arith.constant 0 : i32
      %dma_start3A_172 = tpu.memref_slice %arg4[%squeeze3A_158, %dma_start3A_171] : memref<1000000x64xf32, #tpu.memory_space<hbm>> -> memref<1x64xf32, #tpu.memory_space<hbm>>
      tpu.enqueue_dma source(%dma_start3A_172 : memref<1x64xf32, #tpu.memory_space<hbm>>) target(%dma_start3A_170 : memref<1x64xf32, #tpu.memory_space<vmem>>) target_semaphore(%arg10 : memref<!tpu.dma_semaphore, #tpu.memory_space<semaphore_mem>>)
      %dma_start3A_173 = arith.constant 0 : i32
      %dma_start3A_174 = tpu.memref_slice %arg9[%add3A_164, %dma_start3A_173] : memref<128x64xf32, #tpu.memory_space<vmem>> -> memref<1x64xf32, #tpu.memory_space<vmem>>
      %dma_start3A_175 = arith.constant 0 : i32
      %dma_start3A_176 = tpu.memref_slice %arg4[%squeeze3A_160, %dma_start3A_175] : memref<1000000x64xf32, #tpu.memory_space<hbm>> -> memref<1x64xf32, #tpu.memory_space<hbm>>
      %dma_start3A_177 = arith.constant 0 : i32
      %dma_start3A_178 = tpu.memref_slice %arg9[%add3A_164, %dma_start3A_177] : memref<128x64xf32, #tpu.memory_space<vmem>> -> memref<1x64xf32, #tpu.memory_space<vmem>>
      %dma_start3A_179 = arith.constant 0 : i32
      %dma_start3A_180 = tpu.memref_slice %arg4[%squeeze3A_160, %dma_start3A_179] : memref<1000000x64xf32, #tpu.memory_space<hbm>> -> memref<1x64xf32, #tpu.memory_space<hbm>>
      tpu.enqueue_dma source(%dma_start3A_180 : memref<1x64xf32, #tpu.memory_space<hbm>>) target(%dma_start3A_178 : memref<1x64xf32, #tpu.memory_space<vmem>>) target_semaphore(%arg10 : memref<!tpu.dma_semaphore, #tpu.memory_space<semaphore_mem>>)
      %slice3A_181 = vector.extract_strided_slice %get3A_130 {offsets = [2], sizes = [1], strides = [1]} : vector<16xi32> to vector<1xi32>
      %squeeze3A_182 = vector.extract %slice3A_181[0] : i32 from vector<1xi32>
      %slice3A_183 = vector.extract_strided_slice %get3A_135 {offsets = [2], sizes = [1], strides = [1]} : vector<16xi32> to vector<1xi32>
      %squeeze3A_184 = vector.extract %slice3A_183[0] : i32 from vector<1xi32>
      %mul3A_185 = arith.constant 16 : i32
      %mul3A_186 = arith.muli %scan3A_126, %mul3A_185 : i32
      %add3A_187 = arith.constant 2 : i32
      %add3A_188 = arith.addi %mul3A_186, %add3A_187 : i32
      %dma_start3A_189 = arith.constant 0 : i32
      %dma_start3A_190 = tpu.memref_slice %arg8[%add3A_188, %dma_start3A_189] : memref<128x64xf32, #tpu.memory_space<vmem>> -> memref<1x64xf32, #tpu.memory_space<vmem>>
      %dma_start3A_191 = arith.constant 0 : i32
      %dma_start3A_192 = tpu.memref_slice %arg4[%squeeze3A_182, %dma_start3A_191] : memref<1000000x64xf32, #tpu.memory_space<hbm>> -> memref<1x64xf32, #tpu.memory_space<hbm>>
      %dma_start3A_193 = arith.constant 0 : i32
      %dma_start3A_194 = tpu.memref_slice %arg8[%add3A_188, %dma_start3A_193] : memref<128x64xf32, #tpu.memory_space<vmem>> -> memref<1x64xf32, #tpu.memory_space<vmem>>
      %dma_start3A_195 = arith.constant 0 : i32
      %dma_start3A_196 = tpu.memref_slice %arg4[%squeeze3A_182, %dma_start3A_195] : memref<1000000x64xf32, #tpu.memory_space<hbm>> -> memref<1x64xf32, #tpu.memory_space<hbm>>
      tpu.enqueue_dma source(%dma_start3A_196 : memref<1x64xf32, #tpu.memory_space<hbm>>) target(%dma_start3A_194 : memref<1x64xf32, #tpu.memory_space<vmem>>) target_semaphore(%arg10 : memref<!tpu.dma_semaphore, #tpu.memory_space<semaphore_mem>>)
      %dma_start3A_197 = arith.constant 0 : i32
      %dma_start3A_198 = tpu.memref_slice %arg9[%add3A_188, %dma_start3A_197] : memref<128x64xf32, #tpu.memory_space<vmem>> -> memref<1x64xf32, #tpu.memory_space<vmem>>
      %dma_start3A_199 = arith.constant 0 : i32
      %dma_start3A_200 = tpu.memref_slice %arg4[%squeeze3A_184, %dma_start3A_199] : memref<1000000x64xf32, #tpu.memory_space<hbm>> -> memref<1x64xf32, #tpu.memory_space<hbm>>
      %dma_start3A_201 = arith.constant 0 : i32
      %dma_start3A_202 = tpu.memref_slice %arg9[%add3A_188, %dma_start3A_201] : memref<128x64xf32, #tpu.memory_space<vmem>> -> memref<1x64xf32, #tpu.memory_space<vmem>>
      %dma_start3A_203 = arith.constant 0 : i32
      %dma_start3A_204 = tpu.memref_slice %arg4[%squeeze3A_184, %dma_start3A_203] : memref<1000000x64xf32, #tpu.memory_space<hbm>> -> memref<1x64xf32, #tpu.memory_space<hbm>>
      tpu.enqueue_dma source(%dma_start3A_204 : memref<1x64xf32, #tpu.memory_space<hbm>>) target(%dma_start3A_202 : memref<1x64xf32, #tpu.memory_space<vmem>>) target_semaphore(%arg10 : memref<!tpu.dma_semaphore, #tpu.memory_space<semaphore_mem>>)
      %slice3A_205 = vector.extract_strided_slice %get3A_130 {offsets = [3], sizes = [1], strides = [1]} : vector<16xi32> to vector<1xi32>
      %squeeze3A_206 = vector.extract %slice3A_205[0] : i32 from vector<1xi32>
      %slice3A_207 = vector.extract_strided_slice %get3A_135 {offsets = [3], sizes = [1], strides = [1]} : vector<16xi32> to vector<1xi32>
      %squeeze3A_208 = vector.extract %slice3A_207[0] : i32 from vector<1xi32>
      %mul3A_209 = arith.constant 16 : i32
      %mul3A_210 = arith.muli %scan3A_126, %mul3A_209 : i32
      %add3A_211 = arith.constant 3 : i32
      %add3A_212 = arith.addi %mul3A_210, %add3A_211 : i32
      %dma_start3A_213 = arith.constant 0 : i32
      %dma_start3A_214 = tpu.memref_slice %arg8[%add3A_212, %dma_start3A_213] : memref<128x64xf32, #tpu.memory_space<vmem>> -> memref<1x64xf32, #tpu.memory_space<vmem>>
      %dma_start3A_215 = arith.constant 0 : i32
      %dma_start3A_216 = tpu.memref_slice %arg4[%squeeze3A_206, %dma_start3A_215] : memref<1000000x64xf32, #tpu.memory_space<hbm>> -> memref<1x64xf32, #tpu.memory_space<hbm>>
      %dma_start3A_217 = arith.constant 0 : i32
      %dma_start3A_218 = tpu.memref_slice %arg8[%add3A_212, %dma_start3A_217] : memref<128x64xf32, #tpu.memory_space<vmem>> -> memref<1x64xf32, #tpu.memory_space<vmem>>
      %dma_start3A_219 = arith.constant 0 : i32
      %dma_start3A_220 = tpu.memref_slice %arg4[%squeeze3A_206, %dma_start3A_219] : memref<1000000x64xf32, #tpu.memory_space<hbm>> -> memref<1x64xf32, #tpu.memory_space<hbm>>
      tpu.enqueue_dma source(%dma_start3A_220 : memref<1x64xf32, #tpu.memory_space<hbm>>) target(%dma_start3A_218 : memref<1x64xf32, #tpu.memory_space<vmem>>) target_semaphore(%arg10 : memref<!tpu.dma_semaphore, #tpu.memory_space<semaphore_mem>>)
      %dma_start3A_221 = arith.constant 0 : i32
      %dma_start3A_222 = tpu.memref_slice %arg9[%add3A_212, %dma_start3A_221] : memref<128x64xf32, #tpu.memory_space<vmem>> -> memref<1x64xf32, #tpu.memory_space<vmem>>
      %dma_start3A_223 = arith.constant 0 : i32
      %dma_start3A_224 = tpu.memref_slice %arg4[%squeeze3A_208, %dma_start3A_223] : memref<1000000x64xf32, #tpu.memory_space<hbm>> -> memref<1x64xf32, #tpu.memory_space<hbm>>
      %dma_start3A_225 = arith.constant 0 : i32
      %dma_start3A_226 = tpu.memref_slice %arg9[%add3A_212, %dma_start3A_225] : memref<128x64xf32, #tpu.memory_space<vmem>> -> memref<1x64xf32, #tpu.memory_space<vmem>>
      %dma_start3A_227 = arith.constant 0 : i32
      %dma_start3A_228 = tpu.memref_slice %arg4[%squeeze3A_208, %dma_start3A_227] : memref<1000000x64xf32, #tpu.memory_space<hbm>> -> memref<1x64xf32, #tpu.memory_space<hbm>>
      tpu.enqueue_dma source(%dma_start3A_228 : memref<1x64xf32, #tpu.memory_space<hbm>>) target(%dma_start3A_226 : memref<1x64xf32, #tpu.memory_space<vmem>>) target_semaphore(%arg10 : memref<!tpu.dma_semaphore, #tpu.memory_space<semaphore_mem>>)
      %slice3A_229 = vector.extract_strided_slice %get3A_130 {offsets = [4], sizes = [1], strides = [1]} : vector<16xi32> to vector<1xi32>
      %squeeze3A_230 = vector.extract %slice3A_229[0] : i32 from vector<1xi32>
      %slice3A_231 = vector.extract_strided_slice %get3A_135 {offsets = [4], sizes = [1], strides = [1]} : vector<16xi32> to vector<1xi32>
      %squeeze3A_232 = vector.extract %slice3A_231[0] : i32 from vector<1xi32>
      %mul3A_233 = arith.constant 16 : i32
      %mul3A_234 = arith.muli %scan3A_126, %mul3A_233 : i32
      %add3A_235 = arith.constant 4 : i32
      %add3A_236 = arith.addi %mul3A_234, %add3A_235 : i32
      %dma_start3A_237 = arith.constant 0 : i32
      %dma_start3A_238 = tpu.memref_slice %arg8[%add3A_236, %dma_start3A_237] : memref<128x64xf32, #tpu.memory_space<vmem>> -> memref<1x64xf32, #tpu.memory_space<vmem>>
      %dma_start3A_239 = arith.constant 0 : i32
      %dma_start3A_240 = tpu.memref_slice %arg4[%squeeze3A_230, %dma_start3A_239] : memref<1000000x64xf32, #tpu.memory_space<hbm>> -> memref<1x64xf32, #tpu.memory_space<hbm>>
      %dma_start3A_241 = arith.constant 0 : i32
      %dma_start3A_242 = tpu.memref_slice %arg8[%add3A_236, %dma_start3A_241] : memref<128x64xf32, #tpu.memory_space<vmem>> -> memref<1x64xf32, #tpu.memory_space<vmem>>
      %dma_start3A_243 = arith.constant 0 : i32
      %dma_start3A_244 = tpu.memref_slice %arg4[%squeeze3A_230, %dma_start3A_243] : memref<1000000x64xf32, #tpu.memory_space<hbm>> -> memref<1x64xf32, #tpu.memory_space<hbm>>
      tpu.enqueue_dma source(%dma_start3A_244 : memref<1x64xf32, #tpu.memory_space<hbm>>) target(%dma_start3A_242 : memref<1x64xf32, #tpu.memory_space<vmem>>) target_semaphore(%arg10 : memref<!tpu.dma_semaphore, #tpu.memory_space<semaphore_mem>>)
      %dma_start3A_245 = arith.constant 0 : i32
      %dma_start3A_246 = tpu.memref_slice %arg9[%add3A_236, %dma_start3A_245] : memref<128x64xf32, #tpu.memory_space<vmem>> -> memref<1x64xf32, #tpu.memory_space<vmem>>
      %dma_start3A_247 = arith.constant 0 : i32
      %dma_start3A_248 = tpu.memref_slice %arg4[%squeeze3A_232, %dma_start3A_247] : memref<1000000x64xf32, #tpu.memory_space<hbm>> -> memref<1x64xf32, #tpu.memory_space<hbm>>
      %dma_start3A_249 = arith.constant 0 : i32
      %dma_start3A_250 = tpu.memref_slice %arg9[%add3A_236, %dma_start3A_249] : memref<128x64xf32, #tpu.memory_space<vmem>> -> memref<1x64xf32, #tpu.memory_space<vmem>>
      %dma_start3A_251 = arith.constant 0 : i32
      %dma_start3A_252 = tpu.memref_slice %arg4[%squeeze3A_232, %dma_start3A_251] : memref<1000000x64xf32, #tpu.memory_space<hbm>> -> memref<1x64xf32, #tpu.memory_space<hbm>>
      tpu.enqueue_dma source(%dma_start3A_252 : memref<1x64xf32, #tpu.memory_space<hbm>>) target(%dma_start3A_250 : memref<1x64xf32, #tpu.memory_space<vmem>>) target_semaphore(%arg10 : memref<!tpu.dma_semaphore, #tpu.memory_space<semaphore_mem>>)
      %slice3A_253 = vector.extract_strided_slice %get3A_130 {offsets = [5], sizes = [1], strides = [1]} : vector<16xi32> to vector<1xi32>
      %squeeze3A_254 = vector.extract %slice3A_253[0] : i32 from vector<1xi32>
      %slice3A_255 = vector.extract_strided_slice %get3A_135 {offsets = [5], sizes = [1], strides = [1]} : vector<16xi32> to vector<1xi32>
      %squeeze3A_256 = vector.extract %slice3A_255[0] : i32 from vector<1xi32>
      %mul3A_257 = arith.constant 16 : i32
      %mul3A_258 = arith.muli %scan3A_126, %mul3A_257 : i32
      %add3A_259 = arith.constant 5 : i32
      %add3A_260 = arith.addi %mul3A_258, %add3A_259 : i32
      %dma_start3A_261 = arith.constant 0 : i32
      %dma_start3A_262 = tpu.memref_slice %arg8[%add3A_260, %dma_start3A_261] : memref<128x64xf32, #tpu.memory_space<vmem>> -> memref<1x64xf32, #tpu.memory_space<vmem>>
      %dma_start3A_263 = arith.constant 0 : i32
      %dma_start3A_264 = tpu.memref_slice %arg4[%squeeze3A_254, %dma_start3A_263] : memref<1000000x64xf32, #tpu.memory_space<hbm>> -> memref<1x64xf32, #tpu.memory_space<hbm>>
      %dma_start3A_265 = arith.constant 0 : i32
      %dma_start3A_266 = tpu.memref_slice %arg8[%add3A_260, %dma_start3A_265] : memref<128x64xf32, #tpu.memory_space<vmem>> -> memref<1x64xf32, #tpu.memory_space<vmem>>
      %dma_start3A_267 = arith.constant 0 : i32
      %dma_start3A_268 = tpu.memref_slice %arg4[%squeeze3A_254, %dma_start3A_267] : memref<1000000x64xf32, #tpu.memory_space<hbm>> -> memref<1x64xf32, #tpu.memory_space<hbm>>
      tpu.enqueue_dma source(%dma_start3A_268 : memref<1x64xf32, #tpu.memory_space<hbm>>) target(%dma_start3A_266 : memref<1x64xf32, #tpu.memory_space<vmem>>) target_semaphore(%arg10 : memref<!tpu.dma_semaphore, #tpu.memory_space<semaphore_mem>>)
      %dma_start3A_269 = arith.constant 0 : i32
      %dma_start3A_270 = tpu.memref_slice %arg9[%add3A_260, %dma_start3A_269] : memref<128x64xf32, #tpu.memory_space<vmem>> -> memref<1x64xf32, #tpu.memory_space<vmem>>
      %dma_start3A_271 = arith.constant 0 : i32
      %dma_start3A_272 = tpu.memref_slice %arg4[%squeeze3A_256, %dma_start3A_271] : memref<1000000x64xf32, #tpu.memory_space<hbm>> -> memref<1x64xf32, #tpu.memory_space<hbm>>
      %dma_start3A_273 = arith.constant 0 : i32
      %dma_start3A_274 = tpu.memref_slice %arg9[%add3A_260, %dma_start3A_273] : memref<128x64xf32, #tpu.memory_space<vmem>> -> memref<1x64xf32, #tpu.memory_space<vmem>>
      %dma_start3A_275 = arith.constant 0 : i32
      %dma_start3A_276 = tpu.memref_slice %arg4[%squeeze3A_256, %dma_start3A_275] : memref<1000000x64xf32, #tpu.memory_space<hbm>> -> memref<1x64xf32, #tpu.memory_space<hbm>>
      tpu.enqueue_dma source(%dma_start3A_276 : memref<1x64xf32, #tpu.memory_space<hbm>>) target(%dma_start3A_274 : memref<1x64xf32, #tpu.memory_space<vmem>>) target_semaphore(%arg10 : memref<!tpu.dma_semaphore, #tpu.memory_space<semaphore_mem>>)
      %slice3A_277 = vector.extract_strided_slice %get3A_130 {offsets = [6], sizes = [1], strides = [1]} : vector<16xi32> to vector<1xi32>
      %squeeze3A_278 = vector.extract %slice3A_277[0] : i32 from vector<1xi32>
      %slice3A_279 = vector.extract_strided_slice %get3A_135 {offsets = [6], sizes = [1], strides = [1]} : vector<16xi32> to vector<1xi32>
      %squeeze3A_280 = vector.extract %slice3A_279[0] : i32 from vector<1xi32>
      %mul3A_281 = arith.constant 16 : i32
      %mul3A_282 = arith.muli %scan3A_126, %mul3A_281 : i32
      %add3A_283 = arith.constant 6 : i32
      %add3A_284 = arith.addi %mul3A_282, %add3A_283 : i32
      %dma_start3A_285 = arith.constant 0 : i32
      %dma_start3A_286 = tpu.memref_slice %arg8[%add3A_284, %dma_start3A_285] : memref<128x64xf32, #tpu.memory_space<vmem>> -> memref<1x64xf32, #tpu.memory_space<vmem>>
      %dma_start3A_287 = arith.constant 0 : i32
      %dma_start3A_288 = tpu.memref_slice %arg4[%squeeze3A_278, %dma_start3A_287] : memref<1000000x64xf32, #tpu.memory_space<hbm>> -> memref<1x64xf32, #tpu.memory_space<hbm>>
      %dma_start3A_289 = arith.constant 0 : i32
      %dma_start3A_290 = tpu.memref_slice %arg8[%add3A_284, %dma_start3A_289] : memref<128x64xf32, #tpu.memory_space<vmem>> -> memref<1x64xf32, #tpu.memory_space<vmem>>
      %dma_start3A_291 = arith.constant 0 : i32
      %dma_start3A_292 = tpu.memref_slice %arg4[%squeeze3A_278, %dma_start3A_291] : memref<1000000x64xf32, #tpu.memory_space<hbm>> -> memref<1x64xf32, #tpu.memory_space<hbm>>
      tpu.enqueue_dma source(%dma_start3A_292 : memref<1x64xf32, #tpu.memory_space<hbm>>) target(%dma_start3A_290 : memref<1x64xf32, #tpu.memory_space<vmem>>) target_semaphore(%arg10 : memref<!tpu.dma_semaphore, #tpu.memory_space<semaphore_mem>>)
      %dma_start3A_293 = arith.constant 0 : i32
      %dma_start3A_294 = tpu.memref_slice %arg9[%add3A_284, %dma_start3A_293] : memref<128x64xf32, #tpu.memory_space<vmem>> -> memref<1x64xf32, #tpu.memory_space<vmem>>
      %dma_start3A_295 = arith.constant 0 : i32
      %dma_start3A_296 = tpu.memref_slice %arg4[%squeeze3A_280, %dma_start3A_295] : memref<1000000x64xf32, #tpu.memory_space<hbm>> -> memref<1x64xf32, #tpu.memory_space<hbm>>
      %dma_start3A_297 = arith.constant 0 : i32
      %dma_start3A_298 = tpu.memref_slice %arg9[%add3A_284, %dma_start3A_297] : memref<128x64xf32, #tpu.memory_space<vmem>> -> memref<1x64xf32, #tpu.memory_space<vmem>>
      %dma_start3A_299 = arith.constant 0 : i32
      %dma_start3A_300 = tpu.memref_slice %arg4[%squeeze3A_280, %dma_start3A_299] : memref<1000000x64xf32, #tpu.memory_space<hbm>> -> memref<1x64xf32, #tpu.memory_space<hbm>>
      tpu.enqueue_dma source(%dma_start3A_300 : memref<1x64xf32, #tpu.memory_space<hbm>>) target(%dma_start3A_298 : memref<1x64xf32, #tpu.memory_space<vmem>>) target_semaphore(%arg10 : memref<!tpu.dma_semaphore, #tpu.memory_space<semaphore_mem>>)
      %slice3A_301 = vector.extract_strided_slice %get3A_130 {offsets = [7], sizes = [1], strides = [1]} : vector<16xi32> to vector<1xi32>
      %squeeze3A_302 = vector.extract %slice3A_301[0] : i32 from vector<1xi32>
      %slice3A_303 = vector.extract_strided_slice %get3A_135 {offsets = [7], sizes = [1], strides = [1]} : vector<16xi32> to vector<1xi32>
      %squeeze3A_304 = vector.extract %slice3A_303[0] : i32 from vector<1xi32>
      %mul3A_305 = arith.constant 16 : i32
      %mul3A_306 = arith.muli %scan3A_126, %mul3A_305 : i32
      %add3A_307 = arith.constant 7 : i32
      %add3A_308 = arith.addi %mul3A_306, %add3A_307 : i32
      %dma_start3A_309 = arith.constant 0 : i32
      %dma_start3A_310 = tpu.memref_slice %arg8[%add3A_308, %dma_start3A_309] : memref<128x64xf32, #tpu.memory_space<vmem>> -> memref<1x64xf32, #tpu.memory_space<vmem>>
      %dma_start3A_311 = arith.constant 0 : i32
      %dma_start3A_312 = tpu.memref_slice %arg4[%squeeze3A_302, %dma_start3A_311] : memref<1000000x64xf32, #tpu.memory_space<hbm>> -> memref<1x64xf32, #tpu.memory_space<hbm>>
      %dma_start3A_313 = arith.constant 0 : i32
      %dma_start3A_314 = tpu.memref_slice %arg8[%add3A_308, %dma_start3A_313] : memref<128x64xf32, #tpu.memory_space<vmem>> -> memref<1x64xf32, #tpu.memory_space<vmem>>
      %dma_start3A_315 = arith.constant 0 : i32
      %dma_start3A_316 = tpu.memref_slice %arg4[%squeeze3A_302, %dma_start3A_315] : memref<1000000x64xf32, #tpu.memory_space<hbm>> -> memref<1x64xf32, #tpu.memory_space<hbm>>
      tpu.enqueue_dma source(%dma_start3A_316 : memref<1x64xf32, #tpu.memory_space<hbm>>) target(%dma_start3A_314 : memref<1x64xf32, #tpu.memory_space<vmem>>) target_semaphore(%arg10 : memref<!tpu.dma_semaphore, #tpu.memory_space<semaphore_mem>>)
      %dma_start3A_317 = arith.constant 0 : i32
      %dma_start3A_318 = tpu.memref_slice %arg9[%add3A_308, %dma_start3A_317] : memref<128x64xf32, #tpu.memory_space<vmem>> -> memref<1x64xf32, #tpu.memory_space<vmem>>
      %dma_start3A_319 = arith.constant 0 : i32
      %dma_start3A_320 = tpu.memref_slice %arg4[%squeeze3A_304, %dma_start3A_319] : memref<1000000x64xf32, #tpu.memory_space<hbm>> -> memref<1x64xf32, #tpu.memory_space<hbm>>
      %dma_start3A_321 = arith.constant 0 : i32
      %dma_start3A_322 = tpu.memref_slice %arg9[%add3A_308, %dma_start3A_321] : memref<128x64xf32, #tpu.memory_space<vmem>> -> memref<1x64xf32, #tpu.memory_space<vmem>>
      %dma_start3A_323 = arith.constant 0 : i32
      %dma_start3A_324 = tpu.memref_slice %arg4[%squeeze3A_304, %dma_start3A_323] : memref<1000000x64xf32, #tpu.memory_space<hbm>> -> memref<1x64xf32, #tpu.memory_space<hbm>>
      tpu.enqueue_dma source(%dma_start3A_324 : memref<1x64xf32, #tpu.memory_space<hbm>>) target(%dma_start3A_322 : memref<1x64xf32, #tpu.memory_space<vmem>>) target_semaphore(%arg10 : memref<!tpu.dma_semaphore, #tpu.memory_space<semaphore_mem>>)
      %slice3A_325 = vector.extract_strided_slice %get3A_130 {offsets = [8], sizes = [1], strides = [1]} : vector<16xi32> to vector<1xi32>
      %squeeze3A_326 = vector.extract %slice3A_325[0] : i32 from vector<1xi32>
      %slice3A_327 = vector.extract_strided_slice %get3A_135 {offsets = [8], sizes = [1], strides = [1]} : vector<16xi32> to vector<1xi32>
      %squeeze3A_328 = vector.extract %slice3A_327[0] : i32 from vector<1xi32>
      %mul3A_329 = arith.constant 16 : i32
      %mul3A_330 = arith.muli %scan3A_126, %mul3A_329 : i32
      %add3A_331 = arith.constant 8 : i32
      %add3A_332 = arith.addi %mul3A_330, %add3A_331 : i32
      %dma_start3A_333 = arith.constant 0 : i32
      %dma_start3A_334 = tpu.memref_slice %arg8[%add3A_332, %dma_start3A_333] : memref<128x64xf32, #tpu.memory_space<vmem>> -> memref<1x64xf32, #tpu.memory_space<vmem>>
      %dma_start3A_335 = arith.constant 0 : i32
      %dma_start3A_336 = tpu.memref_slice %arg4[%squeeze3A_326, %dma_start3A_335] : memref<1000000x64xf32, #tpu.memory_space<hbm>> -> memref<1x64xf32, #tpu.memory_space<hbm>>
      %dma_start3A_337 = arith.constant 0 : i32
      %dma_start3A_338 = tpu.memref_slice %arg8[%add3A_332, %dma_start3A_337] : memref<128x64xf32, #tpu.memory_space<vmem>> -> memref<1x64xf32, #tpu.memory_space<vmem>>
      %dma_start3A_339 = arith.constant 0 : i32
      %dma_start3A_340 = tpu.memref_slice %arg4[%squeeze3A_326, %dma_start3A_339] : memref<1000000x64xf32, #tpu.memory_space<hbm>> -> memref<1x64xf32, #tpu.memory_space<hbm>>
      tpu.enqueue_dma source(%dma_start3A_340 : memref<1x64xf32, #tpu.memory_space<hbm>>) target(%dma_start3A_338 : memref<1x64xf32, #tpu.memory_space<vmem>>) target_semaphore(%arg10 : memref<!tpu.dma_semaphore, #tpu.memory_space<semaphore_mem>>)
      %dma_start3A_341 = arith.constant 0 : i32
      %dma_start3A_342 = tpu.memref_slice %arg9[%add3A_332, %dma_start3A_341] : memref<128x64xf32, #tpu.memory_space<vmem>> -> memref<1x64xf32, #tpu.memory_space<vmem>>
      %dma_start3A_343 = arith.constant 0 : i32
      %dma_start3A_344 = tpu.memref_slice %arg4[%squeeze3A_328, %dma_start3A_343] : memref<1000000x64xf32, #tpu.memory_space<hbm>> -> memref<1x64xf32, #tpu.memory_space<hbm>>
      %dma_start3A_345 = arith.constant 0 : i32
      %dma_start3A_346 = tpu.memref_slice %arg9[%add3A_332, %dma_start3A_345] : memref<128x64xf32, #tpu.memory_space<vmem>> -> memref<1x64xf32, #tpu.memory_space<vmem>>
      %dma_start3A_347 = arith.constant 0 : i32
      %dma_start3A_348 = tpu.memref_slice %arg4[%squeeze3A_328, %dma_start3A_347] : memref<1000000x64xf32, #tpu.memory_space<hbm>> -> memref<1x64xf32, #tpu.memory_space<hbm>>
      tpu.enqueue_dma source(%dma_start3A_348 : memref<1x64xf32, #tpu.memory_space<hbm>>) target(%dma_start3A_346 : memref<1x64xf32, #tpu.memory_space<vmem>>) target_semaphore(%arg10 : memref<!tpu.dma_semaphore, #tpu.memory_space<semaphore_mem>>)
      %slice3A_349 = vector.extract_strided_slice %get3A_130 {offsets = [9], sizes = [1], strides = [1]} : vector<16xi32> to vector<1xi32>
      %squeeze3A_350 = vector.extract %slice3A_349[0] : i32 from vector<1xi32>
      %slice3A_351 = vector.extract_strided_slice %get3A_135 {offsets = [9], sizes = [1], strides = [1]} : vector<16xi32> to vector<1xi32>
      %squeeze3A_352 = vector.extract %slice3A_351[0] : i32 from vector<1xi32>
      %mul3A_353 = arith.constant 16 : i32
      %mul3A_354 = arith.muli %scan3A_126, %mul3A_353 : i32
      %add3A_355 = arith.constant 9 : i32
      %add3A_356 = arith.addi %mul3A_354, %add3A_355 : i32
      %dma_start3A_357 = arith.constant 0 : i32
      %dma_start3A_358 = tpu.memref_slice %arg8[%add3A_356, %dma_start3A_357] : memref<128x64xf32, #tpu.memory_space<vmem>> -> memref<1x64xf32, #tpu.memory_space<vmem>>
      %dma_start3A_359 = arith.constant 0 : i32
      %dma_start3A_360 = tpu.memref_slice %arg4[%squeeze3A_350, %dma_start3A_359] : memref<1000000x64xf32, #tpu.memory_space<hbm>> -> memref<1x64xf32, #tpu.memory_space<hbm>>
      %dma_start3A_361 = arith.constant 0 : i32
      %dma_start3A_362 = tpu.memref_slice %arg8[%add3A_356, %dma_start3A_361] : memref<128x64xf32, #tpu.memory_space<vmem>> -> memref<1x64xf32, #tpu.memory_space<vmem>>
      %dma_start3A_363 = arith.constant 0 : i32
      %dma_start3A_364 = tpu.memref_slice %arg4[%squeeze3A_350, %dma_start3A_363] : memref<1000000x64xf32, #tpu.memory_space<hbm>> -> memref<1x64xf32, #tpu.memory_space<hbm>>
      tpu.enqueue_dma source(%dma_start3A_364 : memref<1x64xf32, #tpu.memory_space<hbm>>) target(%dma_start3A_362 : memref<1x64xf32, #tpu.memory_space<vmem>>) target_semaphore(%arg10 : memref<!tpu.dma_semaphore, #tpu.memory_space<semaphore_mem>>)
      %dma_start3A_365 = arith.constant 0 : i32
      %dma_start3A_366 = tpu.memref_slice %arg9[%add3A_356, %dma_start3A_365] : memref<128x64xf32, #tpu.memory_space<vmem>> -> memref<1x64xf32, #tpu.memory_space<vmem>>
      %dma_start3A_367 = arith.constant 0 : i32
      %dma_start3A_368 = tpu.memref_slice %arg4[%squeeze3A_352, %dma_start3A_367] : memref<1000000x64xf32, #tpu.memory_space<hbm>> -> memref<1x64xf32, #tpu.memory_space<hbm>>
      %dma_start3A_369 = arith.constant 0 : i32
      %dma_start3A_370 = tpu.memref_slice %arg9[%add3A_356, %dma_start3A_369] : memref<128x64xf32, #tpu.memory_space<vmem>> -> memref<1x64xf32, #tpu.memory_space<vmem>>
      %dma_start3A_371 = arith.constant 0 : i32
      %dma_start3A_372 = tpu.memref_slice %arg4[%squeeze3A_352, %dma_start3A_371] : memref<1000000x64xf32, #tpu.memory_space<hbm>> -> memref<1x64xf32, #tpu.memory_space<hbm>>
      tpu.enqueue_dma source(%dma_start3A_372 : memref<1x64xf32, #tpu.memory_space<hbm>>) target(%dma_start3A_370 : memref<1x64xf32, #tpu.memory_space<vmem>>) target_semaphore(%arg10 : memref<!tpu.dma_semaphore, #tpu.memory_space<semaphore_mem>>)
      %slice3A_373 = vector.extract_strided_slice %get3A_130 {offsets = [10], sizes = [1], strides = [1]} : vector<16xi32> to vector<1xi32>
      %squeeze3A_374 = vector.extract %slice3A_373[0] : i32 from vector<1xi32>
      %slice3A_375 = vector.extract_strided_slice %get3A_135 {offsets = [10], sizes = [1], strides = [1]} : vector<16xi32> to vector<1xi32>
      %squeeze3A_376 = vector.extract %slice3A_375[0] : i32 from vector<1xi32>
      %mul3A_377 = arith.constant 16 : i32
      %mul3A_378 = arith.muli %scan3A_126, %mul3A_377 : i32
      %add3A_379 = arith.constant 10 : i32
      %add3A_380 = arith.addi %mul3A_378, %add3A_379 : i32
      %dma_start3A_381 = arith.constant 0 : i32
      %dma_start3A_382 = tpu.memref_slice %arg8[%add3A_380, %dma_start3A_381] : memref<128x64xf32, #tpu.memory_space<vmem>> -> memref<1x64xf32, #tpu.memory_space<vmem>>
      %dma_start3A_383 = arith.constant 0 : i32
      %dma_start3A_384 = tpu.memref_slice %arg4[%squeeze3A_374, %dma_start3A_383] : memref<1000000x64xf32, #tpu.memory_space<hbm>> -> memref<1x64xf32, #tpu.memory_space<hbm>>
      %dma_start3A_385 = arith.constant 0 : i32
      %dma_start3A_386 = tpu.memref_slice %arg8[%add3A_380, %dma_start3A_385] : memref<128x64xf32, #tpu.memory_space<vmem>> -> memref<1x64xf32, #tpu.memory_space<vmem>>
      %dma_start3A_387 = arith.constant 0 : i32
      %dma_start3A_388 = tpu.memref_slice %arg4[%squeeze3A_374, %dma_start3A_387] : memref<1000000x64xf32, #tpu.memory_space<hbm>> -> memref<1x64xf32, #tpu.memory_space<hbm>>
      tpu.enqueue_dma source(%dma_start3A_388 : memref<1x64xf32, #tpu.memory_space<hbm>>) target(%dma_start3A_386 : memref<1x64xf32, #tpu.memory_space<vmem>>) target_semaphore(%arg10 : memref<!tpu.dma_semaphore, #tpu.memory_space<semaphore_mem>>)
      %dma_start3A_389 = arith.constant 0 : i32
      %dma_start3A_390 = tpu.memref_slice %arg9[%add3A_380, %dma_start3A_389] : memref<128x64xf32, #tpu.memory_space<vmem>> -> memref<1x64xf32, #tpu.memory_space<vmem>>
      %dma_start3A_391 = arith.constant 0 : i32
      %dma_start3A_392 = tpu.memref_slice %arg4[%squeeze3A_376, %dma_start3A_391] : memref<1000000x64xf32, #tpu.memory_space<hbm>> -> memref<1x64xf32, #tpu.memory_space<hbm>>
      %dma_start3A_393 = arith.constant 0 : i32
      %dma_start3A_394 = tpu.memref_slice %arg9[%add3A_380, %dma_start3A_393] : memref<128x64xf32, #tpu.memory_space<vmem>> -> memref<1x64xf32, #tpu.memory_space<vmem>>
      %dma_start3A_395 = arith.constant 0 : i32
      %dma_start3A_396 = tpu.memref_slice %arg4[%squeeze3A_376, %dma_start3A_395] : memref<1000000x64xf32, #tpu.memory_space<hbm>> -> memref<1x64xf32, #tpu.memory_space<hbm>>
      tpu.enqueue_dma source(%dma_start3A_396 : memref<1x64xf32, #tpu.memory_space<hbm>>) target(%dma_start3A_394 : memref<1x64xf32, #tpu.memory_space<vmem>>) target_semaphore(%arg10 : memref<!tpu.dma_semaphore, #tpu.memory_space<semaphore_mem>>)
      %slice3A_397 = vector.extract_strided_slice %get3A_130 {offsets = [11], sizes = [1], strides = [1]} : vector<16xi32> to vector<1xi32>
      %squeeze3A_398 = vector.extract %slice3A_397[0] : i32 from vector<1xi32>
      %slice3A_399 = vector.extract_strided_slice %get3A_135 {offsets = [11], sizes = [1], strides = [1]} : vector<16xi32> to vector<1xi32>
      %squeeze3A_400 = vector.extract %slice3A_399[0] : i32 from vector<1xi32>
      %mul3A_401 = arith.constant 16 : i32
      %mul3A_402 = arith.muli %scan3A_126, %mul3A_401 : i32
      %add3A_403 = arith.constant 11 : i32
      %add3A_404 = arith.addi %mul3A_402, %add3A_403 : i32
      %dma_start3A_405 = arith.constant 0 : i32
      %dma_start3A_406 = tpu.memref_slice %arg8[%add3A_404, %dma_start3A_405] : memref<128x64xf32, #tpu.memory_space<vmem>> -> memref<1x64xf32, #tpu.memory_space<vmem>>
      %dma_start3A_407 = arith.constant 0 : i32
      %dma_start3A_408 = tpu.memref_slice %arg4[%squeeze3A_398, %dma_start3A_407] : memref<1000000x64xf32, #tpu.memory_space<hbm>> -> memref<1x64xf32, #tpu.memory_space<hbm>>
      %dma_start3A_409 = arith.constant 0 : i32
      %dma_start3A_410 = tpu.memref_slice %arg8[%add3A_404, %dma_start3A_409] : memref<128x64xf32, #tpu.memory_space<vmem>> -> memref<1x64xf32, #tpu.memory_space<vmem>>
      %dma_start3A_411 = arith.constant 0 : i32
      %dma_start3A_412 = tpu.memref_slice %arg4[%squeeze3A_398, %dma_start3A_411] : memref<1000000x64xf32, #tpu.memory_space<hbm>> -> memref<1x64xf32, #tpu.memory_space<hbm>>
      tpu.enqueue_dma source(%dma_start3A_412 : memref<1x64xf32, #tpu.memory_space<hbm>>) target(%dma_start3A_410 : memref<1x64xf32, #tpu.memory_space<vmem>>) target_semaphore(%arg10 : memref<!tpu.dma_semaphore, #tpu.memory_space<semaphore_mem>>)
      %dma_start3A_413 = arith.constant 0 : i32
      %dma_start3A_414 = tpu.memref_slice %arg9[%add3A_404, %dma_start3A_413] : memref<128x64xf32, #tpu.memory_space<vmem>> -> memref<1x64xf32, #tpu.memory_space<vmem>>
      %dma_start3A_415 = arith.constant 0 : i32
      %dma_start3A_416 = tpu.memref_slice %arg4[%squeeze3A_400, %dma_start3A_415] : memref<1000000x64xf32, #tpu.memory_space<hbm>> -> memref<1x64xf32, #tpu.memory_space<hbm>>
      %dma_start3A_417 = arith.constant 0 : i32
      %dma_start3A_418 = tpu.memref_slice %arg9[%add3A_404, %dma_start3A_417] : memref<128x64xf32, #tpu.memory_space<vmem>> -> memref<1x64xf32, #tpu.memory_space<vmem>>
      %dma_start3A_419 = arith.constant 0 : i32
      %dma_start3A_420 = tpu.memref_slice %arg4[%squeeze3A_400, %dma_start3A_419] : memref<1000000x64xf32, #tpu.memory_space<hbm>> -> memref<1x64xf32, #tpu.memory_space<hbm>>
      tpu.enqueue_dma source(%dma_start3A_420 : memref<1x64xf32, #tpu.memory_space<hbm>>) target(%dma_start3A_418 : memref<1x64xf32, #tpu.memory_space<vmem>>) target_semaphore(%arg10 : memref<!tpu.dma_semaphore, #tpu.memory_space<semaphore_mem>>)
      %slice3A_421 = vector.extract_strided_slice %get3A_130 {offsets = [12], sizes = [1], strides = [1]} : vector<16xi32> to vector<1xi32>
      %squeeze3A_422 = vector.extract %slice3A_421[0] : i32 from vector<1xi32>
      %slice3A_423 = vector.extract_strided_slice %get3A_135 {offsets = [12], sizes = [1], strides = [1]} : vector<16xi32> to vector<1xi32>
      %squeeze3A_424 = vector.extract %slice3A_423[0] : i32 from vector<1xi32>
      %mul3A_425 = arith.constant 16 : i32
      %mul3A_426 = arith.muli %scan3A_126, %mul3A_425 : i32
      %add3A_427 = arith.constant 12 : i32
      %add3A_428 = arith.addi %mul3A_426, %add3A_427 : i32
      %dma_start3A_429 = arith.constant 0 : i32
      %dma_start3A_430 = tpu.memref_slice %arg8[%add3A_428, %dma_start3A_429] : memref<128x64xf32, #tpu.memory_space<vmem>> -> memref<1x64xf32, #tpu.memory_space<vmem>>
      %dma_start3A_431 = arith.constant 0 : i32
      %dma_start3A_432 = tpu.memref_slice %arg4[%squeeze3A_422, %dma_start3A_431] : memref<1000000x64xf32, #tpu.memory_space<hbm>> -> memref<1x64xf32, #tpu.memory_space<hbm>>
      %dma_start3A_433 = arith.constant 0 : i32
      %dma_start3A_434 = tpu.memref_slice %arg8[%add3A_428, %dma_start3A_433] : memref<128x64xf32, #tpu.memory_space<vmem>> -> memref<1x64xf32, #tpu.memory_space<vmem>>
      %dma_start3A_435 = arith.constant 0 : i32
      %dma_start3A_436 = tpu.memref_slice %arg4[%squeeze3A_422, %dma_start3A_435] : memref<1000000x64xf32, #tpu.memory_space<hbm>> -> memref<1x64xf32, #tpu.memory_space<hbm>>
      tpu.enqueue_dma source(%dma_start3A_436 : memref<1x64xf32, #tpu.memory_space<hbm>>) target(%dma_start3A_434 : memref<1x64xf32, #tpu.memory_space<vmem>>) target_semaphore(%arg10 : memref<!tpu.dma_semaphore, #tpu.memory_space<semaphore_mem>>)
      %dma_start3A_437 = arith.constant 0 : i32
      %dma_start3A_438 = tpu.memref_slice %arg9[%add3A_428, %dma_start3A_437] : memref<128x64xf32, #tpu.memory_space<vmem>> -> memref<1x64xf32, #tpu.memory_space<vmem>>
      %dma_start3A_439 = arith.constant 0 : i32
      %dma_start3A_440 = tpu.memref_slice %arg4[%squeeze3A_424, %dma_start3A_439] : memref<1000000x64xf32, #tpu.memory_space<hbm>> -> memref<1x64xf32, #tpu.memory_space<hbm>>
      %dma_start3A_441 = arith.constant 0 : i32
      %dma_start3A_442 = tpu.memref_slice %arg9[%add3A_428, %dma_start3A_441] : memref<128x64xf32, #tpu.memory_space<vmem>> -> memref<1x64xf32, #tpu.memory_space<vmem>>
      %dma_start3A_443 = arith.constant 0 : i32
      %dma_start3A_444 = tpu.memref_slice %arg4[%squeeze3A_424, %dma_start3A_443] : memref<1000000x64xf32, #tpu.memory_space<hbm>> -> memref<1x64xf32, #tpu.memory_space<hbm>>
      tpu.enqueue_dma source(%dma_start3A_444 : memref<1x64xf32, #tpu.memory_space<hbm>>) target(%dma_start3A_442 : memref<1x64xf32, #tpu.memory_space<vmem>>) target_semaphore(%arg10 : memref<!tpu.dma_semaphore, #tpu.memory_space<semaphore_mem>>)
      %slice3A_445 = vector.extract_strided_slice %get3A_130 {offsets = [13], sizes = [1], strides = [1]} : vector<16xi32> to vector<1xi32>
      %squeeze3A_446 = vector.extract %slice3A_445[0] : i32 from vector<1xi32>
      %slice3A_447 = vector.extract_strided_slice %get3A_135 {offsets = [13], sizes = [1], strides = [1]} : vector<16xi32> to vector<1xi32>
      %squeeze3A_448 = vector.extract %slice3A_447[0] : i32 from vector<1xi32>
      %mul3A_449 = arith.constant 16 : i32
      %mul3A_450 = arith.muli %scan3A_126, %mul3A_449 : i32
      %add3A_451 = arith.constant 13 : i32
      %add3A_452 = arith.addi %mul3A_450, %add3A_451 : i32
      %dma_start3A_453 = arith.constant 0 : i32
      %dma_start3A_454 = tpu.memref_slice %arg8[%add3A_452, %dma_start3A_453] : memref<128x64xf32, #tpu.memory_space<vmem>> -> memref<1x64xf32, #tpu.memory_space<vmem>>
      %dma_start3A_455 = arith.constant 0 : i32
      %dma_start3A_456 = tpu.memref_slice %arg4[%squeeze3A_446, %dma_start3A_455] : memref<1000000x64xf32, #tpu.memory_space<hbm>> -> memref<1x64xf32, #tpu.memory_space<hbm>>
      %dma_start3A_457 = arith.constant 0 : i32
      %dma_start3A_458 = tpu.memref_slice %arg8[%add3A_452, %dma_start3A_457] : memref<128x64xf32, #tpu.memory_space<vmem>> -> memref<1x64xf32, #tpu.memory_space<vmem>>
      %dma_start3A_459 = arith.constant 0 : i32
      %dma_start3A_460 = tpu.memref_slice %arg4[%squeeze3A_446, %dma_start3A_459] : memref<1000000x64xf32, #tpu.memory_space<hbm>> -> memref<1x64xf32, #tpu.memory_space<hbm>>
      tpu.enqueue_dma source(%dma_start3A_460 : memref<1x64xf32, #tpu.memory_space<hbm>>) target(%dma_start3A_458 : memref<1x64xf32, #tpu.memory_space<vmem>>) target_semaphore(%arg10 : memref<!tpu.dma_semaphore, #tpu.memory_space<semaphore_mem>>)
      %dma_start3A_461 = arith.constant 0 : i32
      %dma_start3A_462 = tpu.memref_slice %arg9[%add3A_452, %dma_start3A_461] : memref<128x64xf32, #tpu.memory_space<vmem>> -> memref<1x64xf32, #tpu.memory_space<vmem>>
      %dma_start3A_463 = arith.constant 0 : i32
      %dma_start3A_464 = tpu.memref_slice %arg4[%squeeze3A_448, %dma_start3A_463] : memref<1000000x64xf32, #tpu.memory_space<hbm>> -> memref<1x64xf32, #tpu.memory_space<hbm>>
      %dma_start3A_465 = arith.constant 0 : i32
      %dma_start3A_466 = tpu.memref_slice %arg9[%add3A_452, %dma_start3A_465] : memref<128x64xf32, #tpu.memory_space<vmem>> -> memref<1x64xf32, #tpu.memory_space<vmem>>
      %dma_start3A_467 = arith.constant 0 : i32
      %dma_start3A_468 = tpu.memref_slice %arg4[%squeeze3A_448, %dma_start3A_467] : memref<1000000x64xf32, #tpu.memory_space<hbm>> -> memref<1x64xf32, #tpu.memory_space<hbm>>
      tpu.enqueue_dma source(%dma_start3A_468 : memref<1x64xf32, #tpu.memory_space<hbm>>) target(%dma_start3A_466 : memref<1x64xf32, #tpu.memory_space<vmem>>) target_semaphore(%arg10 : memref<!tpu.dma_semaphore, #tpu.memory_space<semaphore_mem>>)
      %slice3A_469 = vector.extract_strided_slice %get3A_130 {offsets = [14], sizes = [1], strides = [1]} : vector<16xi32> to vector<1xi32>
      %squeeze3A_470 = vector.extract %slice3A_469[0] : i32 from vector<1xi32>
      %slice3A_471 = vector.extract_strided_slice %get3A_135 {offsets = [14], sizes = [1], strides = [1]} : vector<16xi32> to vector<1xi32>
      %squeeze3A_472 = vector.extract %slice3A_471[0] : i32 from vector<1xi32>
      %mul3A_473 = arith.constant 16 : i32
      %mul3A_474 = arith.muli %scan3A_126, %mul3A_473 : i32
      %add3A_475 = arith.constant 14 : i32
      %add3A_476 = arith.addi %mul3A_474, %add3A_475 : i32
      %dma_start3A_477 = arith.constant 0 : i32
      %dma_start3A_478 = tpu.memref_slice %arg8[%add3A_476, %dma_start3A_477] : memref<128x64xf32, #tpu.memory_space<vmem>> -> memref<1x64xf32, #tpu.memory_space<vmem>>
      %dma_start3A_479 = arith.constant 0 : i32
      %dma_start3A_480 = tpu.memref_slice %arg4[%squeeze3A_470, %dma_start3A_479] : memref<1000000x64xf32, #tpu.memory_space<hbm>> -> memref<1x64xf32, #tpu.memory_space<hbm>>
      %dma_start3A_481 = arith.constant 0 : i32
      %dma_start3A_482 = tpu.memref_slice %arg8[%add3A_476, %dma_start3A_481] : memref<128x64xf32, #tpu.memory_space<vmem>> -> memref<1x64xf32, #tpu.memory_space<vmem>>
      %dma_start3A_483 = arith.constant 0 : i32
      %dma_start3A_484 = tpu.memref_slice %arg4[%squeeze3A_470, %dma_start3A_483] : memref<1000000x64xf32, #tpu.memory_space<hbm>> -> memref<1x64xf32, #tpu.memory_space<hbm>>
      tpu.enqueue_dma source(%dma_start3A_484 : memref<1x64xf32, #tpu.memory_space<hbm>>) target(%dma_start3A_482 : memref<1x64xf32, #tpu.memory_space<vmem>>) target_semaphore(%arg10 : memref<!tpu.dma_semaphore, #tpu.memory_space<semaphore_mem>>)
      %dma_start3A_485 = arith.constant 0 : i32
      %dma_start3A_486 = tpu.memref_slice %arg9[%add3A_476, %dma_start3A_485] : memref<128x64xf32, #tpu.memory_space<vmem>> -> memref<1x64xf32, #tpu.memory_space<vmem>>
      %dma_start3A_487 = arith.constant 0 : i32
      %dma_start3A_488 = tpu.memref_slice %arg4[%squeeze3A_472, %dma_start3A_487] : memref<1000000x64xf32, #tpu.memory_space<hbm>> -> memref<1x64xf32, #tpu.memory_space<hbm>>
      %dma_start3A_489 = arith.constant 0 : i32
      %dma_start3A_490 = tpu.memref_slice %arg9[%add3A_476, %dma_start3A_489] : memref<128x64xf32, #tpu.memory_space<vmem>> -> memref<1x64xf32, #tpu.memory_space<vmem>>
      %dma_start3A_491 = arith.constant 0 : i32
      %dma_start3A_492 = tpu.memref_slice %arg4[%squeeze3A_472, %dma_start3A_491] : memref<1000000x64xf32, #tpu.memory_space<hbm>> -> memref<1x64xf32, #tpu.memory_space<hbm>>
      tpu.enqueue_dma source(%dma_start3A_492 : memref<1x64xf32, #tpu.memory_space<hbm>>) target(%dma_start3A_490 : memref<1x64xf32, #tpu.memory_space<vmem>>) target_semaphore(%arg10 : memref<!tpu.dma_semaphore, #tpu.memory_space<semaphore_mem>>)
      %slice3A_493 = vector.extract_strided_slice %get3A_130 {offsets = [15], sizes = [1], strides = [1]} : vector<16xi32> to vector<1xi32>
      %squeeze3A_494 = vector.extract %slice3A_493[0] : i32 from vector<1xi32>
      %slice3A_495 = vector.extract_strided_slice %get3A_135 {offsets = [15], sizes = [1], strides = [1]} : vector<16xi32> to vector<1xi32>
      %squeeze3A_496 = vector.extract %slice3A_495[0] : i32 from vector<1xi32>
      %mul3A_497 = arith.constant 16 : i32
      %mul3A_498 = arith.muli %scan3A_126, %mul3A_497 : i32
      %add3A_499 = arith.constant 15 : i32
      %add3A_500 = arith.addi %mul3A_498, %add3A_499 : i32
      %dma_start3A_501 = arith.constant 0 : i32
      %dma_start3A_502 = tpu.memref_slice %arg8[%add3A_500, %dma_start3A_501] : memref<128x64xf32, #tpu.memory_space<vmem>> -> memref<1x64xf32, #tpu.memory_space<vmem>>
      %dma_start3A_503 = arith.constant 0 : i32
      %dma_start3A_504 = tpu.memref_slice %arg4[%squeeze3A_494, %dma_start3A_503] : memref<1000000x64xf32, #tpu.memory_space<hbm>> -> memref<1x64xf32, #tpu.memory_space<hbm>>
      %dma_start3A_505 = arith.constant 0 : i32
      %dma_start3A_506 = tpu.memref_slice %arg8[%add3A_500, %dma_start3A_505] : memref<128x64xf32, #tpu.memory_space<vmem>> -> memref<1x64xf32, #tpu.memory_space<vmem>>
      %dma_start3A_507 = arith.constant 0 : i32
      %dma_start3A_508 = tpu.memref_slice %arg4[%squeeze3A_494, %dma_start3A_507] : memref<1000000x64xf32, #tpu.memory_space<hbm>> -> memref<1x64xf32, #tpu.memory_space<hbm>>
      tpu.enqueue_dma source(%dma_start3A_508 : memref<1x64xf32, #tpu.memory_space<hbm>>) target(%dma_start3A_506 : memref<1x64xf32, #tpu.memory_space<vmem>>) target_semaphore(%arg10 : memref<!tpu.dma_semaphore, #tpu.memory_space<semaphore_mem>>)
      %dma_start3A_509 = arith.constant 0 : i32
      %dma_start3A_510 = tpu.memref_slice %arg9[%add3A_500, %dma_start3A_509] : memref<128x64xf32, #tpu.memory_space<vmem>> -> memref<1x64xf32, #tpu.memory_space<vmem>>
      %dma_start3A_511 = arith.constant 0 : i32
      %dma_start3A_512 = tpu.memref_slice %arg4[%squeeze3A_496, %dma_start3A_511] : memref<1000000x64xf32, #tpu.memory_space<hbm>> -> memref<1x64xf32, #tpu.memory_space<hbm>>
      %dma_start3A_513 = arith.constant 0 : i32
      %dma_start3A_514 = tpu.memref_slice %arg9[%add3A_500, %dma_start3A_513] : memref<128x64xf32, #tpu.memory_space<vmem>> -> memref<1x64xf32, #tpu.memory_space<vmem>>
      %dma_start3A_515 = arith.constant 0 : i32
      %dma_start3A_516 = tpu.memref_slice %arg4[%squeeze3A_496, %dma_start3A_515] : memref<1000000x64xf32, #tpu.memory_space<hbm>> -> memref<1x64xf32, #tpu.memory_space<hbm>>
      tpu.enqueue_dma source(%dma_start3A_516 : memref<1x64xf32, #tpu.memory_space<hbm>>) target(%dma_start3A_514 : memref<1x64xf32, #tpu.memory_space<vmem>>) target_semaphore(%arg10 : memref<!tpu.dma_semaphore, #tpu.memory_space<semaphore_mem>>)
    }
    %scan3A_69 = arith.constant 8 : i32
    %dma_wait3A_70 = arith.constant 0 : i32
    %dma_wait3A_71 = arith.constant 0 : i32
    %dma_wait3A_72 = tpu.memref_slice %arg4[%dma_wait3A_70, %dma_wait3A_71] : memref<1000000x64xf32, #tpu.memory_space<hbm>> -> memref<128x64xf32, #tpu.memory_space<hbm>>
    %dma_wait3A_73 = arith.constant 0 : i32
    %dma_wait3A_74 = arith.constant 0 : i32
    %dma_wait3A_75 = tpu.memref_slice %arg4[%dma_wait3A_73, %dma_wait3A_74] : memref<1000000x64xf32, #tpu.memory_space<hbm>> -> memref<128x64xf32, #tpu.memory_space<hbm>>
    tpu.wait_dma2 semaphore(%arg10 : memref<!tpu.dma_semaphore, #tpu.memory_space<semaphore_mem>>) src(%dma_wait3A_75 : memref<128x64xf32, #tpu.memory_space<hbm>>) dst(%arg8 : memref<128x64xf32, #tpu.memory_space<vmem>>)
    %dma_wait3A_76 = arith.constant 0 : i32
    %dma_wait3A_77 = arith.constant 0 : i32
    %dma_wait3A_78 = tpu.memref_slice %arg4[%dma_wait3A_76, %dma_wait3A_77] : memref<1000000x64xf32, #tpu.memory_space<hbm>> -> memref<128x64xf32, #tpu.memory_space<hbm>>
    %dma_wait3A_79 = arith.constant 0 : i32
    %dma_wait3A_80 = arith.constant 0 : i32
    %dma_wait3A_81 = tpu.memref_slice %arg4[%dma_wait3A_79, %dma_wait3A_80] : memref<1000000x64xf32, #tpu.memory_space<hbm>> -> memref<128x64xf32, #tpu.memory_space<hbm>>
    tpu.wait_dma2 semaphore(%arg10 : memref<!tpu.dma_semaphore, #tpu.memory_space<semaphore_mem>>) src(%dma_wait3A_81 : memref<128x64xf32, #tpu.memory_space<hbm>>) dst(%arg9 : memref<128x64xf32, #tpu.memory_space<vmem>>)
    %scan3A_82 = arith.constant 0 : i32
    %scan3A_83 = arith.constant 0 : i32
    %scan3A_84 = arith.constant 128 : i32
    %scan3A_85 = arith.addi %scan3A_83, %scan3A_84 : i32
    %scan3A_86 = arith.constant 1 : i32
    scf.for %scan3A_126 = %scan3A_83 to %scan3A_85 step %scan3A_86  : i32 {
      %get3A = arith.index_cast %scan3A_126 : i32 to index
      %get3A_127 = arith.constant 0 : index
      %get3A_128 = tpu.vector_load %arg8[%get3A, %get3A_127] {strides = array<i32>} : memref<128x64xf32, #tpu.memory_space<vmem>>, vector<1x16xf32>,
      %get3A_129 = vector.shape_cast %get3A_128 : vector<1x16xf32> to vector<16xf32>
      %get3A_130 = arith.index_cast %scan3A_126 : i32 to index
      %get3A_131 = arith.constant 0 : index
      %get3A_132 = tpu.vector_load %arg9[%get3A_130, %get3A_131] {strides = array<i32>} : memref<128x64xf32, #tpu.memory_space<vmem>>, vector<1x16xf32>,
      %get3A_133 = vector.shape_cast %get3A_132 : vector<1x16xf32> to vector<16xf32>
      %add3A_134 = arith.addf %get3A_129, %get3A_133 : vector<16xf32>
      %swap3A = arith.index_cast %scan3A_126 : i32 to index
      %swap3A_135 = arith.constant 0 : index
      %swap3A_136 = tpu.vector_load %arg8[%swap3A, %swap3A_135] {strides = array<i32>} : memref<128x64xf32, #tpu.memory_space<vmem>>, vector<1x16xf32>,
      %swap3A_137 = vector.shape_cast %swap3A_136 : vector<1x16xf32> to vector<16xf32>
      %swap3A_138 = vector.shape_cast %add3A_134 : vector<16xf32> to vector<1x16xf32>
      tpu.vector_store %arg8[%swap3A, %swap3A_135], %swap3A_138 {strides = array<i32>} : memref<128x64xf32, #tpu.memory_space<vmem>>, vector<1x16xf32>,
      %get3A_139 = arith.index_cast %scan3A_126 : i32 to index
      %get3A_140 = arith.constant 16 : index
      %get3A_141 = tpu.vector_load %arg8[%get3A_139, %get3A_140] {strides = array<i32>} : memref<128x64xf32, #tpu.memory_space<vmem>>, vector<1x16xf32>,
      %get3A_142 = vector.shape_cast %get3A_141 : vector<1x16xf32> to vector<16xf32>
      %get3A_143 = arith.index_cast %scan3A_126 : i32 to index
      %get3A_144 = arith.constant 16 : index
      %get3A_145 = tpu.vector_load %arg9[%get3A_143, %get3A_144] {strides = array<i32>} : memref<128x64xf32, #tpu.memory_space<vmem>>, vector<1x16xf32>,
      %get3A_146 = vector.shape_cast %get3A_145 : vector<1x16xf32> to vector<16xf32>
      %add3A_147 = arith.addf %get3A_142, %get3A_146 : vector<16xf32>
      %swap3A_148 = arith.index_cast %scan3A_126 : i32 to index
      %swap3A_149 = arith.constant 16 : index
      %swap3A_150 = tpu.vector_load %arg8[%swap3A_148, %swap3A_149] {strides = array<i32>} : memref<128x64xf32, #tpu.memory_space<vmem>>, vector<1x16xf32>,
      %swap3A_151 = vector.shape_cast %swap3A_150 : vector<1x16xf32> to vector<16xf32>
      %swap3A_152 = vector.shape_cast %add3A_147 : vector<16xf32> to vector<1x16xf32>
      tpu.vector_store %arg8[%swap3A_148, %swap3A_149], %swap3A_152 {strides = array<i32>} : memref<128x64xf32, #tpu.memory_space<vmem>>, vector<1x16xf32>,
      %get3A_153 = arith.index_cast %scan3A_126 : i32 to index
      %get3A_154 = arith.constant 32 : index
      %get3A_155 = tpu.vector_load %arg8[%get3A_153, %get3A_154] {strides = array<i32>} : memref<128x64xf32, #tpu.memory_space<vmem>>, vector<1x16xf32>,
      %get3A_156 = vector.shape_cast %get3A_155 : vector<1x16xf32> to vector<16xf32>
      %get3A_157 = arith.index_cast %scan3A_126 : i32 to index
      %get3A_158 = arith.constant 32 : index
      %get3A_159 = tpu.vector_load %arg9[%get3A_157, %get3A_158] {strides = array<i32>} : memref<128x64xf32, #tpu.memory_space<vmem>>, vector<1x16xf32>,
      %get3A_160 = vector.shape_cast %get3A_159 : vector<1x16xf32> to vector<16xf32>
      %add3A_161 = arith.addf %get3A_156, %get3A_160 : vector<16xf32>
      %swap3A_162 = arith.index_cast %scan3A_126 : i32 to index
      %swap3A_163 = arith.constant 32 : index
      %swap3A_164 = tpu.vector_load %arg8[%swap3A_162, %swap3A_163] {strides = array<i32>} : memref<128x64xf32, #tpu.memory_space<vmem>>, vector<1x16xf32>,
      %swap3A_165 = vector.shape_cast %swap3A_164 : vector<1x16xf32> to vector<16xf32>
      %swap3A_166 = vector.shape_cast %add3A_161 : vector<16xf32> to vector<1x16xf32>
      tpu.vector_store %arg8[%swap3A_162, %swap3A_163], %swap3A_166 {strides = array<i32>} : memref<128x64xf32, #tpu.memory_space<vmem>>, vector<1x16xf32>,
      %get3A_167 = arith.index_cast %scan3A_126 : i32 to index
      %get3A_168 = arith.constant 48 : index
      %get3A_169 = tpu.vector_load %arg8[%get3A_167, %get3A_168] {strides = array<i32>} : memref<128x64xf32, #tpu.memory_space<vmem>>, vector<1x16xf32>,
      %get3A_170 = vector.shape_cast %get3A_169 : vector<1x16xf32> to vector<16xf32>
      %get3A_171 = arith.index_cast %scan3A_126 : i32 to index
      %get3A_172 = arith.constant 48 : index
      %get3A_173 = tpu.vector_load %arg9[%get3A_171, %get3A_172] {strides = array<i32>} : memref<128x64xf32, #tpu.memory_space<vmem>>, vector<1x16xf32>,
      %get3A_174 = vector.shape_cast %get3A_173 : vector<1x16xf32> to vector<16xf32>
      %add3A_175 = arith.addf %get3A_170, %get3A_174 : vector<16xf32>
      %swap3A_176 = arith.index_cast %scan3A_126 : i32 to index
      %swap3A_177 = arith.constant 48 : index
      %swap3A_178 = tpu.vector_load %arg8[%swap3A_176, %swap3A_177] {strides = array<i32>} : memref<128x64xf32, #tpu.memory_space<vmem>>, vector<1x16xf32>,
      %swap3A_179 = vector.shape_cast %swap3A_178 : vector<1x16xf32> to vector<16xf32>
      %swap3A_180 = vector.shape_cast %add3A_175 : vector<16xf32> to vector<1x16xf32>
      tpu.vector_store %arg8[%swap3A_176, %swap3A_177], %swap3A_180 {strides = array<i32>} : memref<128x64xf32, #tpu.memory_space<vmem>>, vector<1x16xf32>,
    }
    %scan3A_87 = arith.constant 128 : i32
    %mul3A_88 = arith.constant 4 : i32
    %mul3A_89 = arith.muli %add3A, %mul3A_88 : i32
    %add3A_90 = arith.constant 2 : i32
    %add3A_91 = arith.addi %mul3A_89, %add3A_90 : i32
    %mul3A_92 = arith.constant 128 : i32
    %mul3A_93 = arith.muli %add3A_91, %mul3A_92 : i32
    "tpu.region"() ({
      %run_scoped3A_126 = tpu.sem_alloc : memref<!tpu.dma_semaphore, #tpu.memory_space<semaphore_mem>>
      %dma_start3A = arith.constant 0 : i32
      %dma_start3A_127 = tpu.memref_slice %arg5[%mul3A_93, %dma_start3A] : memref<16384x64xf32, #tpu.memory_space<hbm>> -> memref<128x64xf32, #tpu.memory_space<hbm>>
      %dma_start3A_128 = arith.constant 0 : i32
      %dma_start3A_129 = tpu.memref_slice %arg5[%mul3A_93, %dma_start3A_128] : memref<16384x64xf32, #tpu.memory_space<hbm>> -> memref<128x64xf32, #tpu.memory_space<hbm>>
      tpu.enqueue_dma source(%arg8 : memref<128x64xf32, #tpu.memory_space<vmem>>) target(%dma_start3A_129 : memref<128x64xf32, #tpu.memory_space<hbm>>) target_semaphore(%run_scoped3A_126 : memref<!tpu.dma_semaphore, #tpu.memory_space<semaphore_mem>>)
      %dma_wait3A_130 = arith.constant 0 : i32
      %dma_wait3A_131 = tpu.memref_slice %arg5[%mul3A_93, %dma_wait3A_130] : memref<16384x64xf32, #tpu.memory_space<hbm>> -> memref<128x64xf32, #tpu.memory_space<hbm>>
      %dma_wait3A_132 = arith.constant 0 : i32
      %dma_wait3A_133 = tpu.memref_slice %arg5[%mul3A_93, %dma_wait3A_132] : memref<16384x64xf32, #tpu.memory_space<hbm>> -> memref<128x64xf32, #tpu.memory_space<hbm>>
      tpu.wait_dma2 semaphore(%run_scoped3A_126 : memref<!tpu.dma_semaphore, #tpu.memory_space<semaphore_mem>>) src(%arg8 : memref<128x64xf32, #tpu.memory_space<vmem>>) dst(%dma_wait3A_133 : memref<128x64xf32, #tpu.memory_space<hbm>>)
      tpu.yield
    }) : () -> ()
    %run_scoped3A_94 = arith.constant 3 : i32
    "tpu.region"() ({
      %run_scoped3A_126 = tpu.sem_alloc : memref<!tpu.dma_semaphore, #tpu.memory_space<semaphore_mem>>
      %dma_start3A = arith.constant 0 : i32
      %dma_start3A_127 = tpu.memref_slice %arg2[%add3A, %run_scoped3A_94, %dma_start3A] : memref<32x4x128xi32, #tpu.memory_space<hbm>> -> memref<1x1x128xi32, #tpu.memory_space<hbm>>
      %dma_start3A_128 = tpu.memref_squeeze %dma_start3A_127 : memref<1x1x128xi32, #tpu.memory_space<hbm>> -> memref<128xi32, #tpu.memory_space<hbm>>
      %dma_start3A_129 = arith.constant 0 : i32
      %dma_start3A_130 = tpu.memref_slice %arg2[%add3A, %run_scoped3A_94, %dma_start3A_129] : memref<32x4x128xi32, #tpu.memory_space<hbm>> -> memref<1x1x128xi32, #tpu.memory_space<hbm>>
      %dma_start3A_131 = tpu.memref_squeeze %dma_start3A_130 : memref<1x1x128xi32, #tpu.memory_space<hbm>> -> memref<128xi32, #tpu.memory_space<hbm>>
      tpu.enqueue_dma source(%dma_start3A_131 : memref<128xi32, #tpu.memory_space<hbm>>) target(%arg6 : memref<128xi32, #tpu.memory_space<vmem>>) target_semaphore(%run_scoped3A_126 : memref<!tpu.dma_semaphore, #tpu.memory_space<semaphore_mem>>)
      %dma_wait3A_132 = arith.constant 0 : i32
      %dma_wait3A_133 = tpu.memref_slice %arg2[%add3A, %run_scoped3A_94, %dma_wait3A_132] : memref<32x4x128xi32, #tpu.memory_space<hbm>> -> memref<1x1x128xi32, #tpu.memory_space<hbm>>
      %dma_wait3A_134 = tpu.memref_squeeze %dma_wait3A_133 : memref<1x1x128xi32, #tpu.memory_space<hbm>> -> memref<128xi32, #tpu.memory_space<hbm>>
      %dma_wait3A_135 = arith.constant 0 : i32
      %dma_wait3A_136 = tpu.memref_slice %arg2[%add3A, %run_scoped3A_94, %dma_wait3A_135] : memref<32x4x128xi32, #tpu.memory_space<hbm>> -> memref<1x1x128xi32, #tpu.memory_space<hbm>>
      %dma_wait3A_137 = tpu.memref_squeeze %dma_wait3A_136 : memref<1x1x128xi32, #tpu.memory_space<hbm>> -> memref<128xi32, #tpu.memory_space<hbm>>
      tpu.wait_dma2 semaphore(%run_scoped3A_126 : memref<!tpu.dma_semaphore, #tpu.memory_space<semaphore_mem>>) src(%dma_wait3A_137 : memref<128xi32, #tpu.memory_space<hbm>>) dst(%arg6 : memref<128xi32, #tpu.memory_space<vmem>>)
      tpu.yield
    }) : () -> ()
    %run_scoped3A_95 = arith.constant 3 : i32
    "tpu.region"() ({
      %run_scoped3A_126 = tpu.sem_alloc : memref<!tpu.dma_semaphore, #tpu.memory_space<semaphore_mem>>
      %dma_start3A = arith.constant 0 : i32
      %dma_start3A_127 = tpu.memref_slice %arg3[%add3A, %run_scoped3A_95, %dma_start3A] : memref<32x4x128xi32, #tpu.memory_space<hbm>> -> memref<1x1x128xi32, #tpu.memory_space<hbm>>
      %dma_start3A_128 = tpu.memref_squeeze %dma_start3A_127 : memref<1x1x128xi32, #tpu.memory_space<hbm>> -> memref<128xi32, #tpu.memory_space<hbm>>
      %dma_start3A_129 = arith.constant 0 : i32
      %dma_start3A_130 = tpu.memref_slice %arg3[%add3A, %run_scoped3A_95, %dma_start3A_129] : memref<32x4x128xi32, #tpu.memory_space<hbm>> -> memref<1x1x128xi32, #tpu.memory_space<hbm>>
      %dma_start3A_131 = tpu.memref_squeeze %dma_start3A_130 : memref<1x1x128xi32, #tpu.memory_space<hbm>> -> memref<128xi32, #tpu.memory_space<hbm>>
      tpu.enqueue_dma source(%dma_start3A_131 : memref<128xi32, #tpu.memory_space<hbm>>) target(%arg7 : memref<128xi32, #tpu.memory_space<vmem>>) target_semaphore(%run_scoped3A_126 : memref<!tpu.dma_semaphore, #tpu.memory_space<semaphore_mem>>)
      %dma_wait3A_132 = arith.constant 0 : i32
      %dma_wait3A_133 = tpu.memref_slice %arg3[%add3A, %run_scoped3A_95, %dma_wait3A_132] : memref<32x4x128xi32, #tpu.memory_space<hbm>> -> memref<1x1x128xi32, #tpu.memory_space<hbm>>
      %dma_wait3A_134 = tpu.memref_squeeze %dma_wait3A_133 : memref<1x1x128xi32, #tpu.memory_space<hbm>> -> memref<128xi32, #tpu.memory_space<hbm>>
      %dma_wait3A_135 = arith.constant 0 : i32
      %dma_wait3A_136 = tpu.memref_slice %arg3[%add3A, %run_scoped3A_95, %dma_wait3A_135] : memref<32x4x128xi32, #tpu.memory_space<hbm>> -> memref<1x1x128xi32, #tpu.memory_space<hbm>>
      %dma_wait3A_137 = tpu.memref_squeeze %dma_wait3A_136 : memref<1x1x128xi32, #tpu.memory_space<hbm>> -> memref<128xi32, #tpu.memory_space<hbm>>
      tpu.wait_dma2 semaphore(%run_scoped3A_126 : memref<!tpu.dma_semaphore, #tpu.memory_space<semaphore_mem>>) src(%dma_wait3A_137 : memref<128xi32, #tpu.memory_space<hbm>>) dst(%arg7 : memref<128xi32, #tpu.memory_space<vmem>>)
      tpu.yield
    }) : () -> ()
    %scan3A_96 = arith.constant 0 : i32
    %scan3A_97 = arith.constant 0 : i32
    %scan3A_98 = arith.constant 8 : i32
    %scan3A_99 = arith.addi %scan3A_97, %scan3A_98 : i32
    %scan3A_100 = arith.constant 1 : i32
    scf.for %scan3A_126 = %scan3A_97 to %scan3A_99 step %scan3A_100  : i32 {
      %mul3A_127 = arith.constant 16 : i32
      %mul3A_128 = arith.muli %scan3A_126, %mul3A_127 : i32
      %get3A = arith.index_cast %mul3A_128 : i32 to index
      %get3A_129 = tpu.vector_load %arg6[%get3A] {strides = array<i32>} : memref<128xi32, #tpu.memory_space<vmem>>, vector<16xi32>,
      %get3A_130 = vector.shape_cast %get3A_129 : vector<16xi32> to vector<16xi32>
      %mul3A_131 = arith.constant 16 : i32
      %mul3A_132 = arith.muli %scan3A_126, %mul3A_131 : i32
      %get3A_133 = arith.index_cast %mul3A_132 : i32 to index
      %get3A_134 = tpu.vector_load %arg7[%get3A_133] {strides = array<i32>} : memref<128xi32, #tpu.memory_space<vmem>>, vector<16xi32>,
      %get3A_135 = vector.shape_cast %get3A_134 : vector<16xi32> to vector<16xi32>
      %slice3A = vector.extract_strided_slice %get3A_130 {offsets = [0], sizes = [1], strides = [1]} : vector<16xi32> to vector<1xi32>
      %squeeze3A = vector.extract %slice3A[0] : i32 from vector<1xi32>
      %slice3A_136 = vector.extract_strided_slice %get3A_135 {offsets = [0], sizes = [1], strides = [1]} : vector<16xi32> to vector<1xi32>
      %squeeze3A_137 = vector.extract %slice3A_136[0] : i32 from vector<1xi32>
      %mul3A_138 = arith.constant 16 : i32
      %mul3A_139 = arith.muli %scan3A_126, %mul3A_138 : i32
      %add3A_140 = arith.constant 0 : i32
      %add3A_141 = arith.addi %mul3A_139, %add3A_140 : i32
      %dma_start3A = arith.constant 0 : i32
      %dma_start3A_142 = tpu.memref_slice %arg8[%add3A_141, %dma_start3A] : memref<128x64xf32, #tpu.memory_space<vmem>> -> memref<1x64xf32, #tpu.memory_space<vmem>>
      %dma_start3A_143 = arith.constant 0 : i32
      %dma_start3A_144 = tpu.memref_slice %arg4[%squeeze3A, %dma_start3A_143] : memref<1000000x64xf32, #tpu.memory_space<hbm>> -> memref<1x64xf32, #tpu.memory_space<hbm>>
      %dma_start3A_145 = arith.constant 0 : i32
      %dma_start3A_146 = tpu.memref_slice %arg8[%add3A_141, %dma_start3A_145] : memref<128x64xf32, #tpu.memory_space<vmem>> -> memref<1x64xf32, #tpu.memory_space<vmem>>
      %dma_start3A_147 = arith.constant 0 : i32
      %dma_start3A_148 = tpu.memref_slice %arg4[%squeeze3A, %dma_start3A_147] : memref<1000000x64xf32, #tpu.memory_space<hbm>> -> memref<1x64xf32, #tpu.memory_space<hbm>>
      tpu.enqueue_dma source(%dma_start3A_148 : memref<1x64xf32, #tpu.memory_space<hbm>>) target(%dma_start3A_146 : memref<1x64xf32, #tpu.memory_space<vmem>>) target_semaphore(%arg10 : memref<!tpu.dma_semaphore, #tpu.memory_space<semaphore_mem>>)
      %dma_start3A_149 = arith.constant 0 : i32
      %dma_start3A_150 = tpu.memref_slice %arg9[%add3A_141, %dma_start3A_149] : memref<128x64xf32, #tpu.memory_space<vmem>> -> memref<1x64xf32, #tpu.memory_space<vmem>>
      %dma_start3A_151 = arith.constant 0 : i32
      %dma_start3A_152 = tpu.memref_slice %arg4[%squeeze3A_137, %dma_start3A_151] : memref<1000000x64xf32, #tpu.memory_space<hbm>> -> memref<1x64xf32, #tpu.memory_space<hbm>>
      %dma_start3A_153 = arith.constant 0 : i32
      %dma_start3A_154 = tpu.memref_slice %arg9[%add3A_141, %dma_start3A_153] : memref<128x64xf32, #tpu.memory_space<vmem>> -> memref<1x64xf32, #tpu.memory_space<vmem>>
      %dma_start3A_155 = arith.constant 0 : i32
      %dma_start3A_156 = tpu.memref_slice %arg4[%squeeze3A_137, %dma_start3A_155] : memref<1000000x64xf32, #tpu.memory_space<hbm>> -> memref<1x64xf32, #tpu.memory_space<hbm>>
      tpu.enqueue_dma source(%dma_start3A_156 : memref<1x64xf32, #tpu.memory_space<hbm>>) target(%dma_start3A_154 : memref<1x64xf32, #tpu.memory_space<vmem>>) target_semaphore(%arg10 : memref<!tpu.dma_semaphore, #tpu.memory_space<semaphore_mem>>)
      %slice3A_157 = vector.extract_strided_slice %get3A_130 {offsets = [1], sizes = [1], strides = [1]} : vector<16xi32> to vector<1xi32>
      %squeeze3A_158 = vector.extract %slice3A_157[0] : i32 from vector<1xi32>
      %slice3A_159 = vector.extract_strided_slice %get3A_135 {offsets = [1], sizes = [1], strides = [1]} : vector<16xi32> to vector<1xi32>
      %squeeze3A_160 = vector.extract %slice3A_159[0] : i32 from vector<1xi32>
      %mul3A_161 = arith.constant 16 : i32
      %mul3A_162 = arith.muli %scan3A_126, %mul3A_161 : i32
      %add3A_163 = arith.constant 1 : i32
      %add3A_164 = arith.addi %mul3A_162, %add3A_163 : i32
      %dma_start3A_165 = arith.constant 0 : i32
      %dma_start3A_166 = tpu.memref_slice %arg8[%add3A_164, %dma_start3A_165] : memref<128x64xf32, #tpu.memory_space<vmem>> -> memref<1x64xf32, #tpu.memory_space<vmem>>
      %dma_start3A_167 = arith.constant 0 : i32
      %dma_start3A_168 = tpu.memref_slice %arg4[%squeeze3A_158, %dma_start3A_167] : memref<1000000x64xf32, #tpu.memory_space<hbm>> -> memref<1x64xf32, #tpu.memory_space<hbm>>
      %dma_start3A_169 = arith.constant 0 : i32
      %dma_start3A_170 = tpu.memref_slice %arg8[%add3A_164, %dma_start3A_169] : memref<128x64xf32, #tpu.memory_space<vmem>> -> memref<1x64xf32, #tpu.memory_space<vmem>>
      %dma_start3A_171 = arith.constant 0 : i32
      %dma_start3A_172 = tpu.memref_slice %arg4[%squeeze3A_158, %dma_start3A_171] : memref<1000000x64xf32, #tpu.memory_space<hbm>> -> memref<1x64xf32, #tpu.memory_space<hbm>>
      tpu.enqueue_dma source(%dma_start3A_172 : memref<1x64xf32, #tpu.memory_space<hbm>>) target(%dma_start3A_170 : memref<1x64xf32, #tpu.memory_space<vmem>>) target_semaphore(%arg10 : memref<!tpu.dma_semaphore, #tpu.memory_space<semaphore_mem>>)
      %dma_start3A_173 = arith.constant 0 : i32
      %dma_start3A_174 = tpu.memref_slice %arg9[%add3A_164, %dma_start3A_173] : memref<128x64xf32, #tpu.memory_space<vmem>> -> memref<1x64xf32, #tpu.memory_space<vmem>>
      %dma_start3A_175 = arith.constant 0 : i32
      %dma_start3A_176 = tpu.memref_slice %arg4[%squeeze3A_160, %dma_start3A_175] : memref<1000000x64xf32, #tpu.memory_space<hbm>> -> memref<1x64xf32, #tpu.memory_space<hbm>>
      %dma_start3A_177 = arith.constant 0 : i32
      %dma_start3A_178 = tpu.memref_slice %arg9[%add3A_164, %dma_start3A_177] : memref<128x64xf32, #tpu.memory_space<vmem>> -> memref<1x64xf32, #tpu.memory_space<vmem>>
      %dma_start3A_179 = arith.constant 0 : i32
      %dma_start3A_180 = tpu.memref_slice %arg4[%squeeze3A_160, %dma_start3A_179] : memref<1000000x64xf32, #tpu.memory_space<hbm>> -> memref<1x64xf32, #tpu.memory_space<hbm>>
      tpu.enqueue_dma source(%dma_start3A_180 : memref<1x64xf32, #tpu.memory_space<hbm>>) target(%dma_start3A_178 : memref<1x64xf32, #tpu.memory_space<vmem>>) target_semaphore(%arg10 : memref<!tpu.dma_semaphore, #tpu.memory_space<semaphore_mem>>)
      %slice3A_181 = vector.extract_strided_slice %get3A_130 {offsets = [2], sizes = [1], strides = [1]} : vector<16xi32> to vector<1xi32>
      %squeeze3A_182 = vector.extract %slice3A_181[0] : i32 from vector<1xi32>
      %slice3A_183 = vector.extract_strided_slice %get3A_135 {offsets = [2], sizes = [1], strides = [1]} : vector<16xi32> to vector<1xi32>
      %squeeze3A_184 = vector.extract %slice3A_183[0] : i32 from vector<1xi32>
      %mul3A_185 = arith.constant 16 : i32
      %mul3A_186 = arith.muli %scan3A_126, %mul3A_185 : i32
      %add3A_187 = arith.constant 2 : i32
      %add3A_188 = arith.addi %mul3A_186, %add3A_187 : i32
      %dma_start3A_189 = arith.constant 0 : i32
      %dma_start3A_190 = tpu.memref_slice %arg8[%add3A_188, %dma_start3A_189] : memref<128x64xf32, #tpu.memory_space<vmem>> -> memref<1x64xf32, #tpu.memory_space<vmem>>
      %dma_start3A_191 = arith.constant 0 : i32
      %dma_start3A_192 = tpu.memref_slice %arg4[%squeeze3A_182, %dma_start3A_191] : memref<1000000x64xf32, #tpu.memory_space<hbm>> -> memref<1x64xf32, #tpu.memory_space<hbm>>
      %dma_start3A_193 = arith.constant 0 : i32
      %dma_start3A_194 = tpu.memref_slice %arg8[%add3A_188, %dma_start3A_193] : memref<128x64xf32, #tpu.memory_space<vmem>> -> memref<1x64xf32, #tpu.memory_space<vmem>>
      %dma_start3A_195 = arith.constant 0 : i32
      %dma_start3A_196 = tpu.memref_slice %arg4[%squeeze3A_182, %dma_start3A_195] : memref<1000000x64xf32, #tpu.memory_space<hbm>> -> memref<1x64xf32, #tpu.memory_space<hbm>>
      tpu.enqueue_dma source(%dma_start3A_196 : memref<1x64xf32, #tpu.memory_space<hbm>>) target(%dma_start3A_194 : memref<1x64xf32, #tpu.memory_space<vmem>>) target_semaphore(%arg10 : memref<!tpu.dma_semaphore, #tpu.memory_space<semaphore_mem>>)
      %dma_start3A_197 = arith.constant 0 : i32
      %dma_start3A_198 = tpu.memref_slice %arg9[%add3A_188, %dma_start3A_197] : memref<128x64xf32, #tpu.memory_space<vmem>> -> memref<1x64xf32, #tpu.memory_space<vmem>>
      %dma_start3A_199 = arith.constant 0 : i32
      %dma_start3A_200 = tpu.memref_slice %arg4[%squeeze3A_184, %dma_start3A_199] : memref<1000000x64xf32, #tpu.memory_space<hbm>> -> memref<1x64xf32, #tpu.memory_space<hbm>>
      %dma_start3A_201 = arith.constant 0 : i32
      %dma_start3A_202 = tpu.memref_slice %arg9[%add3A_188, %dma_start3A_201] : memref<128x64xf32, #tpu.memory_space<vmem>> -> memref<1x64xf32, #tpu.memory_space<vmem>>
      %dma_start3A_203 = arith.constant 0 : i32
      %dma_start3A_204 = tpu.memref_slice %arg4[%squeeze3A_184, %dma_start3A_203] : memref<1000000x64xf32, #tpu.memory_space<hbm>> -> memref<1x64xf32, #tpu.memory_space<hbm>>
      tpu.enqueue_dma source(%dma_start3A_204 : memref<1x64xf32, #tpu.memory_space<hbm>>) target(%dma_start3A_202 : memref<1x64xf32, #tpu.memory_space<vmem>>) target_semaphore(%arg10 : memref<!tpu.dma_semaphore, #tpu.memory_space<semaphore_mem>>)
      %slice3A_205 = vector.extract_strided_slice %get3A_130 {offsets = [3], sizes = [1], strides = [1]} : vector<16xi32> to vector<1xi32>
      %squeeze3A_206 = vector.extract %slice3A_205[0] : i32 from vector<1xi32>
      %slice3A_207 = vector.extract_strided_slice %get3A_135 {offsets = [3], sizes = [1], strides = [1]} : vector<16xi32> to vector<1xi32>
      %squeeze3A_208 = vector.extract %slice3A_207[0] : i32 from vector<1xi32>
      %mul3A_209 = arith.constant 16 : i32
      %mul3A_210 = arith.muli %scan3A_126, %mul3A_209 : i32
      %add3A_211 = arith.constant 3 : i32
      %add3A_212 = arith.addi %mul3A_210, %add3A_211 : i32
      %dma_start3A_213 = arith.constant 0 : i32
      %dma_start3A_214 = tpu.memref_slice %arg8[%add3A_212, %dma_start3A_213] : memref<128x64xf32, #tpu.memory_space<vmem>> -> memref<1x64xf32, #tpu.memory_space<vmem>>
      %dma_start3A_215 = arith.constant 0 : i32
      %dma_start3A_216 = tpu.memref_slice %arg4[%squeeze3A_206, %dma_start3A_215] : memref<1000000x64xf32, #tpu.memory_space<hbm>> -> memref<1x64xf32, #tpu.memory_space<hbm>>
      %dma_start3A_217 = arith.constant 0 : i32
      %dma_start3A_218 = tpu.memref_slice %arg8[%add3A_212, %dma_start3A_217] : memref<128x64xf32, #tpu.memory_space<vmem>> -> memref<1x64xf32, #tpu.memory_space<vmem>>
      %dma_start3A_219 = arith.constant 0 : i32
      %dma_start3A_220 = tpu.memref_slice %arg4[%squeeze3A_206, %dma_start3A_219] : memref<1000000x64xf32, #tpu.memory_space<hbm>> -> memref<1x64xf32, #tpu.memory_space<hbm>>
      tpu.enqueue_dma source(%dma_start3A_220 : memref<1x64xf32, #tpu.memory_space<hbm>>) target(%dma_start3A_218 : memref<1x64xf32, #tpu.memory_space<vmem>>) target_semaphore(%arg10 : memref<!tpu.dma_semaphore, #tpu.memory_space<semaphore_mem>>)
      %dma_start3A_221 = arith.constant 0 : i32
      %dma_start3A_222 = tpu.memref_slice %arg9[%add3A_212, %dma_start3A_221] : memref<128x64xf32, #tpu.memory_space<vmem>> -> memref<1x64xf32, #tpu.memory_space<vmem>>
      %dma_start3A_223 = arith.constant 0 : i32
      %dma_start3A_224 = tpu.memref_slice %arg4[%squeeze3A_208, %dma_start3A_223] : memref<1000000x64xf32, #tpu.memory_space<hbm>> -> memref<1x64xf32, #tpu.memory_space<hbm>>
      %dma_start3A_225 = arith.constant 0 : i32
      %dma_start3A_226 = tpu.memref_slice %arg9[%add3A_212, %dma_start3A_225] : memref<128x64xf32, #tpu.memory_space<vmem>> -> memref<1x64xf32, #tpu.memory_space<vmem>>
      %dma_start3A_227 = arith.constant 0 : i32
      %dma_start3A_228 = tpu.memref_slice %arg4[%squeeze3A_208, %dma_start3A_227] : memref<1000000x64xf32, #tpu.memory_space<hbm>> -> memref<1x64xf32, #tpu.memory_space<hbm>>
      tpu.enqueue_dma source(%dma_start3A_228 : memref<1x64xf32, #tpu.memory_space<hbm>>) target(%dma_start3A_226 : memref<1x64xf32, #tpu.memory_space<vmem>>) target_semaphore(%arg10 : memref<!tpu.dma_semaphore, #tpu.memory_space<semaphore_mem>>)
      %slice3A_229 = vector.extract_strided_slice %get3A_130 {offsets = [4], sizes = [1], strides = [1]} : vector<16xi32> to vector<1xi32>
      %squeeze3A_230 = vector.extract %slice3A_229[0] : i32 from vector<1xi32>
      %slice3A_231 = vector.extract_strided_slice %get3A_135 {offsets = [4], sizes = [1], strides = [1]} : vector<16xi32> to vector<1xi32>
      %squeeze3A_232 = vector.extract %slice3A_231[0] : i32 from vector<1xi32>
      %mul3A_233 = arith.constant 16 : i32
      %mul3A_234 = arith.muli %scan3A_126, %mul3A_233 : i32
      %add3A_235 = arith.constant 4 : i32
      %add3A_236 = arith.addi %mul3A_234, %add3A_235 : i32
      %dma_start3A_237 = arith.constant 0 : i32
      %dma_start3A_238 = tpu.memref_slice %arg8[%add3A_236, %dma_start3A_237] : memref<128x64xf32, #tpu.memory_space<vmem>> -> memref<1x64xf32, #tpu.memory_space<vmem>>
      %dma_start3A_239 = arith.constant 0 : i32
      %dma_start3A_240 = tpu.memref_slice %arg4[%squeeze3A_230, %dma_start3A_239] : memref<1000000x64xf32, #tpu.memory_space<hbm>> -> memref<1x64xf32, #tpu.memory_space<hbm>>
      %dma_start3A_241 = arith.constant 0 : i32
      %dma_start3A_242 = tpu.memref_slice %arg8[%add3A_236, %dma_start3A_241] : memref<128x64xf32, #tpu.memory_space<vmem>> -> memref<1x64xf32, #tpu.memory_space<vmem>>
      %dma_start3A_243 = arith.constant 0 : i32
      %dma_start3A_244 = tpu.memref_slice %arg4[%squeeze3A_230, %dma_start3A_243] : memref<1000000x64xf32, #tpu.memory_space<hbm>> -> memref<1x64xf32, #tpu.memory_space<hbm>>
      tpu.enqueue_dma source(%dma_start3A_244 : memref<1x64xf32, #tpu.memory_space<hbm>>) target(%dma_start3A_242 : memref<1x64xf32, #tpu.memory_space<vmem>>) target_semaphore(%arg10 : memref<!tpu.dma_semaphore, #tpu.memory_space<semaphore_mem>>)
      %dma_start3A_245 = arith.constant 0 : i32
      %dma_start3A_246 = tpu.memref_slice %arg9[%add3A_236, %dma_start3A_245] : memref<128x64xf32, #tpu.memory_space<vmem>> -> memref<1x64xf32, #tpu.memory_space<vmem>>
      %dma_start3A_247 = arith.constant 0 : i32
      %dma_start3A_248 = tpu.memref_slice %arg4[%squeeze3A_232, %dma_start3A_247] : memref<1000000x64xf32, #tpu.memory_space<hbm>> -> memref<1x64xf32, #tpu.memory_space<hbm>>
      %dma_start3A_249 = arith.constant 0 : i32
      %dma_start3A_250 = tpu.memref_slice %arg9[%add3A_236, %dma_start3A_249] : memref<128x64xf32, #tpu.memory_space<vmem>> -> memref<1x64xf32, #tpu.memory_space<vmem>>
      %dma_start3A_251 = arith.constant 0 : i32
      %dma_start3A_252 = tpu.memref_slice %arg4[%squeeze3A_232, %dma_start3A_251] : memref<1000000x64xf32, #tpu.memory_space<hbm>> -> memref<1x64xf32, #tpu.memory_space<hbm>>
      tpu.enqueue_dma source(%dma_start3A_252 : memref<1x64xf32, #tpu.memory_space<hbm>>) target(%dma_start3A_250 : memref<1x64xf32, #tpu.memory_space<vmem>>) target_semaphore(%arg10 : memref<!tpu.dma_semaphore, #tpu.memory_space<semaphore_mem>>)
      %slice3A_253 = vector.extract_strided_slice %get3A_130 {offsets = [5], sizes = [1], strides = [1]} : vector<16xi32> to vector<1xi32>
      %squeeze3A_254 = vector.extract %slice3A_253[0] : i32 from vector<1xi32>
      %slice3A_255 = vector.extract_strided_slice %get3A_135 {offsets = [5], sizes = [1], strides = [1]} : vector<16xi32> to vector<1xi32>
      %squeeze3A_256 = vector.extract %slice3A_255[0] : i32 from vector<1xi32>
      %mul3A_257 = arith.constant 16 : i32
      %mul3A_258 = arith.muli %scan3A_126, %mul3A_257 : i32
      %add3A_259 = arith.constant 5 : i32
      %add3A_260 = arith.addi %mul3A_258, %add3A_259 : i32
      %dma_start3A_261 = arith.constant 0 : i32
      %dma_start3A_262 = tpu.memref_slice %arg8[%add3A_260, %dma_start3A_261] : memref<128x64xf32, #tpu.memory_space<vmem>> -> memref<1x64xf32, #tpu.memory_space<vmem>>
      %dma_start3A_263 = arith.constant 0 : i32
      %dma_start3A_264 = tpu.memref_slice %arg4[%squeeze3A_254, %dma_start3A_263] : memref<1000000x64xf32, #tpu.memory_space<hbm>> -> memref<1x64xf32, #tpu.memory_space<hbm>>
      %dma_start3A_265 = arith.constant 0 : i32
      %dma_start3A_266 = tpu.memref_slice %arg8[%add3A_260, %dma_start3A_265] : memref<128x64xf32, #tpu.memory_space<vmem>> -> memref<1x64xf32, #tpu.memory_space<vmem>>
      %dma_start3A_267 = arith.constant 0 : i32
      %dma_start3A_268 = tpu.memref_slice %arg4[%squeeze3A_254, %dma_start3A_267] : memref<1000000x64xf32, #tpu.memory_space<hbm>> -> memref<1x64xf32, #tpu.memory_space<hbm>>
      tpu.enqueue_dma source(%dma_start3A_268 : memref<1x64xf32, #tpu.memory_space<hbm>>) target(%dma_start3A_266 : memref<1x64xf32, #tpu.memory_space<vmem>>) target_semaphore(%arg10 : memref<!tpu.dma_semaphore, #tpu.memory_space<semaphore_mem>>)
      %dma_start3A_269 = arith.constant 0 : i32
      %dma_start3A_270 = tpu.memref_slice %arg9[%add3A_260, %dma_start3A_269] : memref<128x64xf32, #tpu.memory_space<vmem>> -> memref<1x64xf32, #tpu.memory_space<vmem>>
      %dma_start3A_271 = arith.constant 0 : i32
      %dma_start3A_272 = tpu.memref_slice %arg4[%squeeze3A_256, %dma_start3A_271] : memref<1000000x64xf32, #tpu.memory_space<hbm>> -> memref<1x64xf32, #tpu.memory_space<hbm>>
      %dma_start3A_273 = arith.constant 0 : i32
      %dma_start3A_274 = tpu.memref_slice %arg9[%add3A_260, %dma_start3A_273] : memref<128x64xf32, #tpu.memory_space<vmem>> -> memref<1x64xf32, #tpu.memory_space<vmem>>
      %dma_start3A_275 = arith.constant 0 : i32
      %dma_start3A_276 = tpu.memref_slice %arg4[%squeeze3A_256, %dma_start3A_275] : memref<1000000x64xf32, #tpu.memory_space<hbm>> -> memref<1x64xf32, #tpu.memory_space<hbm>>
      tpu.enqueue_dma source(%dma_start3A_276 : memref<1x64xf32, #tpu.memory_space<hbm>>) target(%dma_start3A_274 : memref<1x64xf32, #tpu.memory_space<vmem>>) target_semaphore(%arg10 : memref<!tpu.dma_semaphore, #tpu.memory_space<semaphore_mem>>)
      %slice3A_277 = vector.extract_strided_slice %get3A_130 {offsets = [6], sizes = [1], strides = [1]} : vector<16xi32> to vector<1xi32>
      %squeeze3A_278 = vector.extract %slice3A_277[0] : i32 from vector<1xi32>
      %slice3A_279 = vector.extract_strided_slice %get3A_135 {offsets = [6], sizes = [1], strides = [1]} : vector<16xi32> to vector<1xi32>
      %squeeze3A_280 = vector.extract %slice3A_279[0] : i32 from vector<1xi32>
      %mul3A_281 = arith.constant 16 : i32
      %mul3A_282 = arith.muli %scan3A_126, %mul3A_281 : i32
      %add3A_283 = arith.constant 6 : i32
      %add3A_284 = arith.addi %mul3A_282, %add3A_283 : i32
      %dma_start3A_285 = arith.constant 0 : i32
      %dma_start3A_286 = tpu.memref_slice %arg8[%add3A_284, %dma_start3A_285] : memref<128x64xf32, #tpu.memory_space<vmem>> -> memref<1x64xf32, #tpu.memory_space<vmem>>
      %dma_start3A_287 = arith.constant 0 : i32
      %dma_start3A_288 = tpu.memref_slice %arg4[%squeeze3A_278, %dma_start3A_287] : memref<1000000x64xf32, #tpu.memory_space<hbm>> -> memref<1x64xf32, #tpu.memory_space<hbm>>
      %dma_start3A_289 = arith.constant 0 : i32
      %dma_start3A_290 = tpu.memref_slice %arg8[%add3A_284, %dma_start3A_289] : memref<128x64xf32, #tpu.memory_space<vmem>> -> memref<1x64xf32, #tpu.memory_space<vmem>>
      %dma_start3A_291 = arith.constant 0 : i32
      %dma_start3A_292 = tpu.memref_slice %arg4[%squeeze3A_278, %dma_start3A_291] : memref<1000000x64xf32, #tpu.memory_space<hbm>> -> memref<1x64xf32, #tpu.memory_space<hbm>>
      tpu.enqueue_dma source(%dma_start3A_292 : memref<1x64xf32, #tpu.memory_space<hbm>>) target(%dma_start3A_290 : memref<1x64xf32, #tpu.memory_space<vmem>>) target_semaphore(%arg10 : memref<!tpu.dma_semaphore, #tpu.memory_space<semaphore_mem>>)
      %dma_start3A_293 = arith.constant 0 : i32
      %dma_start3A_294 = tpu.memref_slice %arg9[%add3A_284, %dma_start3A_293] : memref<128x64xf32, #tpu.memory_space<vmem>> -> memref<1x64xf32, #tpu.memory_space<vmem>>
      %dma_start3A_295 = arith.constant 0 : i32
      %dma_start3A_296 = tpu.memref_slice %arg4[%squeeze3A_280, %dma_start3A_295] : memref<1000000x64xf32, #tpu.memory_space<hbm>> -> memref<1x64xf32, #tpu.memory_space<hbm>>
      %dma_start3A_297 = arith.constant 0 : i32
      %dma_start3A_298 = tpu.memref_slice %arg9[%add3A_284, %dma_start3A_297] : memref<128x64xf32, #tpu.memory_space<vmem>> -> memref<1x64xf32, #tpu.memory_space<vmem>>
      %dma_start3A_299 = arith.constant 0 : i32
      %dma_start3A_300 = tpu.memref_slice %arg4[%squeeze3A_280, %dma_start3A_299] : memref<1000000x64xf32, #tpu.memory_space<hbm>> -> memref<1x64xf32, #tpu.memory_space<hbm>>
      tpu.enqueue_dma source(%dma_start3A_300 : memref<1x64xf32, #tpu.memory_space<hbm>>) target(%dma_start3A_298 : memref<1x64xf32, #tpu.memory_space<vmem>>) target_semaphore(%arg10 : memref<!tpu.dma_semaphore, #tpu.memory_space<semaphore_mem>>)
      %slice3A_301 = vector.extract_strided_slice %get3A_130 {offsets = [7], sizes = [1], strides = [1]} : vector<16xi32> to vector<1xi32>
      %squeeze3A_302 = vector.extract %slice3A_301[0] : i32 from vector<1xi32>
      %slice3A_303 = vector.extract_strided_slice %get3A_135 {offsets = [7], sizes = [1], strides = [1]} : vector<16xi32> to vector<1xi32>
      %squeeze3A_304 = vector.extract %slice3A_303[0] : i32 from vector<1xi32>
      %mul3A_305 = arith.constant 16 : i32
      %mul3A_306 = arith.muli %scan3A_126, %mul3A_305 : i32
      %add3A_307 = arith.constant 7 : i32
      %add3A_308 = arith.addi %mul3A_306, %add3A_307 : i32
      %dma_start3A_309 = arith.constant 0 : i32
      %dma_start3A_310 = tpu.memref_slice %arg8[%add3A_308, %dma_start3A_309] : memref<128x64xf32, #tpu.memory_space<vmem>> -> memref<1x64xf32, #tpu.memory_space<vmem>>
      %dma_start3A_311 = arith.constant 0 : i32
      %dma_start3A_312 = tpu.memref_slice %arg4[%squeeze3A_302, %dma_start3A_311] : memref<1000000x64xf32, #tpu.memory_space<hbm>> -> memref<1x64xf32, #tpu.memory_space<hbm>>
      %dma_start3A_313 = arith.constant 0 : i32
      %dma_start3A_314 = tpu.memref_slice %arg8[%add3A_308, %dma_start3A_313] : memref<128x64xf32, #tpu.memory_space<vmem>> -> memref<1x64xf32, #tpu.memory_space<vmem>>
      %dma_start3A_315 = arith.constant 0 : i32
      %dma_start3A_316 = tpu.memref_slice %arg4[%squeeze3A_302, %dma_start3A_315] : memref<1000000x64xf32, #tpu.memory_space<hbm>> -> memref<1x64xf32, #tpu.memory_space<hbm>>
      tpu.enqueue_dma source(%dma_start3A_316 : memref<1x64xf32, #tpu.memory_space<hbm>>) target(%dma_start3A_314 : memref<1x64xf32, #tpu.memory_space<vmem>>) target_semaphore(%arg10 : memref<!tpu.dma_semaphore, #tpu.memory_space<semaphore_mem>>)
      %dma_start3A_317 = arith.constant 0 : i32
      %dma_start3A_318 = tpu.memref_slice %arg9[%add3A_308, %dma_start3A_317] : memref<128x64xf32, #tpu.memory_space<vmem>> -> memref<1x64xf32, #tpu.memory_space<vmem>>
      %dma_start3A_319 = arith.constant 0 : i32
      %dma_start3A_320 = tpu.memref_slice %arg4[%squeeze3A_304, %dma_start3A_319] : memref<1000000x64xf32, #tpu.memory_space<hbm>> -> memref<1x64xf32, #tpu.memory_space<hbm>>
      %dma_start3A_321 = arith.constant 0 : i32
      %dma_start3A_322 = tpu.memref_slice %arg9[%add3A_308, %dma_start3A_321] : memref<128x64xf32, #tpu.memory_space<vmem>> -> memref<1x64xf32, #tpu.memory_space<vmem>>
      %dma_start3A_323 = arith.constant 0 : i32
      %dma_start3A_324 = tpu.memref_slice %arg4[%squeeze3A_304, %dma_start3A_323] : memref<1000000x64xf32, #tpu.memory_space<hbm>> -> memref<1x64xf32, #tpu.memory_space<hbm>>
      tpu.enqueue_dma source(%dma_start3A_324 : memref<1x64xf32, #tpu.memory_space<hbm>>) target(%dma_start3A_322 : memref<1x64xf32, #tpu.memory_space<vmem>>) target_semaphore(%arg10 : memref<!tpu.dma_semaphore, #tpu.memory_space<semaphore_mem>>)
      %slice3A_325 = vector.extract_strided_slice %get3A_130 {offsets = [8], sizes = [1], strides = [1]} : vector<16xi32> to vector<1xi32>
      %squeeze3A_326 = vector.extract %slice3A_325[0] : i32 from vector<1xi32>
      %slice3A_327 = vector.extract_strided_slice %get3A_135 {offsets = [8], sizes = [1], strides = [1]} : vector<16xi32> to vector<1xi32>
      %squeeze3A_328 = vector.extract %slice3A_327[0] : i32 from vector<1xi32>
      %mul3A_329 = arith.constant 16 : i32
      %mul3A_330 = arith.muli %scan3A_126, %mul3A_329 : i32
      %add3A_331 = arith.constant 8 : i32
      %add3A_332 = arith.addi %mul3A_330, %add3A_331 : i32
      %dma_start3A_333 = arith.constant 0 : i32
      %dma_start3A_334 = tpu.memref_slice %arg8[%add3A_332, %dma_start3A_333] : memref<128x64xf32, #tpu.memory_space<vmem>> -> memref<1x64xf32, #tpu.memory_space<vmem>>
      %dma_start3A_335 = arith.constant 0 : i32
      %dma_start3A_336 = tpu.memref_slice %arg4[%squeeze3A_326, %dma_start3A_335] : memref<1000000x64xf32, #tpu.memory_space<hbm>> -> memref<1x64xf32, #tpu.memory_space<hbm>>
      %dma_start3A_337 = arith.constant 0 : i32
      %dma_start3A_338 = tpu.memref_slice %arg8[%add3A_332, %dma_start3A_337] : memref<128x64xf32, #tpu.memory_space<vmem>> -> memref<1x64xf32, #tpu.memory_space<vmem>>
      %dma_start3A_339 = arith.constant 0 : i32
      %dma_start3A_340 = tpu.memref_slice %arg4[%squeeze3A_326, %dma_start3A_339] : memref<1000000x64xf32, #tpu.memory_space<hbm>> -> memref<1x64xf32, #tpu.memory_space<hbm>>
      tpu.enqueue_dma source(%dma_start3A_340 : memref<1x64xf32, #tpu.memory_space<hbm>>) target(%dma_start3A_338 : memref<1x64xf32, #tpu.memory_space<vmem>>) target_semaphore(%arg10 : memref<!tpu.dma_semaphore, #tpu.memory_space<semaphore_mem>>)
      %dma_start3A_341 = arith.constant 0 : i32
      %dma_start3A_342 = tpu.memref_slice %arg9[%add3A_332, %dma_start3A_341] : memref<128x64xf32, #tpu.memory_space<vmem>> -> memref<1x64xf32, #tpu.memory_space<vmem>>
      %dma_start3A_343 = arith.constant 0 : i32
      %dma_start3A_344 = tpu.memref_slice %arg4[%squeeze3A_328, %dma_start3A_343] : memref<1000000x64xf32, #tpu.memory_space<hbm>> -> memref<1x64xf32, #tpu.memory_space<hbm>>
      %dma_start3A_345 = arith.constant 0 : i32
      %dma_start3A_346 = tpu.memref_slice %arg9[%add3A_332, %dma_start3A_345] : memref<128x64xf32, #tpu.memory_space<vmem>> -> memref<1x64xf32, #tpu.memory_space<vmem>>
      %dma_start3A_347 = arith.constant 0 : i32
      %dma_start3A_348 = tpu.memref_slice %arg4[%squeeze3A_328, %dma_start3A_347] : memref<1000000x64xf32, #tpu.memory_space<hbm>> -> memref<1x64xf32, #tpu.memory_space<hbm>>
      tpu.enqueue_dma source(%dma_start3A_348 : memref<1x64xf32, #tpu.memory_space<hbm>>) target(%dma_start3A_346 : memref<1x64xf32, #tpu.memory_space<vmem>>) target_semaphore(%arg10 : memref<!tpu.dma_semaphore, #tpu.memory_space<semaphore_mem>>)
      %slice3A_349 = vector.extract_strided_slice %get3A_130 {offsets = [9], sizes = [1], strides = [1]} : vector<16xi32> to vector<1xi32>
      %squeeze3A_350 = vector.extract %slice3A_349[0] : i32 from vector<1xi32>
      %slice3A_351 = vector.extract_strided_slice %get3A_135 {offsets = [9], sizes = [1], strides = [1]} : vector<16xi32> to vector<1xi32>
      %squeeze3A_352 = vector.extract %slice3A_351[0] : i32 from vector<1xi32>
      %mul3A_353 = arith.constant 16 : i32
      %mul3A_354 = arith.muli %scan3A_126, %mul3A_353 : i32
      %add3A_355 = arith.constant 9 : i32
      %add3A_356 = arith.addi %mul3A_354, %add3A_355 : i32
      %dma_start3A_357 = arith.constant 0 : i32
      %dma_start3A_358 = tpu.memref_slice %arg8[%add3A_356, %dma_start3A_357] : memref<128x64xf32, #tpu.memory_space<vmem>> -> memref<1x64xf32, #tpu.memory_space<vmem>>
      %dma_start3A_359 = arith.constant 0 : i32
      %dma_start3A_360 = tpu.memref_slice %arg4[%squeeze3A_350, %dma_start3A_359] : memref<1000000x64xf32, #tpu.memory_space<hbm>> -> memref<1x64xf32, #tpu.memory_space<hbm>>
      %dma_start3A_361 = arith.constant 0 : i32
      %dma_start3A_362 = tpu.memref_slice %arg8[%add3A_356, %dma_start3A_361] : memref<128x64xf32, #tpu.memory_space<vmem>> -> memref<1x64xf32, #tpu.memory_space<vmem>>
      %dma_start3A_363 = arith.constant 0 : i32
      %dma_start3A_364 = tpu.memref_slice %arg4[%squeeze3A_350, %dma_start3A_363] : memref<1000000x64xf32, #tpu.memory_space<hbm>> -> memref<1x64xf32, #tpu.memory_space<hbm>>
      tpu.enqueue_dma source(%dma_start3A_364 : memref<1x64xf32, #tpu.memory_space<hbm>>) target(%dma_start3A_362 : memref<1x64xf32, #tpu.memory_space<vmem>>) target_semaphore(%arg10 : memref<!tpu.dma_semaphore, #tpu.memory_space<semaphore_mem>>)
      %dma_start3A_365 = arith.constant 0 : i32
      %dma_start3A_366 = tpu.memref_slice %arg9[%add3A_356, %dma_start3A_365] : memref<128x64xf32, #tpu.memory_space<vmem>> -> memref<1x64xf32, #tpu.memory_space<vmem>>
      %dma_start3A_367 = arith.constant 0 : i32
      %dma_start3A_368 = tpu.memref_slice %arg4[%squeeze3A_352, %dma_start3A_367] : memref<1000000x64xf32, #tpu.memory_space<hbm>> -> memref<1x64xf32, #tpu.memory_space<hbm>>
      %dma_start3A_369 = arith.constant 0 : i32
      %dma_start3A_370 = tpu.memref_slice %arg9[%add3A_356, %dma_start3A_369] : memref<128x64xf32, #tpu.memory_space<vmem>> -> memref<1x64xf32, #tpu.memory_space<vmem>>
      %dma_start3A_371 = arith.constant 0 : i32
      %dma_start3A_372 = tpu.memref_slice %arg4[%squeeze3A_352, %dma_start3A_371] : memref<1000000x64xf32, #tpu.memory_space<hbm>> -> memref<1x64xf32, #tpu.memory_space<hbm>>
      tpu.enqueue_dma source(%dma_start3A_372 : memref<1x64xf32, #tpu.memory_space<hbm>>) target(%dma_start3A_370 : memref<1x64xf32, #tpu.memory_space<vmem>>) target_semaphore(%arg10 : memref<!tpu.dma_semaphore, #tpu.memory_space<semaphore_mem>>)
      %slice3A_373 = vector.extract_strided_slice %get3A_130 {offsets = [10], sizes = [1], strides = [1]} : vector<16xi32> to vector<1xi32>
      %squeeze3A_374 = vector.extract %slice3A_373[0] : i32 from vector<1xi32>
      %slice3A_375 = vector.extract_strided_slice %get3A_135 {offsets = [10], sizes = [1], strides = [1]} : vector<16xi32> to vector<1xi32>
      %squeeze3A_376 = vector.extract %slice3A_375[0] : i32 from vector<1xi32>
      %mul3A_377 = arith.constant 16 : i32
      %mul3A_378 = arith.muli %scan3A_126, %mul3A_377 : i32
      %add3A_379 = arith.constant 10 : i32
      %add3A_380 = arith.addi %mul3A_378, %add3A_379 : i32
      %dma_start3A_381 = arith.constant 0 : i32
      %dma_start3A_382 = tpu.memref_slice %arg8[%add3A_380, %dma_start3A_381] : memref<128x64xf32, #tpu.memory_space<vmem>> -> memref<1x64xf32, #tpu.memory_space<vmem>>
      %dma_start3A_383 = arith.constant 0 : i32
      %dma_start3A_384 = tpu.memref_slice %arg4[%squeeze3A_374, %dma_start3A_383] : memref<1000000x64xf32, #tpu.memory_space<hbm>> -> memref<1x64xf32, #tpu.memory_space<hbm>>
      %dma_start3A_385 = arith.constant 0 : i32
      %dma_start3A_386 = tpu.memref_slice %arg8[%add3A_380, %dma_start3A_385] : memref<128x64xf32, #tpu.memory_space<vmem>> -> memref<1x64xf32, #tpu.memory_space<vmem>>
      %dma_start3A_387 = arith.constant 0 : i32
      %dma_start3A_388 = tpu.memref_slice %arg4[%squeeze3A_374, %dma_start3A_387] : memref<1000000x64xf32, #tpu.memory_space<hbm>> -> memref<1x64xf32, #tpu.memory_space<hbm>>
      tpu.enqueue_dma source(%dma_start3A_388 : memref<1x64xf32, #tpu.memory_space<hbm>>) target(%dma_start3A_386 : memref<1x64xf32, #tpu.memory_space<vmem>>) target_semaphore(%arg10 : memref<!tpu.dma_semaphore, #tpu.memory_space<semaphore_mem>>)
      %dma_start3A_389 = arith.constant 0 : i32
      %dma_start3A_390 = tpu.memref_slice %arg9[%add3A_380, %dma_start3A_389] : memref<128x64xf32, #tpu.memory_space<vmem>> -> memref<1x64xf32, #tpu.memory_space<vmem>>
      %dma_start3A_391 = arith.constant 0 : i32
      %dma_start3A_392 = tpu.memref_slice %arg4[%squeeze3A_376, %dma_start3A_391] : memref<1000000x64xf32, #tpu.memory_space<hbm>> -> memref<1x64xf32, #tpu.memory_space<hbm>>
      %dma_start3A_393 = arith.constant 0 : i32
      %dma_start3A_394 = tpu.memref_slice %arg9[%add3A_380, %dma_start3A_393] : memref<128x64xf32, #tpu.memory_space<vmem>> -> memref<1x64xf32, #tpu.memory_space<vmem>>
      %dma_start3A_395 = arith.constant 0 : i32
      %dma_start3A_396 = tpu.memref_slice %arg4[%squeeze3A_376, %dma_start3A_395] : memref<1000000x64xf32, #tpu.memory_space<hbm>> -> memref<1x64xf32, #tpu.memory_space<hbm>>
      tpu.enqueue_dma source(%dma_start3A_396 : memref<1x64xf32, #tpu.memory_space<hbm>>) target(%dma_start3A_394 : memref<1x64xf32, #tpu.memory_space<vmem>>) target_semaphore(%arg10 : memref<!tpu.dma_semaphore, #tpu.memory_space<semaphore_mem>>)
      %slice3A_397 = vector.extract_strided_slice %get3A_130 {offsets = [11], sizes = [1], strides = [1]} : vector<16xi32> to vector<1xi32>
      %squeeze3A_398 = vector.extract %slice3A_397[0] : i32 from vector<1xi32>
      %slice3A_399 = vector.extract_strided_slice %get3A_135 {offsets = [11], sizes = [1], strides = [1]} : vector<16xi32> to vector<1xi32>
      %squeeze3A_400 = vector.extract %slice3A_399[0] : i32 from vector<1xi32>
      %mul3A_401 = arith.constant 16 : i32
      %mul3A_402 = arith.muli %scan3A_126, %mul3A_401 : i32
      %add3A_403 = arith.constant 11 : i32
      %add3A_404 = arith.addi %mul3A_402, %add3A_403 : i32
      %dma_start3A_405 = arith.constant 0 : i32
      %dma_start3A_406 = tpu.memref_slice %arg8[%add3A_404, %dma_start3A_405] : memref<128x64xf32, #tpu.memory_space<vmem>> -> memref<1x64xf32, #tpu.memory_space<vmem>>
      %dma_start3A_407 = arith.constant 0 : i32
      %dma_start3A_408 = tpu.memref_slice %arg4[%squeeze3A_398, %dma_start3A_407] : memref<1000000x64xf32, #tpu.memory_space<hbm>> -> memref<1x64xf32, #tpu.memory_space<hbm>>
      %dma_start3A_409 = arith.constant 0 : i32
      %dma_start3A_410 = tpu.memref_slice %arg8[%add3A_404, %dma_start3A_409] : memref<128x64xf32, #tpu.memory_space<vmem>> -> memref<1x64xf32, #tpu.memory_space<vmem>>
      %dma_start3A_411 = arith.constant 0 : i32
      %dma_start3A_412 = tpu.memref_slice %arg4[%squeeze3A_398, %dma_start3A_411] : memref<1000000x64xf32, #tpu.memory_space<hbm>> -> memref<1x64xf32, #tpu.memory_space<hbm>>
      tpu.enqueue_dma source(%dma_start3A_412 : memref<1x64xf32, #tpu.memory_space<hbm>>) target(%dma_start3A_410 : memref<1x64xf32, #tpu.memory_space<vmem>>) target_semaphore(%arg10 : memref<!tpu.dma_semaphore, #tpu.memory_space<semaphore_mem>>)
      %dma_start3A_413 = arith.constant 0 : i32
      %dma_start3A_414 = tpu.memref_slice %arg9[%add3A_404, %dma_start3A_413] : memref<128x64xf32, #tpu.memory_space<vmem>> -> memref<1x64xf32, #tpu.memory_space<vmem>>
      %dma_start3A_415 = arith.constant 0 : i32
      %dma_start3A_416 = tpu.memref_slice %arg4[%squeeze3A_400, %dma_start3A_415] : memref<1000000x64xf32, #tpu.memory_space<hbm>> -> memref<1x64xf32, #tpu.memory_space<hbm>>
      %dma_start3A_417 = arith.constant 0 : i32
      %dma_start3A_418 = tpu.memref_slice %arg9[%add3A_404, %dma_start3A_417] : memref<128x64xf32, #tpu.memory_space<vmem>> -> memref<1x64xf32, #tpu.memory_space<vmem>>
      %dma_start3A_419 = arith.constant 0 : i32
      %dma_start3A_420 = tpu.memref_slice %arg4[%squeeze3A_400, %dma_start3A_419] : memref<1000000x64xf32, #tpu.memory_space<hbm>> -> memref<1x64xf32, #tpu.memory_space<hbm>>
      tpu.enqueue_dma source(%dma_start3A_420 : memref<1x64xf32, #tpu.memory_space<hbm>>) target(%dma_start3A_418 : memref<1x64xf32, #tpu.memory_space<vmem>>) target_semaphore(%arg10 : memref<!tpu.dma_semaphore, #tpu.memory_space<semaphore_mem>>)
      %slice3A_421 = vector.extract_strided_slice %get3A_130 {offsets = [12], sizes = [1], strides = [1]} : vector<16xi32> to vector<1xi32>
      %squeeze3A_422 = vector.extract %slice3A_421[0] : i32 from vector<1xi32>
      %slice3A_423 = vector.extract_strided_slice %get3A_135 {offsets = [12], sizes = [1], strides = [1]} : vector<16xi32> to vector<1xi32>
      %squeeze3A_424 = vector.extract %slice3A_423[0] : i32 from vector<1xi32>
      %mul3A_425 = arith.constant 16 : i32
      %mul3A_426 = arith.muli %scan3A_126, %mul3A_425 : i32
      %add3A_427 = arith.constant 12 : i32
      %add3A_428 = arith.addi %mul3A_426, %add3A_427 : i32
      %dma_start3A_429 = arith.constant 0 : i32
      %dma_start3A_430 = tpu.memref_slice %arg8[%add3A_428, %dma_start3A_429] : memref<128x64xf32, #tpu.memory_space<vmem>> -> memref<1x64xf32, #tpu.memory_space<vmem>>
      %dma_start3A_431 = arith.constant 0 : i32
      %dma_start3A_432 = tpu.memref_slice %arg4[%squeeze3A_422, %dma_start3A_431] : memref<1000000x64xf32, #tpu.memory_space<hbm>> -> memref<1x64xf32, #tpu.memory_space<hbm>>
      %dma_start3A_433 = arith.constant 0 : i32
      %dma_start3A_434 = tpu.memref_slice %arg8[%add3A_428, %dma_start3A_433] : memref<128x64xf32, #tpu.memory_space<vmem>> -> memref<1x64xf32, #tpu.memory_space<vmem>>
      %dma_start3A_435 = arith.constant 0 : i32
      %dma_start3A_436 = tpu.memref_slice %arg4[%squeeze3A_422, %dma_start3A_435] : memref<1000000x64xf32, #tpu.memory_space<hbm>> -> memref<1x64xf32, #tpu.memory_space<hbm>>
      tpu.enqueue_dma source(%dma_start3A_436 : memref<1x64xf32, #tpu.memory_space<hbm>>) target(%dma_start3A_434 : memref<1x64xf32, #tpu.memory_space<vmem>>) target_semaphore(%arg10 : memref<!tpu.dma_semaphore, #tpu.memory_space<semaphore_mem>>)
      %dma_start3A_437 = arith.constant 0 : i32
      %dma_start3A_438 = tpu.memref_slice %arg9[%add3A_428, %dma_start3A_437] : memref<128x64xf32, #tpu.memory_space<vmem>> -> memref<1x64xf32, #tpu.memory_space<vmem>>
      %dma_start3A_439 = arith.constant 0 : i32
      %dma_start3A_440 = tpu.memref_slice %arg4[%squeeze3A_424, %dma_start3A_439] : memref<1000000x64xf32, #tpu.memory_space<hbm>> -> memref<1x64xf32, #tpu.memory_space<hbm>>
      %dma_start3A_441 = arith.constant 0 : i32
      %dma_start3A_442 = tpu.memref_slice %arg9[%add3A_428, %dma_start3A_441] : memref<128x64xf32, #tpu.memory_space<vmem>> -> memref<1x64xf32, #tpu.memory_space<vmem>>
      %dma_start3A_443 = arith.constant 0 : i32
      %dma_start3A_444 = tpu.memref_slice %arg4[%squeeze3A_424, %dma_start3A_443] : memref<1000000x64xf32, #tpu.memory_space<hbm>> -> memref<1x64xf32, #tpu.memory_space<hbm>>
      tpu.enqueue_dma source(%dma_start3A_444 : memref<1x64xf32, #tpu.memory_space<hbm>>) target(%dma_start3A_442 : memref<1x64xf32, #tpu.memory_space<vmem>>) target_semaphore(%arg10 : memref<!tpu.dma_semaphore, #tpu.memory_space<semaphore_mem>>)
      %slice3A_445 = vector.extract_strided_slice %get3A_130 {offsets = [13], sizes = [1], strides = [1]} : vector<16xi32> to vector<1xi32>
      %squeeze3A_446 = vector.extract %slice3A_445[0] : i32 from vector<1xi32>
      %slice3A_447 = vector.extract_strided_slice %get3A_135 {offsets = [13], sizes = [1], strides = [1]} : vector<16xi32> to vector<1xi32>
      %squeeze3A_448 = vector.extract %slice3A_447[0] : i32 from vector<1xi32>
      %mul3A_449 = arith.constant 16 : i32
      %mul3A_450 = arith.muli %scan3A_126, %mul3A_449 : i32
      %add3A_451 = arith.constant 13 : i32
      %add3A_452 = arith.addi %mul3A_450, %add3A_451 : i32
      %dma_start3A_453 = arith.constant 0 : i32
      %dma_start3A_454 = tpu.memref_slice %arg8[%add3A_452, %dma_start3A_453] : memref<128x64xf32, #tpu.memory_space<vmem>> -> memref<1x64xf32, #tpu.memory_space<vmem>>
      %dma_start3A_455 = arith.constant 0 : i32
      %dma_start3A_456 = tpu.memref_slice %arg4[%squeeze3A_446, %dma_start3A_455] : memref<1000000x64xf32, #tpu.memory_space<hbm>> -> memref<1x64xf32, #tpu.memory_space<hbm>>
      %dma_start3A_457 = arith.constant 0 : i32
      %dma_start3A_458 = tpu.memref_slice %arg8[%add3A_452, %dma_start3A_457] : memref<128x64xf32, #tpu.memory_space<vmem>> -> memref<1x64xf32, #tpu.memory_space<vmem>>
      %dma_start3A_459 = arith.constant 0 : i32
      %dma_start3A_460 = tpu.memref_slice %arg4[%squeeze3A_446, %dma_start3A_459] : memref<1000000x64xf32, #tpu.memory_space<hbm>> -> memref<1x64xf32, #tpu.memory_space<hbm>>
      tpu.enqueue_dma source(%dma_start3A_460 : memref<1x64xf32, #tpu.memory_space<hbm>>) target(%dma_start3A_458 : memref<1x64xf32, #tpu.memory_space<vmem>>) target_semaphore(%arg10 : memref<!tpu.dma_semaphore, #tpu.memory_space<semaphore_mem>>)
      %dma_start3A_461 = arith.constant 0 : i32
      %dma_start3A_462 = tpu.memref_slice %arg9[%add3A_452, %dma_start3A_461] : memref<128x64xf32, #tpu.memory_space<vmem>> -> memref<1x64xf32, #tpu.memory_space<vmem>>
      %dma_start3A_463 = arith.constant 0 : i32
      %dma_start3A_464 = tpu.memref_slice %arg4[%squeeze3A_448, %dma_start3A_463] : memref<1000000x64xf32, #tpu.memory_space<hbm>> -> memref<1x64xf32, #tpu.memory_space<hbm>>
      %dma_start3A_465 = arith.constant 0 : i32
      %dma_start3A_466 = tpu.memref_slice %arg9[%add3A_452, %dma_start3A_465] : memref<128x64xf32, #tpu.memory_space<vmem>> -> memref<1x64xf32, #tpu.memory_space<vmem>>
      %dma_start3A_467 = arith.constant 0 : i32
      %dma_start3A_468 = tpu.memref_slice %arg4[%squeeze3A_448, %dma_start3A_467] : memref<1000000x64xf32, #tpu.memory_space<hbm>> -> memref<1x64xf32, #tpu.memory_space<hbm>>
      tpu.enqueue_dma source(%dma_start3A_468 : memref<1x64xf32, #tpu.memory_space<hbm>>) target(%dma_start3A_466 : memref<1x64xf32, #tpu.memory_space<vmem>>) target_semaphore(%arg10 : memref<!tpu.dma_semaphore, #tpu.memory_space<semaphore_mem>>)
      %slice3A_469 = vector.extract_strided_slice %get3A_130 {offsets = [14], sizes = [1], strides = [1]} : vector<16xi32> to vector<1xi32>
      %squeeze3A_470 = vector.extract %slice3A_469[0] : i32 from vector<1xi32>
      %slice3A_471 = vector.extract_strided_slice %get3A_135 {offsets = [14], sizes = [1], strides = [1]} : vector<16xi32> to vector<1xi32>
      %squeeze3A_472 = vector.extract %slice3A_471[0] : i32 from vector<1xi32>
      %mul3A_473 = arith.constant 16 : i32
      %mul3A_474 = arith.muli %scan3A_126, %mul3A_473 : i32
      %add3A_475 = arith.constant 14 : i32
      %add3A_476 = arith.addi %mul3A_474, %add3A_475 : i32
      %dma_start3A_477 = arith.constant 0 : i32
      %dma_start3A_478 = tpu.memref_slice %arg8[%add3A_476, %dma_start3A_477] : memref<128x64xf32, #tpu.memory_space<vmem>> -> memref<1x64xf32, #tpu.memory_space<vmem>>
      %dma_start3A_479 = arith.constant 0 : i32
      %dma_start3A_480 = tpu.memref_slice %arg4[%squeeze3A_470, %dma_start3A_479] : memref<1000000x64xf32, #tpu.memory_space<hbm>> -> memref<1x64xf32, #tpu.memory_space<hbm>>
      %dma_start3A_481 = arith.constant 0 : i32
      %dma_start3A_482 = tpu.memref_slice %arg8[%add3A_476, %dma_start3A_481] : memref<128x64xf32, #tpu.memory_space<vmem>> -> memref<1x64xf32, #tpu.memory_space<vmem>>
      %dma_start3A_483 = arith.constant 0 : i32
      %dma_start3A_484 = tpu.memref_slice %arg4[%squeeze3A_470, %dma_start3A_483] : memref<1000000x64xf32, #tpu.memory_space<hbm>> -> memref<1x64xf32, #tpu.memory_space<hbm>>
      tpu.enqueue_dma source(%dma_start3A_484 : memref<1x64xf32, #tpu.memory_space<hbm>>) target(%dma_start3A_482 : memref<1x64xf32, #tpu.memory_space<vmem>>) target_semaphore(%arg10 : memref<!tpu.dma_semaphore, #tpu.memory_space<semaphore_mem>>)
      %dma_start3A_485 = arith.constant 0 : i32
      %dma_start3A_486 = tpu.memref_slice %arg9[%add3A_476, %dma_start3A_485] : memref<128x64xf32, #tpu.memory_space<vmem>> -> memref<1x64xf32, #tpu.memory_space<vmem>>
      %dma_start3A_487 = arith.constant 0 : i32
      %dma_start3A_488 = tpu.memref_slice %arg4[%squeeze3A_472, %dma_start3A_487] : memref<1000000x64xf32, #tpu.memory_space<hbm>> -> memref<1x64xf32, #tpu.memory_space<hbm>>
      %dma_start3A_489 = arith.constant 0 : i32
      %dma_start3A_490 = tpu.memref_slice %arg9[%add3A_476, %dma_start3A_489] : memref<128x64xf32, #tpu.memory_space<vmem>> -> memref<1x64xf32, #tpu.memory_space<vmem>>
      %dma_start3A_491 = arith.constant 0 : i32
      %dma_start3A_492 = tpu.memref_slice %arg4[%squeeze3A_472, %dma_start3A_491] : memref<1000000x64xf32, #tpu.memory_space<hbm>> -> memref<1x64xf32, #tpu.memory_space<hbm>>
      tpu.enqueue_dma source(%dma_start3A_492 : memref<1x64xf32, #tpu.memory_space<hbm>>) target(%dma_start3A_490 : memref<1x64xf32, #tpu.memory_space<vmem>>) target_semaphore(%arg10 : memref<!tpu.dma_semaphore, #tpu.memory_space<semaphore_mem>>)
      %slice3A_493 = vector.extract_strided_slice %get3A_130 {offsets = [15], sizes = [1], strides = [1]} : vector<16xi32> to vector<1xi32>
      %squeeze3A_494 = vector.extract %slice3A_493[0] : i32 from vector<1xi32>
      %slice3A_495 = vector.extract_strided_slice %get3A_135 {offsets = [15], sizes = [1], strides = [1]} : vector<16xi32> to vector<1xi32>
      %squeeze3A_496 = vector.extract %slice3A_495[0] : i32 from vector<1xi32>
      %mul3A_497 = arith.constant 16 : i32
      %mul3A_498 = arith.muli %scan3A_126, %mul3A_497 : i32
      %add3A_499 = arith.constant 15 : i32
      %add3A_500 = arith.addi %mul3A_498, %add3A_499 : i32
      %dma_start3A_501 = arith.constant 0 : i32
      %dma_start3A_502 = tpu.memref_slice %arg8[%add3A_500, %dma_start3A_501] : memref<128x64xf32, #tpu.memory_space<vmem>> -> memref<1x64xf32, #tpu.memory_space<vmem>>
      %dma_start3A_503 = arith.constant 0 : i32
      %dma_start3A_504 = tpu.memref_slice %arg4[%squeeze3A_494, %dma_start3A_503] : memref<1000000x64xf32, #tpu.memory_space<hbm>> -> memref<1x64xf32, #tpu.memory_space<hbm>>
      %dma_start3A_505 = arith.constant 0 : i32
      %dma_start3A_506 = tpu.memref_slice %arg8[%add3A_500, %dma_start3A_505] : memref<128x64xf32, #tpu.memory_space<vmem>> -> memref<1x64xf32, #tpu.memory_space<vmem>>
      %dma_start3A_507 = arith.constant 0 : i32
      %dma_start3A_508 = tpu.memref_slice %arg4[%squeeze3A_494, %dma_start3A_507] : memref<1000000x64xf32, #tpu.memory_space<hbm>> -> memref<1x64xf32, #tpu.memory_space<hbm>>
      tpu.enqueue_dma source(%dma_start3A_508 : memref<1x64xf32, #tpu.memory_space<hbm>>) target(%dma_start3A_506 : memref<1x64xf32, #tpu.memory_space<vmem>>) target_semaphore(%arg10 : memref<!tpu.dma_semaphore, #tpu.memory_space<semaphore_mem>>)
      %dma_start3A_509 = arith.constant 0 : i32
      %dma_start3A_510 = tpu.memref_slice %arg9[%add3A_500, %dma_start3A_509] : memref<128x64xf32, #tpu.memory_space<vmem>> -> memref<1x64xf32, #tpu.memory_space<vmem>>
      %dma_start3A_511 = arith.constant 0 : i32
      %dma_start3A_512 = tpu.memref_slice %arg4[%squeeze3A_496, %dma_start3A_511] : memref<1000000x64xf32, #tpu.memory_space<hbm>> -> memref<1x64xf32, #tpu.memory_space<hbm>>
      %dma_start3A_513 = arith.constant 0 : i32
      %dma_start3A_514 = tpu.memref_slice %arg9[%add3A_500, %dma_start3A_513] : memref<128x64xf32, #tpu.memory_space<vmem>> -> memref<1x64xf32, #tpu.memory_space<vmem>>
      %dma_start3A_515 = arith.constant 0 : i32
      %dma_start3A_516 = tpu.memref_slice %arg4[%squeeze3A_496, %dma_start3A_515] : memref<1000000x64xf32, #tpu.memory_space<hbm>> -> memref<1x64xf32, #tpu.memory_space<hbm>>
      tpu.enqueue_dma source(%dma_start3A_516 : memref<1x64xf32, #tpu.memory_space<hbm>>) target(%dma_start3A_514 : memref<1x64xf32, #tpu.memory_space<vmem>>) target_semaphore(%arg10 : memref<!tpu.dma_semaphore, #tpu.memory_space<semaphore_mem>>)
    }
    %scan3A_101 = arith.constant 8 : i32
    %dma_wait3A_102 = arith.constant 0 : i32
    %dma_wait3A_103 = arith.constant 0 : i32
    %dma_wait3A_104 = tpu.memref_slice %arg4[%dma_wait3A_102, %dma_wait3A_103] : memref<1000000x64xf32, #tpu.memory_space<hbm>> -> memref<128x64xf32, #tpu.memory_space<hbm>>
    %dma_wait3A_105 = arith.constant 0 : i32
    %dma_wait3A_106 = arith.constant 0 : i32
    %dma_wait3A_107 = tpu.memref_slice %arg4[%dma_wait3A_105, %dma_wait3A_106] : memref<1000000x64xf32, #tpu.memory_space<hbm>> -> memref<128x64xf32, #tpu.memory_space<hbm>>
    tpu.wait_dma2 semaphore(%arg10 : memref<!tpu.dma_semaphore, #tpu.memory_space<semaphore_mem>>) src(%dma_wait3A_107 : memref<128x64xf32, #tpu.memory_space<hbm>>) dst(%arg8 : memref<128x64xf32, #tpu.memory_space<vmem>>)
    %dma_wait3A_108 = arith.constant 0 : i32
    %dma_wait3A_109 = arith.constant 0 : i32
    %dma_wait3A_110 = tpu.memref_slice %arg4[%dma_wait3A_108, %dma_wait3A_109] : memref<1000000x64xf32, #tpu.memory_space<hbm>> -> memref<128x64xf32, #tpu.memory_space<hbm>>
    %dma_wait3A_111 = arith.constant 0 : i32
    %dma_wait3A_112 = arith.constant 0 : i32
    %dma_wait3A_113 = tpu.memref_slice %arg4[%dma_wait3A_111, %dma_wait3A_112] : memref<1000000x64xf32, #tpu.memory_space<hbm>> -> memref<128x64xf32, #tpu.memory_space<hbm>>
    tpu.wait_dma2 semaphore(%arg10 : memref<!tpu.dma_semaphore, #tpu.memory_space<semaphore_mem>>) src(%dma_wait3A_113 : memref<128x64xf32, #tpu.memory_space<hbm>>) dst(%arg9 : memref<128x64xf32, #tpu.memory_space<vmem>>)
    %scan3A_114 = arith.constant 0 : i32
    %scan3A_115 = arith.constant 0 : i32
    %scan3A_116 = arith.constant 128 : i32
    %scan3A_117 = arith.addi %scan3A_115, %scan3A_116 : i32
    %scan3A_118 = arith.constant 1 : i32
    scf.for %scan3A_126 = %scan3A_115 to %scan3A_117 step %scan3A_118  : i32 {
      %get3A = arith.index_cast %scan3A_126 : i32 to index
      %get3A_127 = arith.constant 0 : index
      %get3A_128 = tpu.vector_load %arg8[%get3A, %get3A_127] {strides = array<i32>} : memref<128x64xf32, #tpu.memory_space<vmem>>, vector<1x16xf32>,
      %get3A_129 = vector.shape_cast %get3A_128 : vector<1x16xf32> to vector<16xf32>
      %get3A_130 = arith.index_cast %scan3A_126 : i32 to index
      %get3A_131 = arith.constant 0 : index
      %get3A_132 = tpu.vector_load %arg9[%get3A_130, %get3A_131] {strides = array<i32>} : memref<128x64xf32, #tpu.memory_space<vmem>>, vector<1x16xf32>,
      %get3A_133 = vector.shape_cast %get3A_132 : vector<1x16xf32> to vector<16xf32>
      %add3A_134 = arith.addf %get3A_129, %get3A_133 : vector<16xf32>
      %swap3A = arith.index_cast %scan3A_126 : i32 to index
      %swap3A_135 = arith.constant 0 : index
      %swap3A_136 = tpu.vector_load %arg8[%swap3A, %swap3A_135] {strides = array<i32>} : memref<128x64xf32, #tpu.memory_space<vmem>>, vector<1x16xf32>,
      %swap3A_137 = vector.shape_cast %swap3A_136 : vector<1x16xf32> to vector<16xf32>
      %swap3A_138 = vector.shape_cast %add3A_134 : vector<16xf32> to vector<1x16xf32>
      tpu.vector_store %arg8[%swap3A, %swap3A_135], %swap3A_138 {strides = array<i32>} : memref<128x64xf32, #tpu.memory_space<vmem>>, vector<1x16xf32>,
      %get3A_139 = arith.index_cast %scan3A_126 : i32 to index
      %get3A_140 = arith.constant 16 : index
      %get3A_141 = tpu.vector_load %arg8[%get3A_139, %get3A_140] {strides = array<i32>} : memref<128x64xf32, #tpu.memory_space<vmem>>, vector<1x16xf32>,
      %get3A_142 = vector.shape_cast %get3A_141 : vector<1x16xf32> to vector<16xf32>
      %get3A_143 = arith.index_cast %scan3A_126 : i32 to index
      %get3A_144 = arith.constant 16 : index
      %get3A_145 = tpu.vector_load %arg9[%get3A_143, %get3A_144] {strides = array<i32>} : memref<128x64xf32, #tpu.memory_space<vmem>>, vector<1x16xf32>,
      %get3A_146 = vector.shape_cast %get3A_145 : vector<1x16xf32> to vector<16xf32>
      %add3A_147 = arith.addf %get3A_142, %get3A_146 : vector<16xf32>
      %swap3A_148 = arith.index_cast %scan3A_126 : i32 to index
      %swap3A_149 = arith.constant 16 : index
      %swap3A_150 = tpu.vector_load %arg8[%swap3A_148, %swap3A_149] {strides = array<i32>} : memref<128x64xf32, #tpu.memory_space<vmem>>, vector<1x16xf32>,
      %swap3A_151 = vector.shape_cast %swap3A_150 : vector<1x16xf32> to vector<16xf32>
      %swap3A_152 = vector.shape_cast %add3A_147 : vector<16xf32> to vector<1x16xf32>
      tpu.vector_store %arg8[%swap3A_148, %swap3A_149], %swap3A_152 {strides = array<i32>} : memref<128x64xf32, #tpu.memory_space<vmem>>, vector<1x16xf32>,
      %get3A_153 = arith.index_cast %scan3A_126 : i32 to index
      %get3A_154 = arith.constant 32 : index
      %get3A_155 = tpu.vector_load %arg8[%get3A_153, %get3A_154] {strides = array<i32>} : memref<128x64xf32, #tpu.memory_space<vmem>>, vector<1x16xf32>,
      %get3A_156 = vector.shape_cast %get3A_155 : vector<1x16xf32> to vector<16xf32>
      %get3A_157 = arith.index_cast %scan3A_126 : i32 to index
      %get3A_158 = arith.constant 32 : index
      %get3A_159 = tpu.vector_load %arg9[%get3A_157, %get3A_158] {strides = array<i32>} : memref<128x64xf32, #tpu.memory_space<vmem>>, vector<1x16xf32>,
      %get3A_160 = vector.shape_cast %get3A_159 : vector<1x16xf32> to vector<16xf32>
      %add3A_161 = arith.addf %get3A_156, %get3A_160 : vector<16xf32>
      %swap3A_162 = arith.index_cast %scan3A_126 : i32 to index
      %swap3A_163 = arith.constant 32 : index
      %swap3A_164 = tpu.vector_load %arg8[%swap3A_162, %swap3A_163] {strides = array<i32>} : memref<128x64xf32, #tpu.memory_space<vmem>>, vector<1x16xf32>,
      %swap3A_165 = vector.shape_cast %swap3A_164 : vector<1x16xf32> to vector<16xf32>
      %swap3A_166 = vector.shape_cast %add3A_161 : vector<16xf32> to vector<1x16xf32>
      tpu.vector_store %arg8[%swap3A_162, %swap3A_163], %swap3A_166 {strides = array<i32>} : memref<128x64xf32, #tpu.memory_space<vmem>>, vector<1x16xf32>,
      %get3A_167 = arith.index_cast %scan3A_126 : i32 to index
      %get3A_168 = arith.constant 48 : index
      %get3A_169 = tpu.vector_load %arg8[%get3A_167, %get3A_168] {strides = array<i32>} : memref<128x64xf32, #tpu.memory_space<vmem>>, vector<1x16xf32>,
      %get3A_170 = vector.shape_cast %get3A_169 : vector<1x16xf32> to vector<16xf32>
      %get3A_171 = arith.index_cast %scan3A_126 : i32 to index
      %get3A_172 = arith.constant 48 : index
      %get3A_173 = tpu.vector_load %arg9[%get3A_171, %get3A_172] {strides = array<i32>} : memref<128x64xf32, #tpu.memory_space<vmem>>, vector<1x16xf32>,
      %get3A_174 = vector.shape_cast %get3A_173 : vector<1x16xf32> to vector<16xf32>
      %add3A_175 = arith.addf %get3A_170, %get3A_174 : vector<16xf32>
      %swap3A_176 = arith.index_cast %scan3A_126 : i32 to index
      %swap3A_177 = arith.constant 48 : index
      %swap3A_178 = tpu.vector_load %arg8[%swap3A_176, %swap3A_177] {strides = array<i32>} : memref<128x64xf32, #tpu.memory_space<vmem>>, vector<1x16xf32>,
      %swap3A_179 = vector.shape_cast %swap3A_178 : vector<1x16xf32> to vector<16xf32>
      %swap3A_180 = vector.shape_cast %add3A_175 : vector<16xf32> to vector<1x16xf32>
      tpu.vector_store %arg8[%swap3A_176, %swap3A_177], %swap3A_180 {strides = array<i32>} : memref<128x64xf32, #tpu.memory_space<vmem>>, vector<1x16xf32>,
    }
    %scan3A_119 = arith.constant 128 : i32
    %mul3A_120 = arith.constant 4 : i32
    %mul3A_121 = arith.muli %add3A, %mul3A_120 : i32
    %add3A_122 = arith.constant 3 : i32
    %add3A_123 = arith.addi %mul3A_121, %add3A_122 : i32
    %mul3A_124 = arith.constant 128 : i32
    %mul3A_125 = arith.muli %add3A_123, %mul3A_124 : i32
    "tpu.region"() ({
      %run_scoped3A_126 = tpu.sem_alloc : memref<!tpu.dma_semaphore, #tpu.memory_space<semaphore_mem>>
      %dma_start3A = arith.constant 0 : i32
      %dma_start3A_127 = tpu.memref_slice %arg5[%mul3A_125, %dma_start3A] : memref<16384x64xf32, #tpu.memory_space<hbm>> -> memref<128x64xf32, #tpu.memory_space<hbm>>
      %dma_start3A_128 = arith.constant 0 : i32
      %dma_start3A_129 = tpu.memref_slice %arg5[%mul3A_125, %dma_start3A_128] : memref<16384x64xf32, #tpu.memory_space<hbm>> -> memref<128x64xf32, #tpu.memory_space<hbm>>
      tpu.enqueue_dma source(%arg8 : memref<128x64xf32, #tpu.memory_space<vmem>>) target(%dma_start3A_129 : memref<128x64xf32, #tpu.memory_space<hbm>>) target_semaphore(%run_scoped3A_126 : memref<!tpu.dma_semaphore, #tpu.memory_space<semaphore_mem>>)
      %dma_wait3A_130 = arith.constant 0 : i32
      %dma_wait3A_131 = tpu.memref_slice %arg5[%mul3A_125, %dma_wait3A_130] : memref<16384x64xf32, #tpu.memory_space<hbm>> -> memref<128x64xf32, #tpu.memory_space<hbm>>
      %dma_wait3A_132 = arith.constant 0 : i32
      %dma_wait3A_133 = tpu.memref_slice %arg5[%mul3A_125, %dma_wait3A_132] : memref<16384x64xf32, #tpu.memory_space<hbm>> -> memref<128x64xf32, #tpu.memory_space<hbm>>
      tpu.wait_dma2 semaphore(%run_scoped3A_126 : memref<!tpu.dma_semaphore, #tpu.memory_space<semaphore_mem>>) src(%arg8 : memref<128x64xf32, #tpu.memory_space<vmem>>) dst(%dma_wait3A_133 : memref<128x64xf32, #tpu.memory_space<hbm>>)
      tpu.yield
    }) : () -> ()
    return
  }
}

</mosaic_0001>

<sc_bundles>
// kernel: _sc_gather_sum.3.cloned.1.call-start
scs
__scs_entry_jumppad:
0x0: {  	(pc) =	sbr.rel $0x88, $3  }
0x1: {  	(tag) =	ssettag $0x0;
	lr =	simm.s32 $0x1  }
0x2: {  	[smem:$0x3F9E] =	sst lr;
	_ =	strace $0xD0000000  }
0x3: {  	_ = 	snop  }
0x4: {  	_ = 	snop  }
0x5: {  	_ = 	snop  }
0x6: {  	_ = 	snop  }
0x7: {  	_ = 	snop  }
__scs_overlays_trampoline_lowered:
0x8: {  	[smem:$0x3FAD] =	sst s0  }
0x9: {  	[smem:$0x3FAE] =	sst s1  }
0xa: {  	[smem:$0x3FAF] =	sst s2  }
0xb: {  	[smem:$0x3FB0] =	sst s3  }
0xc: {  	[smem:$0x3FB1] =	sst s4  }
0xd: {  	[smem:$0x3FB2] =	sst s5  }
0xe: {  	[smem:$0x3FB3] =	sst s6  }
0xf: {  	[smem:$0x3FB4] =	sst s7  }
0x10: {  	[smem:$0x3FB5] =	sst s8  }
0x11: {  	[smem:$0x3FB6] =	sst s9;
	s0 =	simm.s32 @!p0 $0x0  }
0x12: {  	s1 =	sld [smem:$0x3F9C];
	s0 =	simm.s32 @p0 $0x1  }
0x13: {  	[smem:$0x3FB7] =	sst s0;
	s0 =	simm.s32 @!p1 $0x0  }
0x14: {  	s2 =	sld [smem:$0x3F9B];
	s0 =	simm.s32 @p1 $0x1  }
0x15: {  	[smem:$0x3FB8] =	sst s0;
	s0 =	simm.s32 @!p2 $0x0  }
0x16: {  	s3 =	sld [smem:$0x3FDB];
	s0 =	simm.s32 @p2 $0x1  }
0x17: {  	s4 =	simm.s32 $0x1BF5;
	[smem:$0x3FBA] =	sst s0  }
0x18: {  	s0 =	sld [smem:$0x3F9D];
	_ =	swait.ge [sflag:s4], $0x0  }
0x19: {  	s7 =	sld [smem:$0x3F9E]  }
0x1a: {  	s8 =	sadd.s32 $0xFFFFE003, lr  }
0x1b: {  	s9 =	sadd.s32 $0xFFFFFEF7, lr;
	s5 =	simm.s32 $0xFFFFFFFF;
	p2 =	slt.u32 s8, $0xFFFFF086  }
0x1c: {  	p1 =	slt.u32 s9, $0xF7A;
	s5 =	simm.s32 @!p2 $0x0  }
0x1d: {  	s5 =	simm.s32 @p1 $0x1;
	p0 =	seq.s32 s7, s2  }
0x1e: {  	s7 =	smul.u32 @!p0 $0xF7A, s2;
	p2 =	seq.s32 @!p0 s5, $0x0  }
0x1f: {  	s9 =	smul.u32 $0xF7A, s1;
	s8 =	simm.s32 @!p0 $0x1BF5;
	p2 =	por !p2, p0  }
0x20: {  	[sflag:s8] =	ssyncset.s32 @!p0 $0xFFFFF086;
	s6 =	sadd.s32 @!p0 s3, s7;
	s7 =	simm.s32 @!p0 $0x108  }
0x21: {  	s3 =	sadd.s32 s3, s9;
	s6 =	sadd.s32 @!p0 $0x88, s6;
	s7 =	simm.s32 @p2 $0x1082  }
0x22: {  	[simem:s7], [sflag:s8] =	dma.local @!p0 [hbm:s6], $0xF7A  }
0x23: {  	s9 =	sor.u32 $0xD0000000, s2;
	s6 =	simm.s32 $0x108;
	_ =	swait.ge @!p0 [sflag:s8], $0x0  }
0x24: {  	s3 =	sadd.s32 $0x88, s3;
	s6 =	simm.s32 @!p1 $0x1082;
	[sflag:s4] =	ssyncset.s32 $0xFFFFF086  }
0x25: {  	[simem:s6], [sflag:s4] =	dma.local [hbm:s3], $0xF7A  }
0x26: {  	[smem:$0x3F9E] =	sst s1;
	(tag) =	ssettag s2;
	_ =	strace s9  }
0x27: {  	s1 =	sld [smem:$0x3FAE]  }
0x28: {  	s2 =	sld [smem:$0x3FAF]  }
0x29: {  	s4 =	sld [smem:$0x3FB1]  }
0x2a: {  	p0 =	seq.s32 s5, $0x0;
	s5 =	sld [smem:$0x3FB2]  }
0x2b: {  	s6 =	sld [smem:$0x3FB3]  }
0x2c: {  	s7 =	sld [smem:$0x3FB4]  }
0x2d: {  	s3 =	simm.s32 $0x108;
	s8 =	sld [smem:$0x3FB5]  }
0x2e: {  	s3 =	simm.s32 @!p0 $0x1082;
	s9 =	sld [smem:$0x3FB6]  }
0x2f: {  	lr =	sadd.s32 s0, s3;
	s0 =	sld [smem:$0x3FAD]  }
0x30: {  	s3 =	sld [smem:$0x3FB0]  }
0x31: {  	[smem:$0x3FB9] =	sst s10  }
0x32: {  	s10 =	sld [smem:$0x3FB7];
	_ =	sdelay $0x3  }
0x33: {  	p0 =	seq.s32 s10, $0x1;
	s10 =	sld [smem:$0x3FB9];
	_ =	sdelay $0x3  }
0x34: {  	[smem:$0x3FB9] =	sst s10  }
0x35: {  	s10 =	sld [smem:$0x3FB8];
	_ =	sdelay $0x3  }
0x36: {  	p1 =	seq.s32 s10, $0x1;
	s10 =	sld [smem:$0x3FB9];
	_ =	sdelay $0x3  }
0x37: {  	[smem:$0x3FB9] =	sst s10  }
0x38: {  	s10 =	sld [smem:$0x3FBA]  }
0x39: {  	_ = 	snop;
	(pc) =	sbr.ind lr, $3  }
0x3a: {  	_ = 	snop  }
0x3b: {  	_ = 	snop  }
0x3c: {  	p2 =	seq.s32 s10, $0x1;
	s10 =	sld [smem:$0x3FB9]  }
0x3d: {  	_ =	shalt  }
0x3e: {  	_ =	shalt  }
0x3f: {  	_ =	shalt  }
0x40: {  	_ =	shalt  }
0x41: {  	_ =	shalt  }
0x42: {  	_ =	shalt  }
0x43: {  	_ =	shalt  }
0x44: {  	_ =	shalt  }
0x45: {  	_ =	shalt  }
0x46: {  	_ =	shalt  }
0x47: {  	_ =	shalt  }
0x48: {  	_ =	shalt  }
0x49: {  	_ =	shalt  }
0x4a: {  	_ =	shalt  }
0x4b: {  	_ =	shalt  }
0x4c: {  	_ =	shalt  }
0x4d: {  	_ =	shalt  }
0x4e: {  	_ =	shalt  }
0x4f: {  	_ =	shalt  }
0x50: {  	_ =	shalt  }
0x51: {  	_ =	shalt  }
0x52: {  	_ =	shalt  }
0x53: {  	_ =	shalt  }
0x54: {  	_ =	shalt  }
0x55: {  	_ =	shalt  }
0x56: {  	_ =	shalt  }
0x57: {  	_ =	shalt  }
0x58: {  	_ =	shalt  }
0x59: {  	_ =	shalt  }
0x5a: {  	_ =	shalt  }
0x5b: {  	_ =	shalt  }
0x5c: {  	_ =	shalt  }
0x5d: {  	_ =	shalt  }
0x5e: {  	_ =	shalt  }
0x5f: {  	_ =	shalt  }
0x60: {  	_ =	shalt  }
0x61: {  	_ =	shalt  }
0x62: {  	_ =	shalt  }
0x63: {  	_ =	shalt  }
0x64: {  	_ =	shalt  }
0x65: {  	_ =	shalt  }
0x66: {  	_ =	shalt  }
0x67: {  	_ =	shalt  }
0x68: {  	_ =	shalt  }
0x69: {  	_ =	shalt  }
0x6a: {  	_ =	shalt  }
0x6b: {  	_ =	shalt  }
0x6c: {  	_ =	shalt  }
0x6d: {  	_ =	shalt  }
0x6e: {  	_ =	shalt  }
0x6f: {  	_ =	shalt  }
0x70: {  	_ =	shalt  }
0x71: {  	_ =	shalt  }
0x72: {  	_ =	shalt  }
0x73: {  	_ =	shalt  }
0x74: {  	_ =	shalt  }
0x75: {  	_ =	shalt  }
0x76: {  	_ =	shalt  }
0x77: {  	_ =	shalt  }
0x78: {  	_ =	shalt  }
0x79: {  	_ =	shalt  }
0x7a: {  	_ =	shalt  }
0x7b: {  	_ =	shalt  }
0x7c: {  	_ =	shalt  }
0x7d: {  	_ =	shalt  }
0x7e: {  	_ =	shalt  }
0x7f: {  	_ =	shalt  }
0x80: {  	_ =	shalt  }
0x81: {  	_ =	shalt  }
0x82: {  	_ =	shalt  }
0x83: {  	_ =	shalt  }
0x84: {  	_ =	shalt  }
0x85: {  	_ =	shalt  }
0x86: {  	_ =	shalt  }
0x87: {  	_ =	shalt  }
.Lfunc_end0:
.L_simem_size_0:
called_computation_lowered:
.L_overlay_start_0:
0x88: {  	s2 =	sld [smem:$0x3FD9]  }
0x89: {  	s3 =	sld [smem:$0x3FFE];
	_ =	sdelay $0x1  }
0x8a: {  	s1 =	srdreg.scid  }
0x8b: {  	s0 =	sand.u32 $0x1, s1  }
0x8c: {  	s17 =	sshll.u32 s0, $0xA;
	s2 =	sadd.s32 s3, s2  }
0x8d: {  	s2 =	sadd.s32 s2, s17  }
0x8e: {  	[smem:$0x3FC5] =	sst s2  }
0x8f: {  	_ = 	snop  }
0x90: {  	s2 =	sld [smem:$0x3FC9]  }
0x91: {  	s18 =	sld [smem:$0x3FC8];
	(tm) =	ssettm $0x1  }
0x92: {  	s4 =	sld [smem:$0x3FFB];
	_ =	sdelay $0x3  }
0x93: {  	_ =	strace s4  }
0x94: {  	s4 =	sld [smem:$0x3FFC];
	_ =	sdelay $0x3  }
0x95: {  	_ =	strace s4  }
0x96: {  	s4 =	sld [smem:$0x3FFD];
	_ =	sdelay $0x3  }
0x97: {  	_ =	strace s4  }
0x98: {  	_ =	strace $0x8FFFFFFF  }
0x99: {  	s19 =	sld [smem:$0x3FDB];
	_ =	sdelay $0x1  }
0x9a: {  	s5 =	simm.s32 $_scs_section_size  }
0x9b: {  	s6 =	simm.s32 $_size__tile_overlayer_lowered;
	s7 =	simm.s32 $_tile_overlayer_lowered  }
0x9c: {  	s22 =	simm.s32 $0x1BFF;
	s21 =	sshll.u32 s7, $0x1;
	s4 =	sadd.s32 s5, s19  }
0x9d: {  	s8 =	simm.s32 $0x0;
	s20 =	sshll.u32 s6, $0x1;
	s6 =	sadd.s32 s21, s4  }
0x9e: {  	[timem:s8], [sflag:s22] =	dma.local [hbm:s6], s20  }
0x9f: {  	_ =	swait.ge [sflag:s22], s20  }
0xa0: {  	s5 =	ssub.s32 $0x0, s20;
	[sflag:s22] =	ssyncset.done $0x0  }
0xa1: {  	[sflag:s22] =	ssyncadd.s32 s5;
	_ =	sdelay $0x1  }
0xa2: {  	s23 =	simm.s32 $0x1B8B  }
0xa3: {  	_ =	swait.ge [sflag:s23], $0x1  }
0xa4: {  	[sflag:s23] =	ssyncset.done $0x0  }
0xa5: {  	s25 =	simm.s32 $0x1B8E;
	s24 =	sld [smem:$0x3FFE];
	[sflag:s23] =	ssyncadd.s32 $0xFFFFFFFF  }
0xa6: {  	s26 =	simm.s32 $execute0_lowered;
	[smem:$0x3FD2] =	sst s25  }
0xa7: {  	s6 =	sshll.u32 s26, $0x1;
	_ =	strace $0x80000046;
	[dreg:$0x1] =	wrdreg $0xFFFFFFFF  }
0xa8: {  	s28 =	simm.s32 $_size_execute0_lowered;
	s4 =	sadd.s32 s4, s6;
	[dreg:$0x0] =	wrdreg $0x0  }
0xa9: {  	s6 =	sshll.u32 s28, $0x1;
	[dreg:$0x2] =	wrdreg s4  }
0xaa: {  	[dreg:$0x3] =	wrdreg s6  }
0xab: {  	[dreg:$0x4] =	wrdreg $0xC0  }
0xac: {  	_ =	task [dreg:s8], $0x5FFFF  }
0xad: {  	[dreg:$0x1] =	wrdreg $0xFFFFFFFF  }
0xae: {  	[dreg:$0x0] =	wrdreg $0x60  }
0xaf: {  	[dreg:$0x2] =	wrdreg s2  }
0xb0: {  	[dreg:$0x3] =	wrdreg s18  }
0xb1: {  	[dreg:$0x4] =	wrdreg s24  }
0xb2: {  	[dreg:$0x5] =	wrdreg $0x9  }
0xb3: {  	_ =	task.clear_ibuf [dreg:s8], $0x6FFFF;
	_ =	strace $0x90000046  }
0xb4: {  	s29 =	simm.s32 $0x9;
	_ =	strace $0x80000048  }
0xb5: {  	_ =	swait.ge [sflag:s29], $0x1  }
0xb6: {  	[sflag:s29] =	ssyncadd.s32 $0xFFFFFFFF  }
0xb7: {  	_ =	strace $0x90000048  }
0xb8: {  	_ =	sfence  }
0xb9: {  	s30 =	sld [smem:$0x0];
	_ =	sdelay $0x2  }
0xba: {  	s31 =	sshll.u32 s1, $0xD;
	s1 =	sshrl.u32 s1, $0x2  }
0xbb: {  	s3 =	sand.u32 $0x4000, s31;
	s1 =	sadd.s32 s1, s30  }
0xbc: {  	s0 =	sor.u32 s3, s0;
	s1 =	sshll.u32 s1, $0x11  }
0xbd: {  	s0 =	sor.u32 s1, s0  }
0xbe: {  	s0 =	sadd.s32 $0x8F2B, s0  }
0xbf: {  	[sflag:s0] =	ssyncadd.remote.s32 $0x1  }
0xc0: {  	_ =	sfence.sel $0xFFFF  }
0xc1: {  	[dreg:$0x0] =	wrdreg $0xFFFFFFFF;
	(pc) =	sbr.abs _section_cstart, $3  }
0xc2: {  	[dreg:$0x1] =	wrdreg $0xFFFFFFFF  }
0xc3: {  	_ =	task.clear_ibuf [dreg:s8], $0x2FFFF;
	_ =	strace $0x9FFFFFFF  }
0xc4: {  	(tm) =	ssettm $0x7FFFFFFF  }
0xc5: {  	_ =	shalt  }
tec
execute0_lowered:
.L_overlay_start_1:
0x0: {  	(tag) =	ssettag $0x1  }
0x1: {  	s0 =	rddreg [dreg:$0x0]  }
0x2: {  	s3 =	srdreg.scid;
	s6 =	stileid.u32  }
0x3: {  	s1 =	rddreg [dreg:$0x1];
	s5 =	sand.u32 $0x1, s3;
	s18 =	sshll.u32 s6, $0x1  }
0x4: {  	s4 =	rddreg [dreg:$0x2];
	s2 =	simm.s32 $0x0;
	s6 =	sor.u32 s5, s18  }
0x5: {  	[smem:$0x7FF] =	sst s2;
	s7 =	sshll.u32 s6, $0xD;
	s6 =	sshll.u32 s6, $0x6  }
0x6: {  	s3 =	sadd.s32 $0x400, s4;
	_ =	strace $0x80000047;
	s20 =	sadd.s32 s0, s6  }
0x7: {  	s4 =	sadd.s32 s7, s4;
	s8 =	sadd.s32 s1, s6;
	[smem:$0x7F1] =	sst s20  }
0x8: {  	s21 =	sor.u32 $0x10, s6;
	[smem:$0x7F2] =	sst s8;
	s22 =	sadd.s32 $0xF42800, s4  }
0x9: {  	s23 =	sadd.s32 s0, s21;
	[smem:$0x7F3] =	sst s22  }
0xa: {  	s7 =	sadd.s32 s1, s21;
	[smem:$0x7F4] =	sst s23  }
0xb: {  	s25 =	sor.u32 $0x20, s6;
	s24 =	sadd.s32 $0xF43000, s4;
	[smem:$0x7F5] =	sst s7  }
0xc: {  	s26 =	sadd.s32 s0, s25;
	[smem:$0x7F6] =	sst s24  }
0xd: {  	s6 =	sor.u32 $0x30, s6;
	s28 =	sadd.s32 $0xF43800, s4;
	[smem:$0x7F7] =	sst s26  }
0xe: {  	s5 =	ssub.s32 $0x2, s5;
	s0 =	sadd.s32 s0, s6;
	[smem:$0x7F9] =	sst s28  }
0xf: {  	s19 =	sshrl.u32 s5, $0x1;
	s29 =	sadd.s32 s1, s6;
	[smem:$0x7FA] =	sst s0  }
0x10: {  	s5 =	ssub.s32 s5, s19;
	s30 =	sadd.s32 $0xF44000, s4;
	[smem:$0x7FB] =	sst s29  }
0x11: {  	s31 =	smax.u32 s5, $0x1;
	[smem:$0x7FC] =	sst s30  }
0x12: {  	s7 =	sadd.s32 s1, s25;
	[smem:$0x7FD] =	sst s31  }
0x13: {  	s4 =	simm.s32 $0x2;
	s1 =	simm.s32 $0x0;
	[smem:$0x7F8] =	sst s7  }
.LBB2_1:
0x14: {  	s0 =	sld [smem:$0x7F1];
	_ =	sdelay $0x1  }
0x15: {  	[smem:$0x7F0] =	sst s1  }
0x16: {  	[tilespmem:s2], [sflag:$0x2] =	stream.linear.gather [hbm4b:s0+s2], $0x80, $0x38;
	[tilespmem:$0x8100] =	vst v63  }
0x17: {  	_ =	swait.ge [sflag:s4], $0x80  }
0x18: {  	s26 =	sld [smem:$0x7F2]  }
0x19: {  	[sflag:s4] =	ssyncset.done $0x0  }
0x1a: {  	s25 =	simm.s32 $0x80;
	[sflag:s4] =	ssyncadd.s32 $0xFFFFFF80  }
0x1b: {  	[tilespmem:s25], [sflag:$0x2] =	stream.linear.gather [hbm4b:s26+s2], $0x80, $0x38;
	[tilespmem:$0x8100] =	vst v63  }
0x1c: {  	_ =	swait.ge [sflag:s4], $0x80  }
0x1d: {  	[sflag:s4] =	ssyncset.done $0x0  }
0x1e: {  	[sflag:s4] =	ssyncadd.s32 $0xFFFFFF80  }
0x1f: {  	v0 =	vld [tilespmem:s2+$0x0]  }
0x20: {  	v2 =	vld [tilespmem:s25+$0x0];
	_ =	sdelay $0x3  }
0x21: {  	v1 =	vshll.u32 v0, $0x4  }
0x22: {  	v63 =	vshll.u32 v2, $0x4;
	(v2sf) =	vpush v1, $0x0  }
0x23: {  	(v2sf) =	vpush v63, $0x0  }
0x24: {  	(v2sf) =	vpush v1, $0x1;
	_ =	sdelay $0x2  }
0x25: {  	(v2sf) =	vpush v63, $0x1;
	_ =	sdelay $0x1  }
0x26: {  	(v2sf) =	vpush v1, $0x2;
	_ =	sdelay $0x1  }
0x27: {  	(v2sf) =	vpush v63, $0x2  }
0x28: {  	s22 =	simm.s32 $0x2000  }
0x29: {  	s21 =	simm.s32 $0x0;
	s29 =	simm.s32 $0x4100;
	s1 =	simm.s32 $0x380;
	(v2sf) =	vpush v1, $0x3  }
0x2a: {  	s5 =	simm.s32 $0x580;
	s6 =	simm.s32 $0x100;
	s8 =	simm.s32 $0x300  }
0x2b: {  	s9 =	simm.s32 $0x280;
	s12 =	simm.s32 $0x180;
	s15 =	simm.s32 $0x4180  }
0x2c: {  	s17 =	simm.s32 $0x200;
	s20 =	simm.s32 $0x4200;
	s31 =	simm.s32 $0x700  }
0x2d: {  	s28 =	simm.s32 $0x90;
	s30 =	simm.s32 $0x800;
	s7 =	spop (v2sf);
	(v2sf) =	vpush v63, $0x3  }
0x2e: {  	s0 =	simm.s32 $0x4600;
	s7 =	sand.u32 $0x1FFFFFF0, s7;
	s10 =	spop (v2sf)  }
0x2f: {  	(v2sf) =	vpush v1, $0x4;
	s7 =	sadd.s32 s3, s7;
	s10 =	sand.u32 $0x1FFFFFF0, s10;
	s11 =	spop (v2sf)  }
0x30: {  	(v2sf) =	vpush v63, $0x4;
	[tilespmem:s6], [sflag:$0x1] =	stream.linear.gather [hbm4b:s7+s2], $0x80, $0x38;
	[tilespmem:$0x8100] =	vst v63  }
0x31: {  	s26 =	simm.s32 $0x4300;
	s7 =	sadd.s32 s3, s10;
	s10 =	sand.u32 $0x1FFFFFF0, s11  }
0x32: {  	s6 =	simm.s32 $0x4280;
	s11 =	spop (v2sf);
	(v2sf) =	vpush v1, $0x5;
	s13 =	sadd.s32 s3, s10  }
0x33: {  	(v2sf) =	vpush v63, $0x5;
	[tilespmem:s29], [sflag:$0x1] =	stream.linear.gather [hbm4b:s7+s2], $0x80, $0x38;
	[tilespmem:$0x8100] =	vst v63  }
0x34: {  	s14 =	sand.u32 $0x1FFFFFF0, s11;
	s16 =	spop (v2sf);
	s11 =	simm.s32 $0x480  }
0x35: {  	(v2sf) =	vpush v1, $0x6;
	[tilespmem:s12], [sflag:$0x1] =	stream.linear.gather [hbm4b:s13+s2], $0x80, $0x38;
	[tilespmem:$0x8100] =	vst v63  }
0x36: {  	s10 =	sadd.s32 s3, s14;
	s7 =	sand.u32 $0x1FFFFFF0, s16;
	s18 =	spop (v2sf)  }
0x37: {  	[tilespmem:s15], [sflag:$0x1] =	stream.linear.gather [hbm4b:s10+s2], $0x80, $0x38;
	[tilespmem:$0x8100] =	vst v63  }
0x38: {  	s7 =	sadd.s32 s3, s7;
	s19 =	spop (v2sf);
	s10 =	sand.u32 $0x1FFFFFF0, s18  }
0x39: {  	(v2sf) =	vpush v63, $0x6;
	[tilespmem:s17], [sflag:$0x1] =	stream.linear.gather [hbm4b:s7+s2], $0x80, $0x38;
	[tilespmem:$0x8100] =	vst v63  }
0x3a: {  	s24 =	sand.u32 $0x1FFFFFF0, s19;
	s12 =	simm.s32 $0x4700;
	s23 =	sadd.s32 s3, s10  }
0x3b: {  	[tilespmem:s20], [sflag:$0x1] =	stream.linear.gather [hbm4b:s23+s2], $0x80, $0x38;
	[tilespmem:$0x8100] =	vst v63  }
0x3c: {  	s13 =	simm.s32 $0x780;
	s10 =	sadd.s32 s3, s24;
	s25 =	spop (v2sf)  }
0x3d: {  	(v2sf) =	vpush v1, $0x7;
	[tilespmem:s9], [sflag:$0x1] =	stream.linear.gather [hbm4b:s10+s2], $0x80, $0x38;
	[tilespmem:$0x8100] =	vst v63  }
0x3e: {  	s15 =	simm.s32 $0x4380;
	s7 =	sand.u32 $0x1FFFFFF0, s25;
	s29 =	spop (v2sf)  }
0x3f: {  	s17 =	simm.s32 $0x400;
	s7 =	sadd.s32 s3, s7;
	s4 =	spop (v2sf)  }
0x40: {  	(v2sf) =	vpush v63, $0x7;
	[tilespmem:s6], [sflag:$0x1] =	stream.linear.gather [hbm4b:s7+s2], $0x80, $0x38;
	[tilespmem:$0x8100] =	vst v63  }
0x41: {  	s10 =	sand.u32 $0x1FFFFFF0, s29;
	(v2sf) =	vpush v1, $0x8;
	s14 =	sand.u32 $0x1FFFFFF0, s4;
	s16 =	spop (v2sf)  }
0x42: {  	s10 =	sadd.s32 s3, s10;
	s7 =	sadd.s32 s3, s14;
	s18 =	spop (v2sf)  }
0x43: {  	(v2sf) =	vpush v63, $0x8;
	[tilespmem:s8], [sflag:$0x1] =	stream.linear.gather [hbm4b:s10+s2], $0x80, $0x38;
	[tilespmem:$0x8100] =	vst v63  }
0x44: {  	s8 =	sand.u32 $0x1FFFFFF0, s16;
	s9 =	sand.u32 $0x1FFFFFF0, s18;
	s19 =	spop (v2sf)  }
0x45: {  	(v2sf) =	vpush v1, $0x9;
	[tilespmem:s26], [sflag:$0x1] =	stream.linear.gather [hbm4b:s7+s2], $0x80, $0x38;
	[tilespmem:$0x8100] =	vst v63  }
0x46: {  	s10 =	simm.s32 $0x4780;
	s16 =	simm.s32 $0x4480;
	s8 =	sadd.s32 s3, s8  }
0x47: {  	(v2sf) =	vpush v63, $0x9;
	[tilespmem:s1], [sflag:$0x1] =	stream.linear.gather [hbm4b:s8+s2], $0x80, $0x38;
	[tilespmem:$0x8100] =	vst v63  }
0x48: {  	s20 =	sadd.s32 s3, s9;
	s23 =	sand.u32 $0x1FFFFFF0, s19;
	s24 =	spop (v2sf)  }
0x49: {  	(v2sf) =	vpush v1, $0xA;
	[tilespmem:s15], [sflag:$0x1] =	stream.linear.gather [hbm4b:s20+s2], $0x80, $0x38;
	[tilespmem:$0x8100] =	vst v63  }
0x4a: {  	s18 =	simm.s32 $0x500;
	s25 =	sadd.s32 s3, s23;
	s6 =	sand.u32 $0x1FFFFFF0, s24  }
0x4b: {  	(v2sf) =	vpush v63, $0xA;
	[tilespmem:s17], [sflag:$0x1] =	stream.linear.gather [hbm4b:s25+s2], $0x80, $0x38;
	[tilespmem:$0x8100] =	vst v63  }
0x4c: {  	s26 =	simm.s32 $0x4400;
	s6 =	sadd.s32 s3, s6;
	s29 =	spop (v2sf)  }
0x4d: {  	(v2sf) =	vpush v1, $0xB;
	[tilespmem:s26], [sflag:$0x1] =	stream.linear.gather [hbm4b:s6+s2], $0x80, $0x38;
	[tilespmem:$0x8100] =	vst v63  }
0x4e: {  	s23 =	simm.s32 $0x4500;
	s1 =	simm.s32 $0x4680;
	s8 =	sand.u32 $0x1FFFFFF0, s29  }
0x4f: {  	s26 =	simm.s32 $0x4580;
	s4 =	spop (v2sf);
	(v2sf) =	vpush v63, $0xB;
	s14 =	sadd.s32 s3, s8  }
0x50: {  	s15 =	sand.u32 $0x1FFFFFF0, s4;
	s17 =	spop (v2sf);
	s4 =	simm.s32 $0x600  }
0x51: {  	[tilespmem:s11], [sflag:$0x1] =	stream.linear.gather [hbm4b:s14+s2], $0x80, $0x38;
	[tilespmem:$0x8100] =	vst v63  }
0x52: {  	s8 =	sadd.s32 s3, s15;
	s7 =	sand.u32 $0x1FFFFFF0, s17;
	s19 =	spop (v2sf)  }
0x53: {  	(v2sf) =	vpush v1, $0xC;
	[tilespmem:s16], [sflag:$0x1] =	stream.linear.gather [hbm4b:s8+s2], $0x80, $0x38;
	[tilespmem:$0x8100] =	vst v63  }
0x54: {  	s7 =	sadd.s32 s3, s7;
	s20 =	spop (v2sf);
	s8 =	sand.u32 $0x1FFFFFF0, s19  }
0x55: {  	(v2sf) =	vpush v63, $0xC;
	[tilespmem:s18], [sflag:$0x1] =	stream.linear.gather [hbm4b:s7+s2], $0x80, $0x38;
	[tilespmem:$0x8100] =	vst v63  }
0x56: {  	s25 =	sand.u32 $0x1FFFFFF0, s20;
	s29 =	spop (v2sf);
	s24 =	sadd.s32 s3, s8  }
0x57: {  	[tilespmem:s23], [sflag:$0x1] =	stream.linear.gather [hbm4b:s24+s2], $0x80, $0x38;
	[tilespmem:$0x8100] =	vst v63  }
0x58: {  	s8 =	sadd.s32 s3, s25;
	s9 =	spop (v2sf);
	s7 =	sand.u32 $0x1FFFFFF0, s29  }
0x59: {  	[tilespmem:s5], [sflag:$0x1] =	stream.linear.gather [hbm4b:s8+s2], $0x80, $0x38;
	[tilespmem:$0x8100] =	vst v63  }
0x5a: {  	s11 =	spop (v2sf);
	s7 =	sadd.s32 s3, s7;
	s8 =	sand.u32 $0x1FFFFFF0, s9  }
0x5b: {  	[tilespmem:s26], [sflag:$0x1] =	stream.linear.gather [hbm4b:s7+s2], $0x80, $0x38;
	[tilespmem:$0x8100] =	vst v63  }
0x5c: {  	s15 =	sand.u32 $0x1FFFFFF0, s11;
	s14 =	sadd.s32 s3, s8;
	s16 =	spop (v2sf)  }
0x5d: {  	[tilespmem:s4], [sflag:$0x1] =	stream.linear.gather [hbm4b:s14+s2], $0x80, $0x38;
	[tilespmem:$0x8100] =	vst v63  }
0x5e: {  	s17 =	sadd.s32 s3, s15;
	s18 =	sand.u32 $0x1FFFFFF0, s16;
	s19 =	spop (v2sf)  }
0x5f: {  	(v2sf) =	vpush v1, $0xD;
	[tilespmem:s0], [sflag:$0x1] =	stream.linear.gather [hbm4b:s17+s2], $0x80, $0x38;
	[tilespmem:$0x8100] =	vst v63  }
0x60: {  	s20 =	simm.s32 $0x680;
	(v2sf) =	vpush v63, $0xD;
	s23 =	sadd.s32 s3, s18;
	s24 =	sand.u32 $0x1FFFFFF0, s19  }
0x61: {  	(v2sf) =	vpush v1, $0xE;
	[tilespmem:s20], [sflag:$0x1] =	stream.linear.gather [hbm4b:s23+s2], $0x80, $0x38;
	[tilespmem:$0x8100] =	vst v63  }
0x62: {  	s8 =	simm.s32 $0x4800;
	s25 =	sadd.s32 s3, s24;
	(v2sf) =	vpush v63, $0xE;
	s29 =	spop (v2sf)  }
0x63: {  	(v2sf) =	vpush v1, $0xF;
	[tilespmem:s1], [sflag:$0x1] =	stream.linear.gather [hbm4b:s25+s2], $0x80, $0x38;
	[tilespmem:$0x8100] =	vst v63  }
0x64: {  	s26 =	simm.s32 $0x10;
	s0 =	sand.u32 $0x1FFFFFF0, s29;
	(v2sf) =	vpush v63, $0xF;
	s1 =	spop (v2sf)  }
.LBB2_2:
0x65: {  	_ =	sdelay $0x4  }
0x66: {  	s0 =	sadd.s32 s3, s0;
	s1 =	sand.u32 $0x1FFFFFF0, s1  }
0x67: {  	[tilespmem:s31], [sflag:$0x1] =	stream.linear.gather [hbm4b:s0+s2], $0x80, $0x38;
	[tilespmem:$0x8100] =	vst v63  }
0x68: {  	s7 =	sadd.s32 s3, s1  }
0x69: {  	[tilespmem:s12], [sflag:$0x1] =	stream.linear.gather [hbm4b:s7+s2], $0x80, $0x38;
	[tilespmem:$0x8100] =	vst v63  }
0x6a: {  	s5 =	spop (v2sf)  }
0x6b: {  	s9 =	sand.u32 $0x1FFFFFF0, s5;
	s11 =	spop (v2sf)  }
0x6c: {  	s12 =	sadd.s32 s3, s9;
	s14 =	sand.u32 $0x1FFFFFF0, s11;
	s4 =	spop (v2sf)  }
0x6d: {  	[tilespmem:s13], [sflag:$0x1] =	stream.linear.gather [hbm4b:s12+s2], $0x80, $0x38;
	[tilespmem:$0x8100] =	vst v63  }
0x6e: {  	s15 =	sadd.s32 s3, s14;
	s16 =	sand.u32 $0x1FFFFFF0, s4;
	s17 =	spop (v2sf)  }
0x6f: {  	[tilespmem:s10], [sflag:$0x1] =	stream.linear.gather [hbm4b:s15+s2], $0x80, $0x38;
	[tilespmem:$0x8100] =	vst v63  }
0x70: {  	s18 =	sadd.s32 s3, s16;
	s19 =	sand.u32 $0x1FFFFFF0, s17;
	s20 =	spop (v2sf)  }
0x71: {  	[tilespmem:s30], [sflag:$0x1] =	stream.linear.gather [hbm4b:s18+s2], $0x80, $0x38;
	[tilespmem:$0x8100] =	vst v63  }
0x72: {  	s23 =	sadd.s32 s3, s19;
	s24 =	sand.u32 $0x1FFFFFF0, s20;
	s25 =	spop (v2sf)  }
0x73: {  	[tilespmem:s8], [sflag:$0x1] =	stream.linear.gather [hbm4b:s23+s2], $0x80, $0x38;
	[tilespmem:$0x8100] =	vst v63  }
0x74: {  	s29 =	sadd.s32 $0x880, s21;
	s1 =	sadd.s32 s3, s24;
	s4 =	sand.u32 $0x1FFFFFF0, s25  }
0x75: {  	[tilespmem:s29], [sflag:$0x1] =	stream.linear.gather [hbm4b:s1+s2], $0x80, $0x38;
	[tilespmem:$0x8100] =	vst v63  }
0x76: {  	s5 =	sadd.s32 $0x4880, s21;
	s6 =	sadd.s32 s3, s4  }
0x77: {  	[tilespmem:s5], [sflag:$0x1] =	stream.linear.gather [hbm4b:s6+s2], $0x80, $0x38;
	[tilespmem:$0x8100] =	vst v63  }
0x78: {  	v0 =	vld [tilespmem:s26+$0x0]  }
0x79: {  	v2 =	vld [tilespmem:s28+$0x0];
	_ =	sdelay $0x3  }
0x7a: {  	v1 =	vshll.u32 v0, $0x4  }
0x7b: {  	s7 =	smov.u32 s22;
	v63 =	vshll.u32 v2, $0x4;
	(v2sf) =	vpush v1, $0x0  }
0x7c: {  	s21 =	sshra.s32 s7, $0x2;
	(v2sf) =	vpush v63, $0x0  }
0x7d: {  	p0 =	sne.s32 s22, $0xE000;
	s22 =	sadd.s32 $0x2000, s22;
	s0 =	sadd.s32 $0x580, s21;
	(v2sf) =	vpush v1, $0x1  }
0x7e: {  	s9 =	sadd.s32 $0x4700, s21;
	s11 =	sadd.s32 $0x4580, s21;
	[dreg:$0xc] =	wrdreg s0  }
0x7f: {  	s31 =	sadd.s32 $0x700, s21;
	[dreg:$0x18] =	wrdreg s9;
	s0 =	sadd.s32 $0x200, s21;
	(v2sf) =	vpush v63, $0x1  }
0x80: {  	s14 =	sadd.s32 $0x400, s21;
	s13 =	sadd.s32 $0x4400, s21;
	[dreg:$0x14] =	wrdreg s11  }
0x81: {  	s12 =	sadd.s32 $0x600, s21;
	s11 =	sadd.s32 $0x4480, s21;
	s9 =	sadd.s32 $0x500, s21;
	(v2sf) =	vpush v1, $0x2  }
0x82: {  	s16 =	sadd.s32 $0x300, s21;
	s17 =	sadd.s32 $0x4200, s21;
	[dreg:$0x10] =	wrdreg s12  }
0x83: {  	s12 =	sadd.s32 $0x480, s21;
	s20 =	sadd.s32 $0x4280, s21;
	s10 =	sadd.s32 $0x780, s21;
	(v2sf) =	vpush v63, $0x2  }
0x84: {  	s19 =	sadd.s32 $0x4300, s21;
	s15 =	sadd.s32 $0x4380, s21;
	[smem:$0x7EF] =	sst s10  }
0x85: {  	s10 =	sadd.s32 $0x4780, s21;
	s24 =	sadd.s32 $0x4500, s21;
	s4 =	sadd.s32 $0x100, s21;
	(v2sf) =	vpush v1, $0x3  }
0x86: {  	s18 =	sadd.s32 $0x280, s21;
	[dreg:$0x1c] =	wrdreg s24;
	s24 =	sadd.s32 $0x180, s21  }
0x87: {  	s30 =	sadd.s32 $0x800, s21;
	s23 =	sadd.s32 $0x4100, s21;
	s8 =	sadd.s32 $0x4600, s21;
	(v2sf) =	vpush v63, $0x3  }
0x88: {  	[dreg:$0x4] =	wrdreg s8;
	s8 =	sadd.s32 $0x4800, s21;
	s6 =	sadd.s32 $0x4680, s21  }
0x89: {  	s1 =	sadd.s32 $0x4180, s21;
	s5 =	sadd.s32 $0x380, s21;
	[dreg:$0x8] =	wrdreg s6;
	(v2sf) =	vpush v1, $0x4  }
0x8a: {  	s26 =	sadd.s32 $0x10, s26;
	s28 =	sadd.s32 $0x10, s28;
	s7 =	spop (v2sf)  }
0x8b: {  	s25 =	sand.u32 $0x1FFFFFF0, s7;
	s7 =	sadd.s32 $0x680, s21;
	s29 =	spop (v2sf);
	(v2sf) =	vpush v63, $0x4  }
0x8c: {  	s25 =	sadd.s32 s3, s25;
	s29 =	sand.u32 $0x1FFFFFF0, s29;
	s6 =	spop (v2sf)  }
0x8d: {  	(v2sf) =	vpush v1, $0x5;
	[tilespmem:s4], [sflag:$0x1] =	stream.linear.gather [hbm4b:s25+s2], $0x80, $0x38;
	[tilespmem:$0x8100] =	vst v63  }
0x8e: {  	s25 =	sadd.s32 s3, s29;
	s6 =	sand.u32 $0x1FFFFFF0, s6;
	s29 =	spop (v2sf)  }
0x8f: {  	(v2sf) =	vpush v63, $0x5;
	[tilespmem:s23], [sflag:$0x1] =	stream.linear.gather [hbm4b:s25+s2], $0x80, $0x38;
	[tilespmem:$0x8100] =	vst v63  }
0x90: {  	s23 =	sadd.s32 s3, s6;
	s25 =	sand.u32 $0x1FFFFFF0, s29;
	s29 =	spop (v2sf)  }
0x91: {  	(v2sf) =	vpush v1, $0x6;
	[tilespmem:s24], [sflag:$0x1] =	stream.linear.gather [hbm4b:s23+s2], $0x80, $0x38;
	[tilespmem:$0x8100] =	vst v63  }
0x92: {  	s24 =	sadd.s32 s3, s25;
	s25 =	sand.u32 $0x1FFFFFF0, s29;
	s29 =	spop (v2sf)  }
0x93: {  	(v2sf) =	vpush v63, $0x6;
	[tilespmem:s1], [sflag:$0x1] =	stream.linear.gather [hbm4b:s24+s2], $0x80, $0x38;
	[tilespmem:$0x8100] =	vst v63  }
0x94: {  	s4 =	sadd.s32 s3, s25;
	s6 =	sand.u32 $0x1FFFFFF0, s29;
	s23 =	spop (v2sf)  }
0x95: {  	(v2sf) =	vpush v1, $0x7;
	[tilespmem:s0], [sflag:$0x1] =	stream.linear.gather [hbm4b:s4+s2], $0x80, $0x38;
	[tilespmem:$0x8100] =	vst v63  }
0x96: {  	s24 =	sadd.s32 s3, s6;
	s25 =	sand.u32 $0x1FFFFFF0, s23;
	s29 =	spop (v2sf);
	(v2sf) =	vpush v63, $0x7  }
0x97: {  	[tilespmem:s17], [sflag:$0x1] =	stream.linear.gather [hbm4b:s24+s2], $0x80, $0x38;
	[tilespmem:$0x8100] =	vst v63  }
0x98: {  	s6 =	sadd.s32 s3, s25;
	s23 =	spop (v2sf);
	(v2sf) =	vpush v1, $0x8;
	s17 =	sand.u32 $0x1FFFFFF0, s29  }
0x99: {  	[tilespmem:s18], [sflag:$0x1] =	stream.linear.gather [hbm4b:s6+s2], $0x80, $0x38;
	[tilespmem:$0x8100] =	vst v63  }
0x9a: {  	s25 =	sand.u32 $0x1FFFFFF0, s23;
	s24 =	sadd.s32 s3, s17;
	s29 =	spop (v2sf)  }
0x9b: {  	[tilespmem:s20], [sflag:$0x1] =	stream.linear.gather [hbm4b:s24+s2], $0x80, $0x38;
	[tilespmem:$0x8100] =	vst v63  }
0x9c: {  	s1 =	sadd.s32 s3, s25;
	(v2sf) =	vpush v63, $0x8;
	s4 =	sand.u32 $0x1FFFFFF0, s29;
	s6 =	spop (v2sf)  }
0x9d: {  	[tilespmem:s16], [sflag:$0x1] =	stream.linear.gather [hbm4b:s1+s2], $0x80, $0x38;
	[tilespmem:$0x8100] =	vst v63  }
0x9e: {  	(v2sf) =	vpush v1, $0x9;
	s17 =	sand.u32 $0x1FFFFFF0, s6;
	s18 =	spop (v2sf);
	s16 =	sadd.s32 s3, s4  }
0x9f: {  	[tilespmem:s19], [sflag:$0x1] =	stream.linear.gather [hbm4b:s16+s2], $0x80, $0x38;
	[tilespmem:$0x8100] =	vst v63  }
0xa0: {  	s20 =	sand.u32 $0x1FFFFFF0, s18;
	s23 =	spop (v2sf);
	s19 =	sadd.s32 s3, s17  }
0xa1: {  	(v2sf) =	vpush v63, $0x9;
	[tilespmem:s5], [sflag:$0x1] =	stream.linear.gather [hbm4b:s19+s2], $0x80, $0x38;
	[tilespmem:$0x8100] =	vst v63  }
0xa2: {  	s24 =	sadd.s32 s3, s20;
	s25 =	sand.u32 $0x1FFFFFF0, s23;
	s29 =	spop (v2sf)  }
0xa3: {  	(v2sf) =	vpush v1, $0xA;
	[tilespmem:s15], [sflag:$0x1] =	stream.linear.gather [hbm4b:s24+s2], $0x80, $0x38;
	[tilespmem:$0x8100] =	vst v63  }
0xa4: {  	s5 =	sadd.s32 s3, s25;
	s6 =	sand.u32 $0x1FFFFFF0, s29;
	s15 =	spop (v2sf)  }
0xa5: {  	(v2sf) =	vpush v63, $0xA;
	s16 =	sadd.s32 s3, s6;
	s17 =	sand.u32 $0x1FFFFFF0, s15;
	s18 =	spop (v2sf)  }
0xa6: {  	[tilespmem:s14], [sflag:$0x1] =	stream.linear.gather [hbm4b:s5+s2], $0x80, $0x38;
	[tilespmem:$0x8100] =	vst v63  }
0xa7: {  	s19 =	sadd.s32 s3, s17;
	s23 =	spop (v2sf);
	s17 =	rddreg [dreg:$0x1c]  }
0xa8: {  	[tilespmem:s13], [sflag:$0x1] =	stream.linear.gather [hbm4b:s16+s2], $0x80, $0x38;
	[tilespmem:$0x8100] =	vst v63  }
0xa9: {  	(v2sf) =	vpush v1, $0xB;
	s20 =	sand.u32 $0x1FFFFFF0, s18;
	s25 =	sand.u32 $0x1FFFFFF0, s23;
	s23 =	rddreg [dreg:$0xc]  }
0xaa: {  	[tilespmem:s12], [sflag:$0x1] =	stream.linear.gather [hbm4b:s19+s2], $0x80, $0x38;
	[tilespmem:$0x8100] =	vst v63  }
0xab: {  	(v2sf) =	vpush v63, $0xB;
	s24 =	sadd.s32 s3, s20;
	s13 =	sld [smem:$0x7EF];
	s29 =	spop (v2sf)  }
0xac: {  	(v2sf) =	vpush v1, $0xC;
	[tilespmem:s11], [sflag:$0x1] =	stream.linear.gather [hbm4b:s24+s2], $0x80, $0x38;
	[tilespmem:$0x8100] =	vst v63  }
0xad: {  	s5 =	sadd.s32 s3, s25;
	s6 =	sand.u32 $0x1FFFFFF0, s29;
	s11 =	spop (v2sf)  }
0xae: {  	s12 =	rddreg [dreg:$0x18];
	(v2sf) =	vpush v63, $0xC;
	s14 =	sadd.s32 s3, s6;
	s15 =	sand.u32 $0x1FFFFFF0, s11  }
0xaf: {  	[tilespmem:s9], [sflag:$0x1] =	stream.linear.gather [hbm4b:s5+s2], $0x80, $0x38;
	[tilespmem:$0x8100] =	vst v63  }
0xb0: {  	s6 =	rddreg [dreg:$0x14];
	s16 =	spop (v2sf);
	s18 =	sadd.s32 s3, s15  }
0xb1: {  	[tilespmem:s17], [sflag:$0x1] =	stream.linear.gather [hbm4b:s14+s2], $0x80, $0x38;
	[tilespmem:$0x8100] =	vst v63  }
0xb2: {  	s19 =	sand.u32 $0x1FFFFFF0, s16;
	s20 =	spop (v2sf);
	s15 =	rddreg [dreg:$0x10]  }
0xb3: {  	[tilespmem:s23], [sflag:$0x1] =	stream.linear.gather [hbm4b:s18+s2], $0x80, $0x38;
	[tilespmem:$0x8100] =	vst v63  }
0xb4: {  	s24 =	sadd.s32 s3, s19;
	s25 =	sand.u32 $0x1FFFFFF0, s20;
	s29 =	spop (v2sf)  }
0xb5: {  	[tilespmem:s6], [sflag:$0x1] =	stream.linear.gather [hbm4b:s24+s2], $0x80, $0x38;
	[tilespmem:$0x8100] =	vst v63  }
0xb6: {  	s19 =	rddreg [dreg:$0x4];
	s9 =	sadd.s32 s3, s25;
	s11 =	sand.u32 $0x1FFFFFF0, s29  }
0xb7: {  	[tilespmem:s15], [sflag:$0x1] =	stream.linear.gather [hbm4b:s9+s2], $0x80, $0x38;
	[tilespmem:$0x8100] =	vst v63  }
0xb8: {  	s29 =	rddreg [dreg:$0x8];
	s16 =	sadd.s32 s3, s11;
	s14 =	spop (v2sf)  }
0xb9: {  	(v2sf) =	vpush v1, $0xD;
	[tilespmem:s19], [sflag:$0x1] =	stream.linear.gather [hbm4b:s16+s2], $0x80, $0x38;
	[tilespmem:$0x8100] =	vst v63  }
.Ltmp0:
0xba: {  	(v2sf) =	vpush v63, $0xD;
	s17 =	sand.u32 $0x1FFFFFF0, s14;
	s18 =	spop (v2sf);
	(pc) =	sbr.rel @p0 .LBB2_2-.Ltmp0, $4  }
0xbb: {  	(v2sf) =	vpush v1, $0xE;
	s20 =	sadd.s32 s3, s17;
	s23 =	sand.u32 $0x1FFFFFF0, s18;
	s24 =	spop (v2sf)  }
0xbc: {  	(v2sf) =	vpush v63, $0xE;
	[tilespmem:s7], [sflag:$0x1] =	stream.linear.gather [hbm4b:s20+s2], $0x80, $0x38;
	[tilespmem:$0x8100] =	vst v63  }
0xbd: {  	(v2sf) =	vpush v1, $0xF;
	s25 =	sadd.s32 s3, s23;
	s0 =	sand.u32 $0x1FFFFFF0, s24;
	s1 =	spop (v2sf)  }
0xbe: {  	(v2sf) =	vpush v63, $0xF;
	[tilespmem:s29], [sflag:$0x1] =	stream.linear.gather [hbm4b:s25+s2], $0x80, $0x38;
	[tilespmem:$0x8100] =	vst v63  }
0xbf: {  	_ =	sdelay $0x4  }
0xc0: {  	s0 =	sadd.s32 s3, s0;
	s1 =	sand.u32 $0x1FFFFFF0, s1  }
0xc1: {  	[tilespmem:s31], [sflag:$0x1] =	stream.linear.gather [hbm4b:s0+s2], $0x80, $0x38;
	[tilespmem:$0x8100] =	vst v63  }
0xc2: {  	s7 =	sadd.s32 s3, s1  }
0xc3: {  	[tilespmem:s12], [sflag:$0x1] =	stream.linear.gather [hbm4b:s7+s2], $0x80, $0x38;
	[tilespmem:$0x8100] =	vst v63  }
0xc4: {  	s4 =	spop (v2sf)  }
0xc5: {  	s9 =	sand.u32 $0x1FFFFFF0, s4;
	s11 =	spop (v2sf)  }
0xc6: {  	s14 =	sadd.s32 s3, s9;
	s15 =	sand.u32 $0x1FFFFFF0, s11;
	s16 =	spop (v2sf)  }
0xc7: {  	[tilespmem:s13], [sflag:$0x1] =	stream.linear.gather [hbm4b:s14+s2], $0x80, $0x38;
	[tilespmem:$0x8100] =	vst v63  }
0xc8: {  	s17 =	sadd.s32 s3, s15;
	s18 =	sand.u32 $0x1FFFFFF0, s16;
	s19 =	spop (v2sf)  }
0xc9: {  	[tilespmem:s10], [sflag:$0x1] =	stream.linear.gather [hbm4b:s17+s2], $0x80, $0x38;
	[tilespmem:$0x8100] =	vst v63  }
0xca: {  	s20 =	sadd.s32 s3, s18;
	s22 =	sand.u32 $0x1FFFFFF0, s19;
	s23 =	spop (v2sf)  }
0xcb: {  	[tilespmem:s30], [sflag:$0x1] =	stream.linear.gather [hbm4b:s20+s2], $0x80, $0x38;
	[tilespmem:$0x8100] =	vst v63  }
0xcc: {  	s24 =	sadd.s32 s3, s22;
	s25 =	sand.u32 $0x1FFFFFF0, s23;
	s26 =	spop (v2sf)  }
0xcd: {  	[tilespmem:s8], [sflag:$0x1] =	stream.linear.gather [hbm4b:s24+s2], $0x80, $0x38;
	[tilespmem:$0x8100] =	vst v63  }
0xce: {  	s28 =	sadd.s32 $0x880, s21;
	s1 =	sadd.s32 s3, s25;
	s4 =	sand.u32 $0x1FFFFFF0, s26  }
0xcf: {  	[tilespmem:s28], [sflag:$0x1] =	stream.linear.gather [hbm4b:s1+s2], $0x80, $0x38;
	[tilespmem:$0x8100] =	vst v63  }
0xd0: {  	s29 =	sadd.s32 $0x4880, s21;
	s31 =	simm.s32 $0x1;
	s30 =	sadd.s32 s3, s4  }
0xd1: {  	[tilespmem:s29], [sflag:$0x1] =	stream.linear.gather [hbm4b:s30+s2], $0x80, $0x38;
	[tilespmem:$0x8100] =	vst v63  }
0xd2: {  	_ =	swait.ge [sflag:s31], $0x4000  }
0xd3: {  	[sflag:s31] =	ssyncset.done $0x0  }
0xd4: {  	[sflag:s31] =	ssyncadd.s32 $0xFFFFC000  }
0xd5: {  	_ =	swait.ge [sflag:s31], $0x4000  }
0xd6: {  	[sflag:s31] =	ssyncset.done $0x0  }
0xd7: {  	s0 =	simm.s32 $0x0;
	[sflag:s31] =	ssyncadd.s32 $0xFFFFC000  }
0xd8: {  	v5 =	vld [tilespmem:s0+$0x4100]  }
0xd9: {  	v6 =	vld [tilespmem:s0+$0x4110]  }
0xda: {  	v1 =	vld [tilespmem:s0+$0x4120]  }
0xdb: {  	v0 =	vld [tilespmem:s0+$0x4130]  }
0xdc: {  	v2 =	vld [tilespmem:s0+$0x100]  }
0xdd: {  	v4 =	vld [tilespmem:s0+$0x110]  }
0xde: {  	s1 =	simm.s32 $0x200;
	v3 =	vld [tilespmem:s0+$0x120]  }
.LBB2_4:
0xdf: {  	s4 =	sshra.s32 s1, $0x2;
	p0 =	sne.s32 s1, $0xFE00;
	v7 =	vld [tilespmem:s0+$0x130];
	v8 =	vmov v1  }
0xe0: {  	v9 =	vld [tilespmem:s4+$0x4100];
	v10 =	vmov v0  }
0xe1: {  	v11 =	vld [tilespmem:s4+$0x4110];
	v2 =	vadd.f32 v5, v2  }
.Ltmp1:
0xe2: {  	v1 =	vld [tilespmem:s4+$0x4120];
	v4 =	vadd.f32 v6, v4;
	(pc) =	sbr.rel @p0 .LBB2_4-.Ltmp1, $4  }
0xe3: {  	v0 =	vld [tilespmem:s4+$0x4130];
	[tilespmem:s0+$0x100] =	vst v2;
	v3 =	vadd.f32 v8, v3  }
0xe4: {  	v2 =	vld [tilespmem:s4+$0x100];
	[tilespmem:s0+$0x110] =	vst v4;
	v7 =	vadd.f32 v10, v7  }
0xe5: {  	v4 =	vld [tilespmem:s4+$0x110];
	[tilespmem:s0+$0x120] =	vst v3;
	v5 =	vmov v9  }
0xe6: {  	s1 =	sadd.s32 $0x200, s1;
	v3 =	vld [tilespmem:s4+$0x120];
	[tilespmem:s0+$0x130] =	vst v7;
	v6 =	vmov v11;
	s0 =	smov.u32 s4  }
0xe7: {  	v7 =	vld [tilespmem:s0+$0x130];
	_ =	sdelay $0x1  }
0xe8: {  	v2 =	vadd.f32 v5, v2  }
0xe9: {  	v4 =	vadd.f32 v6, v4  }
0xea: {  	[tilespmem:s0+$0x100] =	vst v2;
	v1 =	vadd.f32 v1, v3  }
0xeb: {  	s1 =	sld [smem:$0x7F3];
	[tilespmem:s0+$0x110] =	vst v4;
	v0 =	vadd.f32 v0, v7  }
0xec: {  	[tilespmem:s0+$0x120] =	vst v1  }
0xed: {  	s23 =	simm.s32 $0x0;
	s4 =	simm.s32 $0x100;
	s5 =	simm.s32 $0x2;
	[tilespmem:s0+$0x130] =	vst v0  }
0xee: {  	[hbm4b:s1+s23] =	stream.linear.scatter [tilespmem:s4], [sflag:$0x2], $0x4000, $0x38;
	[tilespmem:$0x8100] =	vst v63  }
0xef: {  	_ =	swait.ge [sflag:s5], $0x4000  }
0xf0: {  	s24 =	sld [smem:$0x7F4]  }
0xf1: {  	[sflag:s5] =	ssyncset.done $0x0  }
0xf2: {  	[sflag:s5] =	ssyncadd.s32 $0xFFFFC000  }
0xf3: {  	[tilespmem:s23], [sflag:$0x2] =	stream.linear.gather [hbm4b:s24+s23], $0x80, $0x38;
	[tilespmem:$0x8100] =	vst v63  }
0xf4: {  	_ =	swait.ge [sflag:s5], $0x80  }
0xf5: {  	s26 =	sld [smem:$0x7F5]  }
0xf6: {  	[sflag:s5] =	ssyncset.done $0x0  }
0xf7: {  	s25 =	simm.s32 $0x80;
	[sflag:s5] =	ssyncadd.s32 $0xFFFFFF80  }
0xf8: {  	[tilespmem:s25], [sflag:$0x2] =	stream.linear.gather [hbm4b:s26+s23], $0x80, $0x38;
	[tilespmem:$0x8100] =	vst v63  }
0xf9: {  	_ =	swait.ge [sflag:s5], $0x80  }
0xfa: {  	[sflag:s5] =	ssyncset.done $0x0  }
0xfb: {  	[sflag:s5] =	ssyncadd.s32 $0xFFFFFF80  }
0xfc: {  	v60 =	vld [tilespmem:s23+$0x0]  }
0xfd: {  	v61 =	vld [tilespmem:s25+$0x0];
	_ =	sdelay $0x3  }
0xfe: {  	v62 =	vshll.u32 v60, $0x4  }
0xff: {  	v63 =	vshll.u32 v61, $0x4;
	(v2sf) =	vpush v62, $0x0  }
0x100: {  	(v2sf) =	vpush v63, $0x0  }
0x101: {  	(v2sf) =	vpush v62, $0x1;
	_ =	sdelay $0x2  }
0x102: {  	(v2sf) =	vpush v63, $0x1;
	_ =	sdelay $0x1  }
0x103: {  	(v2sf) =	vpush v62, $0x2;
	_ =	sdelay $0x1  }
0x104: {  	(v2sf) =	vpush v63, $0x2  }
0x105: {  	s22 =	simm.s32 $0x2000  }
0x106: {  	s21 =	simm.s32 $0x0;
	s29 =	simm.s32 $0x4100;
	s6 =	simm.s32 $0x100;
	(v2sf) =	vpush v62, $0x3  }
0x107: {  	s8 =	simm.s32 $0x300;
	s9 =	simm.s32 $0x280;
	s12 =	simm.s32 $0x180  }
0x108: {  	s15 =	simm.s32 $0x4180;
	s17 =	simm.s32 $0x200;
	s20 =	simm.s32 $0x4200  }
0x109: {  	s31 =	simm.s32 $0x700;
	s28 =	simm.s32 $0x90;
	s30 =	simm.s32 $0x800  }
0x10a: {  	s0 =	simm.s32 $0x4600;
	s1 =	simm.s32 $0x380;
	s7 =	spop (v2sf);
	(v2sf) =	vpush v63, $0x3  }
0x10b: {  	s26 =	simm.s32 $0x4300;
	s7 =	sand.u32 $0x1FFFFFF0, s7;
	s10 =	spop (v2sf)  }
0x10c: {  	(v2sf) =	vpush v62, $0x4;
	s7 =	sadd.s32 s3, s7;
	s10 =	sand.u32 $0x1FFFFFF0, s10;
	s11 =	spop (v2sf)  }
0x10d: {  	(v2sf) =	vpush v63, $0x4;
	[tilespmem:s6], [sflag:$0x1] =	stream.linear.gather [hbm4b:s7+s2], $0x80, $0x38;
	[tilespmem:$0x8100] =	vst v63  }
0x10e: {  	s5 =	simm.s32 $0x580;
	s7 =	sadd.s32 s3, s10;
	s10 =	sand.u32 $0x1FFFFFF0, s11  }
0x10f: {  	s6 =	simm.s32 $0x4280;
	s11 =	spop (v2sf);
	(v2sf) =	vpush v62, $0x5;
	s13 =	sadd.s32 s3, s10  }
0x110: {  	(v2sf) =	vpush v63, $0x5;
	[tilespmem:s29], [sflag:$0x1] =	stream.linear.gather [hbm4b:s7+s2], $0x80, $0x38;
	[tilespmem:$0x8100] =	vst v63  }
0x111: {  	s14 =	sand.u32 $0x1FFFFFF0, s11;
	s16 =	spop (v2sf);
	s11 =	simm.s32 $0x480  }
0x112: {  	(v2sf) =	vpush v62, $0x6;
	[tilespmem:s12], [sflag:$0x1] =	stream.linear.gather [hbm4b:s13+s2], $0x80, $0x38;
	[tilespmem:$0x8100] =	vst v63  }
0x113: {  	s10 =	sadd.s32 s3, s14;
	s7 =	sand.u32 $0x1FFFFFF0, s16;
	s18 =	spop (v2sf)  }
0x114: {  	[tilespmem:s15], [sflag:$0x1] =	stream.linear.gather [hbm4b:s10+s2], $0x80, $0x38;
	[tilespmem:$0x8100] =	vst v63  }
0x115: {  	s7 =	sadd.s32 s3, s7;
	s19 =	spop (v2sf);
	s10 =	sand.u32 $0x1FFFFFF0, s18  }
0x116: {  	(v2sf) =	vpush v63, $0x6;
	[tilespmem:s17], [sflag:$0x1] =	stream.linear.gather [hbm4b:s7+s2], $0x80, $0x38;
	[tilespmem:$0x8100] =	vst v63  }
0x117: {  	s24 =	sand.u32 $0x1FFFFFF0, s19;
	s12 =	simm.s32 $0x4700;
	s23 =	sadd.s32 s3, s10  }
0x118: {  	[tilespmem:s20], [sflag:$0x1] =	stream.linear.gather [hbm4b:s23+s2], $0x80, $0x38;
	[tilespmem:$0x8100] =	vst v63  }
0x119: {  	s13 =	simm.s32 $0x780;
	s10 =	sadd.s32 s3, s24;
	s25 =	spop (v2sf)  }
0x11a: {  	(v2sf) =	vpush v62, $0x7;
	[tilespmem:s9], [sflag:$0x1] =	stream.linear.gather [hbm4b:s10+s2], $0x80, $0x38;
	[tilespmem:$0x8100] =	vst v63  }
0x11b: {  	s15 =	simm.s32 $0x4380;
	s7 =	sand.u32 $0x1FFFFFF0, s25;
	s29 =	spop (v2sf)  }
0x11c: {  	s17 =	simm.s32 $0x400;
	s7 =	sadd.s32 s3, s7;
	s4 =	spop (v2sf)  }
0x11d: {  	(v2sf) =	vpush v63, $0x7;
	[tilespmem:s6], [sflag:$0x1] =	stream.linear.gather [hbm4b:s7+s2], $0x80, $0x38;
	[tilespmem:$0x8100] =	vst v63  }
0x11e: {  	s10 =	sand.u32 $0x1FFFFFF0, s29;
	(v2sf) =	vpush v62, $0x8;
	s14 =	sand.u32 $0x1FFFFFF0, s4;
	s16 =	spop (v2sf)  }
0x11f: {  	s10 =	sadd.s32 s3, s10;
	s7 =	sadd.s32 s3, s14;
	s18 =	spop (v2sf)  }
0x120: {  	(v2sf) =	vpush v63, $0x8;
	[tilespmem:s8], [sflag:$0x1] =	stream.linear.gather [hbm4b:s10+s2], $0x80, $0x38;
	[tilespmem:$0x8100] =	vst v63  }
0x121: {  	s8 =	sand.u32 $0x1FFFFFF0, s16;
	s9 =	sand.u32 $0x1FFFFFF0, s18;
	s19 =	spop (v2sf)  }
0x122: {  	(v2sf) =	vpush v62, $0x9;
	[tilespmem:s26], [sflag:$0x1] =	stream.linear.gather [hbm4b:s7+s2], $0x80, $0x38;
	[tilespmem:$0x8100] =	vst v63  }
0x123: {  	s10 =	simm.s32 $0x4780;
	s16 =	simm.s32 $0x4480;
	s8 =	sadd.s32 s3, s8  }
0x124: {  	(v2sf) =	vpush v63, $0x9;
	[tilespmem:s1], [sflag:$0x1] =	stream.linear.gather [hbm4b:s8+s2], $0x80, $0x38;
	[tilespmem:$0x8100] =	vst v63  }
0x125: {  	s20 =	sadd.s32 s3, s9;
	s23 =	sand.u32 $0x1FFFFFF0, s19;
	s24 =	spop (v2sf)  }
0x126: {  	(v2sf) =	vpush v62, $0xA;
	[tilespmem:s15], [sflag:$0x1] =	stream.linear.gather [hbm4b:s20+s2], $0x80, $0x38;
	[tilespmem:$0x8100] =	vst v63  }
0x127: {  	s18 =	simm.s32 $0x500;
	s25 =	sadd.s32 s3, s23;
	s6 =	sand.u32 $0x1FFFFFF0, s24  }
0x128: {  	(v2sf) =	vpush v63, $0xA;
	[tilespmem:s17], [sflag:$0x1] =	stream.linear.gather [hbm4b:s25+s2], $0x80, $0x38;
	[tilespmem:$0x8100] =	vst v63  }
0x129: {  	s26 =	simm.s32 $0x4400;
	s6 =	sadd.s32 s3, s6;
	s29 =	spop (v2sf)  }
0x12a: {  	(v2sf) =	vpush v62, $0xB;
	[tilespmem:s26], [sflag:$0x1] =	stream.linear.gather [hbm4b:s6+s2], $0x80, $0x38;
	[tilespmem:$0x8100] =	vst v63  }
0x12b: {  	s23 =	simm.s32 $0x4500;
	s1 =	simm.s32 $0x4680;
	s8 =	sand.u32 $0x1FFFFFF0, s29  }
0x12c: {  	s26 =	simm.s32 $0x4580;
	s4 =	spop (v2sf);
	(v2sf) =	vpush v63, $0xB;
	s14 =	sadd.s32 s3, s8  }
0x12d: {  	s15 =	sand.u32 $0x1FFFFFF0, s4;
	s17 =	spop (v2sf);
	s4 =	simm.s32 $0x600  }
0x12e: {  	[tilespmem:s11], [sflag:$0x1] =	stream.linear.gather [hbm4b:s14+s2], $0x80, $0x38;
	[tilespmem:$0x8100] =	vst v63  }
0x12f: {  	s8 =	sadd.s32 s3, s15;
	s7 =	sand.u32 $0x1FFFFFF0, s17;
	s19 =	spop (v2sf)  }
0x130: {  	(v2sf) =	vpush v62, $0xC;
	[tilespmem:s16], [sflag:$0x1] =	stream.linear.gather [hbm4b:s8+s2], $0x80, $0x38;
	[tilespmem:$0x8100] =	vst v63  }
0x131: {  	s7 =	sadd.s32 s3, s7;
	s20 =	spop (v2sf);
	s8 =	sand.u32 $0x1FFFFFF0, s19  }
0x132: {  	(v2sf) =	vpush v63, $0xC;
	[tilespmem:s18], [sflag:$0x1] =	stream.linear.gather [hbm4b:s7+s2], $0x80, $0x38;
	[tilespmem:$0x8100] =	vst v63  }
0x133: {  	s25 =	sand.u32 $0x1FFFFFF0, s20;
	s29 =	spop (v2sf);
	s24 =	sadd.s32 s3, s8  }
0x134: {  	[tilespmem:s23], [sflag:$0x1] =	stream.linear.gather [hbm4b:s24+s2], $0x80, $0x38;
	[tilespmem:$0x8100] =	vst v63  }
0x135: {  	s8 =	sadd.s32 s3, s25;
	s9 =	spop (v2sf);
	s7 =	sand.u32 $0x1FFFFFF0, s29  }
0x136: {  	[tilespmem:s5], [sflag:$0x1] =	stream.linear.gather [hbm4b:s8+s2], $0x80, $0x38;
	[tilespmem:$0x8100] =	vst v63  }
0x137: {  	s11 =	spop (v2sf);
	s7 =	sadd.s32 s3, s7;
	s8 =	sand.u32 $0x1FFFFFF0, s9  }
0x138: {  	[tilespmem:s26], [sflag:$0x1] =	stream.linear.gather [hbm4b:s7+s2], $0x80, $0x38;
	[tilespmem:$0x8100] =	vst v63  }
0x139: {  	s15 =	sand.u32 $0x1FFFFFF0, s11;
	s14 =	sadd.s32 s3, s8;
	s16 =	spop (v2sf)  }
0x13a: {  	[tilespmem:s4], [sflag:$0x1] =	stream.linear.gather [hbm4b:s14+s2], $0x80, $0x38;
	[tilespmem:$0x8100] =	vst v63  }
0x13b: {  	s17 =	sadd.s32 s3, s15;
	s18 =	sand.u32 $0x1FFFFFF0, s16;
	s19 =	spop (v2sf)  }
0x13c: {  	(v2sf) =	vpush v62, $0xD;
	[tilespmem:s0], [sflag:$0x1] =	stream.linear.gather [hbm4b:s17+s2], $0x80, $0x38;
	[tilespmem:$0x8100] =	vst v63  }
0x13d: {  	s20 =	simm.s32 $0x680;
	(v2sf) =	vpush v63, $0xD;
	s23 =	sadd.s32 s3, s18;
	s24 =	sand.u32 $0x1FFFFFF0, s19  }
0x13e: {  	(v2sf) =	vpush v62, $0xE;
	[tilespmem:s20], [sflag:$0x1] =	stream.linear.gather [hbm4b:s23+s2], $0x80, $0x38;
	[tilespmem:$0x8100] =	vst v63  }
0x13f: {  	s8 =	simm.s32 $0x4800;
	s25 =	sadd.s32 s3, s24;
	(v2sf) =	vpush v63, $0xE;
	s29 =	spop (v2sf)  }
0x140: {  	(v2sf) =	vpush v62, $0xF;
	[tilespmem:s1], [sflag:$0x1] =	stream.linear.gather [hbm4b:s25+s2], $0x80, $0x38;
	[tilespmem:$0x8100] =	vst v63  }
0x141: {  	s26 =	simm.s32 $0x10;
	s0 =	sand.u32 $0x1FFFFFF0, s29;
	(v2sf) =	vpush v63, $0xF;
	s1 =	spop (v2sf)  }
.LBB2_6:
0x142: {  	_ =	sdelay $0x4  }
0x143: {  	s0 =	sadd.s32 s3, s0;
	s1 =	sand.u32 $0x1FFFFFF0, s1  }
0x144: {  	[tilespmem:s31], [sflag:$0x1] =	stream.linear.gather [hbm4b:s0+s2], $0x80, $0x38;
	[tilespmem:$0x8100] =	vst v63  }
0x145: {  	s7 =	sadd.s32 s3, s1  }
0x146: {  	[tilespmem:s12], [sflag:$0x1] =	stream.linear.gather [hbm4b:s7+s2], $0x80, $0x38;
	[tilespmem:$0x8100] =	vst v63  }
0x147: {  	s5 =	spop (v2sf)  }
0x148: {  	s9 =	sand.u32 $0x1FFFFFF0, s5;
	s11 =	spop (v2sf)  }
0x149: {  	s12 =	sadd.s32 s3, s9;
	s14 =	sand.u32 $0x1FFFFFF0, s11;
	s4 =	spop (v2sf)  }
0x14a: {  	[tilespmem:s13], [sflag:$0x1] =	stream.linear.gather [hbm4b:s12+s2], $0x80, $0x38;
	[tilespmem:$0x8100] =	vst v63  }
0x14b: {  	s15 =	sadd.s32 s3, s14;
	s16 =	sand.u32 $0x1FFFFFF0, s4;
	s17 =	spop (v2sf)  }
0x14c: {  	[tilespmem:s10], [sflag:$0x1] =	stream.linear.gather [hbm4b:s15+s2], $0x80, $0x38;
	[tilespmem:$0x8100] =	vst v63  }
0x14d: {  	s18 =	sadd.s32 s3, s16;
	s19 =	sand.u32 $0x1FFFFFF0, s17;
	s20 =	spop (v2sf)  }
0x14e: {  	[tilespmem:s30], [sflag:$0x1] =	stream.linear.gather [hbm4b:s18+s2], $0x80, $0x38;
	[tilespmem:$0x8100] =	vst v63  }
0x14f: {  	s23 =	sadd.s32 s3, s19;
	s24 =	sand.u32 $0x1FFFFFF0, s20;
	s25 =	spop (v2sf)  }
0x150: {  	[tilespmem:s8], [sflag:$0x1] =	stream.linear.gather [hbm4b:s23+s2], $0x80, $0x38;
	[tilespmem:$0x8100] =	vst v63  }
0x151: {  	s29 =	sadd.s32 $0x880, s21;
	s1 =	sadd.s32 s3, s24;
	s4 =	sand.u32 $0x1FFFFFF0, s25  }
0x152: {  	[tilespmem:s29], [sflag:$0x1] =	stream.linear.gather [hbm4b:s1+s2], $0x80, $0x38;
	[tilespmem:$0x8100] =	vst v63  }
0x153: {  	s5 =	sadd.s32 $0x4880, s21;
	s6 =	sadd.s32 s3, s4  }
0x154: {  	[tilespmem:s5], [sflag:$0x1] =	stream.linear.gather [hbm4b:s6+s2], $0x80, $0x38;
	[tilespmem:$0x8100] =	vst v63  }
0x155: {  	v0 =	vld [tilespmem:s26+$0x0]  }
0x156: {  	v2 =	vld [tilespmem:s28+$0x0];
	_ =	sdelay $0x3  }
0x157: {  	v1 =	vshll.u32 v0, $0x4  }
0x158: {  	s7 =	smov.u32 s22;
	v63 =	vshll.u32 v2, $0x4;
	(v2sf) =	vpush v1, $0x0  }
0x159: {  	s21 =	sshra.s32 s7, $0x2;
	(v2sf) =	vpush v63, $0x0  }
0x15a: {  	p0 =	sne.s32 s22, $0xE000;
	s22 =	sadd.s32 $0x2000, s22;
	s0 =	sadd.s32 $0x580, s21;
	(v2sf) =	vpush v1, $0x1  }
0x15b: {  	s9 =	sadd.s32 $0x4700, s21;
	s11 =	sadd.s32 $0x4580, s21;
	[dreg:$0xd] =	wrdreg s0  }
0x15c: {  	s31 =	sadd.s32 $0x700, s21;
	[dreg:$0x19] =	wrdreg s9;
	s0 =	sadd.s32 $0x200, s21;
	(v2sf) =	vpush v63, $0x1  }
0x15d: {  	s14 =	sadd.s32 $0x400, s21;
	s13 =	sadd.s32 $0x4400, s21;
	[dreg:$0x15] =	wrdreg s11  }
0x15e: {  	s12 =	sadd.s32 $0x600, s21;
	s11 =	sadd.s32 $0x4480, s21;
	s9 =	sadd.s32 $0x500, s21;
	(v2sf) =	vpush v1, $0x2  }
0x15f: {  	s16 =	sadd.s32 $0x300, s21;
	s17 =	sadd.s32 $0x4200, s21;
	[dreg:$0x11] =	wrdreg s12  }
0x160: {  	s12 =	sadd.s32 $0x480, s21;
	s20 =	sadd.s32 $0x4280, s21;
	s10 =	sadd.s32 $0x780, s21;
	(v2sf) =	vpush v63, $0x2  }
0x161: {  	s19 =	sadd.s32 $0x4300, s21;
	s15 =	sadd.s32 $0x4380, s21;
	[smem:$0x7EE] =	sst s10  }
0x162: {  	s10 =	sadd.s32 $0x4780, s21;
	s24 =	sadd.s32 $0x4500, s21;
	s4 =	sadd.s32 $0x100, s21;
	(v2sf) =	vpush v1, $0x3  }
0x163: {  	s18 =	sadd.s32 $0x280, s21;
	[dreg:$0x1d] =	wrdreg s24;
	s24 =	sadd.s32 $0x180, s21  }
0x164: {  	s30 =	sadd.s32 $0x800, s21;
	s23 =	sadd.s32 $0x4100, s21;
	s8 =	sadd.s32 $0x4600, s21;
	(v2sf) =	vpush v63, $0x3  }
0x165: {  	[dreg:$0x5] =	wrdreg s8;
	s8 =	sadd.s32 $0x4800, s21;
	s6 =	sadd.s32 $0x4680, s21  }
0x166: {  	s1 =	sadd.s32 $0x4180, s21;
	s5 =	sadd.s32 $0x380, s21;
	[dreg:$0x9] =	wrdreg s6;
	(v2sf) =	vpush v1, $0x4  }
0x167: {  	s26 =	sadd.s32 $0x10, s26;
	s28 =	sadd.s32 $0x10, s28;
	s7 =	spop (v2sf)  }
0x168: {  	s25 =	sand.u32 $0x1FFFFFF0, s7;
	s7 =	sadd.s32 $0x680, s21;
	s29 =	spop (v2sf);
	(v2sf) =	vpush v63, $0x4  }
0x169: {  	s25 =	sadd.s32 s3, s25;
	s29 =	sand.u32 $0x1FFFFFF0, s29;
	s6 =	spop (v2sf)  }
0x16a: {  	(v2sf) =	vpush v1, $0x5;
	[tilespmem:s4], [sflag:$0x1] =	stream.linear.gather [hbm4b:s25+s2], $0x80, $0x38;
	[tilespmem:$0x8100] =	vst v63  }
0x16b: {  	s25 =	sadd.s32 s3, s29;
	s6 =	sand.u32 $0x1FFFFFF0, s6;
	s29 =	spop (v2sf)  }
0x16c: {  	(v2sf) =	vpush v63, $0x5;
	[tilespmem:s23], [sflag:$0x1] =	stream.linear.gather [hbm4b:s25+s2], $0x80, $0x38;
	[tilespmem:$0x8100] =	vst v63  }
0x16d: {  	s23 =	sadd.s32 s3, s6;
	s25 =	sand.u32 $0x1FFFFFF0, s29;
	s29 =	spop (v2sf)  }
0x16e: {  	(v2sf) =	vpush v1, $0x6;
	[tilespmem:s24], [sflag:$0x1] =	stream.linear.gather [hbm4b:s23+s2], $0x80, $0x38;
	[tilespmem:$0x8100] =	vst v63  }
0x16f: {  	s24 =	sadd.s32 s3, s25;
	s25 =	sand.u32 $0x1FFFFFF0, s29;
	s29 =	spop (v2sf)  }
0x170: {  	(v2sf) =	vpush v63, $0x6;
	[tilespmem:s1], [sflag:$0x1] =	stream.linear.gather [hbm4b:s24+s2], $0x80, $0x38;
	[tilespmem:$0x8100] =	vst v63  }
0x171: {  	s4 =	sadd.s32 s3, s25;
	s6 =	sand.u32 $0x1FFFFFF0, s29;
	s23 =	spop (v2sf)  }
0x172: {  	(v2sf) =	vpush v1, $0x7;
	[tilespmem:s0], [sflag:$0x1] =	stream.linear.gather [hbm4b:s4+s2], $0x80, $0x38;
	[tilespmem:$0x8100] =	vst v63  }
0x173: {  	s24 =	sadd.s32 s3, s6;
	s25 =	sand.u32 $0x1FFFFFF0, s23;
	s29 =	spop (v2sf);
	(v2sf) =	vpush v63, $0x7  }
0x174: {  	[tilespmem:s17], [sflag:$0x1] =	stream.linear.gather [hbm4b:s24+s2], $0x80, $0x38;
	[tilespmem:$0x8100] =	vst v63  }
0x175: {  	s6 =	sadd.s32 s3, s25;
	s23 =	spop (v2sf);
	(v2sf) =	vpush v1, $0x8;
	s17 =	sand.u32 $0x1FFFFFF0, s29  }
0x176: {  	[tilespmem:s18], [sflag:$0x1] =	stream.linear.gather [hbm4b:s6+s2], $0x80, $0x38;
	[tilespmem:$0x8100] =	vst v63  }
0x177: {  	s25 =	sand.u32 $0x1FFFFFF0, s23;
	s24 =	sadd.s32 s3, s17;
	s29 =	spop (v2sf)  }
0x178: {  	[tilespmem:s20], [sflag:$0x1] =	stream.linear.gather [hbm4b:s24+s2], $0x80, $0x38;
	[tilespmem:$0x8100] =	vst v63  }
0x179: {  	s1 =	sadd.s32 s3, s25;
	(v2sf) =	vpush v63, $0x8;
	s4 =	sand.u32 $0x1FFFFFF0, s29;
	s6 =	spop (v2sf)  }
0x17a: {  	[tilespmem:s16], [sflag:$0x1] =	stream.linear.gather [hbm4b:s1+s2], $0x80, $0x38;
	[tilespmem:$0x8100] =	vst v63  }
0x17b: {  	(v2sf) =	vpush v1, $0x9;
	s17 =	sand.u32 $0x1FFFFFF0, s6;
	s18 =	spop (v2sf);
	s16 =	sadd.s32 s3, s4  }
0x17c: {  	[tilespmem:s19], [sflag:$0x1] =	stream.linear.gather [hbm4b:s16+s2], $0x80, $0x38;
	[tilespmem:$0x8100] =	vst v63  }
0x17d: {  	s20 =	sand.u32 $0x1FFFFFF0, s18;
	s23 =	spop (v2sf);
	s19 =	sadd.s32 s3, s17  }
0x17e: {  	(v2sf) =	vpush v63, $0x9;
	[tilespmem:s5], [sflag:$0x1] =	stream.linear.gather [hbm4b:s19+s2], $0x80, $0x38;
	[tilespmem:$0x8100] =	vst v63  }
0x17f: {  	s24 =	sadd.s32 s3, s20;
	s25 =	sand.u32 $0x1FFFFFF0, s23;
	s29 =	spop (v2sf)  }
0x180: {  	(v2sf) =	vpush v1, $0xA;
	[tilespmem:s15], [sflag:$0x1] =	stream.linear.gather [hbm4b:s24+s2], $0x80, $0x38;
	[tilespmem:$0x8100] =	vst v63  }
0x181: {  	s5 =	sadd.s32 s3, s25;
	s6 =	sand.u32 $0x1FFFFFF0, s29;
	s15 =	spop (v2sf)  }
0x182: {  	(v2sf) =	vpush v63, $0xA;
	s16 =	sadd.s32 s3, s6;
	s17 =	sand.u32 $0x1FFFFFF0, s15;
	s18 =	spop (v2sf)  }
0x183: {  	[tilespmem:s14], [sflag:$0x1] =	stream.linear.gather [hbm4b:s5+s2], $0x80, $0x38;
	[tilespmem:$0x8100] =	vst v63  }
0x184: {  	s19 =	sadd.s32 s3, s17;
	s23 =	spop (v2sf);
	s17 =	rddreg [dreg:$0x1d]  }
0x185: {  	[tilespmem:s13], [sflag:$0x1] =	stream.linear.gather [hbm4b:s16+s2], $0x80, $0x38;
	[tilespmem:$0x8100] =	vst v63  }
0x186: {  	(v2sf) =	vpush v1, $0xB;
	s20 =	sand.u32 $0x1FFFFFF0, s18;
	s25 =	sand.u32 $0x1FFFFFF0, s23;
	s23 =	rddreg [dreg:$0xd]  }
0x187: {  	[tilespmem:s12], [sflag:$0x1] =	stream.linear.gather [hbm4b:s19+s2], $0x80, $0x38;
	[tilespmem:$0x8100] =	vst v63  }
0x188: {  	(v2sf) =	vpush v63, $0xB;
	s24 =	sadd.s32 s3, s20;
	s13 =	sld [smem:$0x7EE];
	s29 =	spop (v2sf)  }
0x189: {  	(v2sf) =	vpush v1, $0xC;
	[tilespmem:s11], [sflag:$0x1] =	stream.linear.gather [hbm4b:s24+s2], $0x80, $0x38;
	[tilespmem:$0x8100] =	vst v63  }
0x18a: {  	s5 =	sadd.s32 s3, s25;
	s6 =	sand.u32 $0x1FFFFFF0, s29;
	s11 =	spop (v2sf)  }
0x18b: {  	s12 =	rddreg [dreg:$0x19];
	(v2sf) =	vpush v63, $0xC;
	s14 =	sadd.s32 s3, s6;
	s15 =	sand.u32 $0x1FFFFFF0, s11  }
0x18c: {  	[tilespmem:s9], [sflag:$0x1] =	stream.linear.gather [hbm4b:s5+s2], $0x80, $0x38;
	[tilespmem:$0x8100] =	vst v63  }
0x18d: {  	s6 =	rddreg [dreg:$0x15];
	s16 =	spop (v2sf);
	s18 =	sadd.s32 s3, s15  }
0x18e: {  	[tilespmem:s17], [sflag:$0x1] =	stream.linear.gather [hbm4b:s14+s2], $0x80, $0x38;
	[tilespmem:$0x8100] =	vst v63  }
0x18f: {  	s19 =	sand.u32 $0x1FFFFFF0, s16;
	s20 =	spop (v2sf);
	s15 =	rddreg [dreg:$0x11]  }
0x190: {  	[tilespmem:s23], [sflag:$0x1] =	stream.linear.gather [hbm4b:s18+s2], $0x80, $0x38;
	[tilespmem:$0x8100] =	vst v63  }
0x191: {  	s24 =	sadd.s32 s3, s19;
	s25 =	sand.u32 $0x1FFFFFF0, s20;
	s29 =	spop (v2sf)  }
0x192: {  	[tilespmem:s6], [sflag:$0x1] =	stream.linear.gather [hbm4b:s24+s2], $0x80, $0x38;
	[tilespmem:$0x8100] =	vst v63  }
0x193: {  	s19 =	rddreg [dreg:$0x5];
	s9 =	sadd.s32 s3, s25;
	s11 =	sand.u32 $0x1FFFFFF0, s29  }
0x194: {  	[tilespmem:s15], [sflag:$0x1] =	stream.linear.gather [hbm4b:s9+s2], $0x80, $0x38;
	[tilespmem:$0x8100] =	vst v63  }
0x195: {  	s29 =	rddreg [dreg:$0x9];
	s16 =	sadd.s32 s3, s11;
	s14 =	spop (v2sf)  }
0x196: {  	(v2sf) =	vpush v1, $0xD;
	[tilespmem:s19], [sflag:$0x1] =	stream.linear.gather [hbm4b:s16+s2], $0x80, $0x38;
	[tilespmem:$0x8100] =	vst v63  }
.Ltmp2:
0x197: {  	(v2sf) =	vpush v63, $0xD;
	s17 =	sand.u32 $0x1FFFFFF0, s14;
	s18 =	spop (v2sf);
	(pc) =	sbr.rel @p0 .LBB2_6-.Ltmp2, $4  }
0x198: {  	(v2sf) =	vpush v1, $0xE;
	s20 =	sadd.s32 s3, s17;
	s23 =	sand.u32 $0x1FFFFFF0, s18;
	s24 =	spop (v2sf)  }
0x199: {  	(v2sf) =	vpush v63, $0xE;
	[tilespmem:s7], [sflag:$0x1] =	stream.linear.gather [hbm4b:s20+s2], $0x80, $0x38;
	[tilespmem:$0x8100] =	vst v63  }
0x19a: {  	(v2sf) =	vpush v1, $0xF;
	s25 =	sadd.s32 s3, s23;
	s0 =	sand.u32 $0x1FFFFFF0, s24;
	s1 =	spop (v2sf)  }
0x19b: {  	(v2sf) =	vpush v63, $0xF;
	[tilespmem:s29], [sflag:$0x1] =	stream.linear.gather [hbm4b:s25+s2], $0x80, $0x38;
	[tilespmem:$0x8100] =	vst v63  }
0x19c: {  	_ =	sdelay $0x4  }
0x19d: {  	s0 =	sadd.s32 s3, s0;
	s1 =	sand.u32 $0x1FFFFFF0, s1  }
0x19e: {  	[tilespmem:s31], [sflag:$0x1] =	stream.linear.gather [hbm4b:s0+s2], $0x80, $0x38;
	[tilespmem:$0x8100] =	vst v63  }
0x19f: {  	s7 =	sadd.s32 s3, s1  }
0x1a0: {  	[tilespmem:s12], [sflag:$0x1] =	stream.linear.gather [hbm4b:s7+s2], $0x80, $0x38;
	[tilespmem:$0x8100] =	vst v63  }
0x1a1: {  	s4 =	spop (v2sf)  }
0x1a2: {  	s9 =	sand.u32 $0x1FFFFFF0, s4;
	s11 =	spop (v2sf)  }
0x1a3: {  	s14 =	sadd.s32 s3, s9;
	s15 =	sand.u32 $0x1FFFFFF0, s11;
	s16 =	spop (v2sf)  }
0x1a4: {  	[tilespmem:s13], [sflag:$0x1] =	stream.linear.gather [hbm4b:s14+s2], $0x80, $0x38;
	[tilespmem:$0x8100] =	vst v63  }
0x1a5: {  	s17 =	sadd.s32 s3, s15;
	s18 =	sand.u32 $0x1FFFFFF0, s16;
	s19 =	spop (v2sf)  }
0x1a6: {  	[tilespmem:s10], [sflag:$0x1] =	stream.linear.gather [hbm4b:s17+s2], $0x80, $0x38;
	[tilespmem:$0x8100] =	vst v63  }
0x1a7: {  	s20 =	sadd.s32 s3, s18;
	s22 =	sand.u32 $0x1FFFFFF0, s19;
	s23 =	spop (v2sf)  }
0x1a8: {  	[tilespmem:s30], [sflag:$0x1] =	stream.linear.gather [hbm4b:s20+s2], $0x80, $0x38;
	[tilespmem:$0x8100] =	vst v63  }
0x1a9: {  	s24 =	sadd.s32 s3, s22;
	s25 =	sand.u32 $0x1FFFFFF0, s23;
	s26 =	spop (v2sf)  }
0x1aa: {  	[tilespmem:s8], [sflag:$0x1] =	stream.linear.gather [hbm4b:s24+s2], $0x80, $0x38;
	[tilespmem:$0x8100] =	vst v63  }
0x1ab: {  	s28 =	sadd.s32 $0x880, s21;
	s1 =	sadd.s32 s3, s25;
	s4 =	sand.u32 $0x1FFFFFF0, s26  }
0x1ac: {  	[tilespmem:s28], [sflag:$0x1] =	stream.linear.gather [hbm4b:s1+s2], $0x80, $0x38;
	[tilespmem:$0x8100] =	vst v63  }
0x1ad: {  	s29 =	sadd.s32 $0x4880, s21;
	s31 =	simm.s32 $0x1;
	s30 =	sadd.s32 s3, s4  }
0x1ae: {  	[tilespmem:s29], [sflag:$0x1] =	stream.linear.gather [hbm4b:s30+s2], $0x80, $0x38;
	[tilespmem:$0x8100] =	vst v63  }
0x1af: {  	_ =	swait.ge [sflag:s31], $0x4000  }
0x1b0: {  	[sflag:s31] =	ssyncset.done $0x0  }
0x1b1: {  	[sflag:s31] =	ssyncadd.s32 $0xFFFFC000  }
0x1b2: {  	_ =	swait.ge [sflag:s31], $0x4000  }
0x1b3: {  	[sflag:s31] =	ssyncset.done $0x0  }
0x1b4: {  	s0 =	simm.s32 $0x0;
	[sflag:s31] =	ssyncadd.s32 $0xFFFFC000  }
0x1b5: {  	v5 =	vld [tilespmem:s0+$0x4100]  }
0x1b6: {  	v6 =	vld [tilespmem:s0+$0x4110]  }
0x1b7: {  	v1 =	vld [tilespmem:s0+$0x4120]  }
0x1b8: {  	v0 =	vld [tilespmem:s0+$0x4130]  }
0x1b9: {  	v2 =	vld [tilespmem:s0+$0x100]  }
0x1ba: {  	v4 =	vld [tilespmem:s0+$0x110]  }
0x1bb: {  	s1 =	simm.s32 $0x200;
	v3 =	vld [tilespmem:s0+$0x120]  }
.LBB2_8:
0x1bc: {  	s4 =	sshra.s32 s1, $0x2;
	p0 =	sne.s32 s1, $0xFE00;
	v7 =	vld [tilespmem:s0+$0x130];
	v8 =	vmov v1  }
0x1bd: {  	v9 =	vld [tilespmem:s4+$0x4100];
	v10 =	vmov v0  }
0x1be: {  	v11 =	vld [tilespmem:s4+$0x4110];
	v2 =	vadd.f32 v5, v2  }
.Ltmp3:
0x1bf: {  	v1 =	vld [tilespmem:s4+$0x4120];
	v4 =	vadd.f32 v6, v4;
	(pc) =	sbr.rel @p0 .LBB2_8-.Ltmp3, $4  }
0x1c0: {  	v0 =	vld [tilespmem:s4+$0x4130];
	[tilespmem:s0+$0x100] =	vst v2;
	v3 =	vadd.f32 v8, v3  }
0x1c1: {  	v2 =	vld [tilespmem:s4+$0x100];
	[tilespmem:s0+$0x110] =	vst v4;
	v7 =	vadd.f32 v10, v7  }
0x1c2: {  	v4 =	vld [tilespmem:s4+$0x110];
	[tilespmem:s0+$0x120] =	vst v3;
	v5 =	vmov v9  }
0x1c3: {  	s1 =	sadd.s32 $0x200, s1;
	v3 =	vld [tilespmem:s4+$0x120];
	[tilespmem:s0+$0x130] =	vst v7;
	v6 =	vmov v11;
	s0 =	smov.u32 s4  }
0x1c4: {  	v7 =	vld [tilespmem:s0+$0x130];
	_ =	sdelay $0x1  }
0x1c5: {  	v2 =	vadd.f32 v5, v2  }
0x1c6: {  	v4 =	vadd.f32 v6, v4  }
0x1c7: {  	[tilespmem:s0+$0x100] =	vst v2;
	v1 =	vadd.f32 v1, v3  }
0x1c8: {  	s1 =	sld [smem:$0x7F6];
	[tilespmem:s0+$0x110] =	vst v4;
	v0 =	vadd.f32 v0, v7  }
0x1c9: {  	[tilespmem:s0+$0x120] =	vst v1  }
0x1ca: {  	s23 =	simm.s32 $0x0;
	s4 =	simm.s32 $0x100;
	s5 =	simm.s32 $0x2;
	[tilespmem:s0+$0x130] =	vst v0  }
0x1cb: {  	[hbm4b:s1+s23] =	stream.linear.scatter [tilespmem:s4], [sflag:$0x2], $0x4000, $0x38;
	[tilespmem:$0x8100] =	vst v63  }
0x1cc: {  	_ =	swait.ge [sflag:s5], $0x4000  }
0x1cd: {  	s24 =	sld [smem:$0x7F7]  }
0x1ce: {  	[sflag:s5] =	ssyncset.done $0x0  }
0x1cf: {  	[sflag:s5] =	ssyncadd.s32 $0xFFFFC000  }
0x1d0: {  	[tilespmem:s23], [sflag:$0x2] =	stream.linear.gather [hbm4b:s24+s23], $0x80, $0x38;
	[tilespmem:$0x8100] =	vst v63  }
0x1d1: {  	_ =	swait.ge [sflag:s5], $0x80  }
0x1d2: {  	s26 =	sld [smem:$0x7F8]  }
0x1d3: {  	[sflag:s5] =	ssyncset.done $0x0  }
0x1d4: {  	s25 =	simm.s32 $0x80;
	[sflag:s5] =	ssyncadd.s32 $0xFFFFFF80  }
0x1d5: {  	[tilespmem:s25], [sflag:$0x2] =	stream.linear.gather [hbm4b:s26+s23], $0x80, $0x38;
	[tilespmem:$0x8100] =	vst v63  }
0x1d6: {  	_ =	swait.ge [sflag:s5], $0x80  }
0x1d7: {  	[sflag:s5] =	ssyncset.done $0x0  }
0x1d8: {  	[sflag:s5] =	ssyncadd.s32 $0xFFFFFF80  }
0x1d9: {  	v60 =	vld [tilespmem:s23+$0x0]  }
0x1da: {  	v61 =	vld [tilespmem:s25+$0x0];
	_ =	sdelay $0x3  }
0x1db: {  	v62 =	vshll.u32 v60, $0x4  }
0x1dc: {  	v63 =	vshll.u32 v61, $0x4;
	(v2sf) =	vpush v62, $0x0  }
0x1dd: {  	(v2sf) =	vpush v63, $0x0  }
0x1de: {  	(v2sf) =	vpush v62, $0x1;
	_ =	sdelay $0x2  }
0x1df: {  	(v2sf) =	vpush v63, $0x1;
	_ =	sdelay $0x1  }
0x1e0: {  	(v2sf) =	vpush v62, $0x2;
	_ =	sdelay $0x1  }
0x1e1: {  	(v2sf) =	vpush v63, $0x2  }
0x1e2: {  	s22 =	simm.s32 $0x2000  }
0x1e3: {  	s21 =	simm.s32 $0x0;
	s29 =	simm.s32 $0x4100;
	s6 =	simm.s32 $0x100;
	(v2sf) =	vpush v62, $0x3  }
0x1e4: {  	s8 =	simm.s32 $0x300;
	s9 =	simm.s32 $0x280;
	s12 =	simm.s32 $0x180  }
0x1e5: {  	s15 =	simm.s32 $0x4180;
	s17 =	simm.s32 $0x200;
	s20 =	simm.s32 $0x4200  }
0x1e6: {  	s31 =	simm.s32 $0x700;
	s28 =	simm.s32 $0x90;
	s30 =	simm.s32 $0x800  }
0x1e7: {  	s0 =	simm.s32 $0x4600;
	s1 =	simm.s32 $0x380;
	s7 =	spop (v2sf);
	(v2sf) =	vpush v63, $0x3  }
0x1e8: {  	s26 =	simm.s32 $0x4300;
	s7 =	sand.u32 $0x1FFFFFF0, s7;
	s10 =	spop (v2sf)  }
0x1e9: {  	(v2sf) =	vpush v62, $0x4;
	s7 =	sadd.s32 s3, s7;
	s10 =	sand.u32 $0x1FFFFFF0, s10;
	s11 =	spop (v2sf)  }
0x1ea: {  	(v2sf) =	vpush v63, $0x4;
	[tilespmem:s6], [sflag:$0x1] =	stream.linear.gather [hbm4b:s7+s2], $0x80, $0x38;
	[tilespmem:$0x8100] =	vst v63  }
0x1eb: {  	s5 =	simm.s32 $0x580;
	s7 =	sadd.s32 s3, s10;
	s10 =	sand.u32 $0x1FFFFFF0, s11  }
0x1ec: {  	s6 =	simm.s32 $0x4280;
	s11 =	spop (v2sf);
	(v2sf) =	vpush v62, $0x5;
	s13 =	sadd.s32 s3, s10  }
0x1ed: {  	(v2sf) =	vpush v63, $0x5;
	[tilespmem:s29], [sflag:$0x1] =	stream.linear.gather [hbm4b:s7+s2], $0x80, $0x38;
	[tilespmem:$0x8100] =	vst v63  }
0x1ee: {  	s14 =	sand.u32 $0x1FFFFFF0, s11;
	s16 =	spop (v2sf);
	s11 =	simm.s32 $0x480  }
0x1ef: {  	(v2sf) =	vpush v62, $0x6;
	[tilespmem:s12], [sflag:$0x1] =	stream.linear.gather [hbm4b:s13+s2], $0x80, $0x38;
	[tilespmem:$0x8100] =	vst v63  }
0x1f0: {  	s10 =	sadd.s32 s3, s14;
	s7 =	sand.u32 $0x1FFFFFF0, s16;
	s18 =	spop (v2sf)  }
0x1f1: {  	[tilespmem:s15], [sflag:$0x1] =	stream.linear.gather [hbm4b:s10+s2], $0x80, $0x38;
	[tilespmem:$0x8100] =	vst v63  }
0x1f2: {  	s7 =	sadd.s32 s3, s7;
	s19 =	spop (v2sf);
	s10 =	sand.u32 $0x1FFFFFF0, s18  }
0x1f3: {  	(v2sf) =	vpush v63, $0x6;
	[tilespmem:s17], [sflag:$0x1] =	stream.linear.gather [hbm4b:s7+s2], $0x80, $0x38;
	[tilespmem:$0x8100] =	vst v63  }
0x1f4: {  	s24 =	sand.u32 $0x1FFFFFF0, s19;
	s12 =	simm.s32 $0x4700;
	s23 =	sadd.s32 s3, s10  }
0x1f5: {  	[tilespmem:s20], [sflag:$0x1] =	stream.linear.gather [hbm4b:s23+s2], $0x80, $0x38;
	[tilespmem:$0x8100] =	vst v63  }
0x1f6: {  	s13 =	simm.s32 $0x780;
	s10 =	sadd.s32 s3, s24;
	s25 =	spop (v2sf)  }
0x1f7: {  	(v2sf) =	vpush v62, $0x7;
	[tilespmem:s9], [sflag:$0x1] =	stream.linear.gather [hbm4b:s10+s2], $0x80, $0x38;
	[tilespmem:$0x8100] =	vst v63  }
0x1f8: {  	s15 =	simm.s32 $0x4380;
	s7 =	sand.u32 $0x1FFFFFF0, s25;
	s29 =	spop (v2sf)  }
0x1f9: {  	s17 =	simm.s32 $0x400;
	s7 =	sadd.s32 s3, s7;
	s4 =	spop (v2sf)  }
0x1fa: {  	(v2sf) =	vpush v63, $0x7;
	[tilespmem:s6], [sflag:$0x1] =	stream.linear.gather [hbm4b:s7+s2], $0x80, $0x38;
	[tilespmem:$0x8100] =	vst v63  }
0x1fb: {  	s10 =	sand.u32 $0x1FFFFFF0, s29;
	(v2sf) =	vpush v62, $0x8;
	s14 =	sand.u32 $0x1FFFFFF0, s4;
	s16 =	spop (v2sf)  }
0x1fc: {  	s10 =	sadd.s32 s3, s10;
	s7 =	sadd.s32 s3, s14;
	s18 =	spop (v2sf)  }
0x1fd: {  	(v2sf) =	vpush v63, $0x8;
	[tilespmem:s8], [sflag:$0x1] =	stream.linear.gather [hbm4b:s10+s2], $0x80, $0x38;
	[tilespmem:$0x8100] =	vst v63  }
0x1fe: {  	s8 =	sand.u32 $0x1FFFFFF0, s16;
	s9 =	sand.u32 $0x1FFFFFF0, s18;
	s19 =	spop (v2sf)  }
0x1ff: {  	(v2sf) =	vpush v62, $0x9;
	[tilespmem:s26], [sflag:$0x1] =	stream.linear.gather [hbm4b:s7+s2], $0x80, $0x38;
	[tilespmem:$0x8100] =	vst v63  }
0x200: {  	s10 =	simm.s32 $0x4780;
	s16 =	simm.s32 $0x4480;
	s8 =	sadd.s32 s3, s8  }
0x201: {  	(v2sf) =	vpush v63, $0x9;
	[tilespmem:s1], [sflag:$0x1] =	stream.linear.gather [hbm4b:s8+s2], $0x80, $0x38;
	[tilespmem:$0x8100] =	vst v63  }
0x202: {  	s20 =	sadd.s32 s3, s9;
	s23 =	sand.u32 $0x1FFFFFF0, s19;
	s24 =	spop (v2sf)  }
0x203: {  	(v2sf) =	vpush v62, $0xA;
	[tilespmem:s15], [sflag:$0x1] =	stream.linear.gather [hbm4b:s20+s2], $0x80, $0x38;
	[tilespmem:$0x8100] =	vst v63  }
0x204: {  	s18 =	simm.s32 $0x500;
	s25 =	sadd.s32 s3, s23;
	s6 =	sand.u32 $0x1FFFFFF0, s24  }
0x205: {  	(v2sf) =	vpush v63, $0xA;
	[tilespmem:s17], [sflag:$0x1] =	stream.linear.gather [hbm4b:s25+s2], $0x80, $0x38;
	[tilespmem:$0x8100] =	vst v63  }
0x206: {  	s26 =	simm.s32 $0x4400;
	s6 =	sadd.s32 s3, s6;
	s29 =	spop (v2sf)  }
0x207: {  	(v2sf) =	vpush v62, $0xB;
	[tilespmem:s26], [sflag:$0x1] =	stream.linear.gather [hbm4b:s6+s2], $0x80, $0x38;
	[tilespmem:$0x8100] =	vst v63  }
0x208: {  	s23 =	simm.s32 $0x4500;
	s1 =	simm.s32 $0x4680;
	s8 =	sand.u32 $0x1FFFFFF0, s29  }
0x209: {  	s26 =	simm.s32 $0x4580;
	s4 =	spop (v2sf);
	(v2sf) =	vpush v63, $0xB;
	s14 =	sadd.s32 s3, s8  }
0x20a: {  	s15 =	sand.u32 $0x1FFFFFF0, s4;
	s17 =	spop (v2sf);
	s4 =	simm.s32 $0x600  }
0x20b: {  	[tilespmem:s11], [sflag:$0x1] =	stream.linear.gather [hbm4b:s14+s2], $0x80, $0x38;
	[tilespmem:$0x8100] =	vst v63  }
0x20c: {  	s8 =	sadd.s32 s3, s15;
	s7 =	sand.u32 $0x1FFFFFF0, s17;
	s19 =	spop (v2sf)  }
0x20d: {  	(v2sf) =	vpush v62, $0xC;
	[tilespmem:s16], [sflag:$0x1] =	stream.linear.gather [hbm4b:s8+s2], $0x80, $0x38;
	[tilespmem:$0x8100] =	vst v63  }
0x20e: {  	s7 =	sadd.s32 s3, s7;
	s20 =	spop (v2sf);
	s8 =	sand.u32 $0x1FFFFFF0, s19  }
0x20f: {  	(v2sf) =	vpush v63, $0xC;
	[tilespmem:s18], [sflag:$0x1] =	stream.linear.gather [hbm4b:s7+s2], $0x80, $0x38;
	[tilespmem:$0x8100] =	vst v63  }
0x210: {  	s25 =	sand.u32 $0x1FFFFFF0, s20;
	s29 =	spop (v2sf);
	s24 =	sadd.s32 s3, s8  }
0x211: {  	[tilespmem:s23], [sflag:$0x1] =	stream.linear.gather [hbm4b:s24+s2], $0x80, $0x38;
	[tilespmem:$0x8100] =	vst v63  }
0x212: {  	s8 =	sadd.s32 s3, s25;
	s9 =	spop (v2sf);
	s7 =	sand.u32 $0x1FFFFFF0, s29  }
0x213: {  	[tilespmem:s5], [sflag:$0x1] =	stream.linear.gather [hbm4b:s8+s2], $0x80, $0x38;
	[tilespmem:$0x8100] =	vst v63  }
0x214: {  	s11 =	spop (v2sf);
	s7 =	sadd.s32 s3, s7;
	s8 =	sand.u32 $0x1FFFFFF0, s9  }
0x215: {  	[tilespmem:s26], [sflag:$0x1] =	stream.linear.gather [hbm4b:s7+s2], $0x80, $0x38;
	[tilespmem:$0x8100] =	vst v63  }
0x216: {  	s15 =	sand.u32 $0x1FFFFFF0, s11;
	s14 =	sadd.s32 s3, s8;
	s16 =	spop (v2sf)  }
0x217: {  	[tilespmem:s4], [sflag:$0x1] =	stream.linear.gather [hbm4b:s14+s2], $0x80, $0x38;
	[tilespmem:$0x8100] =	vst v63  }
0x218: {  	s17 =	sadd.s32 s3, s15;
	s18 =	sand.u32 $0x1FFFFFF0, s16;
	s19 =	spop (v2sf)  }
0x219: {  	(v2sf) =	vpush v62, $0xD;
	[tilespmem:s0], [sflag:$0x1] =	stream.linear.gather [hbm4b:s17+s2], $0x80, $0x38;
	[tilespmem:$0x8100] =	vst v63  }
0x21a: {  	s20 =	simm.s32 $0x680;
	(v2sf) =	vpush v63, $0xD;
	s23 =	sadd.s32 s3, s18;
	s24 =	sand.u32 $0x1FFFFFF0, s19  }
0x21b: {  	(v2sf) =	vpush v62, $0xE;
	[tilespmem:s20], [sflag:$0x1] =	stream.linear.gather [hbm4b:s23+s2], $0x80, $0x38;
	[tilespmem:$0x8100] =	vst v63  }
0x21c: {  	s8 =	simm.s32 $0x4800;
	s25 =	sadd.s32 s3, s24;
	(v2sf) =	vpush v63, $0xE;
	s29 =	spop (v2sf)  }
0x21d: {  	(v2sf) =	vpush v62, $0xF;
	[tilespmem:s1], [sflag:$0x1] =	stream.linear.gather [hbm4b:s25+s2], $0x80, $0x38;
	[tilespmem:$0x8100] =	vst v63  }
0x21e: {  	s26 =	simm.s32 $0x10;
	s0 =	sand.u32 $0x1FFFFFF0, s29;
	(v2sf) =	vpush v63, $0xF;
	s1 =	spop (v2sf)  }
.LBB2_10:
0x21f: {  	_ =	sdelay $0x4  }
0x220: {  	s0 =	sadd.s32 s3, s0;
	s1 =	sand.u32 $0x1FFFFFF0, s1  }
0x221: {  	[tilespmem:s31], [sflag:$0x1] =	stream.linear.gather [hbm4b:s0+s2], $0x80, $0x38;
	[tilespmem:$0x8100] =	vst v63  }
0x222: {  	s7 =	sadd.s32 s3, s1  }
0x223: {  	[tilespmem:s12], [sflag:$0x1] =	stream.linear.gather [hbm4b:s7+s2], $0x80, $0x38;
	[tilespmem:$0x8100] =	vst v63  }
0x224: {  	s5 =	spop (v2sf)  }
0x225: {  	s9 =	sand.u32 $0x1FFFFFF0, s5;
	s11 =	spop (v2sf)  }
0x226: {  	s12 =	sadd.s32 s3, s9;
	s14 =	sand.u32 $0x1FFFFFF0, s11;
	s4 =	spop (v2sf)  }
0x227: {  	[tilespmem:s13], [sflag:$0x1] =	stream.linear.gather [hbm4b:s12+s2], $0x80, $0x38;
	[tilespmem:$0x8100] =	vst v63  }
0x228: {  	s15 =	sadd.s32 s3, s14;
	s16 =	sand.u32 $0x1FFFFFF0, s4;
	s17 =	spop (v2sf)  }
0x229: {  	[tilespmem:s10], [sflag:$0x1] =	stream.linear.gather [hbm4b:s15+s2], $0x80, $0x38;
	[tilespmem:$0x8100] =	vst v63  }
0x22a: {  	s18 =	sadd.s32 s3, s16;
	s19 =	sand.u32 $0x1FFFFFF0, s17;
	s20 =	spop (v2sf)  }
0x22b: {  	[tilespmem:s30], [sflag:$0x1] =	stream.linear.gather [hbm4b:s18+s2], $0x80, $0x38;
	[tilespmem:$0x8100] =	vst v63  }
0x22c: {  	s23 =	sadd.s32 s3, s19;
	s24 =	sand.u32 $0x1FFFFFF0, s20;
	s25 =	spop (v2sf)  }
0x22d: {  	[tilespmem:s8], [sflag:$0x1] =	stream.linear.gather [hbm4b:s23+s2], $0x80, $0x38;
	[tilespmem:$0x8100] =	vst v63  }
0x22e: {  	s29 =	sadd.s32 $0x880, s21;
	s1 =	sadd.s32 s3, s24;
	s4 =	sand.u32 $0x1FFFFFF0, s25  }
0x22f: {  	[tilespmem:s29], [sflag:$0x1] =	stream.linear.gather [hbm4b:s1+s2], $0x80, $0x38;
	[tilespmem:$0x8100] =	vst v63  }
0x230: {  	s5 =	sadd.s32 $0x4880, s21;
	s6 =	sadd.s32 s3, s4  }
0x231: {  	[tilespmem:s5], [sflag:$0x1] =	stream.linear.gather [hbm4b:s6+s2], $0x80, $0x38;
	[tilespmem:$0x8100] =	vst v63  }
0x232: {  	v0 =	vld [tilespmem:s26+$0x0]  }
0x233: {  	v2 =	vld [tilespmem:s28+$0x0];
	_ =	sdelay $0x3  }
0x234: {  	v1 =	vshll.u32 v0, $0x4  }
0x235: {  	s7 =	smov.u32 s22;
	v63 =	vshll.u32 v2, $0x4;
	(v2sf) =	vpush v1, $0x0  }
0x236: {  	s21 =	sshra.s32 s7, $0x2;
	(v2sf) =	vpush v63, $0x0  }
0x237: {  	p0 =	sne.s32 s22, $0xE000;
	s22 =	sadd.s32 $0x2000, s22;
	s0 =	sadd.s32 $0x580, s21;
	(v2sf) =	vpush v1, $0x1  }
0x238: {  	s9 =	sadd.s32 $0x4700, s21;
	s11 =	sadd.s32 $0x4580, s21;
	[dreg:$0xe] =	wrdreg s0  }
0x239: {  	s31 =	sadd.s32 $0x700, s21;
	[dreg:$0x1a] =	wrdreg s9;
	s0 =	sadd.s32 $0x200, s21;
	(v2sf) =	vpush v63, $0x1  }
0x23a: {  	s14 =	sadd.s32 $0x400, s21;
	s13 =	sadd.s32 $0x4400, s21;
	[dreg:$0x16] =	wrdreg s11  }
0x23b: {  	s12 =	sadd.s32 $0x600, s21;
	s11 =	sadd.s32 $0x4480, s21;
	s9 =	sadd.s32 $0x500, s21;
	(v2sf) =	vpush v1, $0x2  }
0x23c: {  	s16 =	sadd.s32 $0x300, s21;
	s17 =	sadd.s32 $0x4200, s21;
	[dreg:$0x12] =	wrdreg s12  }
0x23d: {  	s12 =	sadd.s32 $0x480, s21;
	s20 =	sadd.s32 $0x4280, s21;
	s10 =	sadd.s32 $0x780, s21;
	(v2sf) =	vpush v63, $0x2  }
0x23e: {  	s19 =	sadd.s32 $0x4300, s21;
	s15 =	sadd.s32 $0x4380, s21;
	[smem:$0x7ED] =	sst s10  }
0x23f: {  	s10 =	sadd.s32 $0x4780, s21;
	s24 =	sadd.s32 $0x4500, s21;
	s4 =	sadd.s32 $0x100, s21;
	(v2sf) =	vpush v1, $0x3  }
0x240: {  	s18 =	sadd.s32 $0x280, s21;
	[dreg:$0x1e] =	wrdreg s24;
	s24 =	sadd.s32 $0x180, s21  }
0x241: {  	s30 =	sadd.s32 $0x800, s21;
	s23 =	sadd.s32 $0x4100, s21;
	s8 =	sadd.s32 $0x4600, s21;
	(v2sf) =	vpush v63, $0x3  }
0x242: {  	[dreg:$0x6] =	wrdreg s8;
	s8 =	sadd.s32 $0x4800, s21;
	s6 =	sadd.s32 $0x4680, s21  }
0x243: {  	s1 =	sadd.s32 $0x4180, s21;
	s5 =	sadd.s32 $0x380, s21;
	[dreg:$0xa] =	wrdreg s6;
	(v2sf) =	vpush v1, $0x4  }
0x244: {  	s26 =	sadd.s32 $0x10, s26;
	s28 =	sadd.s32 $0x10, s28;
	s7 =	spop (v2sf)  }
0x245: {  	s25 =	sand.u32 $0x1FFFFFF0, s7;
	s7 =	sadd.s32 $0x680, s21;
	s29 =	spop (v2sf);
	(v2sf) =	vpush v63, $0x4  }
0x246: {  	s25 =	sadd.s32 s3, s25;
	s29 =	sand.u32 $0x1FFFFFF0, s29;
	s6 =	spop (v2sf)  }
0x247: {  	(v2sf) =	vpush v1, $0x5;
	[tilespmem:s4], [sflag:$0x1] =	stream.linear.gather [hbm4b:s25+s2], $0x80, $0x38;
	[tilespmem:$0x8100] =	vst v63  }
0x248: {  	s25 =	sadd.s32 s3, s29;
	s6 =	sand.u32 $0x1FFFFFF0, s6;
	s29 =	spop (v2sf)  }
0x249: {  	(v2sf) =	vpush v63, $0x5;
	[tilespmem:s23], [sflag:$0x1] =	stream.linear.gather [hbm4b:s25+s2], $0x80, $0x38;
	[tilespmem:$0x8100] =	vst v63  }
0x24a: {  	s23 =	sadd.s32 s3, s6;
	s25 =	sand.u32 $0x1FFFFFF0, s29;
	s29 =	spop (v2sf)  }
0x24b: {  	(v2sf) =	vpush v1, $0x6;
	[tilespmem:s24], [sflag:$0x1] =	stream.linear.gather [hbm4b:s23+s2], $0x80, $0x38;
	[tilespmem:$0x8100] =	vst v63  }
0x24c: {  	s24 =	sadd.s32 s3, s25;
	s25 =	sand.u32 $0x1FFFFFF0, s29;
	s29 =	spop (v2sf)  }
0x24d: {  	(v2sf) =	vpush v63, $0x6;
	[tilespmem:s1], [sflag:$0x1] =	stream.linear.gather [hbm4b:s24+s2], $0x80, $0x38;
	[tilespmem:$0x8100] =	vst v63  }
0x24e: {  	s4 =	sadd.s32 s3, s25;
	s6 =	sand.u32 $0x1FFFFFF0, s29;
	s23 =	spop (v2sf)  }
0x24f: {  	(v2sf) =	vpush v1, $0x7;
	[tilespmem:s0], [sflag:$0x1] =	stream.linear.gather [hbm4b:s4+s2], $0x80, $0x38;
	[tilespmem:$0x8100] =	vst v63  }
0x250: {  	s24 =	sadd.s32 s3, s6;
	s25 =	sand.u32 $0x1FFFFFF0, s23;
	s29 =	spop (v2sf);
	(v2sf) =	vpush v63, $0x7  }
0x251: {  	[tilespmem:s17], [sflag:$0x1] =	stream.linear.gather [hbm4b:s24+s2], $0x80, $0x38;
	[tilespmem:$0x8100] =	vst v63  }
0x252: {  	s6 =	sadd.s32 s3, s25;
	s23 =	spop (v2sf);
	(v2sf) =	vpush v1, $0x8;
	s17 =	sand.u32 $0x1FFFFFF0, s29  }
0x253: {  	[tilespmem:s18], [sflag:$0x1] =	stream.linear.gather [hbm4b:s6+s2], $0x80, $0x38;
	[tilespmem:$0x8100] =	vst v63  }
0x254: {  	s25 =	sand.u32 $0x1FFFFFF0, s23;
	s24 =	sadd.s32 s3, s17;
	s29 =	spop (v2sf)  }
0x255: {  	[tilespmem:s20], [sflag:$0x1] =	stream.linear.gather [hbm4b:s24+s2], $0x80, $0x38;
	[tilespmem:$0x8100] =	vst v63  }
0x256: {  	s1 =	sadd.s32 s3, s25;
	(v2sf) =	vpush v63, $0x8;
	s4 =	sand.u32 $0x1FFFFFF0, s29;
	s6 =	spop (v2sf)  }
0x257: {  	[tilespmem:s16], [sflag:$0x1] =	stream.linear.gather [hbm4b:s1+s2], $0x80, $0x38;
	[tilespmem:$0x8100] =	vst v63  }
0x258: {  	(v2sf) =	vpush v1, $0x9;
	s17 =	sand.u32 $0x1FFFFFF0, s6;
	s18 =	spop (v2sf);
	s16 =	sadd.s32 s3, s4  }
0x259: {  	[tilespmem:s19], [sflag:$0x1] =	stream.linear.gather [hbm4b:s16+s2], $0x80, $0x38;
	[tilespmem:$0x8100] =	vst v63  }
0x25a: {  	s20 =	sand.u32 $0x1FFFFFF0, s18;
	s23 =	spop (v2sf);
	s19 =	sadd.s32 s3, s17  }
0x25b: {  	(v2sf) =	vpush v63, $0x9;
	[tilespmem:s5], [sflag:$0x1] =	stream.linear.gather [hbm4b:s19+s2], $0x80, $0x38;
	[tilespmem:$0x8100] =	vst v63  }
0x25c: {  	s24 =	sadd.s32 s3, s20;
	s25 =	sand.u32 $0x1FFFFFF0, s23;
	s29 =	spop (v2sf)  }
0x25d: {  	(v2sf) =	vpush v1, $0xA;
	[tilespmem:s15], [sflag:$0x1] =	stream.linear.gather [hbm4b:s24+s2], $0x80, $0x38;
	[tilespmem:$0x8100] =	vst v63  }
0x25e: {  	s5 =	sadd.s32 s3, s25;
	s6 =	sand.u32 $0x1FFFFFF0, s29;
	s15 =	spop (v2sf)  }
0x25f: {  	(v2sf) =	vpush v63, $0xA;
	s16 =	sadd.s32 s3, s6;
	s17 =	sand.u32 $0x1FFFFFF0, s15;
	s18 =	spop (v2sf)  }
0x260: {  	[tilespmem:s14], [sflag:$0x1] =	stream.linear.gather [hbm4b:s5+s2], $0x80, $0x38;
	[tilespmem:$0x8100] =	vst v63  }
0x261: {  	s19 =	sadd.s32 s3, s17;
	s23 =	spop (v2sf);
	s17 =	rddreg [dreg:$0x1e]  }
0x262: {  	[tilespmem:s13], [sflag:$0x1] =	stream.linear.gather [hbm4b:s16+s2], $0x80, $0x38;
	[tilespmem:$0x8100] =	vst v63  }
0x263: {  	(v2sf) =	vpush v1, $0xB;
	s20 =	sand.u32 $0x1FFFFFF0, s18;
	s25 =	sand.u32 $0x1FFFFFF0, s23;
	s23 =	rddreg [dreg:$0xe]  }
0x264: {  	[tilespmem:s12], [sflag:$0x1] =	stream.linear.gather [hbm4b:s19+s2], $0x80, $0x38;
	[tilespmem:$0x8100] =	vst v63  }
0x265: {  	(v2sf) =	vpush v63, $0xB;
	s24 =	sadd.s32 s3, s20;
	s13 =	sld [smem:$0x7ED];
	s29 =	spop (v2sf)  }
0x266: {  	(v2sf) =	vpush v1, $0xC;
	[tilespmem:s11], [sflag:$0x1] =	stream.linear.gather [hbm4b:s24+s2], $0x80, $0x38;
	[tilespmem:$0x8100] =	vst v63  }
0x267: {  	s5 =	sadd.s32 s3, s25;
	s6 =	sand.u32 $0x1FFFFFF0, s29;
	s11 =	spop (v2sf)  }
0x268: {  	s12 =	rddreg [dreg:$0x1a];
	(v2sf) =	vpush v63, $0xC;
	s14 =	sadd.s32 s3, s6;
	s15 =	sand.u32 $0x1FFFFFF0, s11  }
0x269: {  	[tilespmem:s9], [sflag:$0x1] =	stream.linear.gather [hbm4b:s5+s2], $0x80, $0x38;
	[tilespmem:$0x8100] =	vst v63  }
0x26a: {  	s6 =	rddreg [dreg:$0x16];
	s16 =	spop (v2sf);
	s18 =	sadd.s32 s3, s15  }
0x26b: {  	[tilespmem:s17], [sflag:$0x1] =	stream.linear.gather [hbm4b:s14+s2], $0x80, $0x38;
	[tilespmem:$0x8100] =	vst v63  }
0x26c: {  	s19 =	sand.u32 $0x1FFFFFF0, s16;
	s20 =	spop (v2sf);
	s15 =	rddreg [dreg:$0x12]  }
0x26d: {  	[tilespmem:s23], [sflag:$0x1] =	stream.linear.gather [hbm4b:s18+s2], $0x80, $0x38;
	[tilespmem:$0x8100] =	vst v63  }
0x26e: {  	s24 =	sadd.s32 s3, s19;
	s25 =	sand.u32 $0x1FFFFFF0, s20;
	s29 =	spop (v2sf)  }
0x26f: {  	[tilespmem:s6], [sflag:$0x1] =	stream.linear.gather [hbm4b:s24+s2], $0x80, $0x38;
	[tilespmem:$0x8100] =	vst v63  }
0x270: {  	s19 =	rddreg [dreg:$0x6];
	s9 =	sadd.s32 s3, s25;
	s11 =	sand.u32 $0x1FFFFFF0, s29  }
0x271: {  	[tilespmem:s15], [sflag:$0x1] =	stream.linear.gather [hbm4b:s9+s2], $0x80, $0x38;
	[tilespmem:$0x8100] =	vst v63  }
0x272: {  	s29 =	rddreg [dreg:$0xa];
	s16 =	sadd.s32 s3, s11;
	s14 =	spop (v2sf)  }
0x273: {  	(v2sf) =	vpush v1, $0xD;
	[tilespmem:s19], [sflag:$0x1] =	stream.linear.gather [hbm4b:s16+s2], $0x80, $0x38;
	[tilespmem:$0x8100] =	vst v63  }
.Ltmp4:
0x274: {  	(v2sf) =	vpush v63, $0xD;
	s17 =	sand.u32 $0x1FFFFFF0, s14;
	s18 =	spop (v2sf);
	(pc) =	sbr.rel @p0 .LBB2_10-.Ltmp4, $4  }
0x275: {  	(v2sf) =	vpush v1, $0xE;
	s20 =	sadd.s32 s3, s17;
	s23 =	sand.u32 $0x1FFFFFF0, s18;
	s24 =	spop (v2sf)  }
0x276: {  	(v2sf) =	vpush v63, $0xE;
	[tilespmem:s7], [sflag:$0x1] =	stream.linear.gather [hbm4b:s20+s2], $0x80, $0x38;
	[tilespmem:$0x8100] =	vst v63  }
0x277: {  	(v2sf) =	vpush v1, $0xF;
	s25 =	sadd.s32 s3, s23;
	s0 =	sand.u32 $0x1FFFFFF0, s24;
	s1 =	spop (v2sf)  }
0x278: {  	(v2sf) =	vpush v63, $0xF;
	[tilespmem:s29], [sflag:$0x1] =	stream.linear.gather [hbm4b:s25+s2], $0x80, $0x38;
	[tilespmem:$0x8100] =	vst v63  }
0x279: {  	_ =	sdelay $0x4  }
0x27a: {  	s0 =	sadd.s32 s3, s0;
	s1 =	sand.u32 $0x1FFFFFF0, s1  }
0x27b: {  	[tilespmem:s31], [sflag:$0x1] =	stream.linear.gather [hbm4b:s0+s2], $0x80, $0x38;
	[tilespmem:$0x8100] =	vst v63  }
0x27c: {  	s7 =	sadd.s32 s3, s1  }
0x27d: {  	[tilespmem:s12], [sflag:$0x1] =	stream.linear.gather [hbm4b:s7+s2], $0x80, $0x38;
	[tilespmem:$0x8100] =	vst v63  }
0x27e: {  	s4 =	spop (v2sf)  }
0x27f: {  	s9 =	sand.u32 $0x1FFFFFF0, s4;
	s11 =	spop (v2sf)  }
0x280: {  	s14 =	sadd.s32 s3, s9;
	s15 =	sand.u32 $0x1FFFFFF0, s11;
	s16 =	spop (v2sf)  }
0x281: {  	[tilespmem:s13], [sflag:$0x1] =	stream.linear.gather [hbm4b:s14+s2], $0x80, $0x38;
	[tilespmem:$0x8100] =	vst v63  }
0x282: {  	s17 =	sadd.s32 s3, s15;
	s18 =	sand.u32 $0x1FFFFFF0, s16;
	s19 =	spop (v2sf)  }
0x283: {  	[tilespmem:s10], [sflag:$0x1] =	stream.linear.gather [hbm4b:s17+s2], $0x80, $0x38;
	[tilespmem:$0x8100] =	vst v63  }
0x284: {  	s20 =	sadd.s32 s3, s18;
	s22 =	sand.u32 $0x1FFFFFF0, s19;
	s23 =	spop (v2sf)  }
0x285: {  	[tilespmem:s30], [sflag:$0x1] =	stream.linear.gather [hbm4b:s20+s2], $0x80, $0x38;
	[tilespmem:$0x8100] =	vst v63  }
0x286: {  	s24 =	sadd.s32 s3, s22;
	s25 =	sand.u32 $0x1FFFFFF0, s23;
	s26 =	spop (v2sf)  }
0x287: {  	[tilespmem:s8], [sflag:$0x1] =	stream.linear.gather [hbm4b:s24+s2], $0x80, $0x38;
	[tilespmem:$0x8100] =	vst v63  }
0x288: {  	s28 =	sadd.s32 $0x880, s21;
	s1 =	sadd.s32 s3, s25;
	s4 =	sand.u32 $0x1FFFFFF0, s26  }
0x289: {  	[tilespmem:s28], [sflag:$0x1] =	stream.linear.gather [hbm4b:s1+s2], $0x80, $0x38;
	[tilespmem:$0x8100] =	vst v63  }
0x28a: {  	s29 =	sadd.s32 $0x4880, s21;
	s31 =	simm.s32 $0x1;
	s30 =	sadd.s32 s3, s4  }
0x28b: {  	[tilespmem:s29], [sflag:$0x1] =	stream.linear.gather [hbm4b:s30+s2], $0x80, $0x38;
	[tilespmem:$0x8100] =	vst v63  }
0x28c: {  	_ =	swait.ge [sflag:s31], $0x4000  }
0x28d: {  	[sflag:s31] =	ssyncset.done $0x0  }
0x28e: {  	[sflag:s31] =	ssyncadd.s32 $0xFFFFC000  }
0x28f: {  	_ =	swait.ge [sflag:s31], $0x4000  }
0x290: {  	[sflag:s31] =	ssyncset.done $0x0  }
0x291: {  	s0 =	simm.s32 $0x0;
	[sflag:s31] =	ssyncadd.s32 $0xFFFFC000  }
0x292: {  	v5 =	vld [tilespmem:s0+$0x4100]  }
0x293: {  	v6 =	vld [tilespmem:s0+$0x4110]  }
0x294: {  	v1 =	vld [tilespmem:s0+$0x4120]  }
0x295: {  	v0 =	vld [tilespmem:s0+$0x4130]  }
0x296: {  	v2 =	vld [tilespmem:s0+$0x100]  }
0x297: {  	v4 =	vld [tilespmem:s0+$0x110]  }
0x298: {  	s1 =	simm.s32 $0x200;
	v3 =	vld [tilespmem:s0+$0x120]  }
.LBB2_12:
0x299: {  	s4 =	sshra.s32 s1, $0x2;
	p0 =	sne.s32 s1, $0xFE00;
	v7 =	vld [tilespmem:s0+$0x130];
	v8 =	vmov v1  }
0x29a: {  	v9 =	vld [tilespmem:s4+$0x4100];
	v10 =	vmov v0  }
0x29b: {  	v11 =	vld [tilespmem:s4+$0x4110];
	v2 =	vadd.f32 v5, v2  }
.Ltmp5:
0x29c: {  	v1 =	vld [tilespmem:s4+$0x4120];
	v4 =	vadd.f32 v6, v4;
	(pc) =	sbr.rel @p0 .LBB2_12-.Ltmp5, $4  }
0x29d: {  	v0 =	vld [tilespmem:s4+$0x4130];
	[tilespmem:s0+$0x100] =	vst v2;
	v3 =	vadd.f32 v8, v3  }
0x29e: {  	v2 =	vld [tilespmem:s4+$0x100];
	[tilespmem:s0+$0x110] =	vst v4;
	v7 =	vadd.f32 v10, v7  }
0x29f: {  	v4 =	vld [tilespmem:s4+$0x110];
	[tilespmem:s0+$0x120] =	vst v3;
	v5 =	vmov v9  }
0x2a0: {  	s1 =	sadd.s32 $0x200, s1;
	v3 =	vld [tilespmem:s4+$0x120];
	[tilespmem:s0+$0x130] =	vst v7;
	v6 =	vmov v11;
	s0 =	smov.u32 s4  }
0x2a1: {  	v7 =	vld [tilespmem:s0+$0x130];
	_ =	sdelay $0x1  }
0x2a2: {  	v2 =	vadd.f32 v5, v2  }
0x2a3: {  	v4 =	vadd.f32 v6, v4  }
0x2a4: {  	[tilespmem:s0+$0x100] =	vst v2;
	v1 =	vadd.f32 v1, v3  }
0x2a5: {  	s1 =	sld [smem:$0x7F9];
	[tilespmem:s0+$0x110] =	vst v4;
	v0 =	vadd.f32 v0, v7  }
0x2a6: {  	[tilespmem:s0+$0x120] =	vst v1  }
0x2a7: {  	s23 =	simm.s32 $0x0;
	s4 =	simm.s32 $0x100;
	s5 =	simm.s32 $0x2;
	[tilespmem:s0+$0x130] =	vst v0  }
0x2a8: {  	[hbm4b:s1+s23] =	stream.linear.scatter [tilespmem:s4], [sflag:$0x2], $0x4000, $0x38;
	[tilespmem:$0x8100] =	vst v63  }
0x2a9: {  	_ =	swait.ge [sflag:s5], $0x4000  }
0x2aa: {  	s24 =	sld [smem:$0x7FA]  }
0x2ab: {  	[sflag:s5] =	ssyncset.done $0x0  }
0x2ac: {  	[sflag:s5] =	ssyncadd.s32 $0xFFFFC000  }
0x2ad: {  	[tilespmem:s23], [sflag:$0x2] =	stream.linear.gather [hbm4b:s24+s23], $0x80, $0x38;
	[tilespmem:$0x8100] =	vst v63  }
0x2ae: {  	_ =	swait.ge [sflag:s5], $0x80  }
0x2af: {  	s26 =	sld [smem:$0x7FB]  }
0x2b0: {  	[sflag:s5] =	ssyncset.done $0x0  }
0x2b1: {  	s25 =	simm.s32 $0x80;
	[sflag:s5] =	ssyncadd.s32 $0xFFFFFF80  }
0x2b2: {  	[tilespmem:s25], [sflag:$0x2] =	stream.linear.gather [hbm4b:s26+s23], $0x80, $0x38;
	[tilespmem:$0x8100] =	vst v63  }
0x2b3: {  	_ =	swait.ge [sflag:s5], $0x80  }
0x2b4: {  	[sflag:s5] =	ssyncset.done $0x0  }
0x2b5: {  	[sflag:s5] =	ssyncadd.s32 $0xFFFFFF80  }
0x2b6: {  	v60 =	vld [tilespmem:s23+$0x0]  }
0x2b7: {  	v61 =	vld [tilespmem:s25+$0x0];
	_ =	sdelay $0x3  }
0x2b8: {  	v62 =	vshll.u32 v60, $0x4  }
0x2b9: {  	v63 =	vshll.u32 v61, $0x4;
	(v2sf) =	vpush v62, $0x0  }
0x2ba: {  	(v2sf) =	vpush v63, $0x0  }
0x2bb: {  	(v2sf) =	vpush v62, $0x1;
	_ =	sdelay $0x2  }
0x2bc: {  	(v2sf) =	vpush v63, $0x1;
	_ =	sdelay $0x1  }
0x2bd: {  	(v2sf) =	vpush v62, $0x2;
	_ =	sdelay $0x1  }
0x2be: {  	(v2sf) =	vpush v63, $0x2  }
0x2bf: {  	s22 =	simm.s32 $0x2000  }
0x2c0: {  	s21 =	simm.s32 $0x0;
	s29 =	simm.s32 $0x4100;
	s6 =	simm.s32 $0x100;
	(v2sf) =	vpush v62, $0x3  }
0x2c1: {  	s8 =	simm.s32 $0x300;
	s9 =	simm.s32 $0x280;
	s12 =	simm.s32 $0x180  }
0x2c2: {  	s15 =	simm.s32 $0x4180;
	s17 =	simm.s32 $0x200;
	s20 =	simm.s32 $0x4200  }
0x2c3: {  	s31 =	simm.s32 $0x700;
	s28 =	simm.s32 $0x90;
	s30 =	simm.s32 $0x800  }
0x2c4: {  	s0 =	simm.s32 $0x4600;
	s1 =	simm.s32 $0x380;
	s7 =	spop (v2sf);
	(v2sf) =	vpush v63, $0x3  }
0x2c5: {  	s26 =	simm.s32 $0x4300;
	s7 =	sand.u32 $0x1FFFFFF0, s7;
	s10 =	spop (v2sf)  }
0x2c6: {  	(v2sf) =	vpush v62, $0x4;
	s7 =	sadd.s32 s3, s7;
	s10 =	sand.u32 $0x1FFFFFF0, s10;
	s11 =	spop (v2sf)  }
0x2c7: {  	(v2sf) =	vpush v63, $0x4;
	[tilespmem:s6], [sflag:$0x1] =	stream.linear.gather [hbm4b:s7+s2], $0x80, $0x38;
	[tilespmem:$0x8100] =	vst v63  }
0x2c8: {  	s5 =	simm.s32 $0x580;
	s7 =	sadd.s32 s3, s10;
	s10 =	sand.u32 $0x1FFFFFF0, s11  }
0x2c9: {  	s6 =	simm.s32 $0x4280;
	s11 =	spop (v2sf);
	(v2sf) =	vpush v62, $0x5;
	s13 =	sadd.s32 s3, s10  }
0x2ca: {  	(v2sf) =	vpush v63, $0x5;
	[tilespmem:s29], [sflag:$0x1] =	stream.linear.gather [hbm4b:s7+s2], $0x80, $0x38;
	[tilespmem:$0x8100] =	vst v63  }
0x2cb: {  	s14 =	sand.u32 $0x1FFFFFF0, s11;
	s16 =	spop (v2sf);
	s11 =	simm.s32 $0x480  }
0x2cc: {  	(v2sf) =	vpush v62, $0x6;
	[tilespmem:s12], [sflag:$0x1] =	stream.linear.gather [hbm4b:s13+s2], $0x80, $0x38;
	[tilespmem:$0x8100] =	vst v63  }
0x2cd: {  	s10 =	sadd.s32 s3, s14;
	s7 =	sand.u32 $0x1FFFFFF0, s16;
	s18 =	spop (v2sf)  }
0x2ce: {  	[tilespmem:s15], [sflag:$0x1] =	stream.linear.gather [hbm4b:s10+s2], $0x80, $0x38;
	[tilespmem:$0x8100] =	vst v63  }
0x2cf: {  	s7 =	sadd.s32 s3, s7;
	s19 =	spop (v2sf);
	s10 =	sand.u32 $0x1FFFFFF0, s18  }
0x2d0: {  	(v2sf) =	vpush v63, $0x6;
	[tilespmem:s17], [sflag:$0x1] =	stream.linear.gather [hbm4b:s7+s2], $0x80, $0x38;
	[tilespmem:$0x8100] =	vst v63  }
0x2d1: {  	s24 =	sand.u32 $0x1FFFFFF0, s19;
	s12 =	simm.s32 $0x4700;
	s23 =	sadd.s32 s3, s10  }
0x2d2: {  	[tilespmem:s20], [sflag:$0x1] =	stream.linear.gather [hbm4b:s23+s2], $0x80, $0x38;
	[tilespmem:$0x8100] =	vst v63  }
0x2d3: {  	s13 =	simm.s32 $0x780;
	s10 =	sadd.s32 s3, s24;
	s25 =	spop (v2sf)  }
0x2d4: {  	(v2sf) =	vpush v62, $0x7;
	[tilespmem:s9], [sflag:$0x1] =	stream.linear.gather [hbm4b:s10+s2], $0x80, $0x38;
	[tilespmem:$0x8100] =	vst v63  }
0x2d5: {  	s15 =	simm.s32 $0x4380;
	s7 =	sand.u32 $0x1FFFFFF0, s25;
	s29 =	spop (v2sf)  }
0x2d6: {  	s17 =	simm.s32 $0x400;
	s7 =	sadd.s32 s3, s7;
	s4 =	spop (v2sf)  }
0x2d7: {  	(v2sf) =	vpush v63, $0x7;
	[tilespmem:s6], [sflag:$0x1] =	stream.linear.gather [hbm4b:s7+s2], $0x80, $0x38;
	[tilespmem:$0x8100] =	vst v63  }
0x2d8: {  	s10 =	sand.u32 $0x1FFFFFF0, s29;
	(v2sf) =	vpush v62, $0x8;
	s14 =	sand.u32 $0x1FFFFFF0, s4;
	s16 =	spop (v2sf)  }
0x2d9: {  	s10 =	sadd.s32 s3, s10;
	s7 =	sadd.s32 s3, s14;
	s18 =	spop (v2sf)  }
0x2da: {  	(v2sf) =	vpush v63, $0x8;
	[tilespmem:s8], [sflag:$0x1] =	stream.linear.gather [hbm4b:s10+s2], $0x80, $0x38;
	[tilespmem:$0x8100] =	vst v63  }
0x2db: {  	s8 =	sand.u32 $0x1FFFFFF0, s16;
	s9 =	sand.u32 $0x1FFFFFF0, s18;
	s19 =	spop (v2sf)  }
0x2dc: {  	(v2sf) =	vpush v62, $0x9;
	[tilespmem:s26], [sflag:$0x1] =	stream.linear.gather [hbm4b:s7+s2], $0x80, $0x38;
	[tilespmem:$0x8100] =	vst v63  }
0x2dd: {  	s10 =	simm.s32 $0x4780;
	s16 =	simm.s32 $0x4480;
	s8 =	sadd.s32 s3, s8  }
0x2de: {  	(v2sf) =	vpush v63, $0x9;
	[tilespmem:s1], [sflag:$0x1] =	stream.linear.gather [hbm4b:s8+s2], $0x80, $0x38;
	[tilespmem:$0x8100] =	vst v63  }
0x2df: {  	s20 =	sadd.s32 s3, s9;
	s23 =	sand.u32 $0x1FFFFFF0, s19;
	s24 =	spop (v2sf)  }
0x2e0: {  	(v2sf) =	vpush v62, $0xA;
	[tilespmem:s15], [sflag:$0x1] =	stream.linear.gather [hbm4b:s20+s2], $0x80, $0x38;
	[tilespmem:$0x8100] =	vst v63  }
0x2e1: {  	s18 =	simm.s32 $0x500;
	s25 =	sadd.s32 s3, s23;
	s6 =	sand.u32 $0x1FFFFFF0, s24  }
0x2e2: {  	(v2sf) =	vpush v63, $0xA;
	[tilespmem:s17], [sflag:$0x1] =	stream.linear.gather [hbm4b:s25+s2], $0x80, $0x38;
	[tilespmem:$0x8100] =	vst v63  }
0x2e3: {  	s26 =	simm.s32 $0x4400;
	s6 =	sadd.s32 s3, s6;
	s29 =	spop (v2sf)  }
0x2e4: {  	(v2sf) =	vpush v62, $0xB;
	[tilespmem:s26], [sflag:$0x1] =	stream.linear.gather [hbm4b:s6+s2], $0x80, $0x38;
	[tilespmem:$0x8100] =	vst v63  }
0x2e5: {  	s23 =	simm.s32 $0x4500;
	s1 =	simm.s32 $0x4680;
	s8 =	sand.u32 $0x1FFFFFF0, s29  }
0x2e6: {  	s26 =	simm.s32 $0x4580;
	s4 =	spop (v2sf);
	(v2sf) =	vpush v63, $0xB;
	s14 =	sadd.s32 s3, s8  }
0x2e7: {  	s15 =	sand.u32 $0x1FFFFFF0, s4;
	s17 =	spop (v2sf);
	s4 =	simm.s32 $0x600  }
0x2e8: {  	[tilespmem:s11], [sflag:$0x1] =	stream.linear.gather [hbm4b:s14+s2], $0x80, $0x38;
	[tilespmem:$0x8100] =	vst v63  }
0x2e9: {  	s8 =	sadd.s32 s3, s15;
	s7 =	sand.u32 $0x1FFFFFF0, s17;
	s19 =	spop (v2sf)  }
0x2ea: {  	(v2sf) =	vpush v62, $0xC;
	[tilespmem:s16], [sflag:$0x1] =	stream.linear.gather [hbm4b:s8+s2], $0x80, $0x38;
	[tilespmem:$0x8100] =	vst v63  }
0x2eb: {  	s7 =	sadd.s32 s3, s7;
	s20 =	spop (v2sf);
	s8 =	sand.u32 $0x1FFFFFF0, s19  }
0x2ec: {  	(v2sf) =	vpush v63, $0xC;
	[tilespmem:s18], [sflag:$0x1] =	stream.linear.gather [hbm4b:s7+s2], $0x80, $0x38;
	[tilespmem:$0x8100] =	vst v63  }
0x2ed: {  	s25 =	sand.u32 $0x1FFFFFF0, s20;
	s29 =	spop (v2sf);
	s24 =	sadd.s32 s3, s8  }
0x2ee: {  	[tilespmem:s23], [sflag:$0x1] =	stream.linear.gather [hbm4b:s24+s2], $0x80, $0x38;
	[tilespmem:$0x8100] =	vst v63  }
0x2ef: {  	s8 =	sadd.s32 s3, s25;
	s9 =	spop (v2sf);
	s7 =	sand.u32 $0x1FFFFFF0, s29  }
0x2f0: {  	[tilespmem:s5], [sflag:$0x1] =	stream.linear.gather [hbm4b:s8+s2], $0x80, $0x38;
	[tilespmem:$0x8100] =	vst v63  }
0x2f1: {  	s11 =	spop (v2sf);
	s7 =	sadd.s32 s3, s7;
	s8 =	sand.u32 $0x1FFFFFF0, s9  }
0x2f2: {  	[tilespmem:s26], [sflag:$0x1] =	stream.linear.gather [hbm4b:s7+s2], $0x80, $0x38;
	[tilespmem:$0x8100] =	vst v63  }
0x2f3: {  	s15 =	sand.u32 $0x1FFFFFF0, s11;
	s14 =	sadd.s32 s3, s8;
	s16 =	spop (v2sf)  }
0x2f4: {  	[tilespmem:s4], [sflag:$0x1] =	stream.linear.gather [hbm4b:s14+s2], $0x80, $0x38;
	[tilespmem:$0x8100] =	vst v63  }
0x2f5: {  	s17 =	sadd.s32 s3, s15;
	s18 =	sand.u32 $0x1FFFFFF0, s16;
	s19 =	spop (v2sf)  }
0x2f6: {  	(v2sf) =	vpush v62, $0xD;
	[tilespmem:s0], [sflag:$0x1] =	stream.linear.gather [hbm4b:s17+s2], $0x80, $0x38;
	[tilespmem:$0x8100] =	vst v63  }
0x2f7: {  	s20 =	simm.s32 $0x680;
	(v2sf) =	vpush v63, $0xD;
	s23 =	sadd.s32 s3, s18;
	s24 =	sand.u32 $0x1FFFFFF0, s19  }
0x2f8: {  	(v2sf) =	vpush v62, $0xE;
	[tilespmem:s20], [sflag:$0x1] =	stream.linear.gather [hbm4b:s23+s2], $0x80, $0x38;
	[tilespmem:$0x8100] =	vst v63  }
0x2f9: {  	s8 =	simm.s32 $0x4800;
	s25 =	sadd.s32 s3, s24;
	(v2sf) =	vpush v63, $0xE;
	s29 =	spop (v2sf)  }
0x2fa: {  	(v2sf) =	vpush v62, $0xF;
	[tilespmem:s1], [sflag:$0x1] =	stream.linear.gather [hbm4b:s25+s2], $0x80, $0x38;
	[tilespmem:$0x8100] =	vst v63  }
0x2fb: {  	s26 =	simm.s32 $0x10;
	s0 =	sand.u32 $0x1FFFFFF0, s29;
	(v2sf) =	vpush v63, $0xF;
	s1 =	spop (v2sf)  }
.LBB2_14:
0x2fc: {  	_ =	sdelay $0x4  }
0x2fd: {  	s0 =	sadd.s32 s3, s0;
	s1 =	sand.u32 $0x1FFFFFF0, s1  }
0x2fe: {  	[tilespmem:s31], [sflag:$0x1] =	stream.linear.gather [hbm4b:s0+s2], $0x80, $0x38;
	[tilespmem:$0x8100] =	vst v63  }
0x2ff: {  	s7 =	sadd.s32 s3, s1  }
0x300: {  	[tilespmem:s12], [sflag:$0x1] =	stream.linear.gather [hbm4b:s7+s2], $0x80, $0x38;
	[tilespmem:$0x8100] =	vst v63  }
0x301: {  	s5 =	spop (v2sf)  }
0x302: {  	s9 =	sand.u32 $0x1FFFFFF0, s5;
	s11 =	spop (v2sf)  }
0x303: {  	s12 =	sadd.s32 s3, s9;
	s14 =	sand.u32 $0x1FFFFFF0, s11;
	s4 =	spop (v2sf)  }
0x304: {  	[tilespmem:s13], [sflag:$0x1] =	stream.linear.gather [hbm4b:s12+s2], $0x80, $0x38;
	[tilespmem:$0x8100] =	vst v63  }
0x305: {  	s15 =	sadd.s32 s3, s14;
	s16 =	sand.u32 $0x1FFFFFF0, s4;
	s17 =	spop (v2sf)  }
0x306: {  	[tilespmem:s10], [sflag:$0x1] =	stream.linear.gather [hbm4b:s15+s2], $0x80, $0x38;
	[tilespmem:$0x8100] =	vst v63  }
0x307: {  	s18 =	sadd.s32 s3, s16;
	s19 =	sand.u32 $0x1FFFFFF0, s17;
	s20 =	spop (v2sf)  }
0x308: {  	[tilespmem:s30], [sflag:$0x1] =	stream.linear.gather [hbm4b:s18+s2], $0x80, $0x38;
	[tilespmem:$0x8100] =	vst v63  }
0x309: {  	s23 =	sadd.s32 s3, s19;
	s24 =	sand.u32 $0x1FFFFFF0, s20;
	s25 =	spop (v2sf)  }
0x30a: {  	[tilespmem:s8], [sflag:$0x1] =	stream.linear.gather [hbm4b:s23+s2], $0x80, $0x38;
	[tilespmem:$0x8100] =	vst v63  }
0x30b: {  	s29 =	sadd.s32 $0x880, s21;
	s1 =	sadd.s32 s3, s24;
	s4 =	sand.u32 $0x1FFFFFF0, s25  }
0x30c: {  	[tilespmem:s29], [sflag:$0x1] =	stream.linear.gather [hbm4b:s1+s2], $0x80, $0x38;
	[tilespmem:$0x8100] =	vst v63  }
0x30d: {  	s5 =	sadd.s32 $0x4880, s21;
	s6 =	sadd.s32 s3, s4  }
0x30e: {  	[tilespmem:s5], [sflag:$0x1] =	stream.linear.gather [hbm4b:s6+s2], $0x80, $0x38;
	[tilespmem:$0x8100] =	vst v63  }
0x30f: {  	v0 =	vld [tilespmem:s26+$0x0]  }
0x310: {  	v2 =	vld [tilespmem:s28+$0x0];
	_ =	sdelay $0x3  }
0x311: {  	v1 =	vshll.u32 v0, $0x4  }
0x312: {  	s7 =	smov.u32 s22;
	v63 =	vshll.u32 v2, $0x4;
	(v2sf) =	vpush v1, $0x0  }
0x313: {  	s21 =	sshra.s32 s7, $0x2;
	(v2sf) =	vpush v63, $0x0  }
0x314: {  	p0 =	sne.s32 s22, $0xE000;
	s22 =	sadd.s32 $0x2000, s22;
	s0 =	sadd.s32 $0x580, s21;
	(v2sf) =	vpush v1, $0x1  }
0x315: {  	s9 =	sadd.s32 $0x4700, s21;
	s11 =	sadd.s32 $0x4580, s21;
	[dreg:$0xf] =	wrdreg s0  }
0x316: {  	s31 =	sadd.s32 $0x700, s21;
	[dreg:$0x1b] =	wrdreg s9;
	s0 =	sadd.s32 $0x200, s21;
	(v2sf) =	vpush v63, $0x1  }
0x317: {  	s14 =	sadd.s32 $0x400, s21;
	s13 =	sadd.s32 $0x4400, s21;
	[dreg:$0x17] =	wrdreg s11  }
0x318: {  	s12 =	sadd.s32 $0x600, s21;
	s11 =	sadd.s32 $0x4480, s21;
	s9 =	sadd.s32 $0x500, s21;
	(v2sf) =	vpush v1, $0x2  }
0x319: {  	s16 =	sadd.s32 $0x300, s21;
	s17 =	sadd.s32 $0x4200, s21;
	[dreg:$0x13] =	wrdreg s12  }
0x31a: {  	s12 =	sadd.s32 $0x480, s21;
	s20 =	sadd.s32 $0x4280, s21;
	s10 =	sadd.s32 $0x780, s21;
	(v2sf) =	vpush v63, $0x2  }
0x31b: {  	s19 =	sadd.s32 $0x4300, s21;
	s15 =	sadd.s32 $0x4380, s21;
	[smem:$0x7EC] =	sst s10  }
0x31c: {  	s10 =	sadd.s32 $0x4780, s21;
	s24 =	sadd.s32 $0x4500, s21;
	s4 =	sadd.s32 $0x100, s21;
	(v2sf) =	vpush v1, $0x3  }
0x31d: {  	s18 =	sadd.s32 $0x280, s21;
	[dreg:$0x1f] =	wrdreg s24;
	s24 =	sadd.s32 $0x180, s21  }
0x31e: {  	s30 =	sadd.s32 $0x800, s21;
	s23 =	sadd.s32 $0x4100, s21;
	s8 =	sadd.s32 $0x4600, s21;
	(v2sf) =	vpush v63, $0x3  }
0x31f: {  	[dreg:$0x7] =	wrdreg s8;
	s8 =	sadd.s32 $0x4800, s21;
	s6 =	sadd.s32 $0x4680, s21  }
0x320: {  	s1 =	sadd.s32 $0x4180, s21;
	s5 =	sadd.s32 $0x380, s21;
	[dreg:$0xb] =	wrdreg s6;
	(v2sf) =	vpush v1, $0x4  }
0x321: {  	s26 =	sadd.s32 $0x10, s26;
	s28 =	sadd.s32 $0x10, s28;
	s7 =	spop (v2sf)  }
0x322: {  	s25 =	sand.u32 $0x1FFFFFF0, s7;
	s7 =	sadd.s32 $0x680, s21;
	s29 =	spop (v2sf);
	(v2sf) =	vpush v63, $0x4  }
0x323: {  	s25 =	sadd.s32 s3, s25;
	s29 =	sand.u32 $0x1FFFFFF0, s29;
	s6 =	spop (v2sf)  }
0x324: {  	(v2sf) =	vpush v1, $0x5;
	[tilespmem:s4], [sflag:$0x1] =	stream.linear.gather [hbm4b:s25+s2], $0x80, $0x38;
	[tilespmem:$0x8100] =	vst v63  }
0x325: {  	s25 =	sadd.s32 s3, s29;
	s6 =	sand.u32 $0x1FFFFFF0, s6;
	s29 =	spop (v2sf)  }
0x326: {  	(v2sf) =	vpush v63, $0x5;
	[tilespmem:s23], [sflag:$0x1] =	stream.linear.gather [hbm4b:s25+s2], $0x80, $0x38;
	[tilespmem:$0x8100] =	vst v63  }
0x327: {  	s23 =	sadd.s32 s3, s6;
	s25 =	sand.u32 $0x1FFFFFF0, s29;
	s29 =	spop (v2sf)  }
0x328: {  	(v2sf) =	vpush v1, $0x6;
	[tilespmem:s24], [sflag:$0x1] =	stream.linear.gather [hbm4b:s23+s2], $0x80, $0x38;
	[tilespmem:$0x8100] =	vst v63  }
0x329: {  	s24 =	sadd.s32 s3, s25;
	s25 =	sand.u32 $0x1FFFFFF0, s29;
	s29 =	spop (v2sf)  }
0x32a: {  	(v2sf) =	vpush v63, $0x6;
	[tilespmem:s1], [sflag:$0x1] =	stream.linear.gather [hbm4b:s24+s2], $0x80, $0x38;
	[tilespmem:$0x8100] =	vst v63  }
0x32b: {  	s4 =	sadd.s32 s3, s25;
	s6 =	sand.u32 $0x1FFFFFF0, s29;
	s23 =	spop (v2sf)  }
0x32c: {  	(v2sf) =	vpush v1, $0x7;
	[tilespmem:s0], [sflag:$0x1] =	stream.linear.gather [hbm4b:s4+s2], $0x80, $0x38;
	[tilespmem:$0x8100] =	vst v63  }
0x32d: {  	s24 =	sadd.s32 s3, s6;
	s25 =	sand.u32 $0x1FFFFFF0, s23;
	s29 =	spop (v2sf);
	(v2sf) =	vpush v63, $0x7  }
0x32e: {  	[tilespmem:s17], [sflag:$0x1] =	stream.linear.gather [hbm4b:s24+s2], $0x80, $0x38;
	[tilespmem:$0x8100] =	vst v63  }
0x32f: {  	s6 =	sadd.s32 s3, s25;
	s23 =	spop (v2sf);
	(v2sf) =	vpush v1, $0x8;
	s17 =	sand.u32 $0x1FFFFFF0, s29  }
0x330: {  	[tilespmem:s18], [sflag:$0x1] =	stream.linear.gather [hbm4b:s6+s2], $0x80, $0x38;
	[tilespmem:$0x8100] =	vst v63  }
0x331: {  	s25 =	sand.u32 $0x1FFFFFF0, s23;
	s24 =	sadd.s32 s3, s17;
	s29 =	spop (v2sf)  }
0x332: {  	[tilespmem:s20], [sflag:$0x1] =	stream.linear.gather [hbm4b:s24+s2], $0x80, $0x38;
	[tilespmem:$0x8100] =	vst v63  }
0x333: {  	s1 =	sadd.s32 s3, s25;
	(v2sf) =	vpush v63, $0x8;
	s4 =	sand.u32 $0x1FFFFFF0, s29;
	s6 =	spop (v2sf)  }
0x334: {  	[tilespmem:s16], [sflag:$0x1] =	stream.linear.gather [hbm4b:s1+s2], $0x80, $0x38;
	[tilespmem:$0x8100] =	vst v63  }
0x335: {  	(v2sf) =	vpush v1, $0x9;
	s17 =	sand.u32 $0x1FFFFFF0, s6;
	s18 =	spop (v2sf);
	s16 =	sadd.s32 s3, s4  }
0x336: {  	[tilespmem:s19], [sflag:$0x1] =	stream.linear.gather [hbm4b:s16+s2], $0x80, $0x38;
	[tilespmem:$0x8100] =	vst v63  }
0x337: {  	s20 =	sand.u32 $0x1FFFFFF0, s18;
	s23 =	spop (v2sf);
	s19 =	sadd.s32 s3, s17  }
0x338: {  	(v2sf) =	vpush v63, $0x9;
	[tilespmem:s5], [sflag:$0x1] =	stream.linear.gather [hbm4b:s19+s2], $0x80, $0x38;
	[tilespmem:$0x8100] =	vst v63  }
0x339: {  	s24 =	sadd.s32 s3, s20;
	s25 =	sand.u32 $0x1FFFFFF0, s23;
	s29 =	spop (v2sf)  }
0x33a: {  	(v2sf) =	vpush v1, $0xA;
	[tilespmem:s15], [sflag:$0x1] =	stream.linear.gather [hbm4b:s24+s2], $0x80, $0x38;
	[tilespmem:$0x8100] =	vst v63  }
0x33b: {  	s5 =	sadd.s32 s3, s25;
	s6 =	sand.u32 $0x1FFFFFF0, s29;
	s15 =	spop (v2sf)  }
0x33c: {  	(v2sf) =	vpush v63, $0xA;
	s16 =	sadd.s32 s3, s6;
	s17 =	sand.u32 $0x1FFFFFF0, s15;
	s18 =	spop (v2sf)  }
0x33d: {  	[tilespmem:s14], [sflag:$0x1] =	stream.linear.gather [hbm4b:s5+s2], $0x80, $0x38;
	[tilespmem:$0x8100] =	vst v63  }
0x33e: {  	s19 =	sadd.s32 s3, s17;
	s23 =	spop (v2sf);
	s17 =	rddreg [dreg:$0x1f]  }
0x33f: {  	[tilespmem:s13], [sflag:$0x1] =	stream.linear.gather [hbm4b:s16+s2], $0x80, $0x38;
	[tilespmem:$0x8100] =	vst v63  }
0x340: {  	(v2sf) =	vpush v1, $0xB;
	s20 =	sand.u32 $0x1FFFFFF0, s18;
	s25 =	sand.u32 $0x1FFFFFF0, s23;
	s23 =	rddreg [dreg:$0xf]  }
0x341: {  	[tilespmem:s12], [sflag:$0x1] =	stream.linear.gather [hbm4b:s19+s2], $0x80, $0x38;
	[tilespmem:$0x8100] =	vst v63  }
0x342: {  	(v2sf) =	vpush v63, $0xB;
	s24 =	sadd.s32 s3, s20;
	s13 =	sld [smem:$0x7EC];
	s29 =	spop (v2sf)  }
0x343: {  	(v2sf) =	vpush v1, $0xC;
	[tilespmem:s11], [sflag:$0x1] =	stream.linear.gather [hbm4b:s24+s2], $0x80, $0x38;
	[tilespmem:$0x8100] =	vst v63  }
0x344: {  	s5 =	sadd.s32 s3, s25;
	s6 =	sand.u32 $0x1FFFFFF0, s29;
	s11 =	spop (v2sf)  }
0x345: {  	s12 =	rddreg [dreg:$0x1b];
	(v2sf) =	vpush v63, $0xC;
	s14 =	sadd.s32 s3, s6;
	s15 =	sand.u32 $0x1FFFFFF0, s11  }
0x346: {  	[tilespmem:s9], [sflag:$0x1] =	stream.linear.gather [hbm4b:s5+s2], $0x80, $0x38;
	[tilespmem:$0x8100] =	vst v63  }
0x347: {  	s6 =	rddreg [dreg:$0x17];
	s16 =	spop (v2sf);
	s18 =	sadd.s32 s3, s15  }
0x348: {  	[tilespmem:s17], [sflag:$0x1] =	stream.linear.gather [hbm4b:s14+s2], $0x80, $0x38;
	[tilespmem:$0x8100] =	vst v63  }
0x349: {  	s19 =	sand.u32 $0x1FFFFFF0, s16;
	s20 =	spop (v2sf);
	s15 =	rddreg [dreg:$0x13]  }
0x34a: {  	[tilespmem:s23], [sflag:$0x1] =	stream.linear.gather [hbm4b:s18+s2], $0x80, $0x38;
	[tilespmem:$0x8100] =	vst v63  }
0x34b: {  	s24 =	sadd.s32 s3, s19;
	s25 =	sand.u32 $0x1FFFFFF0, s20;
	s29 =	spop (v2sf)  }
0x34c: {  	[tilespmem:s6], [sflag:$0x1] =	stream.linear.gather [hbm4b:s24+s2], $0x80, $0x38;
	[tilespmem:$0x8100] =	vst v63  }
0x34d: {  	s19 =	rddreg [dreg:$0x7];
	s9 =	sadd.s32 s3, s25;
	s11 =	sand.u32 $0x1FFFFFF0, s29  }
0x34e: {  	[tilespmem:s15], [sflag:$0x1] =	stream.linear.gather [hbm4b:s9+s2], $0x80, $0x38;
	[tilespmem:$0x8100] =	vst v63  }
0x34f: {  	s29 =	rddreg [dreg:$0xb];
	s16 =	sadd.s32 s3, s11;
	s14 =	spop (v2sf)  }
0x350: {  	(v2sf) =	vpush v1, $0xD;
	[tilespmem:s19], [sflag:$0x1] =	stream.linear.gather [hbm4b:s16+s2], $0x80, $0x38;
	[tilespmem:$0x8100] =	vst v63  }
.Ltmp6:
0x351: {  	(v2sf) =	vpush v63, $0xD;
	s17 =	sand.u32 $0x1FFFFFF0, s14;
	s18 =	spop (v2sf);
	(pc) =	sbr.rel @p0 .LBB2_14-.Ltmp6, $4  }
0x352: {  	(v2sf) =	vpush v1, $0xE;
	s20 =	sadd.s32 s3, s17;
	s23 =	sand.u32 $0x1FFFFFF0, s18;
	s24 =	spop (v2sf)  }
0x353: {  	(v2sf) =	vpush v63, $0xE;
	[tilespmem:s7], [sflag:$0x1] =	stream.linear.gather [hbm4b:s20+s2], $0x80, $0x38;
	[tilespmem:$0x8100] =	vst v63  }
0x354: {  	(v2sf) =	vpush v1, $0xF;
	s25 =	sadd.s32 s3, s23;
	s0 =	sand.u32 $0x1FFFFFF0, s24;
	s1 =	spop (v2sf)  }
0x355: {  	(v2sf) =	vpush v63, $0xF;
	[tilespmem:s29], [sflag:$0x1] =	stream.linear.gather [hbm4b:s25+s2], $0x80, $0x38;
	[tilespmem:$0x8100] =	vst v63  }
0x356: {  	_ =	sdelay $0x4  }
0x357: {  	s0 =	sadd.s32 s3, s0;
	s1 =	sand.u32 $0x1FFFFFF0, s1  }
0x358: {  	[tilespmem:s31], [sflag:$0x1] =	stream.linear.gather [hbm4b:s0+s2], $0x80, $0x38;
	[tilespmem:$0x8100] =	vst v63  }
0x359: {  	s7 =	sadd.s32 s3, s1  }
0x35a: {  	[tilespmem:s12], [sflag:$0x1] =	stream.linear.gather [hbm4b:s7+s2], $0x80, $0x38;
	[tilespmem:$0x8100] =	vst v63  }
0x35b: {  	s4 =	spop (v2sf)  }
0x35c: {  	s9 =	sand.u32 $0x1FFFFFF0, s4;
	s11 =	spop (v2sf)  }
0x35d: {  	s14 =	sadd.s32 s3, s9;
	s15 =	sand.u32 $0x1FFFFFF0, s11;
	s16 =	spop (v2sf)  }
0x35e: {  	[tilespmem:s13], [sflag:$0x1] =	stream.linear.gather [hbm4b:s14+s2], $0x80, $0x38;
	[tilespmem:$0x8100] =	vst v63  }
0x35f: {  	s17 =	sadd.s32 s3, s15;
	s18 =	sand.u32 $0x1FFFFFF0, s16;
	s19 =	spop (v2sf)  }
0x360: {  	[tilespmem:s10], [sflag:$0x1] =	stream.linear.gather [hbm4b:s17+s2], $0x80, $0x38;
	[tilespmem:$0x8100] =	vst v63  }
0x361: {  	s20 =	sadd.s32 s3, s18;
	s22 =	sand.u32 $0x1FFFFFF0, s19;
	s23 =	spop (v2sf)  }
0x362: {  	[tilespmem:s30], [sflag:$0x1] =	stream.linear.gather [hbm4b:s20+s2], $0x80, $0x38;
	[tilespmem:$0x8100] =	vst v63  }
0x363: {  	s24 =	sadd.s32 s3, s22;
	s25 =	sand.u32 $0x1FFFFFF0, s23;
	s26 =	spop (v2sf)  }
0x364: {  	[tilespmem:s8], [sflag:$0x1] =	stream.linear.gather [hbm4b:s24+s2], $0x80, $0x38;
	[tilespmem:$0x8100] =	vst v63  }
0x365: {  	s28 =	sadd.s32 $0x880, s21;
	s1 =	sadd.s32 s3, s25;
	s4 =	sand.u32 $0x1FFFFFF0, s26  }
0x366: {  	[tilespmem:s28], [sflag:$0x1] =	stream.linear.gather [hbm4b:s1+s2], $0x80, $0x38;
	[tilespmem:$0x8100] =	vst v63  }
0x367: {  	s29 =	sadd.s32 $0x4880, s21;
	s31 =	simm.s32 $0x1;
	s30 =	sadd.s32 s3, s4  }
0x368: {  	[tilespmem:s29], [sflag:$0x1] =	stream.linear.gather [hbm4b:s30+s2], $0x80, $0x38;
	[tilespmem:$0x8100] =	vst v63  }
0x369: {  	_ =	swait.ge [sflag:s31], $0x4000  }
0x36a: {  	[sflag:s31] =	ssyncset.done $0x0  }
0x36b: {  	[sflag:s31] =	ssyncadd.s32 $0xFFFFC000  }
0x36c: {  	_ =	swait.ge [sflag:s31], $0x4000  }
0x36d: {  	[sflag:s31] =	ssyncset.done $0x0  }
0x36e: {  	s0 =	simm.s32 $0x0;
	[sflag:s31] =	ssyncadd.s32 $0xFFFFC000  }
0x36f: {  	v5 =	vld [tilespmem:s0+$0x4100]  }
0x370: {  	v6 =	vld [tilespmem:s0+$0x4110]  }
0x371: {  	v1 =	vld [tilespmem:s0+$0x4120]  }
0x372: {  	v0 =	vld [tilespmem:s0+$0x4130]  }
0x373: {  	v2 =	vld [tilespmem:s0+$0x100]  }
0x374: {  	v4 =	vld [tilespmem:s0+$0x110]  }
0x375: {  	s1 =	simm.s32 $0x200;
	v3 =	vld [tilespmem:s0+$0x120]  }
.LBB2_16:
0x376: {  	s4 =	sshra.s32 s1, $0x2;
	p0 =	sne.s32 s1, $0xFE00;
	v7 =	vld [tilespmem:s0+$0x130];
	v8 =	vmov v1  }
0x377: {  	v9 =	vld [tilespmem:s4+$0x4100];
	v10 =	vmov v0  }
0x378: {  	v11 =	vld [tilespmem:s4+$0x4110];
	v2 =	vadd.f32 v5, v2  }
.Ltmp7:
0x379: {  	v1 =	vld [tilespmem:s4+$0x4120];
	v4 =	vadd.f32 v6, v4;
	(pc) =	sbr.rel @p0 .LBB2_16-.Ltmp7, $4  }
0x37a: {  	v0 =	vld [tilespmem:s4+$0x4130];
	[tilespmem:s0+$0x100] =	vst v2;
	v3 =	vadd.f32 v8, v3  }
0x37b: {  	v2 =	vld [tilespmem:s4+$0x100];
	[tilespmem:s0+$0x110] =	vst v4;
	v7 =	vadd.f32 v10, v7  }
0x37c: {  	v4 =	vld [tilespmem:s4+$0x110];
	[tilespmem:s0+$0x120] =	vst v3;
	v5 =	vmov v9  }
0x37d: {  	s1 =	sadd.s32 $0x200, s1;
	v3 =	vld [tilespmem:s4+$0x120];
	[tilespmem:s0+$0x130] =	vst v7;
	v6 =	vmov v11;
	s0 =	smov.u32 s4  }
0x37e: {  	v7 =	vld [tilespmem:s0+$0x130];
	_ =	sdelay $0x1  }
0x37f: {  	v2 =	vadd.f32 v5, v2  }
0x380: {  	v4 =	vadd.f32 v6, v4  }
0x381: {  	[tilespmem:s0+$0x100] =	vst v2;
	v1 =	vadd.f32 v1, v3  }
0x382: {  	s29 =	sld [smem:$0x7FC];
	[tilespmem:s0+$0x110] =	vst v4;
	v0 =	vadd.f32 v0, v7  }
0x383: {  	[tilespmem:s0+$0x120] =	vst v1  }
0x384: {  	s1 =	simm.s32 $0x100;
	s4 =	simm.s32 $0x2;
	[tilespmem:s0+$0x130] =	vst v0  }
0x385: {  	[hbm4b:s29+s2] =	stream.linear.scatter [tilespmem:s1], [sflag:$0x2], $0x4000, $0x38;
	[tilespmem:$0x8100] =	vst v63  }
0x386: {  	_ =	swait.ge [sflag:s4], $0x4000  }
0x387: {  	s30 =	sld [smem:$0x7F0]  }
0x388: {  	s31 =	sld [smem:$0x7FD];
	_ =	sdelay $0x1  }
0x389: {  	s1 =	sadd.s32 $0x1, s30  }
0x38a: {  	p0 =	sne.s32 s1, s31  }
.Ltmp8:
0x38b: {  	_ = 	snop;
	(pc) =	sbr.rel @p0 .LBB2_1-.Ltmp8, $3  }
0x38c: {  	_ =	sdelay $0x1  }
0x38d: {  	[sflag:s4] =	ssyncset.done $0x0  }
0x38e: {  	[sflag:s4] =	ssyncadd.s32 $0xFFFFC000  }
0x38f: {  	_ =	sfence.sel $0x180000  }
0x390: {  	[bflag:$0x0] =	sbarrier.arrive $0xFFFF  }
0x391: {  	_ =	strace $0x90000047  }
0x392: {  	s0 =	stileid.u32;
	[bflag:$0x2] =	sbarrier.arrive $0xFFFF  }
0x393: {  	p0 =	sne.s32 s0, $0x0;
	s0 =	rddreg [dreg:$0x3]  }
0x394: {  	s0 =	sadd.s32 @!p0 $0x100000, s0  }
0x395: {  	[sflag:s0] =	ssyncadd.tile.s32 @!p0 $0x1;
	_ =	shalt  }
.Lfunc_end2:
_tile_overlayer_lowered:
.L_overlay_start_2:
0x396: {  	(tag) =	ssettag $0x2  }
0x397: {  	s0 =	rddreg [dreg:$0x0];
	s2 =	stileid.u32  }
0x398: {  	s1 =	rddreg [dreg:$0x1];
	p0 =	sne.s32 s2, $0x0  }
0x399: {  	s3 =	rddreg [dreg:$0x2];
	[bflag:$0x3] =	sbarrier.arrive $0xFFFF;
	s2 =	simm.s32 @!p0 $0x1C02  }
0x39a: {  	[timem:s3], [sflag:s2] =	dma.local @!p0 [hbm:s0], s1  }
0x39b: {  	s0 =	simm.s32 @!p0 $0x2  }
0x39c: {  	_ =	swait.ge @!p0 [sflag:s0], s1  }
0x39d: {  	s1 =	ssub.s32 @!p0 $0x0, s1;
	[sflag:s0] =	ssyncset.done @!p0 $0x0  }
0x39e: {  	[sflag:s0] =	ssyncadd.s32 @!p0 s1  }
0x39f: {  	[bflag:$0x3] =	sbarrier.arrive $0xFFFF  }
0x3a0: {  	_ =	shalt  }

</sc_bundles>
